<compile_context>
chip_gen: v7x
topology: tpu7x:2x2x1
jax: 0.10.2.dev20260603
libtpu: 0.0.44.dev20260713+nightly
codegen_flags: <defaults>
</compile_context>

<pallas_src>
import functools

import jax
import jax.numpy as jnp
from jax import lax
from jax.experimental import pallas as pl
from jax.experimental.pallas import tpu as pltpu
from jax.experimental.pallas import tpu_sc as plsc

NC, NS = 2, 16
CH = 16
D = 128
GDEG = 32


def _sc_mesh():
    return plsc.VectorSubcoreMesh(
        core_axis_name="c", subcore_axis_name="s", num_cores=NC, num_subcores=NS
    )


def _deg_call(E, N_pad):
    e_per_tile = E // (NC * NS)
    n_chunks = e_per_tile // CH
    rpt = N_pad // NS

    @functools.partial(
        pl.kernel,
        out_type=jax.ShapeDtypeStruct((NC, N_pad, D), jnp.float32),
        mesh=_sc_mesh(),
        scratch_types=[
            pltpu.VMEM((e_per_tile,), jnp.int32),
            pltpu.VMEM((CH, D), jnp.float32),
            pltpu.VMEM_SHARED((N_pad, D), jnp.float32),
            pltpu.SemaphoreType.DMA,
        ],
    )
    def deg_k(dst_hbm, ones_hbm, zeros_hbm, out_hbm, idx_v, ones_v, acc_s, sem):
        cid = lax.axis_index("c")
        sid = lax.axis_index("s")
        wid = cid * NS + sid
        r0 = sid * rpt
        pltpu.sync_copy(zeros_hbm.at[pl.ds(r0, rpt)], acc_s.at[pl.ds(r0, rpt)])
        pltpu.sync_copy(dst_hbm.at[pl.ds(wid * e_per_tile, e_per_tile)], idx_v)
        pltpu.sync_copy(ones_hbm, ones_v)
        plsc.subcore_barrier()

        def body(g, c):
            descs = []
            for k in range(GDEG):
                iv = idx_v[pl.ds((g * GDEG + k) * CH, CH)]
                descs.append(
                    pltpu.async_copy(ones_v, acc_s.at[iv], sem, add=True)
                )
            for d in descs:
                d.wait()
            return c

        lax.fori_loop(0, n_chunks // GDEG, body, 0)
        plsc.subcore_barrier()
        pltpu.sync_copy(acc_s.at[pl.ds(r0, rpt)], out_hbm.at[cid, pl.ds(r0, rpt)])

    return deg_k


def _agg_call(E, N_pad, feature_split):
    e_per_tile = E // NS if feature_split else E // (NC * NS)
    n_chunks = e_per_tile // CH
    G = 20 if feature_split else 10
    rpt = N_pad // NS
    n_tables = 2 if feature_split else 1

    @functools.partial(
        pl.kernel,
        out_type=jax.ShapeDtypeStruct((NC, N_pad, D), jnp.float32),
        mesh=_sc_mesh(),
        scratch_types=[
            pltpu.VMEM((2, G * CH), jnp.int32),
            pltpu.VMEM((G * CH, D), jnp.float32),
            pltpu.VMEM_SHARED((N_pad, D), jnp.float32),
            pltpu.SemaphoreType.DMA,
            pltpu.SemaphoreType.DMA,
        ],
    )
    def agg_k(*args):
        tables = args[:n_tables]
        pk_hbm, zeros_hbm, out_hbm = args[n_tables : n_tables + 3]
        idx_v, rows_v, acc_s, gsem, ssem = args[n_tables + 3 :]
        cid = lax.axis_index("c")
        sid = lax.axis_index("s")
        r0 = sid * rpt
        pltpu.sync_copy(zeros_hbm.at[pl.ds(r0, rpt)], acc_s.at[pl.ds(r0, rpt)])
        tid = sid if feature_split else cid * NS + sid
        plsc.subcore_barrier()

        def run(table):
            def body(g, c):
                pltpu.sync_copy(pk_hbm.at[tid, g], idx_v)
                gd = []
                for k in range(G):
                    sv = idx_v[0, pl.ds(k * CH, CH)]
                    gd.append(
                        pltpu.async_copy(
                            table.at[sv], rows_v.at[pl.ds(k * CH, CH)], gsem
                        )
                    )
                sd = []
                for k in range(G):
                    gd[k].wait()
                    dv = idx_v[1, pl.ds(k * CH, CH)]
                    sd.append(
                        pltpu.async_copy(
                            rows_v.at[pl.ds(k * CH, CH)],
                            acc_s.at[dv],
                            ssem,
                            add=True,
                        )
                    )
                for d in sd:
                    d.wait()
                return c

            lax.fori_loop(0, n_chunks // G, body, 0)

        if feature_split:
            pl.when(cid == 0)(lambda: run(tables[0]))
            pl.when(cid == 1)(lambda: run(tables[1]))
        else:
            run(tables[0])
        plsc.subcore_barrier()
        pltpu.sync_copy(acc_s.at[pl.ds(r0, rpt)], out_hbm.at[cid, pl.ds(r0, rpt)])

    return agg_k


def _dot(a, b):
    return jax.lax.dot_general(
        a, b, (((1,), (0,)), ((), ())),
        preferred_element_type=jnp.float32,
        precision=jax.lax.Precision.HIGHEST,
    )


def _prep1(x, W1a, W1b, degh, BLK=1000):
    N, K = x.shape

    def body(x_ref, wa_ref, wb_ref, dg_ref, lo_ref, hi_ref, dv_ref):
        deg = dg_ref[0, :, 0] + dg_ref[1, :, 0] + 1.0
        dinv = lax.rsqrt(deg)
        xs = x_ref[...] * dinv[:, None]
        lo_ref[...] = _dot(xs, wa_ref[...])
        hi_ref[...] = _dot(xs, wb_ref[...])
        dv_ref[...] = jnp.broadcast_to(dinv[:, None], (BLK, D))

    return pl.pallas_call(
        body,
        grid=(N // BLK,),
        in_specs=[
            pl.BlockSpec((BLK, K), lambda i: (i, 0)),
            pl.BlockSpec((K, D), lambda i: (0, 0)),
            pl.BlockSpec((K, D), lambda i: (0, 0)),
            pl.BlockSpec((NC, BLK, D), lambda i: (0, i, 0)),
        ],
        out_specs=[pl.BlockSpec((BLK, D), lambda i: (i, 0))] * 3,
        out_shape=[jax.ShapeDtypeStruct((N, D), jnp.float32)] * 3,
    )(x, W1a, W1b, degh)


def _mid(agg1, hs_lo, hs_hi, dinvb, b1a, b1b, W2a, W2b, BLK=1000):
    N = hs_lo.shape[0]

    def body(ag_ref, lo_ref, hi_ref, dv_ref, ba_ref, bb_ref, wa_ref, wb_ref, o_ref):
        dinv = dv_ref[...]
        ta = jax.nn.relu(dinv * (ag_ref[0] + lo_ref[...]) + ba_ref[...]) * dinv
        tb = jax.nn.relu(dinv * (ag_ref[1] + hi_ref[...]) + bb_ref[...]) * dinv
        o_ref[...] = _dot(ta, wa_ref[...]) + _dot(tb, wb_ref[...])

    return pl.pallas_call(
        body,
        grid=(N // BLK,),
        in_specs=[
            pl.BlockSpec((NC, BLK, D), lambda i: (0, i, 0)),
            pl.BlockSpec((BLK, D), lambda i: (i, 0)),
            pl.BlockSpec((BLK, D), lambda i: (i, 0)),
            pl.BlockSpec((BLK, D), lambda i: (i, 0)),
            pl.BlockSpec((1, D), lambda i: (0, 0)),
            pl.BlockSpec((1, D), lambda i: (0, 0)),
            pl.BlockSpec((D, D), lambda i: (0, 0)),
            pl.BlockSpec((D, D), lambda i: (0, 0)),
        ],
        out_specs=pl.BlockSpec((BLK, D), lambda i: (i, 0)),
        out_shape=jax.ShapeDtypeStruct((N, D), jnp.float32),
    )(agg1, hs_lo, hs_hi, dinvb, b1a, b1b, W2a, W2b)


def _fin(agg2, hs2, dinvb, b2r, Wlin, blinr, BLK=1000):
    N = hs2.shape[0]

    def body(ag_ref, h_ref, dv_ref, b_ref, w_ref, bl_ref, o_ref):
        dinv = dv_ref[...]
        agg = ag_ref[0] + ag_ref[1]
        t = jax.nn.relu(dinv * (agg + h_ref[...]) + b_ref[...])
        o_ref[...] = _dot(t, w_ref[...]) + bl_ref[...]

    return pl.pallas_call(
        body,
        grid=(N // BLK,),
        in_specs=[
            pl.BlockSpec((NC, BLK, D), lambda i: (0, i, 0)),
            pl.BlockSpec((BLK, D), lambda i: (i, 0)),
            pl.BlockSpec((BLK, D), lambda i: (i, 0)),
            pl.BlockSpec((1, D), lambda i: (0, 0)),
            pl.BlockSpec((D, D), lambda i: (0, 0)),
            pl.BlockSpec((1, D), lambda i: (0, 0)),
        ],
        out_specs=pl.BlockSpec((BLK, D), lambda i: (i, 0)),
        out_shape=jax.ShapeDtypeStruct((N, D), jnp.float32),
    )(agg2, hs2, dinvb, b2r, Wlin, blinr)


def kernel(x, edge_index, W1, b1, W2, b2, Wlin, blin):
    N = x.shape[0]
    E = edge_index.shape[1]
    N_pad = -(-N // (NS * 8)) * (NS * 8)
    ei = edge_index.astype(jnp.int32)
    blk = NC * NS * GDEG * CH
    E_pad = -(-E // blk) * blk
    src = jnp.concatenate([ei[0], jnp.zeros((E_pad - E,), jnp.int32)])
    dst = jnp.concatenate([ei[1], jnp.full((E_pad - E,), N, jnp.int32)])
    zeros = jnp.zeros((N_pad, D), jnp.float32)
    ones = jnp.ones((CH, D), jnp.float32)

    def pack(T, G):
        g_len = G * CH
        ng = E_pad // (T * g_len)
        return jnp.stack(
            [src.reshape(T, ng, g_len), dst.reshape(T, ng, g_len)], axis=2
        )

    degh = _deg_call(E_pad, N_pad)(dst, ones, zeros)
    hs_lo, hs_hi, dinvb = _prep1(x, W1[:, :D], W1[:, D:], degh)
    agg1 = _agg_call(E_pad, N_pad, True)(hs_lo, hs_hi, pack(NS, 20), zeros)
    hs2 = _mid(
        agg1, hs_lo, hs_hi, dinvb,
        b1[:D].reshape(1, D), b1[D:].reshape(1, D), W2[:D], W2[D:],
    )
    agg2 = _agg_call(E_pad, N_pad, False)(hs2, pack(NC * NS, 10), zeros)
    return _fin(agg2, hs2, dinvb, b2.reshape(1, D), Wlin, blin.reshape(1, D))

# --- scband reference (transcript-rebuilt; emitter-appended) ---
"""Pipeline reference for scband-gcnconv-simple-37237366456393 (READ-ONLY COPY).

The authoritative reference and input builder live on the scoring server;
editing this copy changes nothing except your own understanding.
"""

import jax, jax.numpy as jnp
import numpy as np

N_NODES = 10000
IN_DIM = 128
HID = 128
OUT_DIM = 128


def gcn_conv(x, edge_index, W, b, num_nodes):
    # PyG-style GCNConv: add self-loops, linear transform, symmetric normalization, scatter-add aggregation
    src = edge_index[0]
    dst = edge_index[1]
    loop = jnp.arange(num_nodes, dtype=edge_index.dtype)
    src = jnp.concatenate([src, loop])
    dst = jnp.concatenate([dst, loop])
    h = x @ W
    deg = jnp.zeros((num_nodes,), dtype=x.dtype).at[dst].add(1.0)
    dinv = jnp.where(deg > 0, 1.0 / jnp.sqrt(deg), 0.0)
    norm = dinv[src] * dinv[dst]
    msg = h[src] * norm[:, None]
    out = jnp.zeros((num_nodes, h.shape[1]), dtype=x.dtype).at[dst].add(msg)
    return out + b


def setup_inputs(seed: int = 0) -> dict:
    key = jax.random.key(seed)
    k = jax.random.split(key, 10)
    x = jax.random.normal(k[0], (N_NODES, IN_DIM), dtype=jnp.float32)
    edge_index = jax.random.randint(k[1], (2, 320000), 0, N_NODES, dtype=jnp.int64)
    s1 = 1.0 / np.sqrt(IN_DIM)
    s2 = 1.0 / np.sqrt(2 * HID)
    s3 = 1.0 / np.sqrt(HID)
    W1 = jax.random.uniform(k[2], (IN_DIM, 2 * HID), jnp.float32, -s1, s1)
    b1 = jax.random.uniform(k[3], (2 * HID,), jnp.float32, -s1, s1)
    W2 = jax.random.uniform(k[4], (2 * HID, HID), jnp.float32, -s2, s2)
    b2 = jax.random.uniform(k[5], (HID,), jnp.float32, -s2, s2)
    Wlin = jax.random.uniform(k[6], (HID, OUT_DIM), jnp.float32, -s3, s3)
    blin = jax.random.uniform(k[7], (OUT_DIM,), jnp.float32, -s3, s3)
    return {"x": x, "edge_index": edge_index, "W1": W1, "b1": b1, "W2": W2, "b2": b2, "Wlin": Wlin, "blin": blin}


def reference(x, edge_index, W1, b1, W2, b2, Wlin, blin):
    n = x.shape[0]
    h = gcn_conv(x, edge_index, W1, b1, n)
    # dropout treated as identity (deterministic eval-mode reference)
    h = jax.nn.relu(h)
    h = gcn_conv(h, edge_index, W2, b2, n)
    h = jax.nn.relu(h)
    out = h @ Wlin + blin
    return out

if __name__ == "__main__":
    import jax
    _d = setup_inputs()
    print(jax.jit(kernel)(*tuple(_d.values())))

</pallas_src>

<mosaic_0001>
#map = affine_map<(d0, d1) -> (0, 0)>
#map1 = affine_map<(d0, d1) -> (0, 0, 0, 0)>
#map2 = affine_map<(d0, d1) -> (0, 0, 0)>
module attributes {stable_mosaic.version = 14 : i64} {
  func.func @agg_k(%arg0: i32, %arg1: i32, %arg2: memref<10000x128xf32, #tpu.memory_space<hbm>>, %arg3: memref<10000x128xf32, #tpu.memory_space<hbm>>, %arg4: memref<16x64x2x320xi32, #tpu.memory_space<hbm>>, %arg5: memref<10112x128xf32, #tpu.memory_space<hbm>>, %arg6: memref<2x10112x128xf32, #tpu.memory_space<hbm>>, %arg7: memref<2x320xi32, #tpu.memory_space<vmem>>, %arg8: memref<320x128xf32, #tpu.memory_space<vmem>>, %arg9: memref<10112x128xf32, #tpu.memory_space<vmem_shared>>, %arg10: memref<!tpu.dma_semaphore, #tpu.memory_space<semaphore_mem>>, %arg11: memref<!tpu.dma_semaphore, #tpu.memory_space<semaphore_mem>>) attributes {dimension_semantics = [#tpu.dimension_semantics<core_parallel>, #tpu.dimension_semantics<subcore_parallel>], iteration_bounds = array<i64: 2, 16>, scalar_prefetch = 0 : i64, scratch_operands = 5 : i64, tpu.core_type = #tpu.core_type<sc_vector_subcore>, window_params = [{transform_indices = #map}, {transform_indices = #map}, {transform_indices = #map1}, {transform_indices = #map}, {transform_indices = #map2}]} {
    %mul3A = arith.constant 632 : i32
    %mul3A_0 = arith.muli %arg1, %mul3A : i32
    "tpu.region"() ({
      %run_scoped3A = tpu.sem_alloc : memref<!tpu.dma_semaphore, #tpu.memory_space<semaphore_mem>>
      %dma_start3A = arith.constant 0 : i32
      %dma_start3A_9 = tpu.memref_slice %arg9[%mul3A_0, %dma_start3A] : memref<10112x128xf32, #tpu.memory_space<vmem_shared>> -> memref<632x128xf32, #tpu.memory_space<vmem_shared>>
      %dma_start3A_10 = arith.constant 0 : i32
      %dma_start3A_11 = tpu.memref_slice %arg5[%mul3A_0, %dma_start3A_10] : memref<10112x128xf32, #tpu.memory_space<hbm>> -> memref<632x128xf32, #tpu.memory_space<hbm>>
      tpu.enqueue_dma source(%dma_start3A_11 : memref<632x128xf32, #tpu.memory_space<hbm>>) target(%dma_start3A_9 : memref<632x128xf32, #tpu.memory_space<vmem_shared>>) target_semaphore(%run_scoped3A : memref<!tpu.dma_semaphore, #tpu.memory_space<semaphore_mem>>)
      %dma_wait3A = arith.constant 0 : i32
      %dma_wait3A_12 = tpu.memref_slice %arg9[%mul3A_0, %dma_wait3A] : memref<10112x128xf32, #tpu.memory_space<vmem_shared>> -> memref<632x128xf32, #tpu.memory_space<vmem_shared>>
      %dma_wait3A_13 = arith.constant 0 : i32
      %dma_wait3A_14 = tpu.memref_slice %arg5[%mul3A_0, %dma_wait3A_13] : memref<10112x128xf32, #tpu.memory_space<hbm>> -> memref<632x128xf32, #tpu.memory_space<hbm>>
      tpu.wait_dma2 semaphore(%run_scoped3A : memref<!tpu.dma_semaphore, #tpu.memory_space<semaphore_mem>>) src(%dma_wait3A_14 : memref<632x128xf32, #tpu.memory_space<hbm>>) dst(%dma_wait3A_12 : memref<632x128xf32, #tpu.memory_space<vmem_shared>>)
      tpu.yield
    }) : () -> ()
    %barrier3A = arith.constant 0 : index
    tpu.barrier barrier_id(%barrier3A)
    %eq3A = arith.constant 0 : i32
    %eq3A_1 = arith.cmpi eq, %arg0, %eq3A : i32
    %convert_element_type3A = arith.extui %eq3A_1 : i1 to i32
    %cond3A = arith.constant 0 : i32
    %cond3A_2 = arith.cmpi ne, %convert_element_type3A, %cond3A : i32
    scf.if %cond3A_2 {
      %scan3A = arith.constant 0 : i32
      %scan3A_9 = arith.constant 0 : i32
      %scan3A_10 = arith.constant 64 : i32
      %scan3A_11 = arith.addi %scan3A_9, %scan3A_10 : i32
      %scan3A_12 = arith.constant 1 : i32
      scf.for %scan3A_14 = %scan3A_9 to %scan3A_11 step %scan3A_12  : i32 {
        "tpu.region"() ({
          %run_scoped3A = tpu.sem_alloc : memref<!tpu.dma_semaphore, #tpu.memory_space<semaphore_mem>>
          %dma_start3A_692 = arith.constant 0 : i32
          %dma_start3A_693 = arith.constant 0 : i32
          %dma_start3A_694 = tpu.memref_slice %arg4[%arg1, %scan3A_14, %dma_start3A_692, %dma_start3A_693] : memref<16x64x2x320xi32, #tpu.memory_space<hbm>> -> memref<1x1x2x320xi32, #tpu.memory_space<hbm>>
          %dma_start3A_695 = tpu.memref_squeeze %dma_start3A_694 : memref<1x1x2x320xi32, #tpu.memory_space<hbm>> -> memref<2x320xi32, #tpu.memory_space<hbm>>
          %dma_start3A_696 = arith.constant 0 : i32
          %dma_start3A_697 = arith.constant 0 : i32
          %dma_start3A_698 = tpu.memref_slice %arg4[%arg1, %scan3A_14, %dma_start3A_696, %dma_start3A_697] : memref<16x64x2x320xi32, #tpu.memory_space<hbm>> -> memref<1x1x2x320xi32, #tpu.memory_space<hbm>>
          %dma_start3A_699 = tpu.memref_squeeze %dma_start3A_698 : memref<1x1x2x320xi32, #tpu.memory_space<hbm>> -> memref<2x320xi32, #tpu.memory_space<hbm>>
          tpu.enqueue_dma source(%dma_start3A_699 : memref<2x320xi32, #tpu.memory_space<hbm>>) target(%arg7 : memref<2x320xi32, #tpu.memory_space<vmem>>) target_semaphore(%run_scoped3A : memref<!tpu.dma_semaphore, #tpu.memory_space<semaphore_mem>>)
          %dma_wait3A_700 = arith.constant 0 : i32
          %dma_wait3A_701 = arith.constant 0 : i32
          %dma_wait3A_702 = tpu.memref_slice %arg4[%arg1, %scan3A_14, %dma_wait3A_700, %dma_wait3A_701] : memref<16x64x2x320xi32, #tpu.memory_space<hbm>> -> memref<1x1x2x320xi32, #tpu.memory_space<hbm>>
          %dma_wait3A_703 = tpu.memref_squeeze %dma_wait3A_702 : memref<1x1x2x320xi32, #tpu.memory_space<hbm>> -> memref<2x320xi32, #tpu.memory_space<hbm>>
          %dma_wait3A_704 = arith.constant 0 : i32
          %dma_wait3A_705 = arith.constant 0 : i32
          %dma_wait3A_706 = tpu.memref_slice %arg4[%arg1, %scan3A_14, %dma_wait3A_704, %dma_wait3A_705] : memref<16x64x2x320xi32, #tpu.memory_space<hbm>> -> memref<1x1x2x320xi32, #tpu.memory_space<hbm>>
          %dma_wait3A_707 = tpu.memref_squeeze %dma_wait3A_706 : memref<1x1x2x320xi32, #tpu.memory_space<hbm>> -> memref<2x320xi32, #tpu.memory_space<hbm>>
          tpu.wait_dma2 semaphore(%run_scoped3A : memref<!tpu.dma_semaphore, #tpu.memory_space<semaphore_mem>>) src(%dma_wait3A_707 : memref<2x320xi32, #tpu.memory_space<hbm>>) dst(%arg7 : memref<2x320xi32, #tpu.memory_space<vmem>>)
          tpu.yield
        }) : () -> ()
        %get3A = arith.constant 0 : i32
        %get3A_15 = arith.index_cast %get3A : i32 to index
        %get3A_16 = arith.constant 0 : index
        %get3A_17 = tpu.vector_load %arg7[%get3A_15, %get3A_16] {strides = array<i32>} : memref<2x320xi32, #tpu.memory_space<vmem>>, vector<1x16xi32>,
        %get3A_18 = vector.shape_cast %get3A_17 : vector<1x16xi32> to vector<16xi32>
        %dma_start3A = arith.constant 0 : i32
        %dma_start3A_19 = arith.constant 0 : i32
        %dma_start3A_20 = tpu.memref_slice %arg8[%dma_start3A, %dma_start3A_19] : memref<320x128xf32, #tpu.memory_space<vmem>> -> memref<16x128xf32, #tpu.memory_space<vmem>>
        %dma_start3A_21 = arith.constant 0 : i32
        %dma_start3A_22 = arith.constant 0 : i32
        %dma_start3A_23 = tpu.memref_slice %arg2[%dma_start3A_21, %dma_start3A_22] : memref<10000x128xf32, #tpu.memory_space<hbm>> -> memref<10000x128xf32, #tpu.memory_space<hbm>>
        tpu.enqueue_indirect_dma source(%dma_start3A_23 : memref<10000x128xf32, #tpu.memory_space<hbm>>) target(%dma_start3A_20 : memref<16x128xf32, #tpu.memory_space<vmem>>) offsets(%get3A_18 : vector<16xi32>) semaphore(%arg10 : memref<!tpu.dma_semaphore, #tpu.memory_space<semaphore_mem>>)
        %get3A_24 = arith.constant 0 : i32
        %get3A_25 = arith.index_cast %get3A_24 : i32 to index
        %get3A_26 = arith.constant 16 : index
        %get3A_27 = tpu.vector_load %arg7[%get3A_25, %get3A_26] {strides = array<i32>} : memref<2x320xi32, #tpu.memory_space<vmem>>, vector<1x16xi32>,
        %get3A_28 = vector.shape_cast %get3A_27 : vector<1x16xi32> to vector<16xi32>
        %dma_start3A_29 = arith.constant 16 : i32
        %dma_start3A_30 = arith.constant 0 : i32
        %dma_start3A_31 = tpu.memref_slice %arg8[%dma_start3A_29, %dma_start3A_30] : memref<320x128xf32, #tpu.memory_space<vmem>> -> memref<16x128xf32, #tpu.memory_space<vmem>>
        %dma_start3A_32 = arith.constant 0 : i32
        %dma_start3A_33 = arith.constant 0 : i32
        %dma_start3A_34 = tpu.memref_slice %arg2[%dma_start3A_32, %dma_start3A_33] : memref<10000x128xf32, #tpu.memory_space<hbm>> -> memref<10000x128xf32, #tpu.memory_space<hbm>>
        tpu.enqueue_indirect_dma source(%dma_start3A_34 : memref<10000x128xf32, #tpu.memory_space<hbm>>) target(%dma_start3A_31 : memref<16x128xf32, #tpu.memory_space<vmem>>) offsets(%get3A_28 : vector<16xi32>) semaphore(%arg10 : memref<!tpu.dma_semaphore, #tpu.memory_space<semaphore_mem>>)
        %get3A_35 = arith.constant 0 : i32
        %get3A_36 = arith.index_cast %get3A_35 : i32 to index
        %get3A_37 = arith.constant 32 : index
        %get3A_38 = tpu.vector_load %arg7[%get3A_36, %get3A_37] {strides = array<i32>} : memref<2x320xi32, #tpu.memory_space<vmem>>, vector<1x16xi32>,
        %get3A_39 = vector.shape_cast %get3A_38 : vector<1x16xi32> to vector<16xi32>
        %dma_start3A_40 = arith.constant 32 : i32
        %dma_start3A_41 = arith.constant 0 : i32
        %dma_start3A_42 = tpu.memref_slice %arg8[%dma_start3A_40, %dma_start3A_41] : memref<320x128xf32, #tpu.memory_space<vmem>> -> memref<16x128xf32, #tpu.memory_space<vmem>>
        %dma_start3A_43 = arith.constant 0 : i32
        %dma_start3A_44 = arith.constant 0 : i32
        %dma_start3A_45 = tpu.memref_slice %arg2[%dma_start3A_43, %dma_start3A_44] : memref<10000x128xf32, #tpu.memory_space<hbm>> -> memref<10000x128xf32, #tpu.memory_space<hbm>>
        tpu.enqueue_indirect_dma source(%dma_start3A_45 : memref<10000x128xf32, #tpu.memory_space<hbm>>) target(%dma_start3A_42 : memref<16x128xf32, #tpu.memory_space<vmem>>) offsets(%get3A_39 : vector<16xi32>) semaphore(%arg10 : memref<!tpu.dma_semaphore, #tpu.memory_space<semaphore_mem>>)
        %get3A_46 = arith.constant 0 : i32
        %get3A_47 = arith.index_cast %get3A_46 : i32 to index
        %get3A_48 = arith.constant 48 : index
        %get3A_49 = tpu.vector_load %arg7[%get3A_47, %get3A_48] {strides = array<i32>} : memref<2x320xi32, #tpu.memory_space<vmem>>, vector<1x16xi32>,
        %get3A_50 = vector.shape_cast %get3A_49 : vector<1x16xi32> to vector<16xi32>
        %dma_start3A_51 = arith.constant 48 : i32
        %dma_start3A_52 = arith.constant 0 : i32
        %dma_start3A_53 = tpu.memref_slice %arg8[%dma_start3A_51, %dma_start3A_52] : memref<320x128xf32, #tpu.memory_space<vmem>> -> memref<16x128xf32, #tpu.memory_space<vmem>>
        %dma_start3A_54 = arith.constant 0 : i32
        %dma_start3A_55 = arith.constant 0 : i32
        %dma_start3A_56 = tpu.memref_slice %arg2[%dma_start3A_54, %dma_start3A_55] : memref<10000x128xf32, #tpu.memory_space<hbm>> -> memref<10000x128xf32, #tpu.memory_space<hbm>>
        tpu.enqueue_indirect_dma source(%dma_start3A_56 : memref<10000x128xf32, #tpu.memory_space<hbm>>) target(%dma_start3A_53 : memref<16x128xf32, #tpu.memory_space<vmem>>) offsets(%get3A_50 : vector<16xi32>) semaphore(%arg10 : memref<!tpu.dma_semaphore, #tpu.memory_space<semaphore_mem>>)
        %get3A_57 = arith.constant 0 : i32
        %get3A_58 = arith.index_cast %get3A_57 : i32 to index
        %get3A_59 = arith.constant 64 : index
        %get3A_60 = tpu.vector_load %arg7[%get3A_58, %get3A_59] {strides = array<i32>} : memref<2x320xi32, #tpu.memory_space<vmem>>, vector<1x16xi32>,
        %get3A_61 = vector.shape_cast %get3A_60 : vector<1x16xi32> to vector<16xi32>
        %dma_start3A_62 = arith.constant 64 : i32
        %dma_start3A_63 = arith.constant 0 : i32
        %dma_start3A_64 = tpu.memref_slice %arg8[%dma_start3A_62, %dma_start3A_63] : memref<320x128xf32, #tpu.memory_space<vmem>> -> memref<16x128xf32, #tpu.memory_space<vmem>>
        %dma_start3A_65 = arith.constant 0 : i32
        %dma_start3A_66 = arith.constant 0 : i32
        %dma_start3A_67 = tpu.memref_slice %arg2[%dma_start3A_65, %dma_start3A_66] : memref<10000x128xf32, #tpu.memory_space<hbm>> -> memref<10000x128xf32, #tpu.memory_space<hbm>>
        tpu.enqueue_indirect_dma source(%dma_start3A_67 : memref<10000x128xf32, #tpu.memory_space<hbm>>) target(%dma_start3A_64 : memref<16x128xf32, #tpu.memory_space<vmem>>) offsets(%get3A_61 : vector<16xi32>) semaphore(%arg10 : memref<!tpu.dma_semaphore, #tpu.memory_space<semaphore_mem>>)
        %get3A_68 = arith.constant 0 : i32
        %get3A_69 = arith.index_cast %get3A_68 : i32 to index
        %get3A_70 = arith.constant 80 : index
        %get3A_71 = tpu.vector_load %arg7[%get3A_69, %get3A_70] {strides = array<i32>} : memref<2x320xi32, #tpu.memory_space<vmem>>, vector<1x16xi32>,
        %get3A_72 = vector.shape_cast %get3A_71 : vector<1x16xi32> to vector<16xi32>
        %dma_start3A_73 = arith.constant 80 : i32
        %dma_start3A_74 = arith.constant 0 : i32
        %dma_start3A_75 = tpu.memref_slice %arg8[%dma_start3A_73, %dma_start3A_74] : memref<320x128xf32, #tpu.memory_space<vmem>> -> memref<16x128xf32, #tpu.memory_space<vmem>>
        %dma_start3A_76 = arith.constant 0 : i32
        %dma_start3A_77 = arith.constant 0 : i32
        %dma_start3A_78 = tpu.memref_slice %arg2[%dma_start3A_76, %dma_start3A_77] : memref<10000x128xf32, #tpu.memory_space<hbm>> -> memref<10000x128xf32, #tpu.memory_space<hbm>>
        tpu.enqueue_indirect_dma source(%dma_start3A_78 : memref<10000x128xf32, #tpu.memory_space<hbm>>) target(%dma_start3A_75 : memref<16x128xf32, #tpu.memory_space<vmem>>) offsets(%get3A_72 : vector<16xi32>) semaphore(%arg10 : memref<!tpu.dma_semaphore, #tpu.memory_space<semaphore_mem>>)
        %get3A_79 = arith.constant 0 : i32
        %get3A_80 = arith.index_cast %get3A_79 : i32 to index
        %get3A_81 = arith.constant 96 : index
        %get3A_82 = tpu.vector_load %arg7[%get3A_80, %get3A_81] {strides = array<i32>} : memref<2x320xi32, #tpu.memory_space<vmem>>, vector<1x16xi32>,
        %get3A_83 = vector.shape_cast %get3A_82 : vector<1x16xi32> to vector<16xi32>
        %dma_start3A_84 = arith.constant 96 : i32
        %dma_start3A_85 = arith.constant 0 : i32
        %dma_start3A_86 = tpu.memref_slice %arg8[%dma_start3A_84, %dma_start3A_85] : memref<320x128xf32, #tpu.memory_space<vmem>> -> memref<16x128xf32, #tpu.memory_space<vmem>>
        %dma_start3A_87 = arith.constant 0 : i32
        %dma_start3A_88 = arith.constant 0 : i32
        %dma_start3A_89 = tpu.memref_slice %arg2[%dma_start3A_87, %dma_start3A_88] : memref<10000x128xf32, #tpu.memory_space<hbm>> -> memref<10000x128xf32, #tpu.memory_space<hbm>>
        tpu.enqueue_indirect_dma source(%dma_start3A_89 : memref<10000x128xf32, #tpu.memory_space<hbm>>) target(%dma_start3A_86 : memref<16x128xf32, #tpu.memory_space<vmem>>) offsets(%get3A_83 : vector<16xi32>) semaphore(%arg10 : memref<!tpu.dma_semaphore, #tpu.memory_space<semaphore_mem>>)
        %get3A_90 = arith.constant 0 : i32
        %get3A_91 = arith.index_cast %get3A_90 : i32 to index
        %get3A_92 = arith.constant 112 : index
        %get3A_93 = tpu.vector_load %arg7[%get3A_91, %get3A_92] {strides = array<i32>} : memref<2x320xi32, #tpu.memory_space<vmem>>, vector<1x16xi32>,
        %get3A_94 = vector.shape_cast %get3A_93 : vector<1x16xi32> to vector<16xi32>
        %dma_start3A_95 = arith.constant 112 : i32
        %dma_start3A_96 = arith.constant 0 : i32
        %dma_start3A_97 = tpu.memref_slice %arg8[%dma_start3A_95, %dma_start3A_96] : memref<320x128xf32, #tpu.memory_space<vmem>> -> memref<16x128xf32, #tpu.memory_space<vmem>>
        %dma_start3A_98 = arith.constant 0 : i32
        %dma_start3A_99 = arith.constant 0 : i32
        %dma_start3A_100 = tpu.memref_slice %arg2[%dma_start3A_98, %dma_start3A_99] : memref<10000x128xf32, #tpu.memory_space<hbm>> -> memref<10000x128xf32, #tpu.memory_space<hbm>>
        tpu.enqueue_indirect_dma source(%dma_start3A_100 : memref<10000x128xf32, #tpu.memory_space<hbm>>) target(%dma_start3A_97 : memref<16x128xf32, #tpu.memory_space<vmem>>) offsets(%get3A_94 : vector<16xi32>) semaphore(%arg10 : memref<!tpu.dma_semaphore, #tpu.memory_space<semaphore_mem>>)
        %get3A_101 = arith.constant 0 : i32
        %get3A_102 = arith.index_cast %get3A_101 : i32 to index
        %get3A_103 = arith.constant 128 : index
        %get3A_104 = tpu.vector_load %arg7[%get3A_102, %get3A_103] {strides = array<i32>} : memref<2x320xi32, #tpu.memory_space<vmem>>, vector<1x16xi32>,
        %get3A_105 = vector.shape_cast %get3A_104 : vector<1x16xi32> to vector<16xi32>
        %dma_start3A_106 = arith.constant 128 : i32
        %dma_start3A_107 = arith.constant 0 : i32
        %dma_start3A_108 = tpu.memref_slice %arg8[%dma_start3A_106, %dma_start3A_107] : memref<320x128xf32, #tpu.memory_space<vmem>> -> memref<16x128xf32, #tpu.memory_space<vmem>>
        %dma_start3A_109 = arith.constant 0 : i32
        %dma_start3A_110 = arith.constant 0 : i32
        %dma_start3A_111 = tpu.memref_slice %arg2[%dma_start3A_109, %dma_start3A_110] : memref<10000x128xf32, #tpu.memory_space<hbm>> -> memref<10000x128xf32, #tpu.memory_space<hbm>>
        tpu.enqueue_indirect_dma source(%dma_start3A_111 : memref<10000x128xf32, #tpu.memory_space<hbm>>) target(%dma_start3A_108 : memref<16x128xf32, #tpu.memory_space<vmem>>) offsets(%get3A_105 : vector<16xi32>) semaphore(%arg10 : memref<!tpu.dma_semaphore, #tpu.memory_space<semaphore_mem>>)
        %get3A_112 = arith.constant 0 : i32
        %get3A_113 = arith.index_cast %get3A_112 : i32 to index
        %get3A_114 = arith.constant 144 : index
        %get3A_115 = tpu.vector_load %arg7[%get3A_113, %get3A_114] {strides = array<i32>} : memref<2x320xi32, #tpu.memory_space<vmem>>, vector<1x16xi32>,
        %get3A_116 = vector.shape_cast %get3A_115 : vector<1x16xi32> to vector<16xi32>
        %dma_start3A_117 = arith.constant 144 : i32
        %dma_start3A_118 = arith.constant 0 : i32
        %dma_start3A_119 = tpu.memref_slice %arg8[%dma_start3A_117, %dma_start3A_118] : memref<320x128xf32, #tpu.memory_space<vmem>> -> memref<16x128xf32, #tpu.memory_space<vmem>>
        %dma_start3A_120 = arith.constant 0 : i32
        %dma_start3A_121 = arith.constant 0 : i32
        %dma_start3A_122 = tpu.memref_slice %arg2[%dma_start3A_120, %dma_start3A_121] : memref<10000x128xf32, #tpu.memory_space<hbm>> -> memref<10000x128xf32, #tpu.memory_space<hbm>>
        tpu.enqueue_indirect_dma source(%dma_start3A_122 : memref<10000x128xf32, #tpu.memory_space<hbm>>) target(%dma_start3A_119 : memref<16x128xf32, #tpu.memory_space<vmem>>) offsets(%get3A_116 : vector<16xi32>) semaphore(%arg10 : memref<!tpu.dma_semaphore, #tpu.memory_space<semaphore_mem>>)
        %get3A_123 = arith.constant 0 : i32
        %get3A_124 = arith.index_cast %get3A_123 : i32 to index
        %get3A_125 = arith.constant 160 : index
        %get3A_126 = tpu.vector_load %arg7[%get3A_124, %get3A_125] {strides = array<i32>} : memref<2x320xi32, #tpu.memory_space<vmem>>, vector<1x16xi32>,
        %get3A_127 = vector.shape_cast %get3A_126 : vector<1x16xi32> to vector<16xi32>
        %dma_start3A_128 = arith.constant 160 : i32
        %dma_start3A_129 = arith.constant 0 : i32
        %dma_start3A_130 = tpu.memref_slice %arg8[%dma_start3A_128, %dma_start3A_129] : memref<320x128xf32, #tpu.memory_space<vmem>> -> memref<16x128xf32, #tpu.memory_space<vmem>>
        %dma_start3A_131 = arith.constant 0 : i32
        %dma_start3A_132 = arith.constant 0 : i32
        %dma_start3A_133 = tpu.memref_slice %arg2[%dma_start3A_131, %dma_start3A_132] : memref<10000x128xf32, #tpu.memory_space<hbm>> -> memref<10000x128xf32, #tpu.memory_space<hbm>>
        tpu.enqueue_indirect_dma source(%dma_start3A_133 : memref<10000x128xf32, #tpu.memory_space<hbm>>) target(%dma_start3A_130 : memref<16x128xf32, #tpu.memory_space<vmem>>) offsets(%get3A_127 : vector<16xi32>) semaphore(%arg10 : memref<!tpu.dma_semaphore, #tpu.memory_space<semaphore_mem>>)
        %get3A_134 = arith.constant 0 : i32
        %get3A_135 = arith.index_cast %get3A_134 : i32 to index
        %get3A_136 = arith.constant 176 : index
        %get3A_137 = tpu.vector_load %arg7[%get3A_135, %get3A_136] {strides = array<i32>} : memref<2x320xi32, #tpu.memory_space<vmem>>, vector<1x16xi32>,
        %get3A_138 = vector.shape_cast %get3A_137 : vector<1x16xi32> to vector<16xi32>
        %dma_start3A_139 = arith.constant 176 : i32
        %dma_start3A_140 = arith.constant 0 : i32
        %dma_start3A_141 = tpu.memref_slice %arg8[%dma_start3A_139, %dma_start3A_140] : memref<320x128xf32, #tpu.memory_space<vmem>> -> memref<16x128xf32, #tpu.memory_space<vmem>>
        %dma_start3A_142 = arith.constant 0 : i32
        %dma_start3A_143 = arith.constant 0 : i32
        %dma_start3A_144 = tpu.memref_slice %arg2[%dma_start3A_142, %dma_start3A_143] : memref<10000x128xf32, #tpu.memory_space<hbm>> -> memref<10000x128xf32, #tpu.memory_space<hbm>>
        tpu.enqueue_indirect_dma source(%dma_start3A_144 : memref<10000x128xf32, #tpu.memory_space<hbm>>) target(%dma_start3A_141 : memref<16x128xf32, #tpu.memory_space<vmem>>) offsets(%get3A_138 : vector<16xi32>) semaphore(%arg10 : memref<!tpu.dma_semaphore, #tpu.memory_space<semaphore_mem>>)
        %get3A_145 = arith.constant 0 : i32
        %get3A_146 = arith.index_cast %get3A_145 : i32 to index
        %get3A_147 = arith.constant 192 : index
        %get3A_148 = tpu.vector_load %arg7[%get3A_146, %get3A_147] {strides = array<i32>} : memref<2x320xi32, #tpu.memory_space<vmem>>, vector<1x16xi32>,
        %get3A_149 = vector.shape_cast %get3A_148 : vector<1x16xi32> to vector<16xi32>
        %dma_start3A_150 = arith.constant 192 : i32
        %dma_start3A_151 = arith.constant 0 : i32
        %dma_start3A_152 = tpu.memref_slice %arg8[%dma_start3A_150, %dma_start3A_151] : memref<320x128xf32, #tpu.memory_space<vmem>> -> memref<16x128xf32, #tpu.memory_space<vmem>>
        %dma_start3A_153 = arith.constant 0 : i32
        %dma_start3A_154 = arith.constant 0 : i32
        %dma_start3A_155 = tpu.memref_slice %arg2[%dma_start3A_153, %dma_start3A_154] : memref<10000x128xf32, #tpu.memory_space<hbm>> -> memref<10000x128xf32, #tpu.memory_space<hbm>>
        tpu.enqueue_indirect_dma source(%dma_start3A_155 : memref<10000x128xf32, #tpu.memory_space<hbm>>) target(%dma_start3A_152 : memref<16x128xf32, #tpu.memory_space<vmem>>) offsets(%get3A_149 : vector<16xi32>) semaphore(%arg10 : memref<!tpu.dma_semaphore, #tpu.memory_space<semaphore_mem>>)
        %get3A_156 = arith.constant 0 : i32
        %get3A_157 = arith.index_cast %get3A_156 : i32 to index
        %get3A_158 = arith.constant 208 : index
        %get3A_159 = tpu.vector_load %arg7[%get3A_157, %get3A_158] {strides = array<i32>} : memref<2x320xi32, #tpu.memory_space<vmem>>, vector<1x16xi32>,
        %get3A_160 = vector.shape_cast %get3A_159 : vector<1x16xi32> to vector<16xi32>
        %dma_start3A_161 = arith.constant 208 : i32
        %dma_start3A_162 = arith.constant 0 : i32
        %dma_start3A_163 = tpu.memref_slice %arg8[%dma_start3A_161, %dma_start3A_162] : memref<320x128xf32, #tpu.memory_space<vmem>> -> memref<16x128xf32, #tpu.memory_space<vmem>>
        %dma_start3A_164 = arith.constant 0 : i32
        %dma_start3A_165 = arith.constant 0 : i32
        %dma_start3A_166 = tpu.memref_slice %arg2[%dma_start3A_164, %dma_start3A_165] : memref<10000x128xf32, #tpu.memory_space<hbm>> -> memref<10000x128xf32, #tpu.memory_space<hbm>>
        tpu.enqueue_indirect_dma source(%dma_start3A_166 : memref<10000x128xf32, #tpu.memory_space<hbm>>) target(%dma_start3A_163 : memref<16x128xf32, #tpu.memory_space<vmem>>) offsets(%get3A_160 : vector<16xi32>) semaphore(%arg10 : memref<!tpu.dma_semaphore, #tpu.memory_space<semaphore_mem>>)
        %get3A_167 = arith.constant 0 : i32
        %get3A_168 = arith.index_cast %get3A_167 : i32 to index
        %get3A_169 = arith.constant 224 : index
        %get3A_170 = tpu.vector_load %arg7[%get3A_168, %get3A_169] {strides = array<i32>} : memref<2x320xi32, #tpu.memory_space<vmem>>, vector<1x16xi32>,
        %get3A_171 = vector.shape_cast %get3A_170 : vector<1x16xi32> to vector<16xi32>
        %dma_start3A_172 = arith.constant 224 : i32
        %dma_start3A_173 = arith.constant 0 : i32
        %dma_start3A_174 = tpu.memref_slice %arg8[%dma_start3A_172, %dma_start3A_173] : memref<320x128xf32, #tpu.memory_space<vmem>> -> memref<16x128xf32, #tpu.memory_space<vmem>>
        %dma_start3A_175 = arith.constant 0 : i32
        %dma_start3A_176 = arith.constant 0 : i32
        %dma_start3A_177 = tpu.memref_slice %arg2[%dma_start3A_175, %dma_start3A_176] : memref<10000x128xf32, #tpu.memory_space<hbm>> -> memref<10000x128xf32, #tpu.memory_space<hbm>>
        tpu.enqueue_indirect_dma source(%dma_start3A_177 : memref<10000x128xf32, #tpu.memory_space<hbm>>) target(%dma_start3A_174 : memref<16x128xf32, #tpu.memory_space<vmem>>) offsets(%get3A_171 : vector<16xi32>) semaphore(%arg10 : memref<!tpu.dma_semaphore, #tpu.memory_space<semaphore_mem>>)
        %get3A_178 = arith.constant 0 : i32
        %get3A_179 = arith.index_cast %get3A_178 : i32 to index
        %get3A_180 = arith.constant 240 : index
        %get3A_181 = tpu.vector_load %arg7[%get3A_179, %get3A_180] {strides = array<i32>} : memref<2x320xi32, #tpu.memory_space<vmem>>, vector<1x16xi32>,
        %get3A_182 = vector.shape_cast %get3A_181 : vector<1x16xi32> to vector<16xi32>
        %dma_start3A_183 = arith.constant 240 : i32
        %dma_start3A_184 = arith.constant 0 : i32
        %dma_start3A_185 = tpu.memref_slice %arg8[%dma_start3A_183, %dma_start3A_184] : memref<320x128xf32, #tpu.memory_space<vmem>> -> memref<16x128xf32, #tpu.memory_space<vmem>>
        %dma_start3A_186 = arith.constant 0 : i32
        %dma_start3A_187 = arith.constant 0 : i32
        %dma_start3A_188 = tpu.memref_slice %arg2[%dma_start3A_186, %dma_start3A_187] : memref<10000x128xf32, #tpu.memory_space<hbm>> -> memref<10000x128xf32, #tpu.memory_space<hbm>>
        tpu.enqueue_indirect_dma source(%dma_start3A_188 : memref<10000x128xf32, #tpu.memory_space<hbm>>) target(%dma_start3A_185 : memref<16x128xf32, #tpu.memory_space<vmem>>) offsets(%get3A_182 : vector<16xi32>) semaphore(%arg10 : memref<!tpu.dma_semaphore, #tpu.memory_space<semaphore_mem>>)
        %get3A_189 = arith.constant 0 : i32
        %get3A_190 = arith.index_cast %get3A_189 : i32 to index
        %get3A_191 = arith.constant 256 : index
        %get3A_192 = tpu.vector_load %arg7[%get3A_190, %get3A_191] {strides = array<i32>} : memref<2x320xi32, #tpu.memory_space<vmem>>, vector<1x16xi32>,
        %get3A_193 = vector.shape_cast %get3A_192 : vector<1x16xi32> to vector<16xi32>
        %dma_start3A_194 = arith.constant 256 : i32
        %dma_start3A_195 = arith.constant 0 : i32
        %dma_start3A_196 = tpu.memref_slice %arg8[%dma_start3A_194, %dma_start3A_195] : memref<320x128xf32, #tpu.memory_space<vmem>> -> memref<16x128xf32, #tpu.memory_space<vmem>>
        %dma_start3A_197 = arith.constant 0 : i32
        %dma_start3A_198 = arith.constant 0 : i32
        %dma_start3A_199 = tpu.memref_slice %arg2[%dma_start3A_197, %dma_start3A_198] : memref<10000x128xf32, #tpu.memory_space<hbm>> -> memref<10000x128xf32, #tpu.memory_space<hbm>>
        tpu.enqueue_indirect_dma source(%dma_start3A_199 : memref<10000x128xf32, #tpu.memory_space<hbm>>) target(%dma_start3A_196 : memref<16x128xf32, #tpu.memory_space<vmem>>) offsets(%get3A_193 : vector<16xi32>) semaphore(%arg10 : memref<!tpu.dma_semaphore, #tpu.memory_space<semaphore_mem>>)
        %get3A_200 = arith.constant 0 : i32
        %get3A_201 = arith.index_cast %get3A_200 : i32 to index
        %get3A_202 = arith.constant 272 : index
        %get3A_203 = tpu.vector_load %arg7[%get3A_201, %get3A_202] {strides = array<i32>} : memref<2x320xi32, #tpu.memory_space<vmem>>, vector<1x16xi32>,
        %get3A_204 = vector.shape_cast %get3A_203 : vector<1x16xi32> to vector<16xi32>
        %dma_start3A_205 = arith.constant 272 : i32
        %dma_start3A_206 = arith.constant 0 : i32
        %dma_start3A_207 = tpu.memref_slice %arg8[%dma_start3A_205, %dma_start3A_206] : memref<320x128xf32, #tpu.memory_space<vmem>> -> memref<16x128xf32, #tpu.memory_space<vmem>>
        %dma_start3A_208 = arith.constant 0 : i32
        %dma_start3A_209 = arith.constant 0 : i32
        %dma_start3A_210 = tpu.memref_slice %arg2[%dma_start3A_208, %dma_start3A_209] : memref<10000x128xf32, #tpu.memory_space<hbm>> -> memref<10000x128xf32, #tpu.memory_space<hbm>>
        tpu.enqueue_indirect_dma source(%dma_start3A_210 : memref<10000x128xf32, #tpu.memory_space<hbm>>) target(%dma_start3A_207 : memref<16x128xf32, #tpu.memory_space<vmem>>) offsets(%get3A_204 : vector<16xi32>) semaphore(%arg10 : memref<!tpu.dma_semaphore, #tpu.memory_space<semaphore_mem>>)
        %get3A_211 = arith.constant 0 : i32
        %get3A_212 = arith.index_cast %get3A_211 : i32 to index
        %get3A_213 = arith.constant 288 : index
        %get3A_214 = tpu.vector_load %arg7[%get3A_212, %get3A_213] {strides = array<i32>} : memref<2x320xi32, #tpu.memory_space<vmem>>, vector<1x16xi32>,
        %get3A_215 = vector.shape_cast %get3A_214 : vector<1x16xi32> to vector<16xi32>
        %dma_start3A_216 = arith.constant 288 : i32
        %dma_start3A_217 = arith.constant 0 : i32
        %dma_start3A_218 = tpu.memref_slice %arg8[%dma_start3A_216, %dma_start3A_217] : memref<320x128xf32, #tpu.memory_space<vmem>> -> memref<16x128xf32, #tpu.memory_space<vmem>>
        %dma_start3A_219 = arith.constant 0 : i32
        %dma_start3A_220 = arith.constant 0 : i32
        %dma_start3A_221 = tpu.memref_slice %arg2[%dma_start3A_219, %dma_start3A_220] : memref<10000x128xf32, #tpu.memory_space<hbm>> -> memref<10000x128xf32, #tpu.memory_space<hbm>>
        tpu.enqueue_indirect_dma source(%dma_start3A_221 : memref<10000x128xf32, #tpu.memory_space<hbm>>) target(%dma_start3A_218 : memref<16x128xf32, #tpu.memory_space<vmem>>) offsets(%get3A_215 : vector<16xi32>) semaphore(%arg10 : memref<!tpu.dma_semaphore, #tpu.memory_space<semaphore_mem>>)
        %get3A_222 = arith.constant 0 : i32
        %get3A_223 = arith.index_cast %get3A_222 : i32 to index
        %get3A_224 = arith.constant 304 : index
        %get3A_225 = tpu.vector_load %arg7[%get3A_223, %get3A_224] {strides = array<i32>} : memref<2x320xi32, #tpu.memory_space<vmem>>, vector<1x16xi32>,
        %get3A_226 = vector.shape_cast %get3A_225 : vector<1x16xi32> to vector<16xi32>
        %dma_start3A_227 = arith.constant 304 : i32
        %dma_start3A_228 = arith.constant 0 : i32
        %dma_start3A_229 = tpu.memref_slice %arg8[%dma_start3A_227, %dma_start3A_228] : memref<320x128xf32, #tpu.memory_space<vmem>> -> memref<16x128xf32, #tpu.memory_space<vmem>>
        %dma_start3A_230 = arith.constant 0 : i32
        %dma_start3A_231 = arith.constant 0 : i32
        %dma_start3A_232 = tpu.memref_slice %arg2[%dma_start3A_230, %dma_start3A_231] : memref<10000x128xf32, #tpu.memory_space<hbm>> -> memref<10000x128xf32, #tpu.memory_space<hbm>>
        tpu.enqueue_indirect_dma source(%dma_start3A_232 : memref<10000x128xf32, #tpu.memory_space<hbm>>) target(%dma_start3A_229 : memref<16x128xf32, #tpu.memory_space<vmem>>) offsets(%get3A_226 : vector<16xi32>) semaphore(%arg10 : memref<!tpu.dma_semaphore, #tpu.memory_space<semaphore_mem>>)
        %dma_wait3A = arith.constant 0 : i32
        %dma_wait3A_233 = arith.constant 0 : i32
        %dma_wait3A_234 = tpu.memref_slice %arg8[%dma_wait3A, %dma_wait3A_233] : memref<320x128xf32, #tpu.memory_space<vmem>> -> memref<16x128xf32, #tpu.memory_space<vmem>>
        %dma_wait3A_235 = arith.constant 0 : i32
        %dma_wait3A_236 = arith.constant 0 : i32
        %dma_wait3A_237 = tpu.memref_slice %arg2[%dma_wait3A_235, %dma_wait3A_236] : memref<10000x128xf32, #tpu.memory_space<hbm>> -> memref<10000x128xf32, #tpu.memory_space<hbm>>
        tpu.wait_indirect_dma semaphore(%arg10 : memref<!tpu.dma_semaphore, #tpu.memory_space<semaphore_mem>>) src(%dma_wait3A_237 : memref<10000x128xf32, #tpu.memory_space<hbm>>) dst(%dma_wait3A_234 : memref<16x128xf32, #tpu.memory_space<vmem>>)
        %get3A_238 = arith.constant 1 : i32
        %get3A_239 = arith.index_cast %get3A_238 : i32 to index
        %get3A_240 = arith.constant 0 : index
        %get3A_241 = tpu.vector_load %arg7[%get3A_239, %get3A_240] {strides = array<i32>} : memref<2x320xi32, #tpu.memory_space<vmem>>, vector<1x16xi32>,
        %get3A_242 = vector.shape_cast %get3A_241 : vector<1x16xi32> to vector<16xi32>
        %dma_start3A_243 = arith.constant 0 : i32
        %dma_start3A_244 = arith.constant 0 : i32
        %dma_start3A_245 = tpu.memref_slice %arg8[%dma_start3A_243, %dma_start3A_244] : memref<320x128xf32, #tpu.memory_space<vmem>> -> memref<16x128xf32, #tpu.memory_space<vmem>>
        %dma_start3A_246 = arith.constant 0 : i32
        %dma_start3A_247 = arith.constant 0 : i32
        %dma_start3A_248 = tpu.memref_slice %arg9[%dma_start3A_246, %dma_start3A_247] : memref<10112x128xf32, #tpu.memory_space<vmem_shared>> -> memref<10112x128xf32, #tpu.memory_space<vmem_shared>>
        tpu.enqueue_indirect_dma source(%dma_start3A_245 : memref<16x128xf32, #tpu.memory_space<vmem>>) target(%dma_start3A_248 : memref<10112x128xf32, #tpu.memory_space<vmem_shared>>) offsets(%get3A_242 : vector<16xi32>) semaphore(%arg11 : memref<!tpu.dma_semaphore, #tpu.memory_space<semaphore_mem>>) {add = true}
        %dma_wait3A_249 = arith.constant 16 : i32
        %dma_wait3A_250 = arith.constant 0 : i32
        %dma_wait3A_251 = tpu.memref_slice %arg8[%dma_wait3A_249, %dma_wait3A_250] : memref<320x128xf32, #tpu.memory_space<vmem>> -> memref<16x128xf32, #tpu.memory_space<vmem>>
        %dma_wait3A_252 = arith.constant 0 : i32
        %dma_wait3A_253 = arith.constant 0 : i32
        %dma_wait3A_254 = tpu.memref_slice %arg2[%dma_wait3A_252, %dma_wait3A_253] : memref<10000x128xf32, #tpu.memory_space<hbm>> -> memref<10000x128xf32, #tpu.memory_space<hbm>>
        tpu.wait_indirect_dma semaphore(%arg10 : memref<!tpu.dma_semaphore, #tpu.memory_space<semaphore_mem>>) src(%dma_wait3A_254 : memref<10000x128xf32, #tpu.memory_space<hbm>>) dst(%dma_wait3A_251 : memref<16x128xf32, #tpu.memory_space<vmem>>)
        %get3A_255 = arith.constant 1 : i32
        %get3A_256 = arith.index_cast %get3A_255 : i32 to index
        %get3A_257 = arith.constant 16 : index
        %get3A_258 = tpu.vector_load %arg7[%get3A_256, %get3A_257] {strides = array<i32>} : memref<2x320xi32, #tpu.memory_space<vmem>>, vector<1x16xi32>,
        %get3A_259 = vector.shape_cast %get3A_258 : vector<1x16xi32> to vector<16xi32>
        %dma_start3A_260 = arith.constant 16 : i32
        %dma_start3A_261 = arith.constant 0 : i32
        %dma_start3A_262 = tpu.memref_slice %arg8[%dma_start3A_260, %dma_start3A_261] : memref<320x128xf32, #tpu.memory_space<vmem>> -> memref<16x128xf32, #tpu.memory_space<vmem>>
        %dma_start3A_263 = arith.constant 0 : i32
        %dma_start3A_264 = arith.constant 0 : i32
        %dma_start3A_265 = tpu.memref_slice %arg9[%dma_start3A_263, %dma_start3A_264] : memref<10112x128xf32, #tpu.memory_space<vmem_shared>> -> memref<10112x128xf32, #tpu.memory_space<vmem_shared>>
        tpu.enqueue_indirect_dma source(%dma_start3A_262 : memref<16x128xf32, #tpu.memory_space<vmem>>) target(%dma_start3A_265 : memref<10112x128xf32, #tpu.memory_space<vmem_shared>>) offsets(%get3A_259 : vector<16xi32>) semaphore(%arg11 : memref<!tpu.dma_semaphore, #tpu.memory_space<semaphore_mem>>) {add = true}
        %dma_wait3A_266 = arith.constant 32 : i32
        %dma_wait3A_267 = arith.constant 0 : i32
        %dma_wait3A_268 = tpu.memref_slice %arg8[%dma_wait3A_266, %dma_wait3A_267] : memref<320x128xf32, #tpu.memory_space<vmem>> -> memref<16x128xf32, #tpu.memory_space<vmem>>
        %dma_wait3A_269 = arith.constant 0 : i32
        %dma_wait3A_270 = arith.constant 0 : i32
        %dma_wait3A_271 = tpu.memref_slice %arg2[%dma_wait3A_269, %dma_wait3A_270] : memref<10000x128xf32, #tpu.memory_space<hbm>> -> memref<10000x128xf32, #tpu.memory_space<hbm>>
        tpu.wait_indirect_dma semaphore(%arg10 : memref<!tpu.dma_semaphore, #tpu.memory_space<semaphore_mem>>) src(%dma_wait3A_271 : memref<10000x128xf32, #tpu.memory_space<hbm>>) dst(%dma_wait3A_268 : memref<16x128xf32, #tpu.memory_space<vmem>>)
        %get3A_272 = arith.constant 1 : i32
        %get3A_273 = arith.index_cast %get3A_272 : i32 to index
        %get3A_274 = arith.constant 32 : index
        %get3A_275 = tpu.vector_load %arg7[%get3A_273, %get3A_274] {strides = array<i32>} : memref<2x320xi32, #tpu.memory_space<vmem>>, vector<1x16xi32>,
        %get3A_276 = vector.shape_cast %get3A_275 : vector<1x16xi32> to vector<16xi32>
        %dma_start3A_277 = arith.constant 32 : i32
        %dma_start3A_278 = arith.constant 0 : i32
        %dma_start3A_279 = tpu.memref_slice %arg8[%dma_start3A_277, %dma_start3A_278] : memref<320x128xf32, #tpu.memory_space<vmem>> -> memref<16x128xf32, #tpu.memory_space<vmem>>
        %dma_start3A_280 = arith.constant 0 : i32
        %dma_start3A_281 = arith.constant 0 : i32
        %dma_start3A_282 = tpu.memref_slice %arg9[%dma_start3A_280, %dma_start3A_281] : memref<10112x128xf32, #tpu.memory_space<vmem_shared>> -> memref<10112x128xf32, #tpu.memory_space<vmem_shared>>
        tpu.enqueue_indirect_dma source(%dma_start3A_279 : memref<16x128xf32, #tpu.memory_space<vmem>>) target(%dma_start3A_282 : memref<10112x128xf32, #tpu.memory_space<vmem_shared>>) offsets(%get3A_276 : vector<16xi32>) semaphore(%arg11 : memref<!tpu.dma_semaphore, #tpu.memory_space<semaphore_mem>>) {add = true}
        %dma_wait3A_283 = arith.constant 48 : i32
        %dma_wait3A_284 = arith.constant 0 : i32
        %dma_wait3A_285 = tpu.memref_slice %arg8[%dma_wait3A_283, %dma_wait3A_284] : memref<320x128xf32, #tpu.memory_space<vmem>> -> memref<16x128xf32, #tpu.memory_space<vmem>>
        %dma_wait3A_286 = arith.constant 0 : i32
        %dma_wait3A_287 = arith.constant 0 : i32
        %dma_wait3A_288 = tpu.memref_slice %arg2[%dma_wait3A_286, %dma_wait3A_287] : memref<10000x128xf32, #tpu.memory_space<hbm>> -> memref<10000x128xf32, #tpu.memory_space<hbm>>
        tpu.wait_indirect_dma semaphore(%arg10 : memref<!tpu.dma_semaphore, #tpu.memory_space<semaphore_mem>>) src(%dma_wait3A_288 : memref<10000x128xf32, #tpu.memory_space<hbm>>) dst(%dma_wait3A_285 : memref<16x128xf32, #tpu.memory_space<vmem>>)
        %get3A_289 = arith.constant 1 : i32
        %get3A_290 = arith.index_cast %get3A_289 : i32 to index
        %get3A_291 = arith.constant 48 : index
        %get3A_292 = tpu.vector_load %arg7[%get3A_290, %get3A_291] {strides = array<i32>} : memref<2x320xi32, #tpu.memory_space<vmem>>, vector<1x16xi32>,
        %get3A_293 = vector.shape_cast %get3A_292 : vector<1x16xi32> to vector<16xi32>
        %dma_start3A_294 = arith.constant 48 : i32
        %dma_start3A_295 = arith.constant 0 : i32
        %dma_start3A_296 = tpu.memref_slice %arg8[%dma_start3A_294, %dma_start3A_295] : memref<320x128xf32, #tpu.memory_space<vmem>> -> memref<16x128xf32, #tpu.memory_space<vmem>>
        %dma_start3A_297 = arith.constant 0 : i32
        %dma_start3A_298 = arith.constant 0 : i32
        %dma_start3A_299 = tpu.memref_slice %arg9[%dma_start3A_297, %dma_start3A_298] : memref<10112x128xf32, #tpu.memory_space<vmem_shared>> -> memref<10112x128xf32, #tpu.memory_space<vmem_shared>>
        tpu.enqueue_indirect_dma source(%dma_start3A_296 : memref<16x128xf32, #tpu.memory_space<vmem>>) target(%dma_start3A_299 : memref<10112x128xf32, #tpu.memory_space<vmem_shared>>) offsets(%get3A_293 : vector<16xi32>) semaphore(%arg11 : memref<!tpu.dma_semaphore, #tpu.memory_space<semaphore_mem>>) {add = true}
        %dma_wait3A_300 = arith.constant 64 : i32
        %dma_wait3A_301 = arith.constant 0 : i32
        %dma_wait3A_302 = tpu.memref_slice %arg8[%dma_wait3A_300, %dma_wait3A_301] : memref<320x128xf32, #tpu.memory_space<vmem>> -> memref<16x128xf32, #tpu.memory_space<vmem>>
        %dma_wait3A_303 = arith.constant 0 : i32
        %dma_wait3A_304 = arith.constant 0 : i32
        %dma_wait3A_305 = tpu.memref_slice %arg2[%dma_wait3A_303, %dma_wait3A_304] : memref<10000x128xf32, #tpu.memory_space<hbm>> -> memref<10000x128xf32, #tpu.memory_space<hbm>>
        tpu.wait_indirect_dma semaphore(%arg10 : memref<!tpu.dma_semaphore, #tpu.memory_space<semaphore_mem>>) src(%dma_wait3A_305 : memref<10000x128xf32, #tpu.memory_space<hbm>>) dst(%dma_wait3A_302 : memref<16x128xf32, #tpu.memory_space<vmem>>)
        %get3A_306 = arith.constant 1 : i32
        %get3A_307 = arith.index_cast %get3A_306 : i32 to index
        %get3A_308 = arith.constant 64 : index
        %get3A_309 = tpu.vector_load %arg7[%get3A_307, %get3A_308] {strides = array<i32>} : memref<2x320xi32, #tpu.memory_space<vmem>>, vector<1x16xi32>,
        %get3A_310 = vector.shape_cast %get3A_309 : vector<1x16xi32> to vector<16xi32>
        %dma_start3A_311 = arith.constant 64 : i32
        %dma_start3A_312 = arith.constant 0 : i32
        %dma_start3A_313 = tpu.memref_slice %arg8[%dma_start3A_311, %dma_start3A_312] : memref<320x128xf32, #tpu.memory_space<vmem>> -> memref<16x128xf32, #tpu.memory_space<vmem>>
        %dma_start3A_314 = arith.constant 0 : i32
        %dma_start3A_315 = arith.constant 0 : i32
        %dma_start3A_316 = tpu.memref_slice %arg9[%dma_start3A_314, %dma_start3A_315] : memref<10112x128xf32, #tpu.memory_space<vmem_shared>> -> memref<10112x128xf32, #tpu.memory_space<vmem_shared>>
        tpu.enqueue_indirect_dma source(%dma_start3A_313 : memref<16x128xf32, #tpu.memory_space<vmem>>) target(%dma_start3A_316 : memref<10112x128xf32, #tpu.memory_space<vmem_shared>>) offsets(%get3A_310 : vector<16xi32>) semaphore(%arg11 : memref<!tpu.dma_semaphore, #tpu.memory_space<semaphore_mem>>) {add = true}
        %dma_wait3A_317 = arith.constant 80 : i32
        %dma_wait3A_318 = arith.constant 0 : i32
        %dma_wait3A_319 = tpu.memref_slice %arg8[%dma_wait3A_317, %dma_wait3A_318] : memref<320x128xf32, #tpu.memory_space<vmem>> -> memref<16x128xf32, #tpu.memory_space<vmem>>
        %dma_wait3A_320 = arith.constant 0 : i32
        %dma_wait3A_321 = arith.constant 0 : i32
        %dma_wait3A_322 = tpu.memref_slice %arg2[%dma_wait3A_320, %dma_wait3A_321] : memref<10000x128xf32, #tpu.memory_space<hbm>> -> memref<10000x128xf32, #tpu.memory_space<hbm>>
        tpu.wait_indirect_dma semaphore(%arg10 : memref<!tpu.dma_semaphore, #tpu.memory_space<semaphore_mem>>) src(%dma_wait3A_322 : memref<10000x128xf32, #tpu.memory_space<hbm>>) dst(%dma_wait3A_319 : memref<16x128xf32, #tpu.memory_space<vmem>>)
        %get3A_323 = arith.constant 1 : i32
        %get3A_324 = arith.index_cast %get3A_323 : i32 to index
        %get3A_325 = arith.constant 80 : index
        %get3A_326 = tpu.vector_load %arg7[%get3A_324, %get3A_325] {strides = array<i32>} : memref<2x320xi32, #tpu.memory_space<vmem>>, vector<1x16xi32>,
        %get3A_327 = vector.shape_cast %get3A_326 : vector<1x16xi32> to vector<16xi32>
        %dma_start3A_328 = arith.constant 80 : i32
        %dma_start3A_329 = arith.constant 0 : i32
        %dma_start3A_330 = tpu.memref_slice %arg8[%dma_start3A_328, %dma_start3A_329] : memref<320x128xf32, #tpu.memory_space<vmem>> -> memref<16x128xf32, #tpu.memory_space<vmem>>
        %dma_start3A_331 = arith.constant 0 : i32
        %dma_start3A_332 = arith.constant 0 : i32
        %dma_start3A_333 = tpu.memref_slice %arg9[%dma_start3A_331, %dma_start3A_332] : memref<10112x128xf32, #tpu.memory_space<vmem_shared>> -> memref<10112x128xf32, #tpu.memory_space<vmem_shared>>
        tpu.enqueue_indirect_dma source(%dma_start3A_330 : memref<16x128xf32, #tpu.memory_space<vmem>>) target(%dma_start3A_333 : memref<10112x128xf32, #tpu.memory_space<vmem_shared>>) offsets(%get3A_327 : vector<16xi32>) semaphore(%arg11 : memref<!tpu.dma_semaphore, #tpu.memory_space<semaphore_mem>>) {add = true}
        %dma_wait3A_334 = arith.constant 96 : i32
        %dma_wait3A_335 = arith.constant 0 : i32
        %dma_wait3A_336 = tpu.memref_slice %arg8[%dma_wait3A_334, %dma_wait3A_335] : memref<320x128xf32, #tpu.memory_space<vmem>> -> memref<16x128xf32, #tpu.memory_space<vmem>>
        %dma_wait3A_337 = arith.constant 0 : i32
        %dma_wait3A_338 = arith.constant 0 : i32
        %dma_wait3A_339 = tpu.memref_slice %arg2[%dma_wait3A_337, %dma_wait3A_338] : memref<10000x128xf32, #tpu.memory_space<hbm>> -> memref<10000x128xf32, #tpu.memory_space<hbm>>
        tpu.wait_indirect_dma semaphore(%arg10 : memref<!tpu.dma_semaphore, #tpu.memory_space<semaphore_mem>>) src(%dma_wait3A_339 : memref<10000x128xf32, #tpu.memory_space<hbm>>) dst(%dma_wait3A_336 : memref<16x128xf32, #tpu.memory_space<vmem>>)
        %get3A_340 = arith.constant 1 : i32
        %get3A_341 = arith.index_cast %get3A_340 : i32 to index
        %get3A_342 = arith.constant 96 : index
        %get3A_343 = tpu.vector_load %arg7[%get3A_341, %get3A_342] {strides = array<i32>} : memref<2x320xi32, #tpu.memory_space<vmem>>, vector<1x16xi32>,
        %get3A_344 = vector.shape_cast %get3A_343 : vector<1x16xi32> to vector<16xi32>
        %dma_start3A_345 = arith.constant 96 : i32
        %dma_start3A_346 = arith.constant 0 : i32
        %dma_start3A_347 = tpu.memref_slice %arg8[%dma_start3A_345, %dma_start3A_346] : memref<320x128xf32, #tpu.memory_space<vmem>> -> memref<16x128xf32, #tpu.memory_space<vmem>>
        %dma_start3A_348 = arith.constant 0 : i32
        %dma_start3A_349 = arith.constant 0 : i32
        %dma_start3A_350 = tpu.memref_slice %arg9[%dma_start3A_348, %dma_start3A_349] : memref<10112x128xf32, #tpu.memory_space<vmem_shared>> -> memref<10112x128xf32, #tpu.memory_space<vmem_shared>>
        tpu.enqueue_indirect_dma source(%dma_start3A_347 : memref<16x128xf32, #tpu.memory_space<vmem>>) target(%dma_start3A_350 : memref<10112x128xf32, #tpu.memory_space<vmem_shared>>) offsets(%get3A_344 : vector<16xi32>) semaphore(%arg11 : memref<!tpu.dma_semaphore, #tpu.memory_space<semaphore_mem>>) {add = true}
        %dma_wait3A_351 = arith.constant 112 : i32
        %dma_wait3A_352 = arith.constant 0 : i32
        %dma_wait3A_353 = tpu.memref_slice %arg8[%dma_wait3A_351, %dma_wait3A_352] : memref<320x128xf32, #tpu.memory_space<vmem>> -> memref<16x128xf32, #tpu.memory_space<vmem>>
        %dma_wait3A_354 = arith.constant 0 : i32
        %dma_wait3A_355 = arith.constant 0 : i32
        %dma_wait3A_356 = tpu.memref_slice %arg2[%dma_wait3A_354, %dma_wait3A_355] : memref<10000x128xf32, #tpu.memory_space<hbm>> -> memref<10000x128xf32, #tpu.memory_space<hbm>>
        tpu.wait_indirect_dma semaphore(%arg10 : memref<!tpu.dma_semaphore, #tpu.memory_space<semaphore_mem>>) src(%dma_wait3A_356 : memref<10000x128xf32, #tpu.memory_space<hbm>>) dst(%dma_wait3A_353 : memref<16x128xf32, #tpu.memory_space<vmem>>)
        %get3A_357 = arith.constant 1 : i32
        %get3A_358 = arith.index_cast %get3A_357 : i32 to index
        %get3A_359 = arith.constant 112 : index
        %get3A_360 = tpu.vector_load %arg7[%get3A_358, %get3A_359] {strides = array<i32>} : memref<2x320xi32, #tpu.memory_space<vmem>>, vector<1x16xi32>,
        %get3A_361 = vector.shape_cast %get3A_360 : vector<1x16xi32> to vector<16xi32>
        %dma_start3A_362 = arith.constant 112 : i32
        %dma_start3A_363 = arith.constant 0 : i32
        %dma_start3A_364 = tpu.memref_slice %arg8[%dma_start3A_362, %dma_start3A_363] : memref<320x128xf32, #tpu.memory_space<vmem>> -> memref<16x128xf32, #tpu.memory_space<vmem>>
        %dma_start3A_365 = arith.constant 0 : i32
        %dma_start3A_366 = arith.constant 0 : i32
        %dma_start3A_367 = tpu.memref_slice %arg9[%dma_start3A_365, %dma_start3A_366] : memref<10112x128xf32, #tpu.memory_space<vmem_shared>> -> memref<10112x128xf32, #tpu.memory_space<vmem_shared>>
        tpu.enqueue_indirect_dma source(%dma_start3A_364 : memref<16x128xf32, #tpu.memory_space<vmem>>) target(%dma_start3A_367 : memref<10112x128xf32, #tpu.memory_space<vmem_shared>>) offsets(%get3A_361 : vector<16xi32>) semaphore(%arg11 : memref<!tpu.dma_semaphore, #tpu.memory_space<semaphore_mem>>) {add = true}
        %dma_wait3A_368 = arith.constant 128 : i32
        %dma_wait3A_369 = arith.constant 0 : i32
        %dma_wait3A_370 = tpu.memref_slice %arg8[%dma_wait3A_368, %dma_wait3A_369] : memref<320x128xf32, #tpu.memory_space<vmem>> -> memref<16x128xf32, #tpu.memory_space<vmem>>
        %dma_wait3A_371 = arith.constant 0 : i32
        %dma_wait3A_372 = arith.constant 0 : i32
        %dma_wait3A_373 = tpu.memref_slice %arg2[%dma_wait3A_371, %dma_wait3A_372] : memref<10000x128xf32, #tpu.memory_space<hbm>> -> memref<10000x128xf32, #tpu.memory_space<hbm>>
        tpu.wait_indirect_dma semaphore(%arg10 : memref<!tpu.dma_semaphore, #tpu.memory_space<semaphore_mem>>) src(%dma_wait3A_373 : memref<10000x128xf32, #tpu.memory_space<hbm>>) dst(%dma_wait3A_370 : memref<16x128xf32, #tpu.memory_space<vmem>>)
        %get3A_374 = arith.constant 1 : i32
        %get3A_375 = arith.index_cast %get3A_374 : i32 to index
        %get3A_376 = arith.constant 128 : index
        %get3A_377 = tpu.vector_load %arg7[%get3A_375, %get3A_376] {strides = array<i32>} : memref<2x320xi32, #tpu.memory_space<vmem>>, vector<1x16xi32>,
        %get3A_378 = vector.shape_cast %get3A_377 : vector<1x16xi32> to vector<16xi32>
        %dma_start3A_379 = arith.constant 128 : i32
        %dma_start3A_380 = arith.constant 0 : i32
        %dma_start3A_381 = tpu.memref_slice %arg8[%dma_start3A_379, %dma_start3A_380] : memref<320x128xf32, #tpu.memory_space<vmem>> -> memref<16x128xf32, #tpu.memory_space<vmem>>
        %dma_start3A_382 = arith.constant 0 : i32
        %dma_start3A_383 = arith.constant 0 : i32
        %dma_start3A_384 = tpu.memref_slice %arg9[%dma_start3A_382, %dma_start3A_383] : memref<10112x128xf32, #tpu.memory_space<vmem_shared>> -> memref<10112x128xf32, #tpu.memory_space<vmem_shared>>
        tpu.enqueue_indirect_dma source(%dma_start3A_381 : memref<16x128xf32, #tpu.memory_space<vmem>>) target(%dma_start3A_384 : memref<10112x128xf32, #tpu.memory_space<vmem_shared>>) offsets(%get3A_378 : vector<16xi32>) semaphore(%arg11 : memref<!tpu.dma_semaphore, #tpu.memory_space<semaphore_mem>>) {add = true}
        %dma_wait3A_385 = arith.constant 144 : i32
        %dma_wait3A_386 = arith.constant 0 : i32
        %dma_wait3A_387 = tpu.memref_slice %arg8[%dma_wait3A_385, %dma_wait3A_386] : memref<320x128xf32, #tpu.memory_space<vmem>> -> memref<16x128xf32, #tpu.memory_space<vmem>>
        %dma_wait3A_388 = arith.constant 0 : i32
        %dma_wait3A_389 = arith.constant 0 : i32
        %dma_wait3A_390 = tpu.memref_slice %arg2[%dma_wait3A_388, %dma_wait3A_389] : memref<10000x128xf32, #tpu.memory_space<hbm>> -> memref<10000x128xf32, #tpu.memory_space<hbm>>
        tpu.wait_indirect_dma semaphore(%arg10 : memref<!tpu.dma_semaphore, #tpu.memory_space<semaphore_mem>>) src(%dma_wait3A_390 : memref<10000x128xf32, #tpu.memory_space<hbm>>) dst(%dma_wait3A_387 : memref<16x128xf32, #tpu.memory_space<vmem>>)
        %get3A_391 = arith.constant 1 : i32
        %get3A_392 = arith.index_cast %get3A_391 : i32 to index
        %get3A_393 = arith.constant 144 : index
        %get3A_394 = tpu.vector_load %arg7[%get3A_392, %get3A_393] {strides = array<i32>} : memref<2x320xi32, #tpu.memory_space<vmem>>, vector<1x16xi32>,
        %get3A_395 = vector.shape_cast %get3A_394 : vector<1x16xi32> to vector<16xi32>
        %dma_start3A_396 = arith.constant 144 : i32
        %dma_start3A_397 = arith.constant 0 : i32
        %dma_start3A_398 = tpu.memref_slice %arg8[%dma_start3A_396, %dma_start3A_397] : memref<320x128xf32, #tpu.memory_space<vmem>> -> memref<16x128xf32, #tpu.memory_space<vmem>>
        %dma_start3A_399 = arith.constant 0 : i32
        %dma_start3A_400 = arith.constant 0 : i32
        %dma_start3A_401 = tpu.memref_slice %arg9[%dma_start3A_399, %dma_start3A_400] : memref<10112x128xf32, #tpu.memory_space<vmem_shared>> -> memref<10112x128xf32, #tpu.memory_space<vmem_shared>>
        tpu.enqueue_indirect_dma source(%dma_start3A_398 : memref<16x128xf32, #tpu.memory_space<vmem>>) target(%dma_start3A_401 : memref<10112x128xf32, #tpu.memory_space<vmem_shared>>) offsets(%get3A_395 : vector<16xi32>) semaphore(%arg11 : memref<!tpu.dma_semaphore, #tpu.memory_space<semaphore_mem>>) {add = true}
        %dma_wait3A_402 = arith.constant 160 : i32
        %dma_wait3A_403 = arith.constant 0 : i32
        %dma_wait3A_404 = tpu.memref_slice %arg8[%dma_wait3A_402, %dma_wait3A_403] : memref<320x128xf32, #tpu.memory_space<vmem>> -> memref<16x128xf32, #tpu.memory_space<vmem>>
        %dma_wait3A_405 = arith.constant 0 : i32
        %dma_wait3A_406 = arith.constant 0 : i32
        %dma_wait3A_407 = tpu.memref_slice %arg2[%dma_wait3A_405, %dma_wait3A_406] : memref<10000x128xf32, #tpu.memory_space<hbm>> -> memref<10000x128xf32, #tpu.memory_space<hbm>>
        tpu.wait_indirect_dma semaphore(%arg10 : memref<!tpu.dma_semaphore, #tpu.memory_space<semaphore_mem>>) src(%dma_wait3A_407 : memref<10000x128xf32, #tpu.memory_space<hbm>>) dst(%dma_wait3A_404 : memref<16x128xf32, #tpu.memory_space<vmem>>)
        %get3A_408 = arith.constant 1 : i32
        %get3A_409 = arith.index_cast %get3A_408 : i32 to index
        %get3A_410 = arith.constant 160 : index
        %get3A_411 = tpu.vector_load %arg7[%get3A_409, %get3A_410] {strides = array<i32>} : memref<2x320xi32, #tpu.memory_space<vmem>>, vector<1x16xi32>,
        %get3A_412 = vector.shape_cast %get3A_411 : vector<1x16xi32> to vector<16xi32>
        %dma_start3A_413 = arith.constant 160 : i32
        %dma_start3A_414 = arith.constant 0 : i32
        %dma_start3A_415 = tpu.memref_slice %arg8[%dma_start3A_413, %dma_start3A_414] : memref<320x128xf32, #tpu.memory_space<vmem>> -> memref<16x128xf32, #tpu.memory_space<vmem>>
        %dma_start3A_416 = arith.constant 0 : i32
        %dma_start3A_417 = arith.constant 0 : i32
        %dma_start3A_418 = tpu.memref_slice %arg9[%dma_start3A_416, %dma_start3A_417] : memref<10112x128xf32, #tpu.memory_space<vmem_shared>> -> memref<10112x128xf32, #tpu.memory_space<vmem_shared>>
        tpu.enqueue_indirect_dma source(%dma_start3A_415 : memref<16x128xf32, #tpu.memory_space<vmem>>) target(%dma_start3A_418 : memref<10112x128xf32, #tpu.memory_space<vmem_shared>>) offsets(%get3A_412 : vector<16xi32>) semaphore(%arg11 : memref<!tpu.dma_semaphore, #tpu.memory_space<semaphore_mem>>) {add = true}
        %dma_wait3A_419 = arith.constant 176 : i32
        %dma_wait3A_420 = arith.constant 0 : i32
        %dma_wait3A_421 = tpu.memref_slice %arg8[%dma_wait3A_419, %dma_wait3A_420] : memref<320x128xf32, #tpu.memory_space<vmem>> -> memref<16x128xf32, #tpu.memory_space<vmem>>
        %dma_wait3A_422 = arith.constant 0 : i32
        %dma_wait3A_423 = arith.constant 0 : i32
        %dma_wait3A_424 = tpu.memref_slice %arg2[%dma_wait3A_422, %dma_wait3A_423] : memref<10000x128xf32, #tpu.memory_space<hbm>> -> memref<10000x128xf32, #tpu.memory_space<hbm>>
        tpu.wait_indirect_dma semaphore(%arg10 : memref<!tpu.dma_semaphore, #tpu.memory_space<semaphore_mem>>) src(%dma_wait3A_424 : memref<10000x128xf32, #tpu.memory_space<hbm>>) dst(%dma_wait3A_421 : memref<16x128xf32, #tpu.memory_space<vmem>>)
        %get3A_425 = arith.constant 1 : i32
        %get3A_426 = arith.index_cast %get3A_425 : i32 to index
        %get3A_427 = arith.constant 176 : index
        %get3A_428 = tpu.vector_load %arg7[%get3A_426, %get3A_427] {strides = array<i32>} : memref<2x320xi32, #tpu.memory_space<vmem>>, vector<1x16xi32>,
        %get3A_429 = vector.shape_cast %get3A_428 : vector<1x16xi32> to vector<16xi32>
        %dma_start3A_430 = arith.constant 176 : i32
        %dma_start3A_431 = arith.constant 0 : i32
        %dma_start3A_432 = tpu.memref_slice %arg8[%dma_start3A_430, %dma_start3A_431] : memref<320x128xf32, #tpu.memory_space<vmem>> -> memref<16x128xf32, #tpu.memory_space<vmem>>
        %dma_start3A_433 = arith.constant 0 : i32
        %dma_start3A_434 = arith.constant 0 : i32
        %dma_start3A_435 = tpu.memref_slice %arg9[%dma_start3A_433, %dma_start3A_434] : memref<10112x128xf32, #tpu.memory_space<vmem_shared>> -> memref<10112x128xf32, #tpu.memory_space<vmem_shared>>
        tpu.enqueue_indirect_dma source(%dma_start3A_432 : memref<16x128xf32, #tpu.memory_space<vmem>>) target(%dma_start3A_435 : memref<10112x128xf32, #tpu.memory_space<vmem_shared>>) offsets(%get3A_429 : vector<16xi32>) semaphore(%arg11 : memref<!tpu.dma_semaphore, #tpu.memory_space<semaphore_mem>>) {add = true}
        %dma_wait3A_436 = arith.constant 192 : i32
        %dma_wait3A_437 = arith.constant 0 : i32
        %dma_wait3A_438 = tpu.memref_slice %arg8[%dma_wait3A_436, %dma_wait3A_437] : memref<320x128xf32, #tpu.memory_space<vmem>> -> memref<16x128xf32, #tpu.memory_space<vmem>>
        %dma_wait3A_439 = arith.constant 0 : i32
        %dma_wait3A_440 = arith.constant 0 : i32
        %dma_wait3A_441 = tpu.memref_slice %arg2[%dma_wait3A_439, %dma_wait3A_440] : memref<10000x128xf32, #tpu.memory_space<hbm>> -> memref<10000x128xf32, #tpu.memory_space<hbm>>
        tpu.wait_indirect_dma semaphore(%arg10 : memref<!tpu.dma_semaphore, #tpu.memory_space<semaphore_mem>>) src(%dma_wait3A_441 : memref<10000x128xf32, #tpu.memory_space<hbm>>) dst(%dma_wait3A_438 : memref<16x128xf32, #tpu.memory_space<vmem>>)
        %get3A_442 = arith.constant 1 : i32
        %get3A_443 = arith.index_cast %get3A_442 : i32 to index
        %get3A_444 = arith.constant 192 : index
        %get3A_445 = tpu.vector_load %arg7[%get3A_443, %get3A_444] {strides = array<i32>} : memref<2x320xi32, #tpu.memory_space<vmem>>, vector<1x16xi32>,
        %get3A_446 = vector.shape_cast %get3A_445 : vector<1x16xi32> to vector<16xi32>
        %dma_start3A_447 = arith.constant 192 : i32
        %dma_start3A_448 = arith.constant 0 : i32
        %dma_start3A_449 = tpu.memref_slice %arg8[%dma_start3A_447, %dma_start3A_448] : memref<320x128xf32, #tpu.memory_space<vmem>> -> memref<16x128xf32, #tpu.memory_space<vmem>>
        %dma_start3A_450 = arith.constant 0 : i32
        %dma_start3A_451 = arith.constant 0 : i32
        %dma_start3A_452 = tpu.memref_slice %arg9[%dma_start3A_450, %dma_start3A_451] : memref<10112x128xf32, #tpu.memory_space<vmem_shared>> -> memref<10112x128xf32, #tpu.memory_space<vmem_shared>>
        tpu.enqueue_indirect_dma source(%dma_start3A_449 : memref<16x128xf32, #tpu.memory_space<vmem>>) target(%dma_start3A_452 : memref<10112x128xf32, #tpu.memory_space<vmem_shared>>) offsets(%get3A_446 : vector<16xi32>) semaphore(%arg11 : memref<!tpu.dma_semaphore, #tpu.memory_space<semaphore_mem>>) {add = true}
        %dma_wait3A_453 = arith.constant 208 : i32
        %dma_wait3A_454 = arith.constant 0 : i32
        %dma_wait3A_455 = tpu.memref_slice %arg8[%dma_wait3A_453, %dma_wait3A_454] : memref<320x128xf32, #tpu.memory_space<vmem>> -> memref<16x128xf32, #tpu.memory_space<vmem>>
        %dma_wait3A_456 = arith.constant 0 : i32
        %dma_wait3A_457 = arith.constant 0 : i32
        %dma_wait3A_458 = tpu.memref_slice %arg2[%dma_wait3A_456, %dma_wait3A_457] : memref<10000x128xf32, #tpu.memory_space<hbm>> -> memref<10000x128xf32, #tpu.memory_space<hbm>>
        tpu.wait_indirect_dma semaphore(%arg10 : memref<!tpu.dma_semaphore, #tpu.memory_space<semaphore_mem>>) src(%dma_wait3A_458 : memref<10000x128xf32, #tpu.memory_space<hbm>>) dst(%dma_wait3A_455 : memref<16x128xf32, #tpu.memory_space<vmem>>)
        %get3A_459 = arith.constant 1 : i32
        %get3A_460 = arith.index_cast %get3A_459 : i32 to index
        %get3A_461 = arith.constant 208 : index
        %get3A_462 = tpu.vector_load %arg7[%get3A_460, %get3A_461] {strides = array<i32>} : memref<2x320xi32, #tpu.memory_space<vmem>>, vector<1x16xi32>,
        %get3A_463 = vector.shape_cast %get3A_462 : vector<1x16xi32> to vector<16xi32>
        %dma_start3A_464 = arith.constant 208 : i32
        %dma_start3A_465 = arith.constant 0 : i32
        %dma_start3A_466 = tpu.memref_slice %arg8[%dma_start3A_464, %dma_start3A_465] : memref<320x128xf32, #tpu.memory_space<vmem>> -> memref<16x128xf32, #tpu.memory_space<vmem>>
        %dma_start3A_467 = arith.constant 0 : i32
        %dma_start3A_468 = arith.constant 0 : i32
        %dma_start3A_469 = tpu.memref_slice %arg9[%dma_start3A_467, %dma_start3A_468] : memref<10112x128xf32, #tpu.memory_space<vmem_shared>> -> memref<10112x128xf32, #tpu.memory_space<vmem_shared>>
        tpu.enqueue_indirect_dma source(%dma_start3A_466 : memref<16x128xf32, #tpu.memory_space<vmem>>) target(%dma_start3A_469 : memref<10112x128xf32, #tpu.memory_space<vmem_shared>>) offsets(%get3A_463 : vector<16xi32>) semaphore(%arg11 : memref<!tpu.dma_semaphore, #tpu.memory_space<semaphore_mem>>) {add = true}
        %dma_wait3A_470 = arith.constant 224 : i32
        %dma_wait3A_471 = arith.constant 0 : i32
        %dma_wait3A_472 = tpu.memref_slice %arg8[%dma_wait3A_470, %dma_wait3A_471] : memref<320x128xf32, #tpu.memory_space<vmem>> -> memref<16x128xf32, #tpu.memory_space<vmem>>
        %dma_wait3A_473 = arith.constant 0 : i32
        %dma_wait3A_474 = arith.constant 0 : i32
        %dma_wait3A_475 = tpu.memref_slice %arg2[%dma_wait3A_473, %dma_wait3A_474] : memref<10000x128xf32, #tpu.memory_space<hbm>> -> memref<10000x128xf32, #tpu.memory_space<hbm>>
        tpu.wait_indirect_dma semaphore(%arg10 : memref<!tpu.dma_semaphore, #tpu.memory_space<semaphore_mem>>) src(%dma_wait3A_475 : memref<10000x128xf32, #tpu.memory_space<hbm>>) dst(%dma_wait3A_472 : memref<16x128xf32, #tpu.memory_space<vmem>>)
        %get3A_476 = arith.constant 1 : i32
        %get3A_477 = arith.index_cast %get3A_476 : i32 to index
        %get3A_478 = arith.constant 224 : index
        %get3A_479 = tpu.vector_load %arg7[%get3A_477, %get3A_478] {strides = array<i32>} : memref<2x320xi32, #tpu.memory_space<vmem>>, vector<1x16xi32>,
        %get3A_480 = vector.shape_cast %get3A_479 : vector<1x16xi32> to vector<16xi32>
        %dma_start3A_481 = arith.constant 224 : i32
        %dma_start3A_482 = arith.constant 0 : i32
        %dma_start3A_483 = tpu.memref_slice %arg8[%dma_start3A_481, %dma_start3A_482] : memref<320x128xf32, #tpu.memory_space<vmem>> -> memref<16x128xf32, #tpu.memory_space<vmem>>
        %dma_start3A_484 = arith.constant 0 : i32
        %dma_start3A_485 = arith.constant 0 : i32
        %dma_start3A_486 = tpu.memref_slice %arg9[%dma_start3A_484, %dma_start3A_485] : memref<10112x128xf32, #tpu.memory_space<vmem_shared>> -> memref<10112x128xf32, #tpu.memory_space<vmem_shared>>
        tpu.enqueue_indirect_dma source(%dma_start3A_483 : memref<16x128xf32, #tpu.memory_space<vmem>>) target(%dma_start3A_486 : memref<10112x128xf32, #tpu.memory_space<vmem_shared>>) offsets(%get3A_480 : vector<16xi32>) semaphore(%arg11 : memref<!tpu.dma_semaphore, #tpu.memory_space<semaphore_mem>>) {add = true}
        %dma_wait3A_487 = arith.constant 240 : i32
        %dma_wait3A_488 = arith.constant 0 : i32
        %dma_wait3A_489 = tpu.memref_slice %arg8[%dma_wait3A_487, %dma_wait3A_488] : memref<320x128xf32, #tpu.memory_space<vmem>> -> memref<16x128xf32, #tpu.memory_space<vmem>>
        %dma_wait3A_490 = arith.constant 0 : i32
        %dma_wait3A_491 = arith.constant 0 : i32
        %dma_wait3A_492 = tpu.memref_slice %arg2[%dma_wait3A_490, %dma_wait3A_491] : memref<10000x128xf32, #tpu.memory_space<hbm>> -> memref<10000x128xf32, #tpu.memory_space<hbm>>
        tpu.wait_indirect_dma semaphore(%arg10 : memref<!tpu.dma_semaphore, #tpu.memory_space<semaphore_mem>>) src(%dma_wait3A_492 : memref<10000x128xf32, #tpu.memory_space<hbm>>) dst(%dma_wait3A_489 : memref<16x128xf32, #tpu.memory_space<vmem>>)
        %get3A_493 = arith.constant 1 : i32
        %get3A_494 = arith.index_cast %get3A_493 : i32 to index
        %get3A_495 = arith.constant 240 : index
        %get3A_496 = tpu.vector_load %arg7[%get3A_494, %get3A_495] {strides = array<i32>} : memref<2x320xi32, #tpu.memory_space<vmem>>, vector<1x16xi32>,
        %get3A_497 = vector.shape_cast %get3A_496 : vector<1x16xi32> to vector<16xi32>
        %dma_start3A_498 = arith.constant 240 : i32
        %dma_start3A_499 = arith.constant 0 : i32
        %dma_start3A_500 = tpu.memref_slice %arg8[%dma_start3A_498, %dma_start3A_499] : memref<320x128xf32, #tpu.memory_space<vmem>> -> memref<16x128xf32, #tpu.memory_space<vmem>>
        %dma_start3A_501 = arith.constant 0 : i32
        %dma_start3A_502 = arith.constant 0 : i32
        %dma_start3A_503 = tpu.memref_slice %arg9[%dma_start3A_501, %dma_start3A_502] : memref<10112x128xf32, #tpu.memory_space<vmem_shared>> -> memref<10112x128xf32, #tpu.memory_space<vmem_shared>>
        tpu.enqueue_indirect_dma source(%dma_start3A_500 : memref<16x128xf32, #tpu.memory_space<vmem>>) target(%dma_start3A_503 : memref<10112x128xf32, #tpu.memory_space<vmem_shared>>) offsets(%get3A_497 : vector<16xi32>) semaphore(%arg11 : memref<!tpu.dma_semaphore, #tpu.memory_space<semaphore_mem>>) {add = true}
        %dma_wait3A_504 = arith.constant 256 : i32
        %dma_wait3A_505 = arith.constant 0 : i32
        %dma_wait3A_506 = tpu.memref_slice %arg8[%dma_wait3A_504, %dma_wait3A_505] : memref<320x128xf32, #tpu.memory_space<vmem>> -> memref<16x128xf32, #tpu.memory_space<vmem>>
        %dma_wait3A_507 = arith.constant 0 : i32
        %dma_wait3A_508 = arith.constant 0 : i32
        %dma_wait3A_509 = tpu.memref_slice %arg2[%dma_wait3A_507, %dma_wait3A_508] : memref<10000x128xf32, #tpu.memory_space<hbm>> -> memref<10000x128xf32, #tpu.memory_space<hbm>>
        tpu.wait_indirect_dma semaphore(%arg10 : memref<!tpu.dma_semaphore, #tpu.memory_space<semaphore_mem>>) src(%dma_wait3A_509 : memref<10000x128xf32, #tpu.memory_space<hbm>>) dst(%dma_wait3A_506 : memref<16x128xf32, #tpu.memory_space<vmem>>)
        %get3A_510 = arith.constant 1 : i32
        %get3A_511 = arith.index_cast %get3A_510 : i32 to index
        %get3A_512 = arith.constant 256 : index
        %get3A_513 = tpu.vector_load %arg7[%get3A_511, %get3A_512] {strides = array<i32>} : memref<2x320xi32, #tpu.memory_space<vmem>>, vector<1x16xi32>,
        %get3A_514 = vector.shape_cast %get3A_513 : vector<1x16xi32> to vector<16xi32>
        %dma_start3A_515 = arith.constant 256 : i32
        %dma_start3A_516 = arith.constant 0 : i32
        %dma_start3A_517 = tpu.memref_slice %arg8[%dma_start3A_515, %dma_start3A_516] : memref<320x128xf32, #tpu.memory_space<vmem>> -> memref<16x128xf32, #tpu.memory_space<vmem>>
        %dma_start3A_518 = arith.constant 0 : i32
        %dma_start3A_519 = arith.constant 0 : i32
        %dma_start3A_520 = tpu.memref_slice %arg9[%dma_start3A_518, %dma_start3A_519] : memref<10112x128xf32, #tpu.memory_space<vmem_shared>> -> memref<10112x128xf32, #tpu.memory_space<vmem_shared>>
        tpu.enqueue_indirect_dma source(%dma_start3A_517 : memref<16x128xf32, #tpu.memory_space<vmem>>) target(%dma_start3A_520 : memref<10112x128xf32, #tpu.memory_space<vmem_shared>>) offsets(%get3A_514 : vector<16xi32>) semaphore(%arg11 : memref<!tpu.dma_semaphore, #tpu.memory_space<semaphore_mem>>) {add = true}
        %dma_wait3A_521 = arith.constant 272 : i32
        %dma_wait3A_522 = arith.constant 0 : i32
        %dma_wait3A_523 = tpu.memref_slice %arg8[%dma_wait3A_521, %dma_wait3A_522] : memref<320x128xf32, #tpu.memory_space<vmem>> -> memref<16x128xf32, #tpu.memory_space<vmem>>
        %dma_wait3A_524 = arith.constant 0 : i32
        %dma_wait3A_525 = arith.constant 0 : i32
        %dma_wait3A_526 = tpu.memref_slice %arg2[%dma_wait3A_524, %dma_wait3A_525] : memref<10000x128xf32, #tpu.memory_space<hbm>> -> memref<10000x128xf32, #tpu.memory_space<hbm>>
        tpu.wait_indirect_dma semaphore(%arg10 : memref<!tpu.dma_semaphore, #tpu.memory_space<semaphore_mem>>) src(%dma_wait3A_526 : memref<10000x128xf32, #tpu.memory_space<hbm>>) dst(%dma_wait3A_523 : memref<16x128xf32, #tpu.memory_space<vmem>>)
        %get3A_527 = arith.constant 1 : i32
        %get3A_528 = arith.index_cast %get3A_527 : i32 to index
        %get3A_529 = arith.constant 272 : index
        %get3A_530 = tpu.vector_load %arg7[%get3A_528, %get3A_529] {strides = array<i32>} : memref<2x320xi32, #tpu.memory_space<vmem>>, vector<1x16xi32>,
        %get3A_531 = vector.shape_cast %get3A_530 : vector<1x16xi32> to vector<16xi32>
        %dma_start3A_532 = arith.constant 272 : i32
        %dma_start3A_533 = arith.constant 0 : i32
        %dma_start3A_534 = tpu.memref_slice %arg8[%dma_start3A_532, %dma_start3A_533] : memref<320x128xf32, #tpu.memory_space<vmem>> -> memref<16x128xf32, #tpu.memory_space<vmem>>
        %dma_start3A_535 = arith.constant 0 : i32
        %dma_start3A_536 = arith.constant 0 : i32
        %dma_start3A_537 = tpu.memref_slice %arg9[%dma_start3A_535, %dma_start3A_536] : memref<10112x128xf32, #tpu.memory_space<vmem_shared>> -> memref<10112x128xf32, #tpu.memory_space<vmem_shared>>
        tpu.enqueue_indirect_dma source(%dma_start3A_534 : memref<16x128xf32, #tpu.memory_space<vmem>>) target(%dma_start3A_537 : memref<10112x128xf32, #tpu.memory_space<vmem_shared>>) offsets(%get3A_531 : vector<16xi32>) semaphore(%arg11 : memref<!tpu.dma_semaphore, #tpu.memory_space<semaphore_mem>>) {add = true}
        %dma_wait3A_538 = arith.constant 288 : i32
        %dma_wait3A_539 = arith.constant 0 : i32
        %dma_wait3A_540 = tpu.memref_slice %arg8[%dma_wait3A_538, %dma_wait3A_539] : memref<320x128xf32, #tpu.memory_space<vmem>> -> memref<16x128xf32, #tpu.memory_space<vmem>>
        %dma_wait3A_541 = arith.constant 0 : i32
        %dma_wait3A_542 = arith.constant 0 : i32
        %dma_wait3A_543 = tpu.memref_slice %arg2[%dma_wait3A_541, %dma_wait3A_542] : memref<10000x128xf32, #tpu.memory_space<hbm>> -> memref<10000x128xf32, #tpu.memory_space<hbm>>
        tpu.wait_indirect_dma semaphore(%arg10 : memref<!tpu.dma_semaphore, #tpu.memory_space<semaphore_mem>>) src(%dma_wait3A_543 : memref<10000x128xf32, #tpu.memory_space<hbm>>) dst(%dma_wait3A_540 : memref<16x128xf32, #tpu.memory_space<vmem>>)
        %get3A_544 = arith.constant 1 : i32
        %get3A_545 = arith.index_cast %get3A_544 : i32 to index
        %get3A_546 = arith.constant 288 : index
        %get3A_547 = tpu.vector_load %arg7[%get3A_545, %get3A_546] {strides = array<i32>} : memref<2x320xi32, #tpu.memory_space<vmem>>, vector<1x16xi32>,
        %get3A_548 = vector.shape_cast %get3A_547 : vector<1x16xi32> to vector<16xi32>
        %dma_start3A_549 = arith.constant 288 : i32
        %dma_start3A_550 = arith.constant 0 : i32
        %dma_start3A_551 = tpu.memref_slice %arg8[%dma_start3A_549, %dma_start3A_550] : memref<320x128xf32, #tpu.memory_space<vmem>> -> memref<16x128xf32, #tpu.memory_space<vmem>>
        %dma_start3A_552 = arith.constant 0 : i32
        %dma_start3A_553 = arith.constant 0 : i32
        %dma_start3A_554 = tpu.memref_slice %arg9[%dma_start3A_552, %dma_start3A_553] : memref<10112x128xf32, #tpu.memory_space<vmem_shared>> -> memref<10112x128xf32, #tpu.memory_space<vmem_shared>>
        tpu.enqueue_indirect_dma source(%dma_start3A_551 : memref<16x128xf32, #tpu.memory_space<vmem>>) target(%dma_start3A_554 : memref<10112x128xf32, #tpu.memory_space<vmem_shared>>) offsets(%get3A_548 : vector<16xi32>) semaphore(%arg11 : memref<!tpu.dma_semaphore, #tpu.memory_space<semaphore_mem>>) {add = true}
        %dma_wait3A_555 = arith.constant 304 : i32
        %dma_wait3A_556 = arith.constant 0 : i32
        %dma_wait3A_557 = tpu.memref_slice %arg8[%dma_wait3A_555, %dma_wait3A_556] : memref<320x128xf32, #tpu.memory_space<vmem>> -> memref<16x128xf32, #tpu.memory_space<vmem>>
        %dma_wait3A_558 = arith.constant 0 : i32
        %dma_wait3A_559 = arith.constant 0 : i32
        %dma_wait3A_560 = tpu.memref_slice %arg2[%dma_wait3A_558, %dma_wait3A_559] : memref<10000x128xf32, #tpu.memory_space<hbm>> -> memref<10000x128xf32, #tpu.memory_space<hbm>>
        tpu.wait_indirect_dma semaphore(%arg10 : memref<!tpu.dma_semaphore, #tpu.memory_space<semaphore_mem>>) src(%dma_wait3A_560 : memref<10000x128xf32, #tpu.memory_space<hbm>>) dst(%dma_wait3A_557 : memref<16x128xf32, #tpu.memory_space<vmem>>)
        %get3A_561 = arith.constant 1 : i32
        %get3A_562 = arith.index_cast %get3A_561 : i32 to index
        %get3A_563 = arith.constant 304 : index
        %get3A_564 = tpu.vector_load %arg7[%get3A_562, %get3A_563] {strides = array<i32>} : memref<2x320xi32, #tpu.memory_space<vmem>>, vector<1x16xi32>,
        %get3A_565 = vector.shape_cast %get3A_564 : vector<1x16xi32> to vector<16xi32>
        %dma_start3A_566 = arith.constant 304 : i32
        %dma_start3A_567 = arith.constant 0 : i32
        %dma_start3A_568 = tpu.memref_slice %arg8[%dma_start3A_566, %dma_start3A_567] : memref<320x128xf32, #tpu.memory_space<vmem>> -> memref<16x128xf32, #tpu.memory_space<vmem>>
        %dma_start3A_569 = arith.constant 0 : i32
        %dma_start3A_570 = arith.constant 0 : i32
        %dma_start3A_571 = tpu.memref_slice %arg9[%dma_start3A_569, %dma_start3A_570] : memref<10112x128xf32, #tpu.memory_space<vmem_shared>> -> memref<10112x128xf32, #tpu.memory_space<vmem_shared>>
        tpu.enqueue_indirect_dma source(%dma_start3A_568 : memref<16x128xf32, #tpu.memory_space<vmem>>) target(%dma_start3A_571 : memref<10112x128xf32, #tpu.memory_space<vmem_shared>>) offsets(%get3A_565 : vector<16xi32>) semaphore(%arg11 : memref<!tpu.dma_semaphore, #tpu.memory_space<semaphore_mem>>) {add = true}
        %dma_wait3A_572 = arith.constant 0 : i32
        %dma_wait3A_573 = arith.constant 0 : i32
        %dma_wait3A_574 = tpu.memref_slice %arg8[%dma_wait3A_572, %dma_wait3A_573] : memref<320x128xf32, #tpu.memory_space<vmem>> -> memref<16x128xf32, #tpu.memory_space<vmem>>
        %dma_wait3A_575 = arith.constant 0 : i32
        %dma_wait3A_576 = arith.constant 0 : i32
        %dma_wait3A_577 = tpu.memref_slice %arg9[%dma_wait3A_575, %dma_wait3A_576] : memref<10112x128xf32, #tpu.memory_space<vmem_shared>> -> memref<10112x128xf32, #tpu.memory_space<vmem_shared>>
        tpu.wait_indirect_dma semaphore(%arg11 : memref<!tpu.dma_semaphore, #tpu.memory_space<semaphore_mem>>) src(%dma_wait3A_574 : memref<16x128xf32, #tpu.memory_space<vmem>>) dst(%dma_wait3A_577 : memref<10112x128xf32, #tpu.memory_space<vmem_shared>>)
        %dma_wait3A_578 = arith.constant 16 : i32
        %dma_wait3A_579 = arith.constant 0 : i32
        %dma_wait3A_580 = tpu.memref_slice %arg8[%dma_wait3A_578, %dma_wait3A_579] : memref<320x128xf32, #tpu.memory_space<vmem>> -> memref<16x128xf32, #tpu.memory_space<vmem>>
        %dma_wait3A_581 = arith.constant 0 : i32
        %dma_wait3A_582 = arith.constant 0 : i32
        %dma_wait3A_583 = tpu.memref_slice %arg9[%dma_wait3A_581, %dma_wait3A_582] : memref<10112x128xf32, #tpu.memory_space<vmem_shared>> -> memref<10112x128xf32, #tpu.memory_space<vmem_shared>>
        tpu.wait_indirect_dma semaphore(%arg11 : memref<!tpu.dma_semaphore, #tpu.memory_space<semaphore_mem>>) src(%dma_wait3A_580 : memref<16x128xf32, #tpu.memory_space<vmem>>) dst(%dma_wait3A_583 : memref<10112x128xf32, #tpu.memory_space<vmem_shared>>)
        %dma_wait3A_584 = arith.constant 32 : i32
        %dma_wait3A_585 = arith.constant 0 : i32
        %dma_wait3A_586 = tpu.memref_slice %arg8[%dma_wait3A_584, %dma_wait3A_585] : memref<320x128xf32, #tpu.memory_space<vmem>> -> memref<16x128xf32, #tpu.memory_space<vmem>>
        %dma_wait3A_587 = arith.constant 0 : i32
        %dma_wait3A_588 = arith.constant 0 : i32
        %dma_wait3A_589 = tpu.memref_slice %arg9[%dma_wait3A_587, %dma_wait3A_588] : memref<10112x128xf32, #tpu.memory_space<vmem_shared>> -> memref<10112x128xf32, #tpu.memory_space<vmem_shared>>
        tpu.wait_indirect_dma semaphore(%arg11 : memref<!tpu.dma_semaphore, #tpu.memory_space<semaphore_mem>>) src(%dma_wait3A_586 : memref<16x128xf32, #tpu.memory_space<vmem>>) dst(%dma_wait3A_589 : memref<10112x128xf32, #tpu.memory_space<vmem_shared>>)
        %dma_wait3A_590 = arith.constant 48 : i32
        %dma_wait3A_591 = arith.constant 0 : i32
        %dma_wait3A_592 = tpu.memref_slice %arg8[%dma_wait3A_590, %dma_wait3A_591] : memref<320x128xf32, #tpu.memory_space<vmem>> -> memref<16x128xf32, #tpu.memory_space<vmem>>
        %dma_wait3A_593 = arith.constant 0 : i32
        %dma_wait3A_594 = arith.constant 0 : i32
        %dma_wait3A_595 = tpu.memref_slice %arg9[%dma_wait3A_593, %dma_wait3A_594] : memref<10112x128xf32, #tpu.memory_space<vmem_shared>> -> memref<10112x128xf32, #tpu.memory_space<vmem_shared>>
        tpu.wait_indirect_dma semaphore(%arg11 : memref<!tpu.dma_semaphore, #tpu.memory_space<semaphore_mem>>) src(%dma_wait3A_592 : memref<16x128xf32, #tpu.memory_space<vmem>>) dst(%dma_wait3A_595 : memref<10112x128xf32, #tpu.memory_space<vmem_shared>>)
        %dma_wait3A_596 = arith.constant 64 : i32
        %dma_wait3A_597 = arith.constant 0 : i32
        %dma_wait3A_598 = tpu.memref_slice %arg8[%dma_wait3A_596, %dma_wait3A_597] : memref<320x128xf32, #tpu.memory_space<vmem>> -> memref<16x128xf32, #tpu.memory_space<vmem>>
        %dma_wait3A_599 = arith.constant 0 : i32
        %dma_wait3A_600 = arith.constant 0 : i32
        %dma_wait3A_601 = tpu.memref_slice %arg9[%dma_wait3A_599, %dma_wait3A_600] : memref<10112x128xf32, #tpu.memory_space<vmem_shared>> -> memref<10112x128xf32, #tpu.memory_space<vmem_shared>>
        tpu.wait_indirect_dma semaphore(%arg11 : memref<!tpu.dma_semaphore, #tpu.memory_space<semaphore_mem>>) src(%dma_wait3A_598 : memref<16x128xf32, #tpu.memory_space<vmem>>) dst(%dma_wait3A_601 : memref<10112x128xf32, #tpu.memory_space<vmem_shared>>)
        %dma_wait3A_602 = arith.constant 80 : i32
        %dma_wait3A_603 = arith.constant 0 : i32
        %dma_wait3A_604 = tpu.memref_slice %arg8[%dma_wait3A_602, %dma_wait3A_603] : memref<320x128xf32, #tpu.memory_space<vmem>> -> memref<16x128xf32, #tpu.memory_space<vmem>>
        %dma_wait3A_605 = arith.constant 0 : i32
        %dma_wait3A_606 = arith.constant 0 : i32
        %dma_wait3A_607 = tpu.memref_slice %arg9[%dma_wait3A_605, %dma_wait3A_606] : memref<10112x128xf32, #tpu.memory_space<vmem_shared>> -> memref<10112x128xf32, #tpu.memory_space<vmem_shared>>
        tpu.wait_indirect_dma semaphore(%arg11 : memref<!tpu.dma_semaphore, #tpu.memory_space<semaphore_mem>>) src(%dma_wait3A_604 : memref<16x128xf32, #tpu.memory_space<vmem>>) dst(%dma_wait3A_607 : memref<10112x128xf32, #tpu.memory_space<vmem_shared>>)
        %dma_wait3A_608 = arith.constant 96 : i32
        %dma_wait3A_609 = arith.constant 0 : i32
        %dma_wait3A_610 = tpu.memref_slice %arg8[%dma_wait3A_608, %dma_wait3A_609] : memref<320x128xf32, #tpu.memory_space<vmem>> -> memref<16x128xf32, #tpu.memory_space<vmem>>
        %dma_wait3A_611 = arith.constant 0 : i32
        %dma_wait3A_612 = arith.constant 0 : i32
        %dma_wait3A_613 = tpu.memref_slice %arg9[%dma_wait3A_611, %dma_wait3A_612] : memref<10112x128xf32, #tpu.memory_space<vmem_shared>> -> memref<10112x128xf32, #tpu.memory_space<vmem_shared>>
        tpu.wait_indirect_dma semaphore(%arg11 : memref<!tpu.dma_semaphore, #tpu.memory_space<semaphore_mem>>) src(%dma_wait3A_610 : memref<16x128xf32, #tpu.memory_space<vmem>>) dst(%dma_wait3A_613 : memref<10112x128xf32, #tpu.memory_space<vmem_shared>>)
        %dma_wait3A_614 = arith.constant 112 : i32
        %dma_wait3A_615 = arith.constant 0 : i32
        %dma_wait3A_616 = tpu.memref_slice %arg8[%dma_wait3A_614, %dma_wait3A_615] : memref<320x128xf32, #tpu.memory_space<vmem>> -> memref<16x128xf32, #tpu.memory_space<vmem>>
        %dma_wait3A_617 = arith.constant 0 : i32
        %dma_wait3A_618 = arith.constant 0 : i32
        %dma_wait3A_619 = tpu.memref_slice %arg9[%dma_wait3A_617, %dma_wait3A_618] : memref<10112x128xf32, #tpu.memory_space<vmem_shared>> -> memref<10112x128xf32, #tpu.memory_space<vmem_shared>>
        tpu.wait_indirect_dma semaphore(%arg11 : memref<!tpu.dma_semaphore, #tpu.memory_space<semaphore_mem>>) src(%dma_wait3A_616 : memref<16x128xf32, #tpu.memory_space<vmem>>) dst(%dma_wait3A_619 : memref<10112x128xf32, #tpu.memory_space<vmem_shared>>)
        %dma_wait3A_620 = arith.constant 128 : i32
        %dma_wait3A_621 = arith.constant 0 : i32
        %dma_wait3A_622 = tpu.memref_slice %arg8[%dma_wait3A_620, %dma_wait3A_621] : memref<320x128xf32, #tpu.memory_space<vmem>> -> memref<16x128xf32, #tpu.memory_space<vmem>>
        %dma_wait3A_623 = arith.constant 0 : i32
        %dma_wait3A_624 = arith.constant 0 : i32
        %dma_wait3A_625 = tpu.memref_slice %arg9[%dma_wait3A_623, %dma_wait3A_624] : memref<10112x128xf32, #tpu.memory_space<vmem_shared>> -> memref<10112x128xf32, #tpu.memory_space<vmem_shared>>
        tpu.wait_indirect_dma semaphore(%arg11 : memref<!tpu.dma_semaphore, #tpu.memory_space<semaphore_mem>>) src(%dma_wait3A_622 : memref<16x128xf32, #tpu.memory_space<vmem>>) dst(%dma_wait3A_625 : memref<10112x128xf32, #tpu.memory_space<vmem_shared>>)
        %dma_wait3A_626 = arith.constant 144 : i32
        %dma_wait3A_627 = arith.constant 0 : i32
        %dma_wait3A_628 = tpu.memref_slice %arg8[%dma_wait3A_626, %dma_wait3A_627] : memref<320x128xf32, #tpu.memory_space<vmem>> -> memref<16x128xf32, #tpu.memory_space<vmem>>
        %dma_wait3A_629 = arith.constant 0 : i32
        %dma_wait3A_630 = arith.constant 0 : i32
        %dma_wait3A_631 = tpu.memref_slice %arg9[%dma_wait3A_629, %dma_wait3A_630] : memref<10112x128xf32, #tpu.memory_space<vmem_shared>> -> memref<10112x128xf32, #tpu.memory_space<vmem_shared>>
        tpu.wait_indirect_dma semaphore(%arg11 : memref<!tpu.dma_semaphore, #tpu.memory_space<semaphore_mem>>) src(%dma_wait3A_628 : memref<16x128xf32, #tpu.memory_space<vmem>>) dst(%dma_wait3A_631 : memref<10112x128xf32, #tpu.memory_space<vmem_shared>>)
        %dma_wait3A_632 = arith.constant 160 : i32
        %dma_wait3A_633 = arith.constant 0 : i32
        %dma_wait3A_634 = tpu.memref_slice %arg8[%dma_wait3A_632, %dma_wait3A_633] : memref<320x128xf32, #tpu.memory_space<vmem>> -> memref<16x128xf32, #tpu.memory_space<vmem>>
        %dma_wait3A_635 = arith.constant 0 : i32
        %dma_wait3A_636 = arith.constant 0 : i32
        %dma_wait3A_637 = tpu.memref_slice %arg9[%dma_wait3A_635, %dma_wait3A_636] : memref<10112x128xf32, #tpu.memory_space<vmem_shared>> -> memref<10112x128xf32, #tpu.memory_space<vmem_shared>>
        tpu.wait_indirect_dma semaphore(%arg11 : memref<!tpu.dma_semaphore, #tpu.memory_space<semaphore_mem>>) src(%dma_wait3A_634 : memref<16x128xf32, #tpu.memory_space<vmem>>) dst(%dma_wait3A_637 : memref<10112x128xf32, #tpu.memory_space<vmem_shared>>)
        %dma_wait3A_638 = arith.constant 176 : i32
        %dma_wait3A_639 = arith.constant 0 : i32
        %dma_wait3A_640 = tpu.memref_slice %arg8[%dma_wait3A_638, %dma_wait3A_639] : memref<320x128xf32, #tpu.memory_space<vmem>> -> memref<16x128xf32, #tpu.memory_space<vmem>>
        %dma_wait3A_641 = arith.constant 0 : i32
        %dma_wait3A_642 = arith.constant 0 : i32
        %dma_wait3A_643 = tpu.memref_slice %arg9[%dma_wait3A_641, %dma_wait3A_642] : memref<10112x128xf32, #tpu.memory_space<vmem_shared>> -> memref<10112x128xf32, #tpu.memory_space<vmem_shared>>
        tpu.wait_indirect_dma semaphore(%arg11 : memref<!tpu.dma_semaphore, #tpu.memory_space<semaphore_mem>>) src(%dma_wait3A_640 : memref<16x128xf32, #tpu.memory_space<vmem>>) dst(%dma_wait3A_643 : memref<10112x128xf32, #tpu.memory_space<vmem_shared>>)
        %dma_wait3A_644 = arith.constant 192 : i32
        %dma_wait3A_645 = arith.constant 0 : i32
        %dma_wait3A_646 = tpu.memref_slice %arg8[%dma_wait3A_644, %dma_wait3A_645] : memref<320x128xf32, #tpu.memory_space<vmem>> -> memref<16x128xf32, #tpu.memory_space<vmem>>
        %dma_wait3A_647 = arith.constant 0 : i32
        %dma_wait3A_648 = arith.constant 0 : i32
        %dma_wait3A_649 = tpu.memref_slice %arg9[%dma_wait3A_647, %dma_wait3A_648] : memref<10112x128xf32, #tpu.memory_space<vmem_shared>> -> memref<10112x128xf32, #tpu.memory_space<vmem_shared>>
        tpu.wait_indirect_dma semaphore(%arg11 : memref<!tpu.dma_semaphore, #tpu.memory_space<semaphore_mem>>) src(%dma_wait3A_646 : memref<16x128xf32, #tpu.memory_space<vmem>>) dst(%dma_wait3A_649 : memref<10112x128xf32, #tpu.memory_space<vmem_shared>>)
        %dma_wait3A_650 = arith.constant 208 : i32
        %dma_wait3A_651 = arith.constant 0 : i32
        %dma_wait3A_652 = tpu.memref_slice %arg8[%dma_wait3A_650, %dma_wait3A_651] : memref<320x128xf32, #tpu.memory_space<vmem>> -> memref<16x128xf32, #tpu.memory_space<vmem>>
        %dma_wait3A_653 = arith.constant 0 : i32
        %dma_wait3A_654 = arith.constant 0 : i32
        %dma_wait3A_655 = tpu.memref_slice %arg9[%dma_wait3A_653, %dma_wait3A_654] : memref<10112x128xf32, #tpu.memory_space<vmem_shared>> -> memref<10112x128xf32, #tpu.memory_space<vmem_shared>>
        tpu.wait_indirect_dma semaphore(%arg11 : memref<!tpu.dma_semaphore, #tpu.memory_space<semaphore_mem>>) src(%dma_wait3A_652 : memref<16x128xf32, #tpu.memory_space<vmem>>) dst(%dma_wait3A_655 : memref<10112x128xf32, #tpu.memory_space<vmem_shared>>)
        %dma_wait3A_656 = arith.constant 224 : i32
        %dma_wait3A_657 = arith.constant 0 : i32
        %dma_wait3A_658 = tpu.memref_slice %arg8[%dma_wait3A_656, %dma_wait3A_657] : memref<320x128xf32, #tpu.memory_space<vmem>> -> memref<16x128xf32, #tpu.memory_space<vmem>>
        %dma_wait3A_659 = arith.constant 0 : i32
        %dma_wait3A_660 = arith.constant 0 : i32
        %dma_wait3A_661 = tpu.memref_slice %arg9[%dma_wait3A_659, %dma_wait3A_660] : memref<10112x128xf32, #tpu.memory_space<vmem_shared>> -> memref<10112x128xf32, #tpu.memory_space<vmem_shared>>
        tpu.wait_indirect_dma semaphore(%arg11 : memref<!tpu.dma_semaphore, #tpu.memory_space<semaphore_mem>>) src(%dma_wait3A_658 : memref<16x128xf32, #tpu.memory_space<vmem>>) dst(%dma_wait3A_661 : memref<10112x128xf32, #tpu.memory_space<vmem_shared>>)
        %dma_wait3A_662 = arith.constant 240 : i32
        %dma_wait3A_663 = arith.constant 0 : i32
        %dma_wait3A_664 = tpu.memref_slice %arg8[%dma_wait3A_662, %dma_wait3A_663] : memref<320x128xf32, #tpu.memory_space<vmem>> -> memref<16x128xf32, #tpu.memory_space<vmem>>
        %dma_wait3A_665 = arith.constant 0 : i32
        %dma_wait3A_666 = arith.constant 0 : i32
        %dma_wait3A_667 = tpu.memref_slice %arg9[%dma_wait3A_665, %dma_wait3A_666] : memref<10112x128xf32, #tpu.memory_space<vmem_shared>> -> memref<10112x128xf32, #tpu.memory_space<vmem_shared>>
        tpu.wait_indirect_dma semaphore(%arg11 : memref<!tpu.dma_semaphore, #tpu.memory_space<semaphore_mem>>) src(%dma_wait3A_664 : memref<16x128xf32, #tpu.memory_space<vmem>>) dst(%dma_wait3A_667 : memref<10112x128xf32, #tpu.memory_space<vmem_shared>>)
        %dma_wait3A_668 = arith.constant 256 : i32
        %dma_wait3A_669 = arith.constant 0 : i32
        %dma_wait3A_670 = tpu.memref_slice %arg8[%dma_wait3A_668, %dma_wait3A_669] : memref<320x128xf32, #tpu.memory_space<vmem>> -> memref<16x128xf32, #tpu.memory_space<vmem>>
        %dma_wait3A_671 = arith.constant 0 : i32
        %dma_wait3A_672 = arith.constant 0 : i32
        %dma_wait3A_673 = tpu.memref_slice %arg9[%dma_wait3A_671, %dma_wait3A_672] : memref<10112x128xf32, #tpu.memory_space<vmem_shared>> -> memref<10112x128xf32, #tpu.memory_space<vmem_shared>>
        tpu.wait_indirect_dma semaphore(%arg11 : memref<!tpu.dma_semaphore, #tpu.memory_space<semaphore_mem>>) src(%dma_wait3A_670 : memref<16x128xf32, #tpu.memory_space<vmem>>) dst(%dma_wait3A_673 : memref<10112x128xf32, #tpu.memory_space<vmem_shared>>)
        %dma_wait3A_674 = arith.constant 272 : i32
        %dma_wait3A_675 = arith.constant 0 : i32
        %dma_wait3A_676 = tpu.memref_slice %arg8[%dma_wait3A_674, %dma_wait3A_675] : memref<320x128xf32, #tpu.memory_space<vmem>> -> memref<16x128xf32, #tpu.memory_space<vmem>>
        %dma_wait3A_677 = arith.constant 0 : i32
        %dma_wait3A_678 = arith.constant 0 : i32
        %dma_wait3A_679 = tpu.memref_slice %arg9[%dma_wait3A_677, %dma_wait3A_678] : memref<10112x128xf32, #tpu.memory_space<vmem_shared>> -> memref<10112x128xf32, #tpu.memory_space<vmem_shared>>
        tpu.wait_indirect_dma semaphore(%arg11 : memref<!tpu.dma_semaphore, #tpu.memory_space<semaphore_mem>>) src(%dma_wait3A_676 : memref<16x128xf32, #tpu.memory_space<vmem>>) dst(%dma_wait3A_679 : memref<10112x128xf32, #tpu.memory_space<vmem_shared>>)
        %dma_wait3A_680 = arith.constant 288 : i32
        %dma_wait3A_681 = arith.constant 0 : i32
        %dma_wait3A_682 = tpu.memref_slice %arg8[%dma_wait3A_680, %dma_wait3A_681] : memref<320x128xf32, #tpu.memory_space<vmem>> -> memref<16x128xf32, #tpu.memory_space<vmem>>
        %dma_wait3A_683 = arith.constant 0 : i32
        %dma_wait3A_684 = arith.constant 0 : i32
        %dma_wait3A_685 = tpu.memref_slice %arg9[%dma_wait3A_683, %dma_wait3A_684] : memref<10112x128xf32, #tpu.memory_space<vmem_shared>> -> memref<10112x128xf32, #tpu.memory_space<vmem_shared>>
        tpu.wait_indirect_dma semaphore(%arg11 : memref<!tpu.dma_semaphore, #tpu.memory_space<semaphore_mem>>) src(%dma_wait3A_682 : memref<16x128xf32, #tpu.memory_space<vmem>>) dst(%dma_wait3A_685 : memref<10112x128xf32, #tpu.memory_space<vmem_shared>>)
        %dma_wait3A_686 = arith.constant 304 : i32
        %dma_wait3A_687 = arith.constant 0 : i32
        %dma_wait3A_688 = tpu.memref_slice %arg8[%dma_wait3A_686, %dma_wait3A_687] : memref<320x128xf32, #tpu.memory_space<vmem>> -> memref<16x128xf32, #tpu.memory_space<vmem>>
        %dma_wait3A_689 = arith.constant 0 : i32
        %dma_wait3A_690 = arith.constant 0 : i32
        %dma_wait3A_691 = tpu.memref_slice %arg9[%dma_wait3A_689, %dma_wait3A_690] : memref<10112x128xf32, #tpu.memory_space<vmem_shared>> -> memref<10112x128xf32, #tpu.memory_space<vmem_shared>>
        tpu.wait_indirect_dma semaphore(%arg11 : memref<!tpu.dma_semaphore, #tpu.memory_space<semaphore_mem>>) src(%dma_wait3A_688 : memref<16x128xf32, #tpu.memory_space<vmem>>) dst(%dma_wait3A_691 : memref<10112x128xf32, #tpu.memory_space<vmem_shared>>)
      }
      %scan3A_13 = arith.constant 64 : i32
    } else {
    }
    %eq3A_3 = arith.constant 1 : i32
    %eq3A_4 = arith.cmpi eq, %arg0, %eq3A_3 : i32
    %convert_element_type3A_5 = arith.extui %eq3A_4 : i1 to i32
    %cond3A_6 = arith.constant 0 : i32
    %cond3A_7 = arith.cmpi ne, %convert_element_type3A_5, %cond3A_6 : i32
    scf.if %cond3A_7 {
      %scan3A = arith.constant 0 : i32
      %scan3A_9 = arith.constant 0 : i32
      %scan3A_10 = arith.constant 64 : i32
      %scan3A_11 = arith.addi %scan3A_9, %scan3A_10 : i32
      %scan3A_12 = arith.constant 1 : i32
      scf.for %scan3A_14 = %scan3A_9 to %scan3A_11 step %scan3A_12  : i32 {
        "tpu.region"() ({
          %run_scoped3A = tpu.sem_alloc : memref<!tpu.dma_semaphore, #tpu.memory_space<semaphore_mem>>
          %dma_start3A_692 = arith.constant 0 : i32
          %dma_start3A_693 = arith.constant 0 : i32
          %dma_start3A_694 = tpu.memref_slice %arg4[%arg1, %scan3A_14, %dma_start3A_692, %dma_start3A_693] : memref<16x64x2x320xi32, #tpu.memory_space<hbm>> -> memref<1x1x2x320xi32, #tpu.memory_space<hbm>>
          %dma_start3A_695 = tpu.memref_squeeze %dma_start3A_694 : memref<1x1x2x320xi32, #tpu.memory_space<hbm>> -> memref<2x320xi32, #tpu.memory_space<hbm>>
          %dma_start3A_696 = arith.constant 0 : i32
          %dma_start3A_697 = arith.constant 0 : i32
          %dma_start3A_698 = tpu.memref_slice %arg4[%arg1, %scan3A_14, %dma_start3A_696, %dma_start3A_697] : memref<16x64x2x320xi32, #tpu.memory_space<hbm>> -> memref<1x1x2x320xi32, #tpu.memory_space<hbm>>
          %dma_start3A_699 = tpu.memref_squeeze %dma_start3A_698 : memref<1x1x2x320xi32, #tpu.memory_space<hbm>> -> memref<2x320xi32, #tpu.memory_space<hbm>>
          tpu.enqueue_dma source(%dma_start3A_699 : memref<2x320xi32, #tpu.memory_space<hbm>>) target(%arg7 : memref<2x320xi32, #tpu.memory_space<vmem>>) target_semaphore(%run_scoped3A : memref<!tpu.dma_semaphore, #tpu.memory_space<semaphore_mem>>)
          %dma_wait3A_700 = arith.constant 0 : i32
          %dma_wait3A_701 = arith.constant 0 : i32
          %dma_wait3A_702 = tpu.memref_slice %arg4[%arg1, %scan3A_14, %dma_wait3A_700, %dma_wait3A_701] : memref<16x64x2x320xi32, #tpu.memory_space<hbm>> -> memref<1x1x2x320xi32, #tpu.memory_space<hbm>>
          %dma_wait3A_703 = tpu.memref_squeeze %dma_wait3A_702 : memref<1x1x2x320xi32, #tpu.memory_space<hbm>> -> memref<2x320xi32, #tpu.memory_space<hbm>>
          %dma_wait3A_704 = arith.constant 0 : i32
          %dma_wait3A_705 = arith.constant 0 : i32
          %dma_wait3A_706 = tpu.memref_slice %arg4[%arg1, %scan3A_14, %dma_wait3A_704, %dma_wait3A_705] : memref<16x64x2x320xi32, #tpu.memory_space<hbm>> -> memref<1x1x2x320xi32, #tpu.memory_space<hbm>>
          %dma_wait3A_707 = tpu.memref_squeeze %dma_wait3A_706 : memref<1x1x2x320xi32, #tpu.memory_space<hbm>> -> memref<2x320xi32, #tpu.memory_space<hbm>>
          tpu.wait_dma2 semaphore(%run_scoped3A : memref<!tpu.dma_semaphore, #tpu.memory_space<semaphore_mem>>) src(%dma_wait3A_707 : memref<2x320xi32, #tpu.memory_space<hbm>>) dst(%arg7 : memref<2x320xi32, #tpu.memory_space<vmem>>)
          tpu.yield
        }) : () -> ()
        %get3A = arith.constant 0 : i32
        %get3A_15 = arith.index_cast %get3A : i32 to index
        %get3A_16 = arith.constant 0 : index
        %get3A_17 = tpu.vector_load %arg7[%get3A_15, %get3A_16] {strides = array<i32>} : memref<2x320xi32, #tpu.memory_space<vmem>>, vector<1x16xi32>,
        %get3A_18 = vector.shape_cast %get3A_17 : vector<1x16xi32> to vector<16xi32>
        %dma_start3A = arith.constant 0 : i32
        %dma_start3A_19 = arith.constant 0 : i32
        %dma_start3A_20 = tpu.memref_slice %arg8[%dma_start3A, %dma_start3A_19] : memref<320x128xf32, #tpu.memory_space<vmem>> -> memref<16x128xf32, #tpu.memory_space<vmem>>
        %dma_start3A_21 = arith.constant 0 : i32
        %dma_start3A_22 = arith.constant 0 : i32
        %dma_start3A_23 = tpu.memref_slice %arg3[%dma_start3A_21, %dma_start3A_22] : memref<10000x128xf32, #tpu.memory_space<hbm>> -> memref<10000x128xf32, #tpu.memory_space<hbm>>
        tpu.enqueue_indirect_dma source(%dma_start3A_23 : memref<10000x128xf32, #tpu.memory_space<hbm>>) target(%dma_start3A_20 : memref<16x128xf32, #tpu.memory_space<vmem>>) offsets(%get3A_18 : vector<16xi32>) semaphore(%arg10 : memref<!tpu.dma_semaphore, #tpu.memory_space<semaphore_mem>>)
        %get3A_24 = arith.constant 0 : i32
        %get3A_25 = arith.index_cast %get3A_24 : i32 to index
        %get3A_26 = arith.constant 16 : index
        %get3A_27 = tpu.vector_load %arg7[%get3A_25, %get3A_26] {strides = array<i32>} : memref<2x320xi32, #tpu.memory_space<vmem>>, vector<1x16xi32>,
        %get3A_28 = vector.shape_cast %get3A_27 : vector<1x16xi32> to vector<16xi32>
        %dma_start3A_29 = arith.constant 16 : i32
        %dma_start3A_30 = arith.constant 0 : i32
        %dma_start3A_31 = tpu.memref_slice %arg8[%dma_start3A_29, %dma_start3A_30] : memref<320x128xf32, #tpu.memory_space<vmem>> -> memref<16x128xf32, #tpu.memory_space<vmem>>
        %dma_start3A_32 = arith.constant 0 : i32
        %dma_start3A_33 = arith.constant 0 : i32
        %dma_start3A_34 = tpu.memref_slice %arg3[%dma_start3A_32, %dma_start3A_33] : memref<10000x128xf32, #tpu.memory_space<hbm>> -> memref<10000x128xf32, #tpu.memory_space<hbm>>
        tpu.enqueue_indirect_dma source(%dma_start3A_34 : memref<10000x128xf32, #tpu.memory_space<hbm>>) target(%dma_start3A_31 : memref<16x128xf32, #tpu.memory_space<vmem>>) offsets(%get3A_28 : vector<16xi32>) semaphore(%arg10 : memref<!tpu.dma_semaphore, #tpu.memory_space<semaphore_mem>>)
        %get3A_35 = arith.constant 0 : i32
        %get3A_36 = arith.index_cast %get3A_35 : i32 to index
        %get3A_37 = arith.constant 32 : index
        %get3A_38 = tpu.vector_load %arg7[%get3A_36, %get3A_37] {strides = array<i32>} : memref<2x320xi32, #tpu.memory_space<vmem>>, vector<1x16xi32>,
        %get3A_39 = vector.shape_cast %get3A_38 : vector<1x16xi32> to vector<16xi32>
        %dma_start3A_40 = arith.constant 32 : i32
        %dma_start3A_41 = arith.constant 0 : i32
        %dma_start3A_42 = tpu.memref_slice %arg8[%dma_start3A_40, %dma_start3A_41] : memref<320x128xf32, #tpu.memory_space<vmem>> -> memref<16x128xf32, #tpu.memory_space<vmem>>
        %dma_start3A_43 = arith.constant 0 : i32
        %dma_start3A_44 = arith.constant 0 : i32
        %dma_start3A_45 = tpu.memref_slice %arg3[%dma_start3A_43, %dma_start3A_44] : memref<10000x128xf32, #tpu.memory_space<hbm>> -> memref<10000x128xf32, #tpu.memory_space<hbm>>
        tpu.enqueue_indirect_dma source(%dma_start3A_45 : memref<10000x128xf32, #tpu.memory_space<hbm>>) target(%dma_start3A_42 : memref<16x128xf32, #tpu.memory_space<vmem>>) offsets(%get3A_39 : vector<16xi32>) semaphore(%arg10 : memref<!tpu.dma_semaphore, #tpu.memory_space<semaphore_mem>>)
        %get3A_46 = arith.constant 0 : i32
        %get3A_47 = arith.index_cast %get3A_46 : i32 to index
        %get3A_48 = arith.constant 48 : index
        %get3A_49 = tpu.vector_load %arg7[%get3A_47, %get3A_48] {strides = array<i32>} : memref<2x320xi32, #tpu.memory_space<vmem>>, vector<1x16xi32>,
        %get3A_50 = vector.shape_cast %get3A_49 : vector<1x16xi32> to vector<16xi32>
        %dma_start3A_51 = arith.constant 48 : i32
        %dma_start3A_52 = arith.constant 0 : i32
        %dma_start3A_53 = tpu.memref_slice %arg8[%dma_start3A_51, %dma_start3A_52] : memref<320x128xf32, #tpu.memory_space<vmem>> -> memref<16x128xf32, #tpu.memory_space<vmem>>
        %dma_start3A_54 = arith.constant 0 : i32
        %dma_start3A_55 = arith.constant 0 : i32
        %dma_start3A_56 = tpu.memref_slice %arg3[%dma_start3A_54, %dma_start3A_55] : memref<10000x128xf32, #tpu.memory_space<hbm>> -> memref<10000x128xf32, #tpu.memory_space<hbm>>
        tpu.enqueue_indirect_dma source(%dma_start3A_56 : memref<10000x128xf32, #tpu.memory_space<hbm>>) target(%dma_start3A_53 : memref<16x128xf32, #tpu.memory_space<vmem>>) offsets(%get3A_50 : vector<16xi32>) semaphore(%arg10 : memref<!tpu.dma_semaphore, #tpu.memory_space<semaphore_mem>>)
        %get3A_57 = arith.constant 0 : i32
        %get3A_58 = arith.index_cast %get3A_57 : i32 to index
        %get3A_59 = arith.constant 64 : index
        %get3A_60 = tpu.vector_load %arg7[%get3A_58, %get3A_59] {strides = array<i32>} : memref<2x320xi32, #tpu.memory_space<vmem>>, vector<1x16xi32>,
        %get3A_61 = vector.shape_cast %get3A_60 : vector<1x16xi32> to vector<16xi32>
        %dma_start3A_62 = arith.constant 64 : i32
        %dma_start3A_63 = arith.constant 0 : i32
        %dma_start3A_64 = tpu.memref_slice %arg8[%dma_start3A_62, %dma_start3A_63] : memref<320x128xf32, #tpu.memory_space<vmem>> -> memref<16x128xf32, #tpu.memory_space<vmem>>
        %dma_start3A_65 = arith.constant 0 : i32
        %dma_start3A_66 = arith.constant 0 : i32
        %dma_start3A_67 = tpu.memref_slice %arg3[%dma_start3A_65, %dma_start3A_66] : memref<10000x128xf32, #tpu.memory_space<hbm>> -> memref<10000x128xf32, #tpu.memory_space<hbm>>
        tpu.enqueue_indirect_dma source(%dma_start3A_67 : memref<10000x128xf32, #tpu.memory_space<hbm>>) target(%dma_start3A_64 : memref<16x128xf32, #tpu.memory_space<vmem>>) offsets(%get3A_61 : vector<16xi32>) semaphore(%arg10 : memref<!tpu.dma_semaphore, #tpu.memory_space<semaphore_mem>>)
        %get3A_68 = arith.constant 0 : i32
        %get3A_69 = arith.index_cast %get3A_68 : i32 to index
        %get3A_70 = arith.constant 80 : index
        %get3A_71 = tpu.vector_load %arg7[%get3A_69, %get3A_70] {strides = array<i32>} : memref<2x320xi32, #tpu.memory_space<vmem>>, vector<1x16xi32>,
        %get3A_72 = vector.shape_cast %get3A_71 : vector<1x16xi32> to vector<16xi32>
        %dma_start3A_73 = arith.constant 80 : i32
        %dma_start3A_74 = arith.constant 0 : i32
        %dma_start3A_75 = tpu.memref_slice %arg8[%dma_start3A_73, %dma_start3A_74] : memref<320x128xf32, #tpu.memory_space<vmem>> -> memref<16x128xf32, #tpu.memory_space<vmem>>
        %dma_start3A_76 = arith.constant 0 : i32
        %dma_start3A_77 = arith.constant 0 : i32
        %dma_start3A_78 = tpu.memref_slice %arg3[%dma_start3A_76, %dma_start3A_77] : memref<10000x128xf32, #tpu.memory_space<hbm>> -> memref<10000x128xf32, #tpu.memory_space<hbm>>
        tpu.enqueue_indirect_dma source(%dma_start3A_78 : memref<10000x128xf32, #tpu.memory_space<hbm>>) target(%dma_start3A_75 : memref<16x128xf32, #tpu.memory_space<vmem>>) offsets(%get3A_72 : vector<16xi32>) semaphore(%arg10 : memref<!tpu.dma_semaphore, #tpu.memory_space<semaphore_mem>>)
        %get3A_79 = arith.constant 0 : i32
        %get3A_80 = arith.index_cast %get3A_79 : i32 to index
        %get3A_81 = arith.constant 96 : index
        %get3A_82 = tpu.vector_load %arg7[%get3A_80, %get3A_81] {strides = array<i32>} : memref<2x320xi32, #tpu.memory_space<vmem>>, vector<1x16xi32>,
        %get3A_83 = vector.shape_cast %get3A_82 : vector<1x16xi32> to vector<16xi32>
        %dma_start3A_84 = arith.constant 96 : i32
        %dma_start3A_85 = arith.constant 0 : i32
        %dma_start3A_86 = tpu.memref_slice %arg8[%dma_start3A_84, %dma_start3A_85] : memref<320x128xf32, #tpu.memory_space<vmem>> -> memref<16x128xf32, #tpu.memory_space<vmem>>
        %dma_start3A_87 = arith.constant 0 : i32
        %dma_start3A_88 = arith.constant 0 : i32
        %dma_start3A_89 = tpu.memref_slice %arg3[%dma_start3A_87, %dma_start3A_88] : memref<10000x128xf32, #tpu.memory_space<hbm>> -> memref<10000x128xf32, #tpu.memory_space<hbm>>
        tpu.enqueue_indirect_dma source(%dma_start3A_89 : memref<10000x128xf32, #tpu.memory_space<hbm>>) target(%dma_start3A_86 : memref<16x128xf32, #tpu.memory_space<vmem>>) offsets(%get3A_83 : vector<16xi32>) semaphore(%arg10 : memref<!tpu.dma_semaphore, #tpu.memory_space<semaphore_mem>>)
        %get3A_90 = arith.constant 0 : i32
        %get3A_91 = arith.index_cast %get3A_90 : i32 to index
        %get3A_92 = arith.constant 112 : index
        %get3A_93 = tpu.vector_load %arg7[%get3A_91, %get3A_92] {strides = array<i32>} : memref<2x320xi32, #tpu.memory_space<vmem>>, vector<1x16xi32>,
        %get3A_94 = vector.shape_cast %get3A_93 : vector<1x16xi32> to vector<16xi32>
        %dma_start3A_95 = arith.constant 112 : i32
        %dma_start3A_96 = arith.constant 0 : i32
        %dma_start3A_97 = tpu.memref_slice %arg8[%dma_start3A_95, %dma_start3A_96] : memref<320x128xf32, #tpu.memory_space<vmem>> -> memref<16x128xf32, #tpu.memory_space<vmem>>
        %dma_start3A_98 = arith.constant 0 : i32
        %dma_start3A_99 = arith.constant 0 : i32
        %dma_start3A_100 = tpu.memref_slice %arg3[%dma_start3A_98, %dma_start3A_99] : memref<10000x128xf32, #tpu.memory_space<hbm>> -> memref<10000x128xf32, #tpu.memory_space<hbm>>
        tpu.enqueue_indirect_dma source(%dma_start3A_100 : memref<10000x128xf32, #tpu.memory_space<hbm>>) target(%dma_start3A_97 : memref<16x128xf32, #tpu.memory_space<vmem>>) offsets(%get3A_94 : vector<16xi32>) semaphore(%arg10 : memref<!tpu.dma_semaphore, #tpu.memory_space<semaphore_mem>>)
        %get3A_101 = arith.constant 0 : i32
        %get3A_102 = arith.index_cast %get3A_101 : i32 to index
        %get3A_103 = arith.constant 128 : index
        %get3A_104 = tpu.vector_load %arg7[%get3A_102, %get3A_103] {strides = array<i32>} : memref<2x320xi32, #tpu.memory_space<vmem>>, vector<1x16xi32>,
        %get3A_105 = vector.shape_cast %get3A_104 : vector<1x16xi32> to vector<16xi32>
        %dma_start3A_106 = arith.constant 128 : i32
        %dma_start3A_107 = arith.constant 0 : i32
        %dma_start3A_108 = tpu.memref_slice %arg8[%dma_start3A_106, %dma_start3A_107] : memref<320x128xf32, #tpu.memory_space<vmem>> -> memref<16x128xf32, #tpu.memory_space<vmem>>
        %dma_start3A_109 = arith.constant 0 : i32
        %dma_start3A_110 = arith.constant 0 : i32
        %dma_start3A_111 = tpu.memref_slice %arg3[%dma_start3A_109, %dma_start3A_110] : memref<10000x128xf32, #tpu.memory_space<hbm>> -> memref<10000x128xf32, #tpu.memory_space<hbm>>
        tpu.enqueue_indirect_dma source(%dma_start3A_111 : memref<10000x128xf32, #tpu.memory_space<hbm>>) target(%dma_start3A_108 : memref<16x128xf32, #tpu.memory_space<vmem>>) offsets(%get3A_105 : vector<16xi32>) semaphore(%arg10 : memref<!tpu.dma_semaphore, #tpu.memory_space<semaphore_mem>>)
        %get3A_112 = arith.constant 0 : i32
        %get3A_113 = arith.index_cast %get3A_112 : i32 to index
        %get3A_114 = arith.constant 144 : index
        %get3A_115 = tpu.vector_load %arg7[%get3A_113, %get3A_114] {strides = array<i32>} : memref<2x320xi32, #tpu.memory_space<vmem>>, vector<1x16xi32>,
        %get3A_116 = vector.shape_cast %get3A_115 : vector<1x16xi32> to vector<16xi32>
        %dma_start3A_117 = arith.constant 144 : i32
        %dma_start3A_118 = arith.constant 0 : i32
        %dma_start3A_119 = tpu.memref_slice %arg8[%dma_start3A_117, %dma_start3A_118] : memref<320x128xf32, #tpu.memory_space<vmem>> -> memref<16x128xf32, #tpu.memory_space<vmem>>
        %dma_start3A_120 = arith.constant 0 : i32
        %dma_start3A_121 = arith.constant 0 : i32
        %dma_start3A_122 = tpu.memref_slice %arg3[%dma_start3A_120, %dma_start3A_121] : memref<10000x128xf32, #tpu.memory_space<hbm>> -> memref<10000x128xf32, #tpu.memory_space<hbm>>
        tpu.enqueue_indirect_dma source(%dma_start3A_122 : memref<10000x128xf32, #tpu.memory_space<hbm>>) target(%dma_start3A_119 : memref<16x128xf32, #tpu.memory_space<vmem>>) offsets(%get3A_116 : vector<16xi32>) semaphore(%arg10 : memref<!tpu.dma_semaphore, #tpu.memory_space<semaphore_mem>>)
        %get3A_123 = arith.constant 0 : i32
        %get3A_124 = arith.index_cast %get3A_123 : i32 to index
        %get3A_125 = arith.constant 160 : index
        %get3A_126 = tpu.vector_load %arg7[%get3A_124, %get3A_125] {strides = array<i32>} : memref<2x320xi32, #tpu.memory_space<vmem>>, vector<1x16xi32>,
        %get3A_127 = vector.shape_cast %get3A_126 : vector<1x16xi32> to vector<16xi32>
        %dma_start3A_128 = arith.constant 160 : i32
        %dma_start3A_129 = arith.constant 0 : i32
        %dma_start3A_130 = tpu.memref_slice %arg8[%dma_start3A_128, %dma_start3A_129] : memref<320x128xf32, #tpu.memory_space<vmem>> -> memref<16x128xf32, #tpu.memory_space<vmem>>
        %dma_start3A_131 = arith.constant 0 : i32
        %dma_start3A_132 = arith.constant 0 : i32
        %dma_start3A_133 = tpu.memref_slice %arg3[%dma_start3A_131, %dma_start3A_132] : memref<10000x128xf32, #tpu.memory_space<hbm>> -> memref<10000x128xf32, #tpu.memory_space<hbm>>
        tpu.enqueue_indirect_dma source(%dma_start3A_133 : memref<10000x128xf32, #tpu.memory_space<hbm>>) target(%dma_start3A_130 : memref<16x128xf32, #tpu.memory_space<vmem>>) offsets(%get3A_127 : vector<16xi32>) semaphore(%arg10 : memref<!tpu.dma_semaphore, #tpu.memory_space<semaphore_mem>>)
        %get3A_134 = arith.constant 0 : i32
        %get3A_135 = arith.index_cast %get3A_134 : i32 to index
        %get3A_136 = arith.constant 176 : index
        %get3A_137 = tpu.vector_load %arg7[%get3A_135, %get3A_136] {strides = array<i32>} : memref<2x320xi32, #tpu.memory_space<vmem>>, vector<1x16xi32>,
        %get3A_138 = vector.shape_cast %get3A_137 : vector<1x16xi32> to vector<16xi32>
        %dma_start3A_139 = arith.constant 176 : i32
        %dma_start3A_140 = arith.constant 0 : i32
        %dma_start3A_141 = tpu.memref_slice %arg8[%dma_start3A_139, %dma_start3A_140] : memref<320x128xf32, #tpu.memory_space<vmem>> -> memref<16x128xf32, #tpu.memory_space<vmem>>
        %dma_start3A_142 = arith.constant 0 : i32
        %dma_start3A_143 = arith.constant 0 : i32
        %dma_start3A_144 = tpu.memref_slice %arg3[%dma_start3A_142, %dma_start3A_143] : memref<10000x128xf32, #tpu.memory_space<hbm>> -> memref<10000x128xf32, #tpu.memory_space<hbm>>
        tpu.enqueue_indirect_dma source(%dma_start3A_144 : memref<10000x128xf32, #tpu.memory_space<hbm>>) target(%dma_start3A_141 : memref<16x128xf32, #tpu.memory_space<vmem>>) offsets(%get3A_138 : vector<16xi32>) semaphore(%arg10 : memref<!tpu.dma_semaphore, #tpu.memory_space<semaphore_mem>>)
        %get3A_145 = arith.constant 0 : i32
        %get3A_146 = arith.index_cast %get3A_145 : i32 to index
        %get3A_147 = arith.constant 192 : index
        %get3A_148 = tpu.vector_load %arg7[%get3A_146, %get3A_147] {strides = array<i32>} : memref<2x320xi32, #tpu.memory_space<vmem>>, vector<1x16xi32>,
        %get3A_149 = vector.shape_cast %get3A_148 : vector<1x16xi32> to vector<16xi32>
        %dma_start3A_150 = arith.constant 192 : i32
        %dma_start3A_151 = arith.constant 0 : i32
        %dma_start3A_152 = tpu.memref_slice %arg8[%dma_start3A_150, %dma_start3A_151] : memref<320x128xf32, #tpu.memory_space<vmem>> -> memref<16x128xf32, #tpu.memory_space<vmem>>
        %dma_start3A_153 = arith.constant 0 : i32
        %dma_start3A_154 = arith.constant 0 : i32
        %dma_start3A_155 = tpu.memref_slice %arg3[%dma_start3A_153, %dma_start3A_154] : memref<10000x128xf32, #tpu.memory_space<hbm>> -> memref<10000x128xf32, #tpu.memory_space<hbm>>
        tpu.enqueue_indirect_dma source(%dma_start3A_155 : memref<10000x128xf32, #tpu.memory_space<hbm>>) target(%dma_start3A_152 : memref<16x128xf32, #tpu.memory_space<vmem>>) offsets(%get3A_149 : vector<16xi32>) semaphore(%arg10 : memref<!tpu.dma_semaphore, #tpu.memory_space<semaphore_mem>>)
        %get3A_156 = arith.constant 0 : i32
        %get3A_157 = arith.index_cast %get3A_156 : i32 to index
        %get3A_158 = arith.constant 208 : index
        %get3A_159 = tpu.vector_load %arg7[%get3A_157, %get3A_158] {strides = array<i32>} : memref<2x320xi32, #tpu.memory_space<vmem>>, vector<1x16xi32>,
        %get3A_160 = vector.shape_cast %get3A_159 : vector<1x16xi32> to vector<16xi32>
        %dma_start3A_161 = arith.constant 208 : i32
        %dma_start3A_162 = arith.constant 0 : i32
        %dma_start3A_163 = tpu.memref_slice %arg8[%dma_start3A_161, %dma_start3A_162] : memref<320x128xf32, #tpu.memory_space<vmem>> -> memref<16x128xf32, #tpu.memory_space<vmem>>
        %dma_start3A_164 = arith.constant 0 : i32
        %dma_start3A_165 = arith.constant 0 : i32
        %dma_start3A_166 = tpu.memref_slice %arg3[%dma_start3A_164, %dma_start3A_165] : memref<10000x128xf32, #tpu.memory_space<hbm>> -> memref<10000x128xf32, #tpu.memory_space<hbm>>
        tpu.enqueue_indirect_dma source(%dma_start3A_166 : memref<10000x128xf32, #tpu.memory_space<hbm>>) target(%dma_start3A_163 : memref<16x128xf32, #tpu.memory_space<vmem>>) offsets(%get3A_160 : vector<16xi32>) semaphore(%arg10 : memref<!tpu.dma_semaphore, #tpu.memory_space<semaphore_mem>>)
        %get3A_167 = arith.constant 0 : i32
        %get3A_168 = arith.index_cast %get3A_167 : i32 to index
        %get3A_169 = arith.constant 224 : index
        %get3A_170 = tpu.vector_load %arg7[%get3A_168, %get3A_169] {strides = array<i32>} : memref<2x320xi32, #tpu.memory_space<vmem>>, vector<1x16xi32>,
        %get3A_171 = vector.shape_cast %get3A_170 : vector<1x16xi32> to vector<16xi32>
        %dma_start3A_172 = arith.constant 224 : i32
        %dma_start3A_173 = arith.constant 0 : i32
        %dma_start3A_174 = tpu.memref_slice %arg8[%dma_start3A_172, %dma_start3A_173] : memref<320x128xf32, #tpu.memory_space<vmem>> -> memref<16x128xf32, #tpu.memory_space<vmem>>
        %dma_start3A_175 = arith.constant 0 : i32
        %dma_start3A_176 = arith.constant 0 : i32
        %dma_start3A_177 = tpu.memref_slice %arg3[%dma_start3A_175, %dma_start3A_176] : memref<10000x128xf32, #tpu.memory_space<hbm>> -> memref<10000x128xf32, #tpu.memory_space<hbm>>
        tpu.enqueue_indirect_dma source(%dma_start3A_177 : memref<10000x128xf32, #tpu.memory_space<hbm>>) target(%dma_start3A_174 : memref<16x128xf32, #tpu.memory_space<vmem>>) offsets(%get3A_171 : vector<16xi32>) semaphore(%arg10 : memref<!tpu.dma_semaphore, #tpu.memory_space<semaphore_mem>>)
        %get3A_178 = arith.constant 0 : i32
        %get3A_179 = arith.index_cast %get3A_178 : i32 to index
        %get3A_180 = arith.constant 240 : index
        %get3A_181 = tpu.vector_load %arg7[%get3A_179, %get3A_180] {strides = array<i32>} : memref<2x320xi32, #tpu.memory_space<vmem>>, vector<1x16xi32>,
        %get3A_182 = vector.shape_cast %get3A_181 : vector<1x16xi32> to vector<16xi32>
        %dma_start3A_183 = arith.constant 240 : i32
        %dma_start3A_184 = arith.constant 0 : i32
        %dma_start3A_185 = tpu.memref_slice %arg8[%dma_start3A_183, %dma_start3A_184] : memref<320x128xf32, #tpu.memory_space<vmem>> -> memref<16x128xf32, #tpu.memory_space<vmem>>
        %dma_start3A_186 = arith.constant 0 : i32
        %dma_start3A_187 = arith.constant 0 : i32
        %dma_start3A_188 = tpu.memref_slice %arg3[%dma_start3A_186, %dma_start3A_187] : memref<10000x128xf32, #tpu.memory_space<hbm>> -> memref<10000x128xf32, #tpu.memory_space<hbm>>
        tpu.enqueue_indirect_dma source(%dma_start3A_188 : memref<10000x128xf32, #tpu.memory_space<hbm>>) target(%dma_start3A_185 : memref<16x128xf32, #tpu.memory_space<vmem>>) offsets(%get3A_182 : vector<16xi32>) semaphore(%arg10 : memref<!tpu.dma_semaphore, #tpu.memory_space<semaphore_mem>>)
        %get3A_189 = arith.constant 0 : i32
        %get3A_190 = arith.index_cast %get3A_189 : i32 to index
        %get3A_191 = arith.constant 256 : index
        %get3A_192 = tpu.vector_load %arg7[%get3A_190, %get3A_191] {strides = array<i32>} : memref<2x320xi32, #tpu.memory_space<vmem>>, vector<1x16xi32>,
        %get3A_193 = vector.shape_cast %get3A_192 : vector<1x16xi32> to vector<16xi32>
        %dma_start3A_194 = arith.constant 256 : i32
        %dma_start3A_195 = arith.constant 0 : i32
        %dma_start3A_196 = tpu.memref_slice %arg8[%dma_start3A_194, %dma_start3A_195] : memref<320x128xf32, #tpu.memory_space<vmem>> -> memref<16x128xf32, #tpu.memory_space<vmem>>
        %dma_start3A_197 = arith.constant 0 : i32
        %dma_start3A_198 = arith.constant 0 : i32
        %dma_start3A_199 = tpu.memref_slice %arg3[%dma_start3A_197, %dma_start3A_198] : memref<10000x128xf32, #tpu.memory_space<hbm>> -> memref<10000x128xf32, #tpu.memory_space<hbm>>
        tpu.enqueue_indirect_dma source(%dma_start3A_199 : memref<10000x128xf32, #tpu.memory_space<hbm>>) target(%dma_start3A_196 : memref<16x128xf32, #tpu.memory_space<vmem>>) offsets(%get3A_193 : vector<16xi32>) semaphore(%arg10 : memref<!tpu.dma_semaphore, #tpu.memory_space<semaphore_mem>>)
        %get3A_200 = arith.constant 0 : i32
        %get3A_201 = arith.index_cast %get3A_200 : i32 to index
        %get3A_202 = arith.constant 272 : index
        %get3A_203 = tpu.vector_load %arg7[%get3A_201, %get3A_202] {strides = array<i32>} : memref<2x320xi32, #tpu.memory_space<vmem>>, vector<1x16xi32>,
        %get3A_204 = vector.shape_cast %get3A_203 : vector<1x16xi32> to vector<16xi32>
        %dma_start3A_205 = arith.constant 272 : i32
        %dma_start3A_206 = arith.constant 0 : i32
        %dma_start3A_207 = tpu.memref_slice %arg8[%dma_start3A_205, %dma_start3A_206] : memref<320x128xf32, #tpu.memory_space<vmem>> -> memref<16x128xf32, #tpu.memory_space<vmem>>
        %dma_start3A_208 = arith.constant 0 : i32
        %dma_start3A_209 = arith.constant 0 : i32
        %dma_start3A_210 = tpu.memref_slice %arg3[%dma_start3A_208, %dma_start3A_209] : memref<10000x128xf32, #tpu.memory_space<hbm>> -> memref<10000x128xf32, #tpu.memory_space<hbm>>
        tpu.enqueue_indirect_dma source(%dma_start3A_210 : memref<10000x128xf32, #tpu.memory_space<hbm>>) target(%dma_start3A_207 : memref<16x128xf32, #tpu.memory_space<vmem>>) offsets(%get3A_204 : vector<16xi32>) semaphore(%arg10 : memref<!tpu.dma_semaphore, #tpu.memory_space<semaphore_mem>>)
        %get3A_211 = arith.constant 0 : i32
        %get3A_212 = arith.index_cast %get3A_211 : i32 to index
        %get3A_213 = arith.constant 288 : index
        %get3A_214 = tpu.vector_load %arg7[%get3A_212, %get3A_213] {strides = array<i32>} : memref<2x320xi32, #tpu.memory_space<vmem>>, vector<1x16xi32>,
        %get3A_215 = vector.shape_cast %get3A_214 : vector<1x16xi32> to vector<16xi32>
        %dma_start3A_216 = arith.constant 288 : i32
        %dma_start3A_217 = arith.constant 0 : i32
        %dma_start3A_218 = tpu.memref_slice %arg8[%dma_start3A_216, %dma_start3A_217] : memref<320x128xf32, #tpu.memory_space<vmem>> -> memref<16x128xf32, #tpu.memory_space<vmem>>
        %dma_start3A_219 = arith.constant 0 : i32
        %dma_start3A_220 = arith.constant 0 : i32
        %dma_start3A_221 = tpu.memref_slice %arg3[%dma_start3A_219, %dma_start3A_220] : memref<10000x128xf32, #tpu.memory_space<hbm>> -> memref<10000x128xf32, #tpu.memory_space<hbm>>
        tpu.enqueue_indirect_dma source(%dma_start3A_221 : memref<10000x128xf32, #tpu.memory_space<hbm>>) target(%dma_start3A_218 : memref<16x128xf32, #tpu.memory_space<vmem>>) offsets(%get3A_215 : vector<16xi32>) semaphore(%arg10 : memref<!tpu.dma_semaphore, #tpu.memory_space<semaphore_mem>>)
        %get3A_222 = arith.constant 0 : i32
        %get3A_223 = arith.index_cast %get3A_222 : i32 to index
        %get3A_224 = arith.constant 304 : index
        %get3A_225 = tpu.vector_load %arg7[%get3A_223, %get3A_224] {strides = array<i32>} : memref<2x320xi32, #tpu.memory_space<vmem>>, vector<1x16xi32>,
        %get3A_226 = vector.shape_cast %get3A_225 : vector<1x16xi32> to vector<16xi32>
        %dma_start3A_227 = arith.constant 304 : i32
        %dma_start3A_228 = arith.constant 0 : i32
        %dma_start3A_229 = tpu.memref_slice %arg8[%dma_start3A_227, %dma_start3A_228] : memref<320x128xf32, #tpu.memory_space<vmem>> -> memref<16x128xf32, #tpu.memory_space<vmem>>
        %dma_start3A_230 = arith.constant 0 : i32
        %dma_start3A_231 = arith.constant 0 : i32
        %dma_start3A_232 = tpu.memref_slice %arg3[%dma_start3A_230, %dma_start3A_231] : memref<10000x128xf32, #tpu.memory_space<hbm>> -> memref<10000x128xf32, #tpu.memory_space<hbm>>
        tpu.enqueue_indirect_dma source(%dma_start3A_232 : memref<10000x128xf32, #tpu.memory_space<hbm>>) target(%dma_start3A_229 : memref<16x128xf32, #tpu.memory_space<vmem>>) offsets(%get3A_226 : vector<16xi32>) semaphore(%arg10 : memref<!tpu.dma_semaphore, #tpu.memory_space<semaphore_mem>>)
        %dma_wait3A = arith.constant 0 : i32
        %dma_wait3A_233 = arith.constant 0 : i32
        %dma_wait3A_234 = tpu.memref_slice %arg8[%dma_wait3A, %dma_wait3A_233] : memref<320x128xf32, #tpu.memory_space<vmem>> -> memref<16x128xf32, #tpu.memory_space<vmem>>
        %dma_wait3A_235 = arith.constant 0 : i32
        %dma_wait3A_236 = arith.constant 0 : i32
        %dma_wait3A_237 = tpu.memref_slice %arg3[%dma_wait3A_235, %dma_wait3A_236] : memref<10000x128xf32, #tpu.memory_space<hbm>> -> memref<10000x128xf32, #tpu.memory_space<hbm>>
        tpu.wait_indirect_dma semaphore(%arg10 : memref<!tpu.dma_semaphore, #tpu.memory_space<semaphore_mem>>) src(%dma_wait3A_237 : memref<10000x128xf32, #tpu.memory_space<hbm>>) dst(%dma_wait3A_234 : memref<16x128xf32, #tpu.memory_space<vmem>>)
        %get3A_238 = arith.constant 1 : i32
        %get3A_239 = arith.index_cast %get3A_238 : i32 to index
        %get3A_240 = arith.constant 0 : index
        %get3A_241 = tpu.vector_load %arg7[%get3A_239, %get3A_240] {strides = array<i32>} : memref<2x320xi32, #tpu.memory_space<vmem>>, vector<1x16xi32>,
        %get3A_242 = vector.shape_cast %get3A_241 : vector<1x16xi32> to vector<16xi32>
        %dma_start3A_243 = arith.constant 0 : i32
        %dma_start3A_244 = arith.constant 0 : i32
        %dma_start3A_245 = tpu.memref_slice %arg8[%dma_start3A_243, %dma_start3A_244] : memref<320x128xf32, #tpu.memory_space<vmem>> -> memref<16x128xf32, #tpu.memory_space<vmem>>
        %dma_start3A_246 = arith.constant 0 : i32
        %dma_start3A_247 = arith.constant 0 : i32
        %dma_start3A_248 = tpu.memref_slice %arg9[%dma_start3A_246, %dma_start3A_247] : memref<10112x128xf32, #tpu.memory_space<vmem_shared>> -> memref<10112x128xf32, #tpu.memory_space<vmem_shared>>
        tpu.enqueue_indirect_dma source(%dma_start3A_245 : memref<16x128xf32, #tpu.memory_space<vmem>>) target(%dma_start3A_248 : memref<10112x128xf32, #tpu.memory_space<vmem_shared>>) offsets(%get3A_242 : vector<16xi32>) semaphore(%arg11 : memref<!tpu.dma_semaphore, #tpu.memory_space<semaphore_mem>>) {add = true}
        %dma_wait3A_249 = arith.constant 16 : i32
        %dma_wait3A_250 = arith.constant 0 : i32
        %dma_wait3A_251 = tpu.memref_slice %arg8[%dma_wait3A_249, %dma_wait3A_250] : memref<320x128xf32, #tpu.memory_space<vmem>> -> memref<16x128xf32, #tpu.memory_space<vmem>>
        %dma_wait3A_252 = arith.constant 0 : i32
        %dma_wait3A_253 = arith.constant 0 : i32
        %dma_wait3A_254 = tpu.memref_slice %arg3[%dma_wait3A_252, %dma_wait3A_253] : memref<10000x128xf32, #tpu.memory_space<hbm>> -> memref<10000x128xf32, #tpu.memory_space<hbm>>
        tpu.wait_indirect_dma semaphore(%arg10 : memref<!tpu.dma_semaphore, #tpu.memory_space<semaphore_mem>>) src(%dma_wait3A_254 : memref<10000x128xf32, #tpu.memory_space<hbm>>) dst(%dma_wait3A_251 : memref<16x128xf32, #tpu.memory_space<vmem>>)
        %get3A_255 = arith.constant 1 : i32
        %get3A_256 = arith.index_cast %get3A_255 : i32 to index
        %get3A_257 = arith.constant 16 : index
        %get3A_258 = tpu.vector_load %arg7[%get3A_256, %get3A_257] {strides = array<i32>} : memref<2x320xi32, #tpu.memory_space<vmem>>, vector<1x16xi32>,
        %get3A_259 = vector.shape_cast %get3A_258 : vector<1x16xi32> to vector<16xi32>
        %dma_start3A_260 = arith.constant 16 : i32
        %dma_start3A_261 = arith.constant 0 : i32
        %dma_start3A_262 = tpu.memref_slice %arg8[%dma_start3A_260, %dma_start3A_261] : memref<320x128xf32, #tpu.memory_space<vmem>> -> memref<16x128xf32, #tpu.memory_space<vmem>>
        %dma_start3A_263 = arith.constant 0 : i32
        %dma_start3A_264 = arith.constant 0 : i32
        %dma_start3A_265 = tpu.memref_slice %arg9[%dma_start3A_263, %dma_start3A_264] : memref<10112x128xf32, #tpu.memory_space<vmem_shared>> -> memref<10112x128xf32, #tpu.memory_space<vmem_shared>>
        tpu.enqueue_indirect_dma source(%dma_start3A_262 : memref<16x128xf32, #tpu.memory_space<vmem>>) target(%dma_start3A_265 : memref<10112x128xf32, #tpu.memory_space<vmem_shared>>) offsets(%get3A_259 : vector<16xi32>) semaphore(%arg11 : memref<!tpu.dma_semaphore, #tpu.memory_space<semaphore_mem>>) {add = true}
        %dma_wait3A_266 = arith.constant 32 : i32
        %dma_wait3A_267 = arith.constant 0 : i32
        %dma_wait3A_268 = tpu.memref_slice %arg8[%dma_wait3A_266, %dma_wait3A_267] : memref<320x128xf32, #tpu.memory_space<vmem>> -> memref<16x128xf32, #tpu.memory_space<vmem>>
        %dma_wait3A_269 = arith.constant 0 : i32
        %dma_wait3A_270 = arith.constant 0 : i32
        %dma_wait3A_271 = tpu.memref_slice %arg3[%dma_wait3A_269, %dma_wait3A_270] : memref<10000x128xf32, #tpu.memory_space<hbm>> -> memref<10000x128xf32, #tpu.memory_space<hbm>>
        tpu.wait_indirect_dma semaphore(%arg10 : memref<!tpu.dma_semaphore, #tpu.memory_space<semaphore_mem>>) src(%dma_wait3A_271 : memref<10000x128xf32, #tpu.memory_space<hbm>>) dst(%dma_wait3A_268 : memref<16x128xf32, #tpu.memory_space<vmem>>)
        %get3A_272 = arith.constant 1 : i32
        %get3A_273 = arith.index_cast %get3A_272 : i32 to index
        %get3A_274 = arith.constant 32 : index
        %get3A_275 = tpu.vector_load %arg7[%get3A_273, %get3A_274] {strides = array<i32>} : memref<2x320xi32, #tpu.memory_space<vmem>>, vector<1x16xi32>,
        %get3A_276 = vector.shape_cast %get3A_275 : vector<1x16xi32> to vector<16xi32>
        %dma_start3A_277 = arith.constant 32 : i32
        %dma_start3A_278 = arith.constant 0 : i32
        %dma_start3A_279 = tpu.memref_slice %arg8[%dma_start3A_277, %dma_start3A_278] : memref<320x128xf32, #tpu.memory_space<vmem>> -> memref<16x128xf32, #tpu.memory_space<vmem>>
        %dma_start3A_280 = arith.constant 0 : i32
        %dma_start3A_281 = arith.constant 0 : i32
        %dma_start3A_282 = tpu.memref_slice %arg9[%dma_start3A_280, %dma_start3A_281] : memref<10112x128xf32, #tpu.memory_space<vmem_shared>> -> memref<10112x128xf32, #tpu.memory_space<vmem_shared>>
        tpu.enqueue_indirect_dma source(%dma_start3A_279 : memref<16x128xf32, #tpu.memory_space<vmem>>) target(%dma_start3A_282 : memref<10112x128xf32, #tpu.memory_space<vmem_shared>>) offsets(%get3A_276 : vector<16xi32>) semaphore(%arg11 : memref<!tpu.dma_semaphore, #tpu.memory_space<semaphore_mem>>) {add = true}
        %dma_wait3A_283 = arith.constant 48 : i32
        %dma_wait3A_284 = arith.constant 0 : i32
        %dma_wait3A_285 = tpu.memref_slice %arg8[%dma_wait3A_283, %dma_wait3A_284] : memref<320x128xf32, #tpu.memory_space<vmem>> -> memref<16x128xf32, #tpu.memory_space<vmem>>
        %dma_wait3A_286 = arith.constant 0 : i32
        %dma_wait3A_287 = arith.constant 0 : i32
        %dma_wait3A_288 = tpu.memref_slice %arg3[%dma_wait3A_286, %dma_wait3A_287] : memref<10000x128xf32, #tpu.memory_space<hbm>> -> memref<10000x128xf32, #tpu.memory_space<hbm>>
        tpu.wait_indirect_dma semaphore(%arg10 : memref<!tpu.dma_semaphore, #tpu.memory_space<semaphore_mem>>) src(%dma_wait3A_288 : memref<10000x128xf32, #tpu.memory_space<hbm>>) dst(%dma_wait3A_285 : memref<16x128xf32, #tpu.memory_space<vmem>>)
        %get3A_289 = arith.constant 1 : i32
        %get3A_290 = arith.index_cast %get3A_289 : i32 to index
        %get3A_291 = arith.constant 48 : index
        %get3A_292 = tpu.vector_load %arg7[%get3A_290, %get3A_291] {strides = array<i32>} : memref<2x320xi32, #tpu.memory_space<vmem>>, vector<1x16xi32>,
        %get3A_293 = vector.shape_cast %get3A_292 : vector<1x16xi32> to vector<16xi32>
        %dma_start3A_294 = arith.constant 48 : i32
        %dma_start3A_295 = arith.constant 0 : i32
        %dma_start3A_296 = tpu.memref_slice %arg8[%dma_start3A_294, %dma_start3A_295] : memref<320x128xf32, #tpu.memory_space<vmem>> -> memref<16x128xf32, #tpu.memory_space<vmem>>
        %dma_start3A_297 = arith.constant 0 : i32
        %dma_start3A_298 = arith.constant 0 : i32
        %dma_start3A_299 = tpu.memref_slice %arg9[%dma_start3A_297, %dma_start3A_298] : memref<10112x128xf32, #tpu.memory_space<vmem_shared>> -> memref<10112x128xf32, #tpu.memory_space<vmem_shared>>
        tpu.enqueue_indirect_dma source(%dma_start3A_296 : memref<16x128xf32, #tpu.memory_space<vmem>>) target(%dma_start3A_299 : memref<10112x128xf32, #tpu.memory_space<vmem_shared>>) offsets(%get3A_293 : vector<16xi32>) semaphore(%arg11 : memref<!tpu.dma_semaphore, #tpu.memory_space<semaphore_mem>>) {add = true}
        %dma_wait3A_300 = arith.constant 64 : i32
        %dma_wait3A_301 = arith.constant 0 : i32
        %dma_wait3A_302 = tpu.memref_slice %arg8[%dma_wait3A_300, %dma_wait3A_301] : memref<320x128xf32, #tpu.memory_space<vmem>> -> memref<16x128xf32, #tpu.memory_space<vmem>>
        %dma_wait3A_303 = arith.constant 0 : i32
        %dma_wait3A_304 = arith.constant 0 : i32
        %dma_wait3A_305 = tpu.memref_slice %arg3[%dma_wait3A_303, %dma_wait3A_304] : memref<10000x128xf32, #tpu.memory_space<hbm>> -> memref<10000x128xf32, #tpu.memory_space<hbm>>
        tpu.wait_indirect_dma semaphore(%arg10 : memref<!tpu.dma_semaphore, #tpu.memory_space<semaphore_mem>>) src(%dma_wait3A_305 : memref<10000x128xf32, #tpu.memory_space<hbm>>) dst(%dma_wait3A_302 : memref<16x128xf32, #tpu.memory_space<vmem>>)
        %get3A_306 = arith.constant 1 : i32
        %get3A_307 = arith.index_cast %get3A_306 : i32 to index
        %get3A_308 = arith.constant 64 : index
        %get3A_309 = tpu.vector_load %arg7[%get3A_307, %get3A_308] {strides = array<i32>} : memref<2x320xi32, #tpu.memory_space<vmem>>, vector<1x16xi32>,
        %get3A_310 = vector.shape_cast %get3A_309 : vector<1x16xi32> to vector<16xi32>
        %dma_start3A_311 = arith.constant 64 : i32
        %dma_start3A_312 = arith.constant 0 : i32
        %dma_start3A_313 = tpu.memref_slice %arg8[%dma_start3A_311, %dma_start3A_312] : memref<320x128xf32, #tpu.memory_space<vmem>> -> memref<16x128xf32, #tpu.memory_space<vmem>>
        %dma_start3A_314 = arith.constant 0 : i32
        %dma_start3A_315 = arith.constant 0 : i32
        %dma_start3A_316 = tpu.memref_slice %arg9[%dma_start3A_314, %dma_start3A_315] : memref<10112x128xf32, #tpu.memory_space<vmem_shared>> -> memref<10112x128xf32, #tpu.memory_space<vmem_shared>>
        tpu.enqueue_indirect_dma source(%dma_start3A_313 : memref<16x128xf32, #tpu.memory_space<vmem>>) target(%dma_start3A_316 : memref<10112x128xf32, #tpu.memory_space<vmem_shared>>) offsets(%get3A_310 : vector<16xi32>) semaphore(%arg11 : memref<!tpu.dma_semaphore, #tpu.memory_space<semaphore_mem>>) {add = true}
        %dma_wait3A_317 = arith.constant 80 : i32
        %dma_wait3A_318 = arith.constant 0 : i32
        %dma_wait3A_319 = tpu.memref_slice %arg8[%dma_wait3A_317, %dma_wait3A_318] : memref<320x128xf32, #tpu.memory_space<vmem>> -> memref<16x128xf32, #tpu.memory_space<vmem>>
        %dma_wait3A_320 = arith.constant 0 : i32
        %dma_wait3A_321 = arith.constant 0 : i32
        %dma_wait3A_322 = tpu.memref_slice %arg3[%dma_wait3A_320, %dma_wait3A_321] : memref<10000x128xf32, #tpu.memory_space<hbm>> -> memref<10000x128xf32, #tpu.memory_space<hbm>>
        tpu.wait_indirect_dma semaphore(%arg10 : memref<!tpu.dma_semaphore, #tpu.memory_space<semaphore_mem>>) src(%dma_wait3A_322 : memref<10000x128xf32, #tpu.memory_space<hbm>>) dst(%dma_wait3A_319 : memref<16x128xf32, #tpu.memory_space<vmem>>)
        %get3A_323 = arith.constant 1 : i32
        %get3A_324 = arith.index_cast %get3A_323 : i32 to index
        %get3A_325 = arith.constant 80 : index
        %get3A_326 = tpu.vector_load %arg7[%get3A_324, %get3A_325] {strides = array<i32>} : memref<2x320xi32, #tpu.memory_space<vmem>>, vector<1x16xi32>,
        %get3A_327 = vector.shape_cast %get3A_326 : vector<1x16xi32> to vector<16xi32>
        %dma_start3A_328 = arith.constant 80 : i32
        %dma_start3A_329 = arith.constant 0 : i32
        %dma_start3A_330 = tpu.memref_slice %arg8[%dma_start3A_328, %dma_start3A_329] : memref<320x128xf32, #tpu.memory_space<vmem>> -> memref<16x128xf32, #tpu.memory_space<vmem>>
        %dma_start3A_331 = arith.constant 0 : i32
        %dma_start3A_332 = arith.constant 0 : i32
        %dma_start3A_333 = tpu.memref_slice %arg9[%dma_start3A_331, %dma_start3A_332] : memref<10112x128xf32, #tpu.memory_space<vmem_shared>> -> memref<10112x128xf32, #tpu.memory_space<vmem_shared>>
        tpu.enqueue_indirect_dma source(%dma_start3A_330 : memref<16x128xf32, #tpu.memory_space<vmem>>) target(%dma_start3A_333 : memref<10112x128xf32, #tpu.memory_space<vmem_shared>>) offsets(%get3A_327 : vector<16xi32>) semaphore(%arg11 : memref<!tpu.dma_semaphore, #tpu.memory_space<semaphore_mem>>) {add = true}
        %dma_wait3A_334 = arith.constant 96 : i32
        %dma_wait3A_335 = arith.constant 0 : i32
        %dma_wait3A_336 = tpu.memref_slice %arg8[%dma_wait3A_334, %dma_wait3A_335] : memref<320x128xf32, #tpu.memory_space<vmem>> -> memref<16x128xf32, #tpu.memory_space<vmem>>
        %dma_wait3A_337 = arith.constant 0 : i32
        %dma_wait3A_338 = arith.constant 0 : i32
        %dma_wait3A_339 = tpu.memref_slice %arg3[%dma_wait3A_337, %dma_wait3A_338] : memref<10000x128xf32, #tpu.memory_space<hbm>> -> memref<10000x128xf32, #tpu.memory_space<hbm>>
        tpu.wait_indirect_dma semaphore(%arg10 : memref<!tpu.dma_semaphore, #tpu.memory_space<semaphore_mem>>) src(%dma_wait3A_339 : memref<10000x128xf32, #tpu.memory_space<hbm>>) dst(%dma_wait3A_336 : memref<16x128xf32, #tpu.memory_space<vmem>>)
        %get3A_340 = arith.constant 1 : i32
        %get3A_341 = arith.index_cast %get3A_340 : i32 to index
        %get3A_342 = arith.constant 96 : index
        %get3A_343 = tpu.vector_load %arg7[%get3A_341, %get3A_342] {strides = array<i32>} : memref<2x320xi32, #tpu.memory_space<vmem>>, vector<1x16xi32>,
        %get3A_344 = vector.shape_cast %get3A_343 : vector<1x16xi32> to vector<16xi32>
        %dma_start3A_345 = arith.constant 96 : i32
        %dma_start3A_346 = arith.constant 0 : i32
        %dma_start3A_347 = tpu.memref_slice %arg8[%dma_start3A_345, %dma_start3A_346] : memref<320x128xf32, #tpu.memory_space<vmem>> -> memref<16x128xf32, #tpu.memory_space<vmem>>
        %dma_start3A_348 = arith.constant 0 : i32
        %dma_start3A_349 = arith.constant 0 : i32
        %dma_start3A_350 = tpu.memref_slice %arg9[%dma_start3A_348, %dma_start3A_349] : memref<10112x128xf32, #tpu.memory_space<vmem_shared>> -> memref<10112x128xf32, #tpu.memory_space<vmem_shared>>
        tpu.enqueue_indirect_dma source(%dma_start3A_347 : memref<16x128xf32, #tpu.memory_space<vmem>>) target(%dma_start3A_350 : memref<10112x128xf32, #tpu.memory_space<vmem_shared>>) offsets(%get3A_344 : vector<16xi32>) semaphore(%arg11 : memref<!tpu.dma_semaphore, #tpu.memory_space<semaphore_mem>>) {add = true}
        %dma_wait3A_351 = arith.constant 112 : i32
        %dma_wait3A_352 = arith.constant 0 : i32
        %dma_wait3A_353 = tpu.memref_slice %arg8[%dma_wait3A_351, %dma_wait3A_352] : memref<320x128xf32, #tpu.memory_space<vmem>> -> memref<16x128xf32, #tpu.memory_space<vmem>>
        %dma_wait3A_354 = arith.constant 0 : i32
        %dma_wait3A_355 = arith.constant 0 : i32
        %dma_wait3A_356 = tpu.memref_slice %arg3[%dma_wait3A_354, %dma_wait3A_355] : memref<10000x128xf32, #tpu.memory_space<hbm>> -> memref<10000x128xf32, #tpu.memory_space<hbm>>
        tpu.wait_indirect_dma semaphore(%arg10 : memref<!tpu.dma_semaphore, #tpu.memory_space<semaphore_mem>>) src(%dma_wait3A_356 : memref<10000x128xf32, #tpu.memory_space<hbm>>) dst(%dma_wait3A_353 : memref<16x128xf32, #tpu.memory_space<vmem>>)
        %get3A_357 = arith.constant 1 : i32
        %get3A_358 = arith.index_cast %get3A_357 : i32 to index
        %get3A_359 = arith.constant 112 : index
        %get3A_360 = tpu.vector_load %arg7[%get3A_358, %get3A_359] {strides = array<i32>} : memref<2x320xi32, #tpu.memory_space<vmem>>, vector<1x16xi32>,
        %get3A_361 = vector.shape_cast %get3A_360 : vector<1x16xi32> to vector<16xi32>
        %dma_start3A_362 = arith.constant 112 : i32
        %dma_start3A_363 = arith.constant 0 : i32
        %dma_start3A_364 = tpu.memref_slice %arg8[%dma_start3A_362, %dma_start3A_363] : memref<320x128xf32, #tpu.memory_space<vmem>> -> memref<16x128xf32, #tpu.memory_space<vmem>>
        %dma_start3A_365 = arith.constant 0 : i32
        %dma_start3A_366 = arith.constant 0 : i32
        %dma_start3A_367 = tpu.memref_slice %arg9[%dma_start3A_365, %dma_start3A_366] : memref<10112x128xf32, #tpu.memory_space<vmem_shared>> -> memref<10112x128xf32, #tpu.memory_space<vmem_shared>>
        tpu.enqueue_indirect_dma source(%dma_start3A_364 : memref<16x128xf32, #tpu.memory_space<vmem>>) target(%dma_start3A_367 : memref<10112x128xf32, #tpu.memory_space<vmem_shared>>) offsets(%get3A_361 : vector<16xi32>) semaphore(%arg11 : memref<!tpu.dma_semaphore, #tpu.memory_space<semaphore_mem>>) {add = true}
        %dma_wait3A_368 = arith.constant 128 : i32
        %dma_wait3A_369 = arith.constant 0 : i32
        %dma_wait3A_370 = tpu.memref_slice %arg8[%dma_wait3A_368, %dma_wait3A_369] : memref<320x128xf32, #tpu.memory_space<vmem>> -> memref<16x128xf32, #tpu.memory_space<vmem>>
        %dma_wait3A_371 = arith.constant 0 : i32
        %dma_wait3A_372 = arith.constant 0 : i32
        %dma_wait3A_373 = tpu.memref_slice %arg3[%dma_wait3A_371, %dma_wait3A_372] : memref<10000x128xf32, #tpu.memory_space<hbm>> -> memref<10000x128xf32, #tpu.memory_space<hbm>>
        tpu.wait_indirect_dma semaphore(%arg10 : memref<!tpu.dma_semaphore, #tpu.memory_space<semaphore_mem>>) src(%dma_wait3A_373 : memref<10000x128xf32, #tpu.memory_space<hbm>>) dst(%dma_wait3A_370 : memref<16x128xf32, #tpu.memory_space<vmem>>)
        %get3A_374 = arith.constant 1 : i32
        %get3A_375 = arith.index_cast %get3A_374 : i32 to index
        %get3A_376 = arith.constant 128 : index
        %get3A_377 = tpu.vector_load %arg7[%get3A_375, %get3A_376] {strides = array<i32>} : memref<2x320xi32, #tpu.memory_space<vmem>>, vector<1x16xi32>,
        %get3A_378 = vector.shape_cast %get3A_377 : vector<1x16xi32> to vector<16xi32>
        %dma_start3A_379 = arith.constant 128 : i32
        %dma_start3A_380 = arith.constant 0 : i32
        %dma_start3A_381 = tpu.memref_slice %arg8[%dma_start3A_379, %dma_start3A_380] : memref<320x128xf32, #tpu.memory_space<vmem>> -> memref<16x128xf32, #tpu.memory_space<vmem>>
        %dma_start3A_382 = arith.constant 0 : i32
        %dma_start3A_383 = arith.constant 0 : i32
        %dma_start3A_384 = tpu.memref_slice %arg9[%dma_start3A_382, %dma_start3A_383] : memref<10112x128xf32, #tpu.memory_space<vmem_shared>> -> memref<10112x128xf32, #tpu.memory_space<vmem_shared>>
        tpu.enqueue_indirect_dma source(%dma_start3A_381 : memref<16x128xf32, #tpu.memory_space<vmem>>) target(%dma_start3A_384 : memref<10112x128xf32, #tpu.memory_space<vmem_shared>>) offsets(%get3A_378 : vector<16xi32>) semaphore(%arg11 : memref<!tpu.dma_semaphore, #tpu.memory_space<semaphore_mem>>) {add = true}
        %dma_wait3A_385 = arith.constant 144 : i32
        %dma_wait3A_386 = arith.constant 0 : i32
        %dma_wait3A_387 = tpu.memref_slice %arg8[%dma_wait3A_385, %dma_wait3A_386] : memref<320x128xf32, #tpu.memory_space<vmem>> -> memref<16x128xf32, #tpu.memory_space<vmem>>
        %dma_wait3A_388 = arith.constant 0 : i32
        %dma_wait3A_389 = arith.constant 0 : i32
        %dma_wait3A_390 = tpu.memref_slice %arg3[%dma_wait3A_388, %dma_wait3A_389] : memref<10000x128xf32, #tpu.memory_space<hbm>> -> memref<10000x128xf32, #tpu.memory_space<hbm>>
        tpu.wait_indirect_dma semaphore(%arg10 : memref<!tpu.dma_semaphore, #tpu.memory_space<semaphore_mem>>) src(%dma_wait3A_390 : memref<10000x128xf32, #tpu.memory_space<hbm>>) dst(%dma_wait3A_387 : memref<16x128xf32, #tpu.memory_space<vmem>>)
        %get3A_391 = arith.constant 1 : i32
        %get3A_392 = arith.index_cast %get3A_391 : i32 to index
        %get3A_393 = arith.constant 144 : index
        %get3A_394 = tpu.vector_load %arg7[%get3A_392, %get3A_393] {strides = array<i32>} : memref<2x320xi32, #tpu.memory_space<vmem>>, vector<1x16xi32>,
        %get3A_395 = vector.shape_cast %get3A_394 : vector<1x16xi32> to vector<16xi32>
        %dma_start3A_396 = arith.constant 144 : i32
        %dma_start3A_397 = arith.constant 0 : i32
        %dma_start3A_398 = tpu.memref_slice %arg8[%dma_start3A_396, %dma_start3A_397] : memref<320x128xf32, #tpu.memory_space<vmem>> -> memref<16x128xf32, #tpu.memory_space<vmem>>
        %dma_start3A_399 = arith.constant 0 : i32
        %dma_start3A_400 = arith.constant 0 : i32
        %dma_start3A_401 = tpu.memref_slice %arg9[%dma_start3A_399, %dma_start3A_400] : memref<10112x128xf32, #tpu.memory_space<vmem_shared>> -> memref<10112x128xf32, #tpu.memory_space<vmem_shared>>
        tpu.enqueue_indirect_dma source(%dma_start3A_398 : memref<16x128xf32, #tpu.memory_space<vmem>>) target(%dma_start3A_401 : memref<10112x128xf32, #tpu.memory_space<vmem_shared>>) offsets(%get3A_395 : vector<16xi32>) semaphore(%arg11 : memref<!tpu.dma_semaphore, #tpu.memory_space<semaphore_mem>>) {add = true}
        %dma_wait3A_402 = arith.constant 160 : i32
        %dma_wait3A_403 = arith.constant 0 : i32
        %dma_wait3A_404 = tpu.memref_slice %arg8[%dma_wait3A_402, %dma_wait3A_403] : memref<320x128xf32, #tpu.memory_space<vmem>> -> memref<16x128xf32, #tpu.memory_space<vmem>>
        %dma_wait3A_405 = arith.constant 0 : i32
        %dma_wait3A_406 = arith.constant 0 : i32
        %dma_wait3A_407 = tpu.memref_slice %arg3[%dma_wait3A_405, %dma_wait3A_406] : memref<10000x128xf32, #tpu.memory_space<hbm>> -> memref<10000x128xf32, #tpu.memory_space<hbm>>
        tpu.wait_indirect_dma semaphore(%arg10 : memref<!tpu.dma_semaphore, #tpu.memory_space<semaphore_mem>>) src(%dma_wait3A_407 : memref<10000x128xf32, #tpu.memory_space<hbm>>) dst(%dma_wait3A_404 : memref<16x128xf32, #tpu.memory_space<vmem>>)
        %get3A_408 = arith.constant 1 : i32
        %get3A_409 = arith.index_cast %get3A_408 : i32 to index
        %get3A_410 = arith.constant 160 : index
        %get3A_411 = tpu.vector_load %arg7[%get3A_409, %get3A_410] {strides = array<i32>} : memref<2x320xi32, #tpu.memory_space<vmem>>, vector<1x16xi32>,
        %get3A_412 = vector.shape_cast %get3A_411 : vector<1x16xi32> to vector<16xi32>
        %dma_start3A_413 = arith.constant 160 : i32
        %dma_start3A_414 = arith.constant 0 : i32
        %dma_start3A_415 = tpu.memref_slice %arg8[%dma_start3A_413, %dma_start3A_414] : memref<320x128xf32, #tpu.memory_space<vmem>> -> memref<16x128xf32, #tpu.memory_space<vmem>>
        %dma_start3A_416 = arith.constant 0 : i32
        %dma_start3A_417 = arith.constant 0 : i32
        %dma_start3A_418 = tpu.memref_slice %arg9[%dma_start3A_416, %dma_start3A_417] : memref<10112x128xf32, #tpu.memory_space<vmem_shared>> -> memref<10112x128xf32, #tpu.memory_space<vmem_shared>>
        tpu.enqueue_indirect_dma source(%dma_start3A_415 : memref<16x128xf32, #tpu.memory_space<vmem>>) target(%dma_start3A_418 : memref<10112x128xf32, #tpu.memory_space<vmem_shared>>) offsets(%get3A_412 : vector<16xi32>) semaphore(%arg11 : memref<!tpu.dma_semaphore, #tpu.memory_space<semaphore_mem>>) {add = true}
        %dma_wait3A_419 = arith.constant 176 : i32
        %dma_wait3A_420 = arith.constant 0 : i32
        %dma_wait3A_421 = tpu.memref_slice %arg8[%dma_wait3A_419, %dma_wait3A_420] : memref<320x128xf32, #tpu.memory_space<vmem>> -> memref<16x128xf32, #tpu.memory_space<vmem>>
        %dma_wait3A_422 = arith.constant 0 : i32
        %dma_wait3A_423 = arith.constant 0 : i32
        %dma_wait3A_424 = tpu.memref_slice %arg3[%dma_wait3A_422, %dma_wait3A_423] : memref<10000x128xf32, #tpu.memory_space<hbm>> -> memref<10000x128xf32, #tpu.memory_space<hbm>>
        tpu.wait_indirect_dma semaphore(%arg10 : memref<!tpu.dma_semaphore, #tpu.memory_space<semaphore_mem>>) src(%dma_wait3A_424 : memref<10000x128xf32, #tpu.memory_space<hbm>>) dst(%dma_wait3A_421 : memref<16x128xf32, #tpu.memory_space<vmem>>)
        %get3A_425 = arith.constant 1 : i32
        %get3A_426 = arith.index_cast %get3A_425 : i32 to index
        %get3A_427 = arith.constant 176 : index
        %get3A_428 = tpu.vector_load %arg7[%get3A_426, %get3A_427] {strides = array<i32>} : memref<2x320xi32, #tpu.memory_space<vmem>>, vector<1x16xi32>,
        %get3A_429 = vector.shape_cast %get3A_428 : vector<1x16xi32> to vector<16xi32>
        %dma_start3A_430 = arith.constant 176 : i32
        %dma_start3A_431 = arith.constant 0 : i32
        %dma_start3A_432 = tpu.memref_slice %arg8[%dma_start3A_430, %dma_start3A_431] : memref<320x128xf32, #tpu.memory_space<vmem>> -> memref<16x128xf32, #tpu.memory_space<vmem>>
        %dma_start3A_433 = arith.constant 0 : i32
        %dma_start3A_434 = arith.constant 0 : i32
        %dma_start3A_435 = tpu.memref_slice %arg9[%dma_start3A_433, %dma_start3A_434] : memref<10112x128xf32, #tpu.memory_space<vmem_shared>> -> memref<10112x128xf32, #tpu.memory_space<vmem_shared>>
        tpu.enqueue_indirect_dma source(%dma_start3A_432 : memref<16x128xf32, #tpu.memory_space<vmem>>) target(%dma_start3A_435 : memref<10112x128xf32, #tpu.memory_space<vmem_shared>>) offsets(%get3A_429 : vector<16xi32>) semaphore(%arg11 : memref<!tpu.dma_semaphore, #tpu.memory_space<semaphore_mem>>) {add = true}
        %dma_wait3A_436 = arith.constant 192 : i32
        %dma_wait3A_437 = arith.constant 0 : i32
        %dma_wait3A_438 = tpu.memref_slice %arg8[%dma_wait3A_436, %dma_wait3A_437] : memref<320x128xf32, #tpu.memory_space<vmem>> -> memref<16x128xf32, #tpu.memory_space<vmem>>
        %dma_wait3A_439 = arith.constant 0 : i32
        %dma_wait3A_440 = arith.constant 0 : i32
        %dma_wait3A_441 = tpu.memref_slice %arg3[%dma_wait3A_439, %dma_wait3A_440] : memref<10000x128xf32, #tpu.memory_space<hbm>> -> memref<10000x128xf32, #tpu.memory_space<hbm>>
        tpu.wait_indirect_dma semaphore(%arg10 : memref<!tpu.dma_semaphore, #tpu.memory_space<semaphore_mem>>) src(%dma_wait3A_441 : memref<10000x128xf32, #tpu.memory_space<hbm>>) dst(%dma_wait3A_438 : memref<16x128xf32, #tpu.memory_space<vmem>>)
        %get3A_442 = arith.constant 1 : i32
        %get3A_443 = arith.index_cast %get3A_442 : i32 to index
        %get3A_444 = arith.constant 192 : index
        %get3A_445 = tpu.vector_load %arg7[%get3A_443, %get3A_444] {strides = array<i32>} : memref<2x320xi32, #tpu.memory_space<vmem>>, vector<1x16xi32>,
        %get3A_446 = vector.shape_cast %get3A_445 : vector<1x16xi32> to vector<16xi32>
        %dma_start3A_447 = arith.constant 192 : i32
        %dma_start3A_448 = arith.constant 0 : i32
        %dma_start3A_449 = tpu.memref_slice %arg8[%dma_start3A_447, %dma_start3A_448] : memref<320x128xf32, #tpu.memory_space<vmem>> -> memref<16x128xf32, #tpu.memory_space<vmem>>
        %dma_start3A_450 = arith.constant 0 : i32
        %dma_start3A_451 = arith.constant 0 : i32
        %dma_start3A_452 = tpu.memref_slice %arg9[%dma_start3A_450, %dma_start3A_451] : memref<10112x128xf32, #tpu.memory_space<vmem_shared>> -> memref<10112x128xf32, #tpu.memory_space<vmem_shared>>
        tpu.enqueue_indirect_dma source(%dma_start3A_449 : memref<16x128xf32, #tpu.memory_space<vmem>>) target(%dma_start3A_452 : memref<10112x128xf32, #tpu.memory_space<vmem_shared>>) offsets(%get3A_446 : vector<16xi32>) semaphore(%arg11 : memref<!tpu.dma_semaphore, #tpu.memory_space<semaphore_mem>>) {add = true}
        %dma_wait3A_453 = arith.constant 208 : i32
        %dma_wait3A_454 = arith.constant 0 : i32
        %dma_wait3A_455 = tpu.memref_slice %arg8[%dma_wait3A_453, %dma_wait3A_454] : memref<320x128xf32, #tpu.memory_space<vmem>> -> memref<16x128xf32, #tpu.memory_space<vmem>>
        %dma_wait3A_456 = arith.constant 0 : i32
        %dma_wait3A_457 = arith.constant 0 : i32
        %dma_wait3A_458 = tpu.memref_slice %arg3[%dma_wait3A_456, %dma_wait3A_457] : memref<10000x128xf32, #tpu.memory_space<hbm>> -> memref<10000x128xf32, #tpu.memory_space<hbm>>
        tpu.wait_indirect_dma semaphore(%arg10 : memref<!tpu.dma_semaphore, #tpu.memory_space<semaphore_mem>>) src(%dma_wait3A_458 : memref<10000x128xf32, #tpu.memory_space<hbm>>) dst(%dma_wait3A_455 : memref<16x128xf32, #tpu.memory_space<vmem>>)
        %get3A_459 = arith.constant 1 : i32
        %get3A_460 = arith.index_cast %get3A_459 : i32 to index
        %get3A_461 = arith.constant 208 : index
        %get3A_462 = tpu.vector_load %arg7[%get3A_460, %get3A_461] {strides = array<i32>} : memref<2x320xi32, #tpu.memory_space<vmem>>, vector<1x16xi32>,
        %get3A_463 = vector.shape_cast %get3A_462 : vector<1x16xi32> to vector<16xi32>
        %dma_start3A_464 = arith.constant 208 : i32
        %dma_start3A_465 = arith.constant 0 : i32
        %dma_start3A_466 = tpu.memref_slice %arg8[%dma_start3A_464, %dma_start3A_465] : memref<320x128xf32, #tpu.memory_space<vmem>> -> memref<16x128xf32, #tpu.memory_space<vmem>>
        %dma_start3A_467 = arith.constant 0 : i32
        %dma_start3A_468 = arith.constant 0 : i32
        %dma_start3A_469 = tpu.memref_slice %arg9[%dma_start3A_467, %dma_start3A_468] : memref<10112x128xf32, #tpu.memory_space<vmem_shared>> -> memref<10112x128xf32, #tpu.memory_space<vmem_shared>>
        tpu.enqueue_indirect_dma source(%dma_start3A_466 : memref<16x128xf32, #tpu.memory_space<vmem>>) target(%dma_start3A_469 : memref<10112x128xf32, #tpu.memory_space<vmem_shared>>) offsets(%get3A_463 : vector<16xi32>) semaphore(%arg11 : memref<!tpu.dma_semaphore, #tpu.memory_space<semaphore_mem>>) {add = true}
        %dma_wait3A_470 = arith.constant 224 : i32
        %dma_wait3A_471 = arith.constant 0 : i32
        %dma_wait3A_472 = tpu.memref_slice %arg8[%dma_wait3A_470, %dma_wait3A_471] : memref<320x128xf32, #tpu.memory_space<vmem>> -> memref<16x128xf32, #tpu.memory_space<vmem>>
        %dma_wait3A_473 = arith.constant 0 : i32
        %dma_wait3A_474 = arith.constant 0 : i32
        %dma_wait3A_475 = tpu.memref_slice %arg3[%dma_wait3A_473, %dma_wait3A_474] : memref<10000x128xf32, #tpu.memory_space<hbm>> -> memref<10000x128xf32, #tpu.memory_space<hbm>>
        tpu.wait_indirect_dma semaphore(%arg10 : memref<!tpu.dma_semaphore, #tpu.memory_space<semaphore_mem>>) src(%dma_wait3A_475 : memref<10000x128xf32, #tpu.memory_space<hbm>>) dst(%dma_wait3A_472 : memref<16x128xf32, #tpu.memory_space<vmem>>)
        %get3A_476 = arith.constant 1 : i32
        %get3A_477 = arith.index_cast %get3A_476 : i32 to index
        %get3A_478 = arith.constant 224 : index
        %get3A_479 = tpu.vector_load %arg7[%get3A_477, %get3A_478] {strides = array<i32>} : memref<2x320xi32, #tpu.memory_space<vmem>>, vector<1x16xi32>,
        %get3A_480 = vector.shape_cast %get3A_479 : vector<1x16xi32> to vector<16xi32>
        %dma_start3A_481 = arith.constant 224 : i32
        %dma_start3A_482 = arith.constant 0 : i32
        %dma_start3A_483 = tpu.memref_slice %arg8[%dma_start3A_481, %dma_start3A_482] : memref<320x128xf32, #tpu.memory_space<vmem>> -> memref<16x128xf32, #tpu.memory_space<vmem>>
        %dma_start3A_484 = arith.constant 0 : i32
        %dma_start3A_485 = arith.constant 0 : i32
        %dma_start3A_486 = tpu.memref_slice %arg9[%dma_start3A_484, %dma_start3A_485] : memref<10112x128xf32, #tpu.memory_space<vmem_shared>> -> memref<10112x128xf32, #tpu.memory_space<vmem_shared>>
        tpu.enqueue_indirect_dma source(%dma_start3A_483 : memref<16x128xf32, #tpu.memory_space<vmem>>) target(%dma_start3A_486 : memref<10112x128xf32, #tpu.memory_space<vmem_shared>>) offsets(%get3A_480 : vector<16xi32>) semaphore(%arg11 : memref<!tpu.dma_semaphore, #tpu.memory_space<semaphore_mem>>) {add = true}
        %dma_wait3A_487 = arith.constant 240 : i32
        %dma_wait3A_488 = arith.constant 0 : i32
        %dma_wait3A_489 = tpu.memref_slice %arg8[%dma_wait3A_487, %dma_wait3A_488] : memref<320x128xf32, #tpu.memory_space<vmem>> -> memref<16x128xf32, #tpu.memory_space<vmem>>
        %dma_wait3A_490 = arith.constant 0 : i32
        %dma_wait3A_491 = arith.constant 0 : i32
        %dma_wait3A_492 = tpu.memref_slice %arg3[%dma_wait3A_490, %dma_wait3A_491] : memref<10000x128xf32, #tpu.memory_space<hbm>> -> memref<10000x128xf32, #tpu.memory_space<hbm>>
        tpu.wait_indirect_dma semaphore(%arg10 : memref<!tpu.dma_semaphore, #tpu.memory_space<semaphore_mem>>) src(%dma_wait3A_492 : memref<10000x128xf32, #tpu.memory_space<hbm>>) dst(%dma_wait3A_489 : memref<16x128xf32, #tpu.memory_space<vmem>>)
        %get3A_493 = arith.constant 1 : i32
        %get3A_494 = arith.index_cast %get3A_493 : i32 to index
        %get3A_495 = arith.constant 240 : index
        %get3A_496 = tpu.vector_load %arg7[%get3A_494, %get3A_495] {strides = array<i32>} : memref<2x320xi32, #tpu.memory_space<vmem>>, vector<1x16xi32>,
        %get3A_497 = vector.shape_cast %get3A_496 : vector<1x16xi32> to vector<16xi32>
        %dma_start3A_498 = arith.constant 240 : i32
        %dma_start3A_499 = arith.constant 0 : i32
        %dma_start3A_500 = tpu.memref_slice %arg8[%dma_start3A_498, %dma_start3A_499] : memref<320x128xf32, #tpu.memory_space<vmem>> -> memref<16x128xf32, #tpu.memory_space<vmem>>
        %dma_start3A_501 = arith.constant 0 : i32
        %dma_start3A_502 = arith.constant 0 : i32
        %dma_start3A_503 = tpu.memref_slice %arg9[%dma_start3A_501, %dma_start3A_502] : memref<10112x128xf32, #tpu.memory_space<vmem_shared>> -> memref<10112x128xf32, #tpu.memory_space<vmem_shared>>
        tpu.enqueue_indirect_dma source(%dma_start3A_500 : memref<16x128xf32, #tpu.memory_space<vmem>>) target(%dma_start3A_503 : memref<10112x128xf32, #tpu.memory_space<vmem_shared>>) offsets(%get3A_497 : vector<16xi32>) semaphore(%arg11 : memref<!tpu.dma_semaphore, #tpu.memory_space<semaphore_mem>>) {add = true}
        %dma_wait3A_504 = arith.constant 256 : i32
        %dma_wait3A_505 = arith.constant 0 : i32
        %dma_wait3A_506 = tpu.memref_slice %arg8[%dma_wait3A_504, %dma_wait3A_505] : memref<320x128xf32, #tpu.memory_space<vmem>> -> memref<16x128xf32, #tpu.memory_space<vmem>>
        %dma_wait3A_507 = arith.constant 0 : i32
        %dma_wait3A_508 = arith.constant 0 : i32
        %dma_wait3A_509 = tpu.memref_slice %arg3[%dma_wait3A_507, %dma_wait3A_508] : memref<10000x128xf32, #tpu.memory_space<hbm>> -> memref<10000x128xf32, #tpu.memory_space<hbm>>
        tpu.wait_indirect_dma semaphore(%arg10 : memref<!tpu.dma_semaphore, #tpu.memory_space<semaphore_mem>>) src(%dma_wait3A_509 : memref<10000x128xf32, #tpu.memory_space<hbm>>) dst(%dma_wait3A_506 : memref<16x128xf32, #tpu.memory_space<vmem>>)
        %get3A_510 = arith.constant 1 : i32
        %get3A_511 = arith.index_cast %get3A_510 : i32 to index
        %get3A_512 = arith.constant 256 : index
        %get3A_513 = tpu.vector_load %arg7[%get3A_511, %get3A_512] {strides = array<i32>} : memref<2x320xi32, #tpu.memory_space<vmem>>, vector<1x16xi32>,
        %get3A_514 = vector.shape_cast %get3A_513 : vector<1x16xi32> to vector<16xi32>
        %dma_start3A_515 = arith.constant 256 : i32
        %dma_start3A_516 = arith.constant 0 : i32
        %dma_start3A_517 = tpu.memref_slice %arg8[%dma_start3A_515, %dma_start3A_516] : memref<320x128xf32, #tpu.memory_space<vmem>> -> memref<16x128xf32, #tpu.memory_space<vmem>>
        %dma_start3A_518 = arith.constant 0 : i32
        %dma_start3A_519 = arith.constant 0 : i32
        %dma_start3A_520 = tpu.memref_slice %arg9[%dma_start3A_518, %dma_start3A_519] : memref<10112x128xf32, #tpu.memory_space<vmem_shared>> -> memref<10112x128xf32, #tpu.memory_space<vmem_shared>>
        tpu.enqueue_indirect_dma source(%dma_start3A_517 : memref<16x128xf32, #tpu.memory_space<vmem>>) target(%dma_start3A_520 : memref<10112x128xf32, #tpu.memory_space<vmem_shared>>) offsets(%get3A_514 : vector<16xi32>) semaphore(%arg11 : memref<!tpu.dma_semaphore, #tpu.memory_space<semaphore_mem>>) {add = true}
        %dma_wait3A_521 = arith.constant 272 : i32
        %dma_wait3A_522 = arith.constant 0 : i32
        %dma_wait3A_523 = tpu.memref_slice %arg8[%dma_wait3A_521, %dma_wait3A_522] : memref<320x128xf32, #tpu.memory_space<vmem>> -> memref<16x128xf32, #tpu.memory_space<vmem>>
        %dma_wait3A_524 = arith.constant 0 : i32
        %dma_wait3A_525 = arith.constant 0 : i32
        %dma_wait3A_526 = tpu.memref_slice %arg3[%dma_wait3A_524, %dma_wait3A_525] : memref<10000x128xf32, #tpu.memory_space<hbm>> -> memref<10000x128xf32, #tpu.memory_space<hbm>>
        tpu.wait_indirect_dma semaphore(%arg10 : memref<!tpu.dma_semaphore, #tpu.memory_space<semaphore_mem>>) src(%dma_wait3A_526 : memref<10000x128xf32, #tpu.memory_space<hbm>>) dst(%dma_wait3A_523 : memref<16x128xf32, #tpu.memory_space<vmem>>)
        %get3A_527 = arith.constant 1 : i32
        %get3A_528 = arith.index_cast %get3A_527 : i32 to index
        %get3A_529 = arith.constant 272 : index
        %get3A_530 = tpu.vector_load %arg7[%get3A_528, %get3A_529] {strides = array<i32>} : memref<2x320xi32, #tpu.memory_space<vmem>>, vector<1x16xi32>,
        %get3A_531 = vector.shape_cast %get3A_530 : vector<1x16xi32> to vector<16xi32>
        %dma_start3A_532 = arith.constant 272 : i32
        %dma_start3A_533 = arith.constant 0 : i32
        %dma_start3A_534 = tpu.memref_slice %arg8[%dma_start3A_532, %dma_start3A_533] : memref<320x128xf32, #tpu.memory_space<vmem>> -> memref<16x128xf32, #tpu.memory_space<vmem>>
        %dma_start3A_535 = arith.constant 0 : i32
        %dma_start3A_536 = arith.constant 0 : i32
        %dma_start3A_537 = tpu.memref_slice %arg9[%dma_start3A_535, %dma_start3A_536] : memref<10112x128xf32, #tpu.memory_space<vmem_shared>> -> memref<10112x128xf32, #tpu.memory_space<vmem_shared>>
        tpu.enqueue_indirect_dma source(%dma_start3A_534 : memref<16x128xf32, #tpu.memory_space<vmem>>) target(%dma_start3A_537 : memref<10112x128xf32, #tpu.memory_space<vmem_shared>>) offsets(%get3A_531 : vector<16xi32>) semaphore(%arg11 : memref<!tpu.dma_semaphore, #tpu.memory_space<semaphore_mem>>) {add = true}
        %dma_wait3A_538 = arith.constant 288 : i32
        %dma_wait3A_539 = arith.constant 0 : i32
        %dma_wait3A_540 = tpu.memref_slice %arg8[%dma_wait3A_538, %dma_wait3A_539] : memref<320x128xf32, #tpu.memory_space<vmem>> -> memref<16x128xf32, #tpu.memory_space<vmem>>
        %dma_wait3A_541 = arith.constant 0 : i32
        %dma_wait3A_542 = arith.constant 0 : i32
        %dma_wait3A_543 = tpu.memref_slice %arg3[%dma_wait3A_541, %dma_wait3A_542] : memref<10000x128xf32, #tpu.memory_space<hbm>> -> memref<10000x128xf32, #tpu.memory_space<hbm>>
        tpu.wait_indirect_dma semaphore(%arg10 : memref<!tpu.dma_semaphore, #tpu.memory_space<semaphore_mem>>) src(%dma_wait3A_543 : memref<10000x128xf32, #tpu.memory_space<hbm>>) dst(%dma_wait3A_540 : memref<16x128xf32, #tpu.memory_space<vmem>>)
        %get3A_544 = arith.constant 1 : i32
        %get3A_545 = arith.index_cast %get3A_544 : i32 to index
        %get3A_546 = arith.constant 288 : index
        %get3A_547 = tpu.vector_load %arg7[%get3A_545, %get3A_546] {strides = array<i32>} : memref<2x320xi32, #tpu.memory_space<vmem>>, vector<1x16xi32>,
        %get3A_548 = vector.shape_cast %get3A_547 : vector<1x16xi32> to vector<16xi32>
        %dma_start3A_549 = arith.constant 288 : i32
        %dma_start3A_550 = arith.constant 0 : i32
        %dma_start3A_551 = tpu.memref_slice %arg8[%dma_start3A_549, %dma_start3A_550] : memref<320x128xf32, #tpu.memory_space<vmem>> -> memref<16x128xf32, #tpu.memory_space<vmem>>
        %dma_start3A_552 = arith.constant 0 : i32
        %dma_start3A_553 = arith.constant 0 : i32
        %dma_start3A_554 = tpu.memref_slice %arg9[%dma_start3A_552, %dma_start3A_553] : memref<10112x128xf32, #tpu.memory_space<vmem_shared>> -> memref<10112x128xf32, #tpu.memory_space<vmem_shared>>
        tpu.enqueue_indirect_dma source(%dma_start3A_551 : memref<16x128xf32, #tpu.memory_space<vmem>>) target(%dma_start3A_554 : memref<10112x128xf32, #tpu.memory_space<vmem_shared>>) offsets(%get3A_548 : vector<16xi32>) semaphore(%arg11 : memref<!tpu.dma_semaphore, #tpu.memory_space<semaphore_mem>>) {add = true}
        %dma_wait3A_555 = arith.constant 304 : i32
        %dma_wait3A_556 = arith.constant 0 : i32
        %dma_wait3A_557 = tpu.memref_slice %arg8[%dma_wait3A_555, %dma_wait3A_556] : memref<320x128xf32, #tpu.memory_space<vmem>> -> memref<16x128xf32, #tpu.memory_space<vmem>>
        %dma_wait3A_558 = arith.constant 0 : i32
        %dma_wait3A_559 = arith.constant 0 : i32
        %dma_wait3A_560 = tpu.memref_slice %arg3[%dma_wait3A_558, %dma_wait3A_559] : memref<10000x128xf32, #tpu.memory_space<hbm>> -> memref<10000x128xf32, #tpu.memory_space<hbm>>
        tpu.wait_indirect_dma semaphore(%arg10 : memref<!tpu.dma_semaphore, #tpu.memory_space<semaphore_mem>>) src(%dma_wait3A_560 : memref<10000x128xf32, #tpu.memory_space<hbm>>) dst(%dma_wait3A_557 : memref<16x128xf32, #tpu.memory_space<vmem>>)
        %get3A_561 = arith.constant 1 : i32
        %get3A_562 = arith.index_cast %get3A_561 : i32 to index
        %get3A_563 = arith.constant 304 : index
        %get3A_564 = tpu.vector_load %arg7[%get3A_562, %get3A_563] {strides = array<i32>} : memref<2x320xi32, #tpu.memory_space<vmem>>, vector<1x16xi32>,
        %get3A_565 = vector.shape_cast %get3A_564 : vector<1x16xi32> to vector<16xi32>
        %dma_start3A_566 = arith.constant 304 : i32
        %dma_start3A_567 = arith.constant 0 : i32
        %dma_start3A_568 = tpu.memref_slice %arg8[%dma_start3A_566, %dma_start3A_567] : memref<320x128xf32, #tpu.memory_space<vmem>> -> memref<16x128xf32, #tpu.memory_space<vmem>>
        %dma_start3A_569 = arith.constant 0 : i32
        %dma_start3A_570 = arith.constant 0 : i32
        %dma_start3A_571 = tpu.memref_slice %arg9[%dma_start3A_569, %dma_start3A_570] : memref<10112x128xf32, #tpu.memory_space<vmem_shared>> -> memref<10112x128xf32, #tpu.memory_space<vmem_shared>>
        tpu.enqueue_indirect_dma source(%dma_start3A_568 : memref<16x128xf32, #tpu.memory_space<vmem>>) target(%dma_start3A_571 : memref<10112x128xf32, #tpu.memory_space<vmem_shared>>) offsets(%get3A_565 : vector<16xi32>) semaphore(%arg11 : memref<!tpu.dma_semaphore, #tpu.memory_space<semaphore_mem>>) {add = true}
        %dma_wait3A_572 = arith.constant 0 : i32
        %dma_wait3A_573 = arith.constant 0 : i32
        %dma_wait3A_574 = tpu.memref_slice %arg8[%dma_wait3A_572, %dma_wait3A_573] : memref<320x128xf32, #tpu.memory_space<vmem>> -> memref<16x128xf32, #tpu.memory_space<vmem>>
        %dma_wait3A_575 = arith.constant 0 : i32
        %dma_wait3A_576 = arith.constant 0 : i32
        %dma_wait3A_577 = tpu.memref_slice %arg9[%dma_wait3A_575, %dma_wait3A_576] : memref<10112x128xf32, #tpu.memory_space<vmem_shared>> -> memref<10112x128xf32, #tpu.memory_space<vmem_shared>>
        tpu.wait_indirect_dma semaphore(%arg11 : memref<!tpu.dma_semaphore, #tpu.memory_space<semaphore_mem>>) src(%dma_wait3A_574 : memref<16x128xf32, #tpu.memory_space<vmem>>) dst(%dma_wait3A_577 : memref<10112x128xf32, #tpu.memory_space<vmem_shared>>)
        %dma_wait3A_578 = arith.constant 16 : i32
        %dma_wait3A_579 = arith.constant 0 : i32
        %dma_wait3A_580 = tpu.memref_slice %arg8[%dma_wait3A_578, %dma_wait3A_579] : memref<320x128xf32, #tpu.memory_space<vmem>> -> memref<16x128xf32, #tpu.memory_space<vmem>>
        %dma_wait3A_581 = arith.constant 0 : i32
        %dma_wait3A_582 = arith.constant 0 : i32
        %dma_wait3A_583 = tpu.memref_slice %arg9[%dma_wait3A_581, %dma_wait3A_582] : memref<10112x128xf32, #tpu.memory_space<vmem_shared>> -> memref<10112x128xf32, #tpu.memory_space<vmem_shared>>
        tpu.wait_indirect_dma semaphore(%arg11 : memref<!tpu.dma_semaphore, #tpu.memory_space<semaphore_mem>>) src(%dma_wait3A_580 : memref<16x128xf32, #tpu.memory_space<vmem>>) dst(%dma_wait3A_583 : memref<10112x128xf32, #tpu.memory_space<vmem_shared>>)
        %dma_wait3A_584 = arith.constant 32 : i32
        %dma_wait3A_585 = arith.constant 0 : i32
        %dma_wait3A_586 = tpu.memref_slice %arg8[%dma_wait3A_584, %dma_wait3A_585] : memref<320x128xf32, #tpu.memory_space<vmem>> -> memref<16x128xf32, #tpu.memory_space<vmem>>
        %dma_wait3A_587 = arith.constant 0 : i32
        %dma_wait3A_588 = arith.constant 0 : i32
        %dma_wait3A_589 = tpu.memref_slice %arg9[%dma_wait3A_587, %dma_wait3A_588] : memref<10112x128xf32, #tpu.memory_space<vmem_shared>> -> memref<10112x128xf32, #tpu.memory_space<vmem_shared>>
        tpu.wait_indirect_dma semaphore(%arg11 : memref<!tpu.dma_semaphore, #tpu.memory_space<semaphore_mem>>) src(%dma_wait3A_586 : memref<16x128xf32, #tpu.memory_space<vmem>>) dst(%dma_wait3A_589 : memref<10112x128xf32, #tpu.memory_space<vmem_shared>>)
        %dma_wait3A_590 = arith.constant 48 : i32
        %dma_wait3A_591 = arith.constant 0 : i32
        %dma_wait3A_592 = tpu.memref_slice %arg8[%dma_wait3A_590, %dma_wait3A_591] : memref<320x128xf32, #tpu.memory_space<vmem>> -> memref<16x128xf32, #tpu.memory_space<vmem>>
        %dma_wait3A_593 = arith.constant 0 : i32
        %dma_wait3A_594 = arith.constant 0 : i32
        %dma_wait3A_595 = tpu.memref_slice %arg9[%dma_wait3A_593, %dma_wait3A_594] : memref<10112x128xf32, #tpu.memory_space<vmem_shared>> -> memref<10112x128xf32, #tpu.memory_space<vmem_shared>>
        tpu.wait_indirect_dma semaphore(%arg11 : memref<!tpu.dma_semaphore, #tpu.memory_space<semaphore_mem>>) src(%dma_wait3A_592 : memref<16x128xf32, #tpu.memory_space<vmem>>) dst(%dma_wait3A_595 : memref<10112x128xf32, #tpu.memory_space<vmem_shared>>)
        %dma_wait3A_596 = arith.constant 64 : i32
        %dma_wait3A_597 = arith.constant 0 : i32
        %dma_wait3A_598 = tpu.memref_slice %arg8[%dma_wait3A_596, %dma_wait3A_597] : memref<320x128xf32, #tpu.memory_space<vmem>> -> memref<16x128xf32, #tpu.memory_space<vmem>>
        %dma_wait3A_599 = arith.constant 0 : i32
        %dma_wait3A_600 = arith.constant 0 : i32
        %dma_wait3A_601 = tpu.memref_slice %arg9[%dma_wait3A_599, %dma_wait3A_600] : memref<10112x128xf32, #tpu.memory_space<vmem_shared>> -> memref<10112x128xf32, #tpu.memory_space<vmem_shared>>
        tpu.wait_indirect_dma semaphore(%arg11 : memref<!tpu.dma_semaphore, #tpu.memory_space<semaphore_mem>>) src(%dma_wait3A_598 : memref<16x128xf32, #tpu.memory_space<vmem>>) dst(%dma_wait3A_601 : memref<10112x128xf32, #tpu.memory_space<vmem_shared>>)
        %dma_wait3A_602 = arith.constant 80 : i32
        %dma_wait3A_603 = arith.constant 0 : i32
        %dma_wait3A_604 = tpu.memref_slice %arg8[%dma_wait3A_602, %dma_wait3A_603] : memref<320x128xf32, #tpu.memory_space<vmem>> -> memref<16x128xf32, #tpu.memory_space<vmem>>
        %dma_wait3A_605 = arith.constant 0 : i32
        %dma_wait3A_606 = arith.constant 0 : i32
        %dma_wait3A_607 = tpu.memref_slice %arg9[%dma_wait3A_605, %dma_wait3A_606] : memref<10112x128xf32, #tpu.memory_space<vmem_shared>> -> memref<10112x128xf32, #tpu.memory_space<vmem_shared>>
        tpu.wait_indirect_dma semaphore(%arg11 : memref<!tpu.dma_semaphore, #tpu.memory_space<semaphore_mem>>) src(%dma_wait3A_604 : memref<16x128xf32, #tpu.memory_space<vmem>>) dst(%dma_wait3A_607 : memref<10112x128xf32, #tpu.memory_space<vmem_shared>>)
        %dma_wait3A_608 = arith.constant 96 : i32
        %dma_wait3A_609 = arith.constant 0 : i32
        %dma_wait3A_610 = tpu.memref_slice %arg8[%dma_wait3A_608, %dma_wait3A_609] : memref<320x128xf32, #tpu.memory_space<vmem>> -> memref<16x128xf32, #tpu.memory_space<vmem>>
        %dma_wait3A_611 = arith.constant 0 : i32
        %dma_wait3A_612 = arith.constant 0 : i32
        %dma_wait3A_613 = tpu.memref_slice %arg9[%dma_wait3A_611, %dma_wait3A_612] : memref<10112x128xf32, #tpu.memory_space<vmem_shared>> -> memref<10112x128xf32, #tpu.memory_space<vmem_shared>>
        tpu.wait_indirect_dma semaphore(%arg11 : memref<!tpu.dma_semaphore, #tpu.memory_space<semaphore_mem>>) src(%dma_wait3A_610 : memref<16x128xf32, #tpu.memory_space<vmem>>) dst(%dma_wait3A_613 : memref<10112x128xf32, #tpu.memory_space<vmem_shared>>)
        %dma_wait3A_614 = arith.constant 112 : i32
        %dma_wait3A_615 = arith.constant 0 : i32
        %dma_wait3A_616 = tpu.memref_slice %arg8[%dma_wait3A_614, %dma_wait3A_615] : memref<320x128xf32, #tpu.memory_space<vmem>> -> memref<16x128xf32, #tpu.memory_space<vmem>>
        %dma_wait3A_617 = arith.constant 0 : i32
        %dma_wait3A_618 = arith.constant 0 : i32
        %dma_wait3A_619 = tpu.memref_slice %arg9[%dma_wait3A_617, %dma_wait3A_618] : memref<10112x128xf32, #tpu.memory_space<vmem_shared>> -> memref<10112x128xf32, #tpu.memory_space<vmem_shared>>
        tpu.wait_indirect_dma semaphore(%arg11 : memref<!tpu.dma_semaphore, #tpu.memory_space<semaphore_mem>>) src(%dma_wait3A_616 : memref<16x128xf32, #tpu.memory_space<vmem>>) dst(%dma_wait3A_619 : memref<10112x128xf32, #tpu.memory_space<vmem_shared>>)
        %dma_wait3A_620 = arith.constant 128 : i32
        %dma_wait3A_621 = arith.constant 0 : i32
        %dma_wait3A_622 = tpu.memref_slice %arg8[%dma_wait3A_620, %dma_wait3A_621] : memref<320x128xf32, #tpu.memory_space<vmem>> -> memref<16x128xf32, #tpu.memory_space<vmem>>
        %dma_wait3A_623 = arith.constant 0 : i32
        %dma_wait3A_624 = arith.constant 0 : i32
        %dma_wait3A_625 = tpu.memref_slice %arg9[%dma_wait3A_623, %dma_wait3A_624] : memref<10112x128xf32, #tpu.memory_space<vmem_shared>> -> memref<10112x128xf32, #tpu.memory_space<vmem_shared>>
        tpu.wait_indirect_dma semaphore(%arg11 : memref<!tpu.dma_semaphore, #tpu.memory_space<semaphore_mem>>) src(%dma_wait3A_622 : memref<16x128xf32, #tpu.memory_space<vmem>>) dst(%dma_wait3A_625 : memref<10112x128xf32, #tpu.memory_space<vmem_shared>>)
        %dma_wait3A_626 = arith.constant 144 : i32
        %dma_wait3A_627 = arith.constant 0 : i32
        %dma_wait3A_628 = tpu.memref_slice %arg8[%dma_wait3A_626, %dma_wait3A_627] : memref<320x128xf32, #tpu.memory_space<vmem>> -> memref<16x128xf32, #tpu.memory_space<vmem>>
        %dma_wait3A_629 = arith.constant 0 : i32
        %dma_wait3A_630 = arith.constant 0 : i32
        %dma_wait3A_631 = tpu.memref_slice %arg9[%dma_wait3A_629, %dma_wait3A_630] : memref<10112x128xf32, #tpu.memory_space<vmem_shared>> -> memref<10112x128xf32, #tpu.memory_space<vmem_shared>>
        tpu.wait_indirect_dma semaphore(%arg11 : memref<!tpu.dma_semaphore, #tpu.memory_space<semaphore_mem>>) src(%dma_wait3A_628 : memref<16x128xf32, #tpu.memory_space<vmem>>) dst(%dma_wait3A_631 : memref<10112x128xf32, #tpu.memory_space<vmem_shared>>)
        %dma_wait3A_632 = arith.constant 160 : i32
        %dma_wait3A_633 = arith.constant 0 : i32
        %dma_wait3A_634 = tpu.memref_slice %arg8[%dma_wait3A_632, %dma_wait3A_633] : memref<320x128xf32, #tpu.memory_space<vmem>> -> memref<16x128xf32, #tpu.memory_space<vmem>>
        %dma_wait3A_635 = arith.constant 0 : i32
        %dma_wait3A_636 = arith.constant 0 : i32
        %dma_wait3A_637 = tpu.memref_slice %arg9[%dma_wait3A_635, %dma_wait3A_636] : memref<10112x128xf32, #tpu.memory_space<vmem_shared>> -> memref<10112x128xf32, #tpu.memory_space<vmem_shared>>
        tpu.wait_indirect_dma semaphore(%arg11 : memref<!tpu.dma_semaphore, #tpu.memory_space<semaphore_mem>>) src(%dma_wait3A_634 : memref<16x128xf32, #tpu.memory_space<vmem>>) dst(%dma_wait3A_637 : memref<10112x128xf32, #tpu.memory_space<vmem_shared>>)
        %dma_wait3A_638 = arith.constant 176 : i32
        %dma_wait3A_639 = arith.constant 0 : i32
        %dma_wait3A_640 = tpu.memref_slice %arg8[%dma_wait3A_638, %dma_wait3A_639] : memref<320x128xf32, #tpu.memory_space<vmem>> -> memref<16x128xf32, #tpu.memory_space<vmem>>
        %dma_wait3A_641 = arith.constant 0 : i32
        %dma_wait3A_642 = arith.constant 0 : i32
        %dma_wait3A_643 = tpu.memref_slice %arg9[%dma_wait3A_641, %dma_wait3A_642] : memref<10112x128xf32, #tpu.memory_space<vmem_shared>> -> memref<10112x128xf32, #tpu.memory_space<vmem_shared>>
        tpu.wait_indirect_dma semaphore(%arg11 : memref<!tpu.dma_semaphore, #tpu.memory_space<semaphore_mem>>) src(%dma_wait3A_640 : memref<16x128xf32, #tpu.memory_space<vmem>>) dst(%dma_wait3A_643 : memref<10112x128xf32, #tpu.memory_space<vmem_shared>>)
        %dma_wait3A_644 = arith.constant 192 : i32
        %dma_wait3A_645 = arith.constant 0 : i32
        %dma_wait3A_646 = tpu.memref_slice %arg8[%dma_wait3A_644, %dma_wait3A_645] : memref<320x128xf32, #tpu.memory_space<vmem>> -> memref<16x128xf32, #tpu.memory_space<vmem>>
        %dma_wait3A_647 = arith.constant 0 : i32
        %dma_wait3A_648 = arith.constant 0 : i32
        %dma_wait3A_649 = tpu.memref_slice %arg9[%dma_wait3A_647, %dma_wait3A_648] : memref<10112x128xf32, #tpu.memory_space<vmem_shared>> -> memref<10112x128xf32, #tpu.memory_space<vmem_shared>>
        tpu.wait_indirect_dma semaphore(%arg11 : memref<!tpu.dma_semaphore, #tpu.memory_space<semaphore_mem>>) src(%dma_wait3A_646 : memref<16x128xf32, #tpu.memory_space<vmem>>) dst(%dma_wait3A_649 : memref<10112x128xf32, #tpu.memory_space<vmem_shared>>)
        %dma_wait3A_650 = arith.constant 208 : i32
        %dma_wait3A_651 = arith.constant 0 : i32
        %dma_wait3A_652 = tpu.memref_slice %arg8[%dma_wait3A_650, %dma_wait3A_651] : memref<320x128xf32, #tpu.memory_space<vmem>> -> memref<16x128xf32, #tpu.memory_space<vmem>>
        %dma_wait3A_653 = arith.constant 0 : i32
        %dma_wait3A_654 = arith.constant 0 : i32
        %dma_wait3A_655 = tpu.memref_slice %arg9[%dma_wait3A_653, %dma_wait3A_654] : memref<10112x128xf32, #tpu.memory_space<vmem_shared>> -> memref<10112x128xf32, #tpu.memory_space<vmem_shared>>
        tpu.wait_indirect_dma semaphore(%arg11 : memref<!tpu.dma_semaphore, #tpu.memory_space<semaphore_mem>>) src(%dma_wait3A_652 : memref<16x128xf32, #tpu.memory_space<vmem>>) dst(%dma_wait3A_655 : memref<10112x128xf32, #tpu.memory_space<vmem_shared>>)
        %dma_wait3A_656 = arith.constant 224 : i32
        %dma_wait3A_657 = arith.constant 0 : i32
        %dma_wait3A_658 = tpu.memref_slice %arg8[%dma_wait3A_656, %dma_wait3A_657] : memref<320x128xf32, #tpu.memory_space<vmem>> -> memref<16x128xf32, #tpu.memory_space<vmem>>
        %dma_wait3A_659 = arith.constant 0 : i32
        %dma_wait3A_660 = arith.constant 0 : i32
        %dma_wait3A_661 = tpu.memref_slice %arg9[%dma_wait3A_659, %dma_wait3A_660] : memref<10112x128xf32, #tpu.memory_space<vmem_shared>> -> memref<10112x128xf32, #tpu.memory_space<vmem_shared>>
        tpu.wait_indirect_dma semaphore(%arg11 : memref<!tpu.dma_semaphore, #tpu.memory_space<semaphore_mem>>) src(%dma_wait3A_658 : memref<16x128xf32, #tpu.memory_space<vmem>>) dst(%dma_wait3A_661 : memref<10112x128xf32, #tpu.memory_space<vmem_shared>>)
        %dma_wait3A_662 = arith.constant 240 : i32
        %dma_wait3A_663 = arith.constant 0 : i32
        %dma_wait3A_664 = tpu.memref_slice %arg8[%dma_wait3A_662, %dma_wait3A_663] : memref<320x128xf32, #tpu.memory_space<vmem>> -> memref<16x128xf32, #tpu.memory_space<vmem>>
        %dma_wait3A_665 = arith.constant 0 : i32
        %dma_wait3A_666 = arith.constant 0 : i32
        %dma_wait3A_667 = tpu.memref_slice %arg9[%dma_wait3A_665, %dma_wait3A_666] : memref<10112x128xf32, #tpu.memory_space<vmem_shared>> -> memref<10112x128xf32, #tpu.memory_space<vmem_shared>>
        tpu.wait_indirect_dma semaphore(%arg11 : memref<!tpu.dma_semaphore, #tpu.memory_space<semaphore_mem>>) src(%dma_wait3A_664 : memref<16x128xf32, #tpu.memory_space<vmem>>) dst(%dma_wait3A_667 : memref<10112x128xf32, #tpu.memory_space<vmem_shared>>)
        %dma_wait3A_668 = arith.constant 256 : i32
        %dma_wait3A_669 = arith.constant 0 : i32
        %dma_wait3A_670 = tpu.memref_slice %arg8[%dma_wait3A_668, %dma_wait3A_669] : memref<320x128xf32, #tpu.memory_space<vmem>> -> memref<16x128xf32, #tpu.memory_space<vmem>>
        %dma_wait3A_671 = arith.constant 0 : i32
        %dma_wait3A_672 = arith.constant 0 : i32
        %dma_wait3A_673 = tpu.memref_slice %arg9[%dma_wait3A_671, %dma_wait3A_672] : memref<10112x128xf32, #tpu.memory_space<vmem_shared>> -> memref<10112x128xf32, #tpu.memory_space<vmem_shared>>
        tpu.wait_indirect_dma semaphore(%arg11 : memref<!tpu.dma_semaphore, #tpu.memory_space<semaphore_mem>>) src(%dma_wait3A_670 : memref<16x128xf32, #tpu.memory_space<vmem>>) dst(%dma_wait3A_673 : memref<10112x128xf32, #tpu.memory_space<vmem_shared>>)
        %dma_wait3A_674 = arith.constant 272 : i32
        %dma_wait3A_675 = arith.constant 0 : i32
        %dma_wait3A_676 = tpu.memref_slice %arg8[%dma_wait3A_674, %dma_wait3A_675] : memref<320x128xf32, #tpu.memory_space<vmem>> -> memref<16x128xf32, #tpu.memory_space<vmem>>
        %dma_wait3A_677 = arith.constant 0 : i32
        %dma_wait3A_678 = arith.constant 0 : i32
        %dma_wait3A_679 = tpu.memref_slice %arg9[%dma_wait3A_677, %dma_wait3A_678] : memref<10112x128xf32, #tpu.memory_space<vmem_shared>> -> memref<10112x128xf32, #tpu.memory_space<vmem_shared>>
        tpu.wait_indirect_dma semaphore(%arg11 : memref<!tpu.dma_semaphore, #tpu.memory_space<semaphore_mem>>) src(%dma_wait3A_676 : memref<16x128xf32, #tpu.memory_space<vmem>>) dst(%dma_wait3A_679 : memref<10112x128xf32, #tpu.memory_space<vmem_shared>>)
        %dma_wait3A_680 = arith.constant 288 : i32
        %dma_wait3A_681 = arith.constant 0 : i32
        %dma_wait3A_682 = tpu.memref_slice %arg8[%dma_wait3A_680, %dma_wait3A_681] : memref<320x128xf32, #tpu.memory_space<vmem>> -> memref<16x128xf32, #tpu.memory_space<vmem>>
        %dma_wait3A_683 = arith.constant 0 : i32
        %dma_wait3A_684 = arith.constant 0 : i32
        %dma_wait3A_685 = tpu.memref_slice %arg9[%dma_wait3A_683, %dma_wait3A_684] : memref<10112x128xf32, #tpu.memory_space<vmem_shared>> -> memref<10112x128xf32, #tpu.memory_space<vmem_shared>>
        tpu.wait_indirect_dma semaphore(%arg11 : memref<!tpu.dma_semaphore, #tpu.memory_space<semaphore_mem>>) src(%dma_wait3A_682 : memref<16x128xf32, #tpu.memory_space<vmem>>) dst(%dma_wait3A_685 : memref<10112x128xf32, #tpu.memory_space<vmem_shared>>)
        %dma_wait3A_686 = arith.constant 304 : i32
        %dma_wait3A_687 = arith.constant 0 : i32
        %dma_wait3A_688 = tpu.memref_slice %arg8[%dma_wait3A_686, %dma_wait3A_687] : memref<320x128xf32, #tpu.memory_space<vmem>> -> memref<16x128xf32, #tpu.memory_space<vmem>>
        %dma_wait3A_689 = arith.constant 0 : i32
        %dma_wait3A_690 = arith.constant 0 : i32
        %dma_wait3A_691 = tpu.memref_slice %arg9[%dma_wait3A_689, %dma_wait3A_690] : memref<10112x128xf32, #tpu.memory_space<vmem_shared>> -> memref<10112x128xf32, #tpu.memory_space<vmem_shared>>
        tpu.wait_indirect_dma semaphore(%arg11 : memref<!tpu.dma_semaphore, #tpu.memory_space<semaphore_mem>>) src(%dma_wait3A_688 : memref<16x128xf32, #tpu.memory_space<vmem>>) dst(%dma_wait3A_691 : memref<10112x128xf32, #tpu.memory_space<vmem_shared>>)
      }
      %scan3A_13 = arith.constant 64 : i32
    } else {
    }
    %barrier3A_8 = arith.constant 0 : index
    tpu.barrier barrier_id(%barrier3A_8)
    "tpu.region"() ({
      %run_scoped3A = tpu.sem_alloc : memref<!tpu.dma_semaphore, #tpu.memory_space<semaphore_mem>>
      %dma_start3A = arith.constant 0 : i32
      %dma_start3A_9 = tpu.memref_slice %arg6[%arg0, %mul3A_0, %dma_start3A] : memref<2x10112x128xf32, #tpu.memory_space<hbm>> -> memref<1x632x128xf32, #tpu.memory_space<hbm>>
      %dma_start3A_10 = tpu.memref_squeeze %dma_start3A_9 : memref<1x632x128xf32, #tpu.memory_space<hbm>> -> memref<632x128xf32, #tpu.memory_space<hbm>>
      %dma_start3A_11 = arith.constant 0 : i32
      %dma_start3A_12 = tpu.memref_slice %arg9[%mul3A_0, %dma_start3A_11] : memref<10112x128xf32, #tpu.memory_space<vmem_shared>> -> memref<632x128xf32, #tpu.memory_space<vmem_shared>>
      tpu.enqueue_dma source(%dma_start3A_12 : memref<632x128xf32, #tpu.memory_space<vmem_shared>>) target(%dma_start3A_10 : memref<632x128xf32, #tpu.memory_space<hbm>>) target_semaphore(%run_scoped3A : memref<!tpu.dma_semaphore, #tpu.memory_space<semaphore_mem>>)
      %dma_wait3A = arith.constant 0 : i32
      %dma_wait3A_13 = tpu.memref_slice %arg6[%arg0, %mul3A_0, %dma_wait3A] : memref<2x10112x128xf32, #tpu.memory_space<hbm>> -> memref<1x632x128xf32, #tpu.memory_space<hbm>>
      %dma_wait3A_14 = tpu.memref_squeeze %dma_wait3A_13 : memref<1x632x128xf32, #tpu.memory_space<hbm>> -> memref<632x128xf32, #tpu.memory_space<hbm>>
      %dma_wait3A_15 = arith.constant 0 : i32
      %dma_wait3A_16 = tpu.memref_slice %arg9[%mul3A_0, %dma_wait3A_15] : memref<10112x128xf32, #tpu.memory_space<vmem_shared>> -> memref<632x128xf32, #tpu.memory_space<vmem_shared>>
      tpu.wait_dma2 semaphore(%run_scoped3A : memref<!tpu.dma_semaphore, #tpu.memory_space<semaphore_mem>>) src(%dma_wait3A_16 : memref<632x128xf32, #tpu.memory_space<vmem_shared>>) dst(%dma_wait3A_14 : memref<632x128xf32, #tpu.memory_space<hbm>>)
      tpu.yield
    }) : () -> ()
    return
  }
}

#map = affine_map<(d0, d1) -> (0, 0)>
#map1 = affine_map<(d0, d1) -> (0, 0, 0, 0)>
#map2 = affine_map<(d0, d1) -> (0, 0, 0)>
module attributes {stable_mosaic.version = 14 : i64} {
  func.func @agg_k(%arg0: i32, %arg1: i32, %arg2: memref<10000x128xf32, #tpu.memory_space<hbm>>, %arg3: memref<32x64x2x160xi32, #tpu.memory_space<hbm>>, %arg4: memref<10112x128xf32, #tpu.memory_space<hbm>>, %arg5: memref<2x10112x128xf32, #tpu.memory_space<hbm>>, %arg6: memref<2x160xi32, #tpu.memory_space<vmem>>, %arg7: memref<160x128xf32, #tpu.memory_space<vmem>>, %arg8: memref<10112x128xf32, #tpu.memory_space<vmem_shared>>, %arg9: memref<!tpu.dma_semaphore, #tpu.memory_space<semaphore_mem>>, %arg10: memref<!tpu.dma_semaphore, #tpu.memory_space<semaphore_mem>>) attributes {dimension_semantics = [#tpu.dimension_semantics<core_parallel>, #tpu.dimension_semantics<subcore_parallel>], iteration_bounds = array<i64: 2, 16>, scalar_prefetch = 0 : i64, scratch_operands = 5 : i64, tpu.core_type = #tpu.core_type<sc_vector_subcore>, window_params = [{transform_indices = #map}, {transform_indices = #map1}, {transform_indices = #map}, {transform_indices = #map2}]} {
    %mul3A = arith.constant 632 : i32
    %mul3A_0 = arith.muli %arg1, %mul3A : i32
    "tpu.region"() ({
      %run_scoped3A = tpu.sem_alloc : memref<!tpu.dma_semaphore, #tpu.memory_space<semaphore_mem>>
      %dma_start3A = arith.constant 0 : i32
      %dma_start3A_9 = tpu.memref_slice %arg8[%mul3A_0, %dma_start3A] : memref<10112x128xf32, #tpu.memory_space<vmem_shared>> -> memref<632x128xf32, #tpu.memory_space<vmem_shared>>
      %dma_start3A_10 = arith.constant 0 : i32
      %dma_start3A_11 = tpu.memref_slice %arg4[%mul3A_0, %dma_start3A_10] : memref<10112x128xf32, #tpu.memory_space<hbm>> -> memref<632x128xf32, #tpu.memory_space<hbm>>
      tpu.enqueue_dma source(%dma_start3A_11 : memref<632x128xf32, #tpu.memory_space<hbm>>) target(%dma_start3A_9 : memref<632x128xf32, #tpu.memory_space<vmem_shared>>) target_semaphore(%run_scoped3A : memref<!tpu.dma_semaphore, #tpu.memory_space<semaphore_mem>>)
      %dma_wait3A = arith.constant 0 : i32
      %dma_wait3A_12 = tpu.memref_slice %arg8[%mul3A_0, %dma_wait3A] : memref<10112x128xf32, #tpu.memory_space<vmem_shared>> -> memref<632x128xf32, #tpu.memory_space<vmem_shared>>
      %dma_wait3A_13 = arith.constant 0 : i32
      %dma_wait3A_14 = tpu.memref_slice %arg4[%mul3A_0, %dma_wait3A_13] : memref<10112x128xf32, #tpu.memory_space<hbm>> -> memref<632x128xf32, #tpu.memory_space<hbm>>
      tpu.wait_dma2 semaphore(%run_scoped3A : memref<!tpu.dma_semaphore, #tpu.memory_space<semaphore_mem>>) src(%dma_wait3A_14 : memref<632x128xf32, #tpu.memory_space<hbm>>) dst(%dma_wait3A_12 : memref<632x128xf32, #tpu.memory_space<vmem_shared>>)
      tpu.yield
    }) : () -> ()
    %mul3A_1 = arith.constant 16 : i32
    %mul3A_2 = arith.muli %arg0, %mul3A_1 : i32
    %add3A = arith.addi %mul3A_2, %arg1 : i32
    %barrier3A = arith.constant 0 : index
    tpu.barrier barrier_id(%barrier3A)
    %scan3A = arith.constant 0 : i32
    %scan3A_3 = arith.constant 0 : i32
    %scan3A_4 = arith.constant 64 : i32
    %scan3A_5 = arith.addi %scan3A_3, %scan3A_4 : i32
    %scan3A_6 = arith.constant 1 : i32
    scf.for %scan3A_9 = %scan3A_3 to %scan3A_5 step %scan3A_6  : i32 {
      "tpu.region"() ({
        %run_scoped3A = tpu.sem_alloc : memref<!tpu.dma_semaphore, #tpu.memory_space<semaphore_mem>>
        %dma_start3A_347 = arith.constant 0 : i32
        %dma_start3A_348 = arith.constant 0 : i32
        %dma_start3A_349 = tpu.memref_slice %arg3[%add3A, %scan3A_9, %dma_start3A_347, %dma_start3A_348] : memref<32x64x2x160xi32, #tpu.memory_space<hbm>> -> memref<1x1x2x160xi32, #tpu.memory_space<hbm>>
        %dma_start3A_350 = tpu.memref_squeeze %dma_start3A_349 : memref<1x1x2x160xi32, #tpu.memory_space<hbm>> -> memref<2x160xi32, #tpu.memory_space<hbm>>
        %dma_start3A_351 = arith.constant 0 : i32
        %dma_start3A_352 = arith.constant 0 : i32
        %dma_start3A_353 = tpu.memref_slice %arg3[%add3A, %scan3A_9, %dma_start3A_351, %dma_start3A_352] : memref<32x64x2x160xi32, #tpu.memory_space<hbm>> -> memref<1x1x2x160xi32, #tpu.memory_space<hbm>>
        %dma_start3A_354 = tpu.memref_squeeze %dma_start3A_353 : memref<1x1x2x160xi32, #tpu.memory_space<hbm>> -> memref<2x160xi32, #tpu.memory_space<hbm>>
        tpu.enqueue_dma source(%dma_start3A_354 : memref<2x160xi32, #tpu.memory_space<hbm>>) target(%arg6 : memref<2x160xi32, #tpu.memory_space<vmem>>) target_semaphore(%run_scoped3A : memref<!tpu.dma_semaphore, #tpu.memory_space<semaphore_mem>>)
        %dma_wait3A_355 = arith.constant 0 : i32
        %dma_wait3A_356 = arith.constant 0 : i32
        %dma_wait3A_357 = tpu.memref_slice %arg3[%add3A, %scan3A_9, %dma_wait3A_355, %dma_wait3A_356] : memref<32x64x2x160xi32, #tpu.memory_space<hbm>> -> memref<1x1x2x160xi32, #tpu.memory_space<hbm>>
        %dma_wait3A_358 = tpu.memref_squeeze %dma_wait3A_357 : memref<1x1x2x160xi32, #tpu.memory_space<hbm>> -> memref<2x160xi32, #tpu.memory_space<hbm>>
        %dma_wait3A_359 = arith.constant 0 : i32
        %dma_wait3A_360 = arith.constant 0 : i32
        %dma_wait3A_361 = tpu.memref_slice %arg3[%add3A, %scan3A_9, %dma_wait3A_359, %dma_wait3A_360] : memref<32x64x2x160xi32, #tpu.memory_space<hbm>> -> memref<1x1x2x160xi32, #tpu.memory_space<hbm>>
        %dma_wait3A_362 = tpu.memref_squeeze %dma_wait3A_361 : memref<1x1x2x160xi32, #tpu.memory_space<hbm>> -> memref<2x160xi32, #tpu.memory_space<hbm>>
        tpu.wait_dma2 semaphore(%run_scoped3A : memref<!tpu.dma_semaphore, #tpu.memory_space<semaphore_mem>>) src(%dma_wait3A_362 : memref<2x160xi32, #tpu.memory_space<hbm>>) dst(%arg6 : memref<2x160xi32, #tpu.memory_space<vmem>>)
        tpu.yield
      }) : () -> ()
      %get3A = arith.constant 0 : i32
      %get3A_10 = arith.index_cast %get3A : i32 to index
      %get3A_11 = arith.constant 0 : index
      %get3A_12 = tpu.vector_load %arg6[%get3A_10, %get3A_11] {strides = array<i32>} : memref<2x160xi32, #tpu.memory_space<vmem>>, vector<1x16xi32>,
      %get3A_13 = vector.shape_cast %get3A_12 : vector<1x16xi32> to vector<16xi32>
      %dma_start3A = arith.constant 0 : i32
      %dma_start3A_14 = arith.constant 0 : i32
      %dma_start3A_15 = tpu.memref_slice %arg7[%dma_start3A, %dma_start3A_14] : memref<160x128xf32, #tpu.memory_space<vmem>> -> memref<16x128xf32, #tpu.memory_space<vmem>>
      %dma_start3A_16 = arith.constant 0 : i32
      %dma_start3A_17 = arith.constant 0 : i32
      %dma_start3A_18 = tpu.memref_slice %arg2[%dma_start3A_16, %dma_start3A_17] : memref<10000x128xf32, #tpu.memory_space<hbm>> -> memref<10000x128xf32, #tpu.memory_space<hbm>>
      tpu.enqueue_indirect_dma source(%dma_start3A_18 : memref<10000x128xf32, #tpu.memory_space<hbm>>) target(%dma_start3A_15 : memref<16x128xf32, #tpu.memory_space<vmem>>) offsets(%get3A_13 : vector<16xi32>) semaphore(%arg9 : memref<!tpu.dma_semaphore, #tpu.memory_space<semaphore_mem>>)
      %get3A_19 = arith.constant 0 : i32
      %get3A_20 = arith.index_cast %get3A_19 : i32 to index
      %get3A_21 = arith.constant 16 : index
      %get3A_22 = tpu.vector_load %arg6[%get3A_20, %get3A_21] {strides = array<i32>} : memref<2x160xi32, #tpu.memory_space<vmem>>, vector<1x16xi32>,
      %get3A_23 = vector.shape_cast %get3A_22 : vector<1x16xi32> to vector<16xi32>
      %dma_start3A_24 = arith.constant 16 : i32
      %dma_start3A_25 = arith.constant 0 : i32
      %dma_start3A_26 = tpu.memref_slice %arg7[%dma_start3A_24, %dma_start3A_25] : memref<160x128xf32, #tpu.memory_space<vmem>> -> memref<16x128xf32, #tpu.memory_space<vmem>>
      %dma_start3A_27 = arith.constant 0 : i32
      %dma_start3A_28 = arith.constant 0 : i32
      %dma_start3A_29 = tpu.memref_slice %arg2[%dma_start3A_27, %dma_start3A_28] : memref<10000x128xf32, #tpu.memory_space<hbm>> -> memref<10000x128xf32, #tpu.memory_space<hbm>>
      tpu.enqueue_indirect_dma source(%dma_start3A_29 : memref<10000x128xf32, #tpu.memory_space<hbm>>) target(%dma_start3A_26 : memref<16x128xf32, #tpu.memory_space<vmem>>) offsets(%get3A_23 : vector<16xi32>) semaphore(%arg9 : memref<!tpu.dma_semaphore, #tpu.memory_space<semaphore_mem>>)
      %get3A_30 = arith.constant 0 : i32
      %get3A_31 = arith.index_cast %get3A_30 : i32 to index
      %get3A_32 = arith.constant 32 : index
      %get3A_33 = tpu.vector_load %arg6[%get3A_31, %get3A_32] {strides = array<i32>} : memref<2x160xi32, #tpu.memory_space<vmem>>, vector<1x16xi32>,
      %get3A_34 = vector.shape_cast %get3A_33 : vector<1x16xi32> to vector<16xi32>
      %dma_start3A_35 = arith.constant 32 : i32
      %dma_start3A_36 = arith.constant 0 : i32
      %dma_start3A_37 = tpu.memref_slice %arg7[%dma_start3A_35, %dma_start3A_36] : memref<160x128xf32, #tpu.memory_space<vmem>> -> memref<16x128xf32, #tpu.memory_space<vmem>>
      %dma_start3A_38 = arith.constant 0 : i32
      %dma_start3A_39 = arith.constant 0 : i32
      %dma_start3A_40 = tpu.memref_slice %arg2[%dma_start3A_38, %dma_start3A_39] : memref<10000x128xf32, #tpu.memory_space<hbm>> -> memref<10000x128xf32, #tpu.memory_space<hbm>>
      tpu.enqueue_indirect_dma source(%dma_start3A_40 : memref<10000x128xf32, #tpu.memory_space<hbm>>) target(%dma_start3A_37 : memref<16x128xf32, #tpu.memory_space<vmem>>) offsets(%get3A_34 : vector<16xi32>) semaphore(%arg9 : memref<!tpu.dma_semaphore, #tpu.memory_space<semaphore_mem>>)
      %get3A_41 = arith.constant 0 : i32
      %get3A_42 = arith.index_cast %get3A_41 : i32 to index
      %get3A_43 = arith.constant 48 : index
      %get3A_44 = tpu.vector_load %arg6[%get3A_42, %get3A_43] {strides = array<i32>} : memref<2x160xi32, #tpu.memory_space<vmem>>, vector<1x16xi32>,
      %get3A_45 = vector.shape_cast %get3A_44 : vector<1x16xi32> to vector<16xi32>
      %dma_start3A_46 = arith.constant 48 : i32
      %dma_start3A_47 = arith.constant 0 : i32
      %dma_start3A_48 = tpu.memref_slice %arg7[%dma_start3A_46, %dma_start3A_47] : memref<160x128xf32, #tpu.memory_space<vmem>> -> memref<16x128xf32, #tpu.memory_space<vmem>>
      %dma_start3A_49 = arith.constant 0 : i32
      %dma_start3A_50 = arith.constant 0 : i32
      %dma_start3A_51 = tpu.memref_slice %arg2[%dma_start3A_49, %dma_start3A_50] : memref<10000x128xf32, #tpu.memory_space<hbm>> -> memref<10000x128xf32, #tpu.memory_space<hbm>>
      tpu.enqueue_indirect_dma source(%dma_start3A_51 : memref<10000x128xf32, #tpu.memory_space<hbm>>) target(%dma_start3A_48 : memref<16x128xf32, #tpu.memory_space<vmem>>) offsets(%get3A_45 : vector<16xi32>) semaphore(%arg9 : memref<!tpu.dma_semaphore, #tpu.memory_space<semaphore_mem>>)
      %get3A_52 = arith.constant 0 : i32
      %get3A_53 = arith.index_cast %get3A_52 : i32 to index
      %get3A_54 = arith.constant 64 : index
      %get3A_55 = tpu.vector_load %arg6[%get3A_53, %get3A_54] {strides = array<i32>} : memref<2x160xi32, #tpu.memory_space<vmem>>, vector<1x16xi32>,
      %get3A_56 = vector.shape_cast %get3A_55 : vector<1x16xi32> to vector<16xi32>
      %dma_start3A_57 = arith.constant 64 : i32
      %dma_start3A_58 = arith.constant 0 : i32
      %dma_start3A_59 = tpu.memref_slice %arg7[%dma_start3A_57, %dma_start3A_58] : memref<160x128xf32, #tpu.memory_space<vmem>> -> memref<16x128xf32, #tpu.memory_space<vmem>>
      %dma_start3A_60 = arith.constant 0 : i32
      %dma_start3A_61 = arith.constant 0 : i32
      %dma_start3A_62 = tpu.memref_slice %arg2[%dma_start3A_60, %dma_start3A_61] : memref<10000x128xf32, #tpu.memory_space<hbm>> -> memref<10000x128xf32, #tpu.memory_space<hbm>>
      tpu.enqueue_indirect_dma source(%dma_start3A_62 : memref<10000x128xf32, #tpu.memory_space<hbm>>) target(%dma_start3A_59 : memref<16x128xf32, #tpu.memory_space<vmem>>) offsets(%get3A_56 : vector<16xi32>) semaphore(%arg9 : memref<!tpu.dma_semaphore, #tpu.memory_space<semaphore_mem>>)
      %get3A_63 = arith.constant 0 : i32
      %get3A_64 = arith.index_cast %get3A_63 : i32 to index
      %get3A_65 = arith.constant 80 : index
      %get3A_66 = tpu.vector_load %arg6[%get3A_64, %get3A_65] {strides = array<i32>} : memref<2x160xi32, #tpu.memory_space<vmem>>, vector<1x16xi32>,
      %get3A_67 = vector.shape_cast %get3A_66 : vector<1x16xi32> to vector<16xi32>
      %dma_start3A_68 = arith.constant 80 : i32
      %dma_start3A_69 = arith.constant 0 : i32
      %dma_start3A_70 = tpu.memref_slice %arg7[%dma_start3A_68, %dma_start3A_69] : memref<160x128xf32, #tpu.memory_space<vmem>> -> memref<16x128xf32, #tpu.memory_space<vmem>>
      %dma_start3A_71 = arith.constant 0 : i32
      %dma_start3A_72 = arith.constant 0 : i32
      %dma_start3A_73 = tpu.memref_slice %arg2[%dma_start3A_71, %dma_start3A_72] : memref<10000x128xf32, #tpu.memory_space<hbm>> -> memref<10000x128xf32, #tpu.memory_space<hbm>>
      tpu.enqueue_indirect_dma source(%dma_start3A_73 : memref<10000x128xf32, #tpu.memory_space<hbm>>) target(%dma_start3A_70 : memref<16x128xf32, #tpu.memory_space<vmem>>) offsets(%get3A_67 : vector<16xi32>) semaphore(%arg9 : memref<!tpu.dma_semaphore, #tpu.memory_space<semaphore_mem>>)
      %get3A_74 = arith.constant 0 : i32
      %get3A_75 = arith.index_cast %get3A_74 : i32 to index
      %get3A_76 = arith.constant 96 : index
      %get3A_77 = tpu.vector_load %arg6[%get3A_75, %get3A_76] {strides = array<i32>} : memref<2x160xi32, #tpu.memory_space<vmem>>, vector<1x16xi32>,
      %get3A_78 = vector.shape_cast %get3A_77 : vector<1x16xi32> to vector<16xi32>
      %dma_start3A_79 = arith.constant 96 : i32
      %dma_start3A_80 = arith.constant 0 : i32
      %dma_start3A_81 = tpu.memref_slice %arg7[%dma_start3A_79, %dma_start3A_80] : memref<160x128xf32, #tpu.memory_space<vmem>> -> memref<16x128xf32, #tpu.memory_space<vmem>>
      %dma_start3A_82 = arith.constant 0 : i32
      %dma_start3A_83 = arith.constant 0 : i32
      %dma_start3A_84 = tpu.memref_slice %arg2[%dma_start3A_82, %dma_start3A_83] : memref<10000x128xf32, #tpu.memory_space<hbm>> -> memref<10000x128xf32, #tpu.memory_space<hbm>>
      tpu.enqueue_indirect_dma source(%dma_start3A_84 : memref<10000x128xf32, #tpu.memory_space<hbm>>) target(%dma_start3A_81 : memref<16x128xf32, #tpu.memory_space<vmem>>) offsets(%get3A_78 : vector<16xi32>) semaphore(%arg9 : memref<!tpu.dma_semaphore, #tpu.memory_space<semaphore_mem>>)
      %get3A_85 = arith.constant 0 : i32
      %get3A_86 = arith.index_cast %get3A_85 : i32 to index
      %get3A_87 = arith.constant 112 : index
      %get3A_88 = tpu.vector_load %arg6[%get3A_86, %get3A_87] {strides = array<i32>} : memref<2x160xi32, #tpu.memory_space<vmem>>, vector<1x16xi32>,
      %get3A_89 = vector.shape_cast %get3A_88 : vector<1x16xi32> to vector<16xi32>
      %dma_start3A_90 = arith.constant 112 : i32
      %dma_start3A_91 = arith.constant 0 : i32
      %dma_start3A_92 = tpu.memref_slice %arg7[%dma_start3A_90, %dma_start3A_91] : memref<160x128xf32, #tpu.memory_space<vmem>> -> memref<16x128xf32, #tpu.memory_space<vmem>>
      %dma_start3A_93 = arith.constant 0 : i32
      %dma_start3A_94 = arith.constant 0 : i32
      %dma_start3A_95 = tpu.memref_slice %arg2[%dma_start3A_93, %dma_start3A_94] : memref<10000x128xf32, #tpu.memory_space<hbm>> -> memref<10000x128xf32, #tpu.memory_space<hbm>>
      tpu.enqueue_indirect_dma source(%dma_start3A_95 : memref<10000x128xf32, #tpu.memory_space<hbm>>) target(%dma_start3A_92 : memref<16x128xf32, #tpu.memory_space<vmem>>) offsets(%get3A_89 : vector<16xi32>) semaphore(%arg9 : memref<!tpu.dma_semaphore, #tpu.memory_space<semaphore_mem>>)
      %get3A_96 = arith.constant 0 : i32
      %get3A_97 = arith.index_cast %get3A_96 : i32 to index
      %get3A_98 = arith.constant 128 : index
      %get3A_99 = tpu.vector_load %arg6[%get3A_97, %get3A_98] {strides = array<i32>} : memref<2x160xi32, #tpu.memory_space<vmem>>, vector<1x16xi32>,
      %get3A_100 = vector.shape_cast %get3A_99 : vector<1x16xi32> to vector<16xi32>
      %dma_start3A_101 = arith.constant 128 : i32
      %dma_start3A_102 = arith.constant 0 : i32
      %dma_start3A_103 = tpu.memref_slice %arg7[%dma_start3A_101, %dma_start3A_102] : memref<160x128xf32, #tpu.memory_space<vmem>> -> memref<16x128xf32, #tpu.memory_space<vmem>>
      %dma_start3A_104 = arith.constant 0 : i32
      %dma_start3A_105 = arith.constant 0 : i32
      %dma_start3A_106 = tpu.memref_slice %arg2[%dma_start3A_104, %dma_start3A_105] : memref<10000x128xf32, #tpu.memory_space<hbm>> -> memref<10000x128xf32, #tpu.memory_space<hbm>>
      tpu.enqueue_indirect_dma source(%dma_start3A_106 : memref<10000x128xf32, #tpu.memory_space<hbm>>) target(%dma_start3A_103 : memref<16x128xf32, #tpu.memory_space<vmem>>) offsets(%get3A_100 : vector<16xi32>) semaphore(%arg9 : memref<!tpu.dma_semaphore, #tpu.memory_space<semaphore_mem>>)
      %get3A_107 = arith.constant 0 : i32
      %get3A_108 = arith.index_cast %get3A_107 : i32 to index
      %get3A_109 = arith.constant 144 : index
      %get3A_110 = tpu.vector_load %arg6[%get3A_108, %get3A_109] {strides = array<i32>} : memref<2x160xi32, #tpu.memory_space<vmem>>, vector<1x16xi32>,
      %get3A_111 = vector.shape_cast %get3A_110 : vector<1x16xi32> to vector<16xi32>
      %dma_start3A_112 = arith.constant 144 : i32
      %dma_start3A_113 = arith.constant 0 : i32
      %dma_start3A_114 = tpu.memref_slice %arg7[%dma_start3A_112, %dma_start3A_113] : memref<160x128xf32, #tpu.memory_space<vmem>> -> memref<16x128xf32, #tpu.memory_space<vmem>>
      %dma_start3A_115 = arith.constant 0 : i32
      %dma_start3A_116 = arith.constant 0 : i32
      %dma_start3A_117 = tpu.memref_slice %arg2[%dma_start3A_115, %dma_start3A_116] : memref<10000x128xf32, #tpu.memory_space<hbm>> -> memref<10000x128xf32, #tpu.memory_space<hbm>>
      tpu.enqueue_indirect_dma source(%dma_start3A_117 : memref<10000x128xf32, #tpu.memory_space<hbm>>) target(%dma_start3A_114 : memref<16x128xf32, #tpu.memory_space<vmem>>) offsets(%get3A_111 : vector<16xi32>) semaphore(%arg9 : memref<!tpu.dma_semaphore, #tpu.memory_space<semaphore_mem>>)
      %dma_wait3A = arith.constant 0 : i32
      %dma_wait3A_118 = arith.constant 0 : i32
      %dma_wait3A_119 = tpu.memref_slice %arg7[%dma_wait3A, %dma_wait3A_118] : memref<160x128xf32, #tpu.memory_space<vmem>> -> memref<16x128xf32, #tpu.memory_space<vmem>>
      %dma_wait3A_120 = arith.constant 0 : i32
      %dma_wait3A_121 = arith.constant 0 : i32
      %dma_wait3A_122 = tpu.memref_slice %arg2[%dma_wait3A_120, %dma_wait3A_121] : memref<10000x128xf32, #tpu.memory_space<hbm>> -> memref<10000x128xf32, #tpu.memory_space<hbm>>
      tpu.wait_indirect_dma semaphore(%arg9 : memref<!tpu.dma_semaphore, #tpu.memory_space<semaphore_mem>>) src(%dma_wait3A_122 : memref<10000x128xf32, #tpu.memory_space<hbm>>) dst(%dma_wait3A_119 : memref<16x128xf32, #tpu.memory_space<vmem>>)
      %get3A_123 = arith.constant 1 : i32
      %get3A_124 = arith.index_cast %get3A_123 : i32 to index
      %get3A_125 = arith.constant 0 : index
      %get3A_126 = tpu.vector_load %arg6[%get3A_124, %get3A_125] {strides = array<i32>} : memref<2x160xi32, #tpu.memory_space<vmem>>, vector<1x16xi32>,
      %get3A_127 = vector.shape_cast %get3A_126 : vector<1x16xi32> to vector<16xi32>
      %dma_start3A_128 = arith.constant 0 : i32
      %dma_start3A_129 = arith.constant 0 : i32
      %dma_start3A_130 = tpu.memref_slice %arg7[%dma_start3A_128, %dma_start3A_129] : memref<160x128xf32, #tpu.memory_space<vmem>> -> memref<16x128xf32, #tpu.memory_space<vmem>>
      %dma_start3A_131 = arith.constant 0 : i32
      %dma_start3A_132 = arith.constant 0 : i32
      %dma_start3A_133 = tpu.memref_slice %arg8[%dma_start3A_131, %dma_start3A_132] : memref<10112x128xf32, #tpu.memory_space<vmem_shared>> -> memref<10112x128xf32, #tpu.memory_space<vmem_shared>>
      tpu.enqueue_indirect_dma source(%dma_start3A_130 : memref<16x128xf32, #tpu.memory_space<vmem>>) target(%dma_start3A_133 : memref<10112x128xf32, #tpu.memory_space<vmem_shared>>) offsets(%get3A_127 : vector<16xi32>) semaphore(%arg10 : memref<!tpu.dma_semaphore, #tpu.memory_space<semaphore_mem>>) {add = true}
      %dma_wait3A_134 = arith.constant 16 : i32
      %dma_wait3A_135 = arith.constant 0 : i32
      %dma_wait3A_136 = tpu.memref_slice %arg7[%dma_wait3A_134, %dma_wait3A_135] : memref<160x128xf32, #tpu.memory_space<vmem>> -> memref<16x128xf32, #tpu.memory_space<vmem>>
      %dma_wait3A_137 = arith.constant 0 : i32
      %dma_wait3A_138 = arith.constant 0 : i32
      %dma_wait3A_139 = tpu.memref_slice %arg2[%dma_wait3A_137, %dma_wait3A_138] : memref<10000x128xf32, #tpu.memory_space<hbm>> -> memref<10000x128xf32, #tpu.memory_space<hbm>>
      tpu.wait_indirect_dma semaphore(%arg9 : memref<!tpu.dma_semaphore, #tpu.memory_space<semaphore_mem>>) src(%dma_wait3A_139 : memref<10000x128xf32, #tpu.memory_space<hbm>>) dst(%dma_wait3A_136 : memref<16x128xf32, #tpu.memory_space<vmem>>)
      %get3A_140 = arith.constant 1 : i32
      %get3A_141 = arith.index_cast %get3A_140 : i32 to index
      %get3A_142 = arith.constant 16 : index
      %get3A_143 = tpu.vector_load %arg6[%get3A_141, %get3A_142] {strides = array<i32>} : memref<2x160xi32, #tpu.memory_space<vmem>>, vector<1x16xi32>,
      %get3A_144 = vector.shape_cast %get3A_143 : vector<1x16xi32> to vector<16xi32>
      %dma_start3A_145 = arith.constant 16 : i32
      %dma_start3A_146 = arith.constant 0 : i32
      %dma_start3A_147 = tpu.memref_slice %arg7[%dma_start3A_145, %dma_start3A_146] : memref<160x128xf32, #tpu.memory_space<vmem>> -> memref<16x128xf32, #tpu.memory_space<vmem>>
      %dma_start3A_148 = arith.constant 0 : i32
      %dma_start3A_149 = arith.constant 0 : i32
      %dma_start3A_150 = tpu.memref_slice %arg8[%dma_start3A_148, %dma_start3A_149] : memref<10112x128xf32, #tpu.memory_space<vmem_shared>> -> memref<10112x128xf32, #tpu.memory_space<vmem_shared>>
      tpu.enqueue_indirect_dma source(%dma_start3A_147 : memref<16x128xf32, #tpu.memory_space<vmem>>) target(%dma_start3A_150 : memref<10112x128xf32, #tpu.memory_space<vmem_shared>>) offsets(%get3A_144 : vector<16xi32>) semaphore(%arg10 : memref<!tpu.dma_semaphore, #tpu.memory_space<semaphore_mem>>) {add = true}
      %dma_wait3A_151 = arith.constant 32 : i32
      %dma_wait3A_152 = arith.constant 0 : i32
      %dma_wait3A_153 = tpu.memref_slice %arg7[%dma_wait3A_151, %dma_wait3A_152] : memref<160x128xf32, #tpu.memory_space<vmem>> -> memref<16x128xf32, #tpu.memory_space<vmem>>
      %dma_wait3A_154 = arith.constant 0 : i32
      %dma_wait3A_155 = arith.constant 0 : i32
      %dma_wait3A_156 = tpu.memref_slice %arg2[%dma_wait3A_154, %dma_wait3A_155] : memref<10000x128xf32, #tpu.memory_space<hbm>> -> memref<10000x128xf32, #tpu.memory_space<hbm>>
      tpu.wait_indirect_dma semaphore(%arg9 : memref<!tpu.dma_semaphore, #tpu.memory_space<semaphore_mem>>) src(%dma_wait3A_156 : memref<10000x128xf32, #tpu.memory_space<hbm>>) dst(%dma_wait3A_153 : memref<16x128xf32, #tpu.memory_space<vmem>>)
      %get3A_157 = arith.constant 1 : i32
      %get3A_158 = arith.index_cast %get3A_157 : i32 to index
      %get3A_159 = arith.constant 32 : index
      %get3A_160 = tpu.vector_load %arg6[%get3A_158, %get3A_159] {strides = array<i32>} : memref<2x160xi32, #tpu.memory_space<vmem>>, vector<1x16xi32>,
      %get3A_161 = vector.shape_cast %get3A_160 : vector<1x16xi32> to vector<16xi32>
      %dma_start3A_162 = arith.constant 32 : i32
      %dma_start3A_163 = arith.constant 0 : i32
      %dma_start3A_164 = tpu.memref_slice %arg7[%dma_start3A_162, %dma_start3A_163] : memref<160x128xf32, #tpu.memory_space<vmem>> -> memref<16x128xf32, #tpu.memory_space<vmem>>
      %dma_start3A_165 = arith.constant 0 : i32
      %dma_start3A_166 = arith.constant 0 : i32
      %dma_start3A_167 = tpu.memref_slice %arg8[%dma_start3A_165, %dma_start3A_166] : memref<10112x128xf32, #tpu.memory_space<vmem_shared>> -> memref<10112x128xf32, #tpu.memory_space<vmem_shared>>
      tpu.enqueue_indirect_dma source(%dma_start3A_164 : memref<16x128xf32, #tpu.memory_space<vmem>>) target(%dma_start3A_167 : memref<10112x128xf32, #tpu.memory_space<vmem_shared>>) offsets(%get3A_161 : vector<16xi32>) semaphore(%arg10 : memref<!tpu.dma_semaphore, #tpu.memory_space<semaphore_mem>>) {add = true}
      %dma_wait3A_168 = arith.constant 48 : i32
      %dma_wait3A_169 = arith.constant 0 : i32
      %dma_wait3A_170 = tpu.memref_slice %arg7[%dma_wait3A_168, %dma_wait3A_169] : memref<160x128xf32, #tpu.memory_space<vmem>> -> memref<16x128xf32, #tpu.memory_space<vmem>>
      %dma_wait3A_171 = arith.constant 0 : i32
      %dma_wait3A_172 = arith.constant 0 : i32
      %dma_wait3A_173 = tpu.memref_slice %arg2[%dma_wait3A_171, %dma_wait3A_172] : memref<10000x128xf32, #tpu.memory_space<hbm>> -> memref<10000x128xf32, #tpu.memory_space<hbm>>
      tpu.wait_indirect_dma semaphore(%arg9 : memref<!tpu.dma_semaphore, #tpu.memory_space<semaphore_mem>>) src(%dma_wait3A_173 : memref<10000x128xf32, #tpu.memory_space<hbm>>) dst(%dma_wait3A_170 : memref<16x128xf32, #tpu.memory_space<vmem>>)
      %get3A_174 = arith.constant 1 : i32
      %get3A_175 = arith.index_cast %get3A_174 : i32 to index
      %get3A_176 = arith.constant 48 : index
      %get3A_177 = tpu.vector_load %arg6[%get3A_175, %get3A_176] {strides = array<i32>} : memref<2x160xi32, #tpu.memory_space<vmem>>, vector<1x16xi32>,
      %get3A_178 = vector.shape_cast %get3A_177 : vector<1x16xi32> to vector<16xi32>
      %dma_start3A_179 = arith.constant 48 : i32
      %dma_start3A_180 = arith.constant 0 : i32
      %dma_start3A_181 = tpu.memref_slice %arg7[%dma_start3A_179, %dma_start3A_180] : memref<160x128xf32, #tpu.memory_space<vmem>> -> memref<16x128xf32, #tpu.memory_space<vmem>>
      %dma_start3A_182 = arith.constant 0 : i32
      %dma_start3A_183 = arith.constant 0 : i32
      %dma_start3A_184 = tpu.memref_slice %arg8[%dma_start3A_182, %dma_start3A_183] : memref<10112x128xf32, #tpu.memory_space<vmem_shared>> -> memref<10112x128xf32, #tpu.memory_space<vmem_shared>>
      tpu.enqueue_indirect_dma source(%dma_start3A_181 : memref<16x128xf32, #tpu.memory_space<vmem>>) target(%dma_start3A_184 : memref<10112x128xf32, #tpu.memory_space<vmem_shared>>) offsets(%get3A_178 : vector<16xi32>) semaphore(%arg10 : memref<!tpu.dma_semaphore, #tpu.memory_space<semaphore_mem>>) {add = true}
      %dma_wait3A_185 = arith.constant 64 : i32
      %dma_wait3A_186 = arith.constant 0 : i32
      %dma_wait3A_187 = tpu.memref_slice %arg7[%dma_wait3A_185, %dma_wait3A_186] : memref<160x128xf32, #tpu.memory_space<vmem>> -> memref<16x128xf32, #tpu.memory_space<vmem>>
      %dma_wait3A_188 = arith.constant 0 : i32
      %dma_wait3A_189 = arith.constant 0 : i32
      %dma_wait3A_190 = tpu.memref_slice %arg2[%dma_wait3A_188, %dma_wait3A_189] : memref<10000x128xf32, #tpu.memory_space<hbm>> -> memref<10000x128xf32, #tpu.memory_space<hbm>>
      tpu.wait_indirect_dma semaphore(%arg9 : memref<!tpu.dma_semaphore, #tpu.memory_space<semaphore_mem>>) src(%dma_wait3A_190 : memref<10000x128xf32, #tpu.memory_space<hbm>>) dst(%dma_wait3A_187 : memref<16x128xf32, #tpu.memory_space<vmem>>)
      %get3A_191 = arith.constant 1 : i32
      %get3A_192 = arith.index_cast %get3A_191 : i32 to index
      %get3A_193 = arith.constant 64 : index
      %get3A_194 = tpu.vector_load %arg6[%get3A_192, %get3A_193] {strides = array<i32>} : memref<2x160xi32, #tpu.memory_space<vmem>>, vector<1x16xi32>,
      %get3A_195 = vector.shape_cast %get3A_194 : vector<1x16xi32> to vector<16xi32>
      %dma_start3A_196 = arith.constant 64 : i32
      %dma_start3A_197 = arith.constant 0 : i32
      %dma_start3A_198 = tpu.memref_slice %arg7[%dma_start3A_196, %dma_start3A_197] : memref<160x128xf32, #tpu.memory_space<vmem>> -> memref<16x128xf32, #tpu.memory_space<vmem>>
      %dma_start3A_199 = arith.constant 0 : i32
      %dma_start3A_200 = arith.constant 0 : i32
      %dma_start3A_201 = tpu.memref_slice %arg8[%dma_start3A_199, %dma_start3A_200] : memref<10112x128xf32, #tpu.memory_space<vmem_shared>> -> memref<10112x128xf32, #tpu.memory_space<vmem_shared>>
      tpu.enqueue_indirect_dma source(%dma_start3A_198 : memref<16x128xf32, #tpu.memory_space<vmem>>) target(%dma_start3A_201 : memref<10112x128xf32, #tpu.memory_space<vmem_shared>>) offsets(%get3A_195 : vector<16xi32>) semaphore(%arg10 : memref<!tpu.dma_semaphore, #tpu.memory_space<semaphore_mem>>) {add = true}
      %dma_wait3A_202 = arith.constant 80 : i32
      %dma_wait3A_203 = arith.constant 0 : i32
      %dma_wait3A_204 = tpu.memref_slice %arg7[%dma_wait3A_202, %dma_wait3A_203] : memref<160x128xf32, #tpu.memory_space<vmem>> -> memref<16x128xf32, #tpu.memory_space<vmem>>
      %dma_wait3A_205 = arith.constant 0 : i32
      %dma_wait3A_206 = arith.constant 0 : i32
      %dma_wait3A_207 = tpu.memref_slice %arg2[%dma_wait3A_205, %dma_wait3A_206] : memref<10000x128xf32, #tpu.memory_space<hbm>> -> memref<10000x128xf32, #tpu.memory_space<hbm>>
      tpu.wait_indirect_dma semaphore(%arg9 : memref<!tpu.dma_semaphore, #tpu.memory_space<semaphore_mem>>) src(%dma_wait3A_207 : memref<10000x128xf32, #tpu.memory_space<hbm>>) dst(%dma_wait3A_204 : memref<16x128xf32, #tpu.memory_space<vmem>>)
      %get3A_208 = arith.constant 1 : i32
      %get3A_209 = arith.index_cast %get3A_208 : i32 to index
      %get3A_210 = arith.constant 80 : index
      %get3A_211 = tpu.vector_load %arg6[%get3A_209, %get3A_210] {strides = array<i32>} : memref<2x160xi32, #tpu.memory_space<vmem>>, vector<1x16xi32>,
      %get3A_212 = vector.shape_cast %get3A_211 : vector<1x16xi32> to vector<16xi32>
      %dma_start3A_213 = arith.constant 80 : i32
      %dma_start3A_214 = arith.constant 0 : i32
      %dma_start3A_215 = tpu.memref_slice %arg7[%dma_start3A_213, %dma_start3A_214] : memref<160x128xf32, #tpu.memory_space<vmem>> -> memref<16x128xf32, #tpu.memory_space<vmem>>
      %dma_start3A_216 = arith.constant 0 : i32
      %dma_start3A_217 = arith.constant 0 : i32
      %dma_start3A_218 = tpu.memref_slice %arg8[%dma_start3A_216, %dma_start3A_217] : memref<10112x128xf32, #tpu.memory_space<vmem_shared>> -> memref<10112x128xf32, #tpu.memory_space<vmem_shared>>
      tpu.enqueue_indirect_dma source(%dma_start3A_215 : memref<16x128xf32, #tpu.memory_space<vmem>>) target(%dma_start3A_218 : memref<10112x128xf32, #tpu.memory_space<vmem_shared>>) offsets(%get3A_212 : vector<16xi32>) semaphore(%arg10 : memref<!tpu.dma_semaphore, #tpu.memory_space<semaphore_mem>>) {add = true}
      %dma_wait3A_219 = arith.constant 96 : i32
      %dma_wait3A_220 = arith.constant 0 : i32
      %dma_wait3A_221 = tpu.memref_slice %arg7[%dma_wait3A_219, %dma_wait3A_220] : memref<160x128xf32, #tpu.memory_space<vmem>> -> memref<16x128xf32, #tpu.memory_space<vmem>>
      %dma_wait3A_222 = arith.constant 0 : i32
      %dma_wait3A_223 = arith.constant 0 : i32
      %dma_wait3A_224 = tpu.memref_slice %arg2[%dma_wait3A_222, %dma_wait3A_223] : memref<10000x128xf32, #tpu.memory_space<hbm>> -> memref<10000x128xf32, #tpu.memory_space<hbm>>
      tpu.wait_indirect_dma semaphore(%arg9 : memref<!tpu.dma_semaphore, #tpu.memory_space<semaphore_mem>>) src(%dma_wait3A_224 : memref<10000x128xf32, #tpu.memory_space<hbm>>) dst(%dma_wait3A_221 : memref<16x128xf32, #tpu.memory_space<vmem>>)
      %get3A_225 = arith.constant 1 : i32
      %get3A_226 = arith.index_cast %get3A_225 : i32 to index
      %get3A_227 = arith.constant 96 : index
      %get3A_228 = tpu.vector_load %arg6[%get3A_226, %get3A_227] {strides = array<i32>} : memref<2x160xi32, #tpu.memory_space<vmem>>, vector<1x16xi32>,
      %get3A_229 = vector.shape_cast %get3A_228 : vector<1x16xi32> to vector<16xi32>
      %dma_start3A_230 = arith.constant 96 : i32
      %dma_start3A_231 = arith.constant 0 : i32
      %dma_start3A_232 = tpu.memref_slice %arg7[%dma_start3A_230, %dma_start3A_231] : memref<160x128xf32, #tpu.memory_space<vmem>> -> memref<16x128xf32, #tpu.memory_space<vmem>>
      %dma_start3A_233 = arith.constant 0 : i32
      %dma_start3A_234 = arith.constant 0 : i32
      %dma_start3A_235 = tpu.memref_slice %arg8[%dma_start3A_233, %dma_start3A_234] : memref<10112x128xf32, #tpu.memory_space<vmem_shared>> -> memref<10112x128xf32, #tpu.memory_space<vmem_shared>>
      tpu.enqueue_indirect_dma source(%dma_start3A_232 : memref<16x128xf32, #tpu.memory_space<vmem>>) target(%dma_start3A_235 : memref<10112x128xf32, #tpu.memory_space<vmem_shared>>) offsets(%get3A_229 : vector<16xi32>) semaphore(%arg10 : memref<!tpu.dma_semaphore, #tpu.memory_space<semaphore_mem>>) {add = true}
      %dma_wait3A_236 = arith.constant 112 : i32
      %dma_wait3A_237 = arith.constant 0 : i32
      %dma_wait3A_238 = tpu.memref_slice %arg7[%dma_wait3A_236, %dma_wait3A_237] : memref<160x128xf32, #tpu.memory_space<vmem>> -> memref<16x128xf32, #tpu.memory_space<vmem>>
      %dma_wait3A_239 = arith.constant 0 : i32
      %dma_wait3A_240 = arith.constant 0 : i32
      %dma_wait3A_241 = tpu.memref_slice %arg2[%dma_wait3A_239, %dma_wait3A_240] : memref<10000x128xf32, #tpu.memory_space<hbm>> -> memref<10000x128xf32, #tpu.memory_space<hbm>>
      tpu.wait_indirect_dma semaphore(%arg9 : memref<!tpu.dma_semaphore, #tpu.memory_space<semaphore_mem>>) src(%dma_wait3A_241 : memref<10000x128xf32, #tpu.memory_space<hbm>>) dst(%dma_wait3A_238 : memref<16x128xf32, #tpu.memory_space<vmem>>)
      %get3A_242 = arith.constant 1 : i32
      %get3A_243 = arith.index_cast %get3A_242 : i32 to index
      %get3A_244 = arith.constant 112 : index
      %get3A_245 = tpu.vector_load %arg6[%get3A_243, %get3A_244] {strides = array<i32>} : memref<2x160xi32, #tpu.memory_space<vmem>>, vector<1x16xi32>,
      %get3A_246 = vector.shape_cast %get3A_245 : vector<1x16xi32> to vector<16xi32>
      %dma_start3A_247 = arith.constant 112 : i32
      %dma_start3A_248 = arith.constant 0 : i32
      %dma_start3A_249 = tpu.memref_slice %arg7[%dma_start3A_247, %dma_start3A_248] : memref<160x128xf32, #tpu.memory_space<vmem>> -> memref<16x128xf32, #tpu.memory_space<vmem>>
      %dma_start3A_250 = arith.constant 0 : i32
      %dma_start3A_251 = arith.constant 0 : i32
      %dma_start3A_252 = tpu.memref_slice %arg8[%dma_start3A_250, %dma_start3A_251] : memref<10112x128xf32, #tpu.memory_space<vmem_shared>> -> memref<10112x128xf32, #tpu.memory_space<vmem_shared>>
      tpu.enqueue_indirect_dma source(%dma_start3A_249 : memref<16x128xf32, #tpu.memory_space<vmem>>) target(%dma_start3A_252 : memref<10112x128xf32, #tpu.memory_space<vmem_shared>>) offsets(%get3A_246 : vector<16xi32>) semaphore(%arg10 : memref<!tpu.dma_semaphore, #tpu.memory_space<semaphore_mem>>) {add = true}
      %dma_wait3A_253 = arith.constant 128 : i32
      %dma_wait3A_254 = arith.constant 0 : i32
      %dma_wait3A_255 = tpu.memref_slice %arg7[%dma_wait3A_253, %dma_wait3A_254] : memref<160x128xf32, #tpu.memory_space<vmem>> -> memref<16x128xf32, #tpu.memory_space<vmem>>
      %dma_wait3A_256 = arith.constant 0 : i32
      %dma_wait3A_257 = arith.constant 0 : i32
      %dma_wait3A_258 = tpu.memref_slice %arg2[%dma_wait3A_256, %dma_wait3A_257] : memref<10000x128xf32, #tpu.memory_space<hbm>> -> memref<10000x128xf32, #tpu.memory_space<hbm>>
      tpu.wait_indirect_dma semaphore(%arg9 : memref<!tpu.dma_semaphore, #tpu.memory_space<semaphore_mem>>) src(%dma_wait3A_258 : memref<10000x128xf32, #tpu.memory_space<hbm>>) dst(%dma_wait3A_255 : memref<16x128xf32, #tpu.memory_space<vmem>>)
      %get3A_259 = arith.constant 1 : i32
      %get3A_260 = arith.index_cast %get3A_259 : i32 to index
      %get3A_261 = arith.constant 128 : index
      %get3A_262 = tpu.vector_load %arg6[%get3A_260, %get3A_261] {strides = array<i32>} : memref<2x160xi32, #tpu.memory_space<vmem>>, vector<1x16xi32>,
      %get3A_263 = vector.shape_cast %get3A_262 : vector<1x16xi32> to vector<16xi32>
      %dma_start3A_264 = arith.constant 128 : i32
      %dma_start3A_265 = arith.constant 0 : i32
      %dma_start3A_266 = tpu.memref_slice %arg7[%dma_start3A_264, %dma_start3A_265] : memref<160x128xf32, #tpu.memory_space<vmem>> -> memref<16x128xf32, #tpu.memory_space<vmem>>
      %dma_start3A_267 = arith.constant 0 : i32
      %dma_start3A_268 = arith.constant 0 : i32
      %dma_start3A_269 = tpu.memref_slice %arg8[%dma_start3A_267, %dma_start3A_268] : memref<10112x128xf32, #tpu.memory_space<vmem_shared>> -> memref<10112x128xf32, #tpu.memory_space<vmem_shared>>
      tpu.enqueue_indirect_dma source(%dma_start3A_266 : memref<16x128xf32, #tpu.memory_space<vmem>>) target(%dma_start3A_269 : memref<10112x128xf32, #tpu.memory_space<vmem_shared>>) offsets(%get3A_263 : vector<16xi32>) semaphore(%arg10 : memref<!tpu.dma_semaphore, #tpu.memory_space<semaphore_mem>>) {add = true}
      %dma_wait3A_270 = arith.constant 144 : i32
      %dma_wait3A_271 = arith.constant 0 : i32
      %dma_wait3A_272 = tpu.memref_slice %arg7[%dma_wait3A_270, %dma_wait3A_271] : memref<160x128xf32, #tpu.memory_space<vmem>> -> memref<16x128xf32, #tpu.memory_space<vmem>>
      %dma_wait3A_273 = arith.constant 0 : i32
      %dma_wait3A_274 = arith.constant 0 : i32
      %dma_wait3A_275 = tpu.memref_slice %arg2[%dma_wait3A_273, %dma_wait3A_274] : memref<10000x128xf32, #tpu.memory_space<hbm>> -> memref<10000x128xf32, #tpu.memory_space<hbm>>
      tpu.wait_indirect_dma semaphore(%arg9 : memref<!tpu.dma_semaphore, #tpu.memory_space<semaphore_mem>>) src(%dma_wait3A_275 : memref<10000x128xf32, #tpu.memory_space<hbm>>) dst(%dma_wait3A_272 : memref<16x128xf32, #tpu.memory_space<vmem>>)
      %get3A_276 = arith.constant 1 : i32
      %get3A_277 = arith.index_cast %get3A_276 : i32 to index
      %get3A_278 = arith.constant 144 : index
      %get3A_279 = tpu.vector_load %arg6[%get3A_277, %get3A_278] {strides = array<i32>} : memref<2x160xi32, #tpu.memory_space<vmem>>, vector<1x16xi32>,
      %get3A_280 = vector.shape_cast %get3A_279 : vector<1x16xi32> to vector<16xi32>
      %dma_start3A_281 = arith.constant 144 : i32
      %dma_start3A_282 = arith.constant 0 : i32
      %dma_start3A_283 = tpu.memref_slice %arg7[%dma_start3A_281, %dma_start3A_282] : memref<160x128xf32, #tpu.memory_space<vmem>> -> memref<16x128xf32, #tpu.memory_space<vmem>>
      %dma_start3A_284 = arith.constant 0 : i32
      %dma_start3A_285 = arith.constant 0 : i32
      %dma_start3A_286 = tpu.memref_slice %arg8[%dma_start3A_284, %dma_start3A_285] : memref<10112x128xf32, #tpu.memory_space<vmem_shared>> -> memref<10112x128xf32, #tpu.memory_space<vmem_shared>>
      tpu.enqueue_indirect_dma source(%dma_start3A_283 : memref<16x128xf32, #tpu.memory_space<vmem>>) target(%dma_start3A_286 : memref<10112x128xf32, #tpu.memory_space<vmem_shared>>) offsets(%get3A_280 : vector<16xi32>) semaphore(%arg10 : memref<!tpu.dma_semaphore, #tpu.memory_space<semaphore_mem>>) {add = true}
      %dma_wait3A_287 = arith.constant 0 : i32
      %dma_wait3A_288 = arith.constant 0 : i32
      %dma_wait3A_289 = tpu.memref_slice %arg7[%dma_wait3A_287, %dma_wait3A_288] : memref<160x128xf32, #tpu.memory_space<vmem>> -> memref<16x128xf32, #tpu.memory_space<vmem>>
      %dma_wait3A_290 = arith.constant 0 : i32
      %dma_wait3A_291 = arith.constant 0 : i32
      %dma_wait3A_292 = tpu.memref_slice %arg8[%dma_wait3A_290, %dma_wait3A_291] : memref<10112x128xf32, #tpu.memory_space<vmem_shared>> -> memref<10112x128xf32, #tpu.memory_space<vmem_shared>>
      tpu.wait_indirect_dma semaphore(%arg10 : memref<!tpu.dma_semaphore, #tpu.memory_space<semaphore_mem>>) src(%dma_wait3A_289 : memref<16x128xf32, #tpu.memory_space<vmem>>) dst(%dma_wait3A_292 : memref<10112x128xf32, #tpu.memory_space<vmem_shared>>)
      %dma_wait3A_293 = arith.constant 16 : i32
      %dma_wait3A_294 = arith.constant 0 : i32
      %dma_wait3A_295 = tpu.memref_slice %arg7[%dma_wait3A_293, %dma_wait3A_294] : memref<160x128xf32, #tpu.memory_space<vmem>> -> memref<16x128xf32, #tpu.memory_space<vmem>>
      %dma_wait3A_296 = arith.constant 0 : i32
      %dma_wait3A_297 = arith.constant 0 : i32
      %dma_wait3A_298 = tpu.memref_slice %arg8[%dma_wait3A_296, %dma_wait3A_297] : memref<10112x128xf32, #tpu.memory_space<vmem_shared>> -> memref<10112x128xf32, #tpu.memory_space<vmem_shared>>
      tpu.wait_indirect_dma semaphore(%arg10 : memref<!tpu.dma_semaphore, #tpu.memory_space<semaphore_mem>>) src(%dma_wait3A_295 : memref<16x128xf32, #tpu.memory_space<vmem>>) dst(%dma_wait3A_298 : memref<10112x128xf32, #tpu.memory_space<vmem_shared>>)
      %dma_wait3A_299 = arith.constant 32 : i32
      %dma_wait3A_300 = arith.constant 0 : i32
      %dma_wait3A_301 = tpu.memref_slice %arg7[%dma_wait3A_299, %dma_wait3A_300] : memref<160x128xf32, #tpu.memory_space<vmem>> -> memref<16x128xf32, #tpu.memory_space<vmem>>
      %dma_wait3A_302 = arith.constant 0 : i32
      %dma_wait3A_303 = arith.constant 0 : i32
      %dma_wait3A_304 = tpu.memref_slice %arg8[%dma_wait3A_302, %dma_wait3A_303] : memref<10112x128xf32, #tpu.memory_space<vmem_shared>> -> memref<10112x128xf32, #tpu.memory_space<vmem_shared>>
      tpu.wait_indirect_dma semaphore(%arg10 : memref<!tpu.dma_semaphore, #tpu.memory_space<semaphore_mem>>) src(%dma_wait3A_301 : memref<16x128xf32, #tpu.memory_space<vmem>>) dst(%dma_wait3A_304 : memref<10112x128xf32, #tpu.memory_space<vmem_shared>>)
      %dma_wait3A_305 = arith.constant 48 : i32
      %dma_wait3A_306 = arith.constant 0 : i32
      %dma_wait3A_307 = tpu.memref_slice %arg7[%dma_wait3A_305, %dma_wait3A_306] : memref<160x128xf32, #tpu.memory_space<vmem>> -> memref<16x128xf32, #tpu.memory_space<vmem>>
      %dma_wait3A_308 = arith.constant 0 : i32
      %dma_wait3A_309 = arith.constant 0 : i32
      %dma_wait3A_310 = tpu.memref_slice %arg8[%dma_wait3A_308, %dma_wait3A_309] : memref<10112x128xf32, #tpu.memory_space<vmem_shared>> -> memref<10112x128xf32, #tpu.memory_space<vmem_shared>>
      tpu.wait_indirect_dma semaphore(%arg10 : memref<!tpu.dma_semaphore, #tpu.memory_space<semaphore_mem>>) src(%dma_wait3A_307 : memref<16x128xf32, #tpu.memory_space<vmem>>) dst(%dma_wait3A_310 : memref<10112x128xf32, #tpu.memory_space<vmem_shared>>)
      %dma_wait3A_311 = arith.constant 64 : i32
      %dma_wait3A_312 = arith.constant 0 : i32
      %dma_wait3A_313 = tpu.memref_slice %arg7[%dma_wait3A_311, %dma_wait3A_312] : memref<160x128xf32, #tpu.memory_space<vmem>> -> memref<16x128xf32, #tpu.memory_space<vmem>>
      %dma_wait3A_314 = arith.constant 0 : i32
      %dma_wait3A_315 = arith.constant 0 : i32
      %dma_wait3A_316 = tpu.memref_slice %arg8[%dma_wait3A_314, %dma_wait3A_315] : memref<10112x128xf32, #tpu.memory_space<vmem_shared>> -> memref<10112x128xf32, #tpu.memory_space<vmem_shared>>
      tpu.wait_indirect_dma semaphore(%arg10 : memref<!tpu.dma_semaphore, #tpu.memory_space<semaphore_mem>>) src(%dma_wait3A_313 : memref<16x128xf32, #tpu.memory_space<vmem>>) dst(%dma_wait3A_316 : memref<10112x128xf32, #tpu.memory_space<vmem_shared>>)
      %dma_wait3A_317 = arith.constant 80 : i32
      %dma_wait3A_318 = arith.constant 0 : i32
      %dma_wait3A_319 = tpu.memref_slice %arg7[%dma_wait3A_317, %dma_wait3A_318] : memref<160x128xf32, #tpu.memory_space<vmem>> -> memref<16x128xf32, #tpu.memory_space<vmem>>
      %dma_wait3A_320 = arith.constant 0 : i32
      %dma_wait3A_321 = arith.constant 0 : i32
      %dma_wait3A_322 = tpu.memref_slice %arg8[%dma_wait3A_320, %dma_wait3A_321] : memref<10112x128xf32, #tpu.memory_space<vmem_shared>> -> memref<10112x128xf32, #tpu.memory_space<vmem_shared>>
      tpu.wait_indirect_dma semaphore(%arg10 : memref<!tpu.dma_semaphore, #tpu.memory_space<semaphore_mem>>) src(%dma_wait3A_319 : memref<16x128xf32, #tpu.memory_space<vmem>>) dst(%dma_wait3A_322 : memref<10112x128xf32, #tpu.memory_space<vmem_shared>>)
      %dma_wait3A_323 = arith.constant 96 : i32
      %dma_wait3A_324 = arith.constant 0 : i32
      %dma_wait3A_325 = tpu.memref_slice %arg7[%dma_wait3A_323, %dma_wait3A_324] : memref<160x128xf32, #tpu.memory_space<vmem>> -> memref<16x128xf32, #tpu.memory_space<vmem>>
      %dma_wait3A_326 = arith.constant 0 : i32
      %dma_wait3A_327 = arith.constant 0 : i32
      %dma_wait3A_328 = tpu.memref_slice %arg8[%dma_wait3A_326, %dma_wait3A_327] : memref<10112x128xf32, #tpu.memory_space<vmem_shared>> -> memref<10112x128xf32, #tpu.memory_space<vmem_shared>>
      tpu.wait_indirect_dma semaphore(%arg10 : memref<!tpu.dma_semaphore, #tpu.memory_space<semaphore_mem>>) src(%dma_wait3A_325 : memref<16x128xf32, #tpu.memory_space<vmem>>) dst(%dma_wait3A_328 : memref<10112x128xf32, #tpu.memory_space<vmem_shared>>)
      %dma_wait3A_329 = arith.constant 112 : i32
      %dma_wait3A_330 = arith.constant 0 : i32
      %dma_wait3A_331 = tpu.memref_slice %arg7[%dma_wait3A_329, %dma_wait3A_330] : memref<160x128xf32, #tpu.memory_space<vmem>> -> memref<16x128xf32, #tpu.memory_space<vmem>>
      %dma_wait3A_332 = arith.constant 0 : i32
      %dma_wait3A_333 = arith.constant 0 : i32
      %dma_wait3A_334 = tpu.memref_slice %arg8[%dma_wait3A_332, %dma_wait3A_333] : memref<10112x128xf32, #tpu.memory_space<vmem_shared>> -> memref<10112x128xf32, #tpu.memory_space<vmem_shared>>
      tpu.wait_indirect_dma semaphore(%arg10 : memref<!tpu.dma_semaphore, #tpu.memory_space<semaphore_mem>>) src(%dma_wait3A_331 : memref<16x128xf32, #tpu.memory_space<vmem>>) dst(%dma_wait3A_334 : memref<10112x128xf32, #tpu.memory_space<vmem_shared>>)
      %dma_wait3A_335 = arith.constant 128 : i32
      %dma_wait3A_336 = arith.constant 0 : i32
      %dma_wait3A_337 = tpu.memref_slice %arg7[%dma_wait3A_335, %dma_wait3A_336] : memref<160x128xf32, #tpu.memory_space<vmem>> -> memref<16x128xf32, #tpu.memory_space<vmem>>
      %dma_wait3A_338 = arith.constant 0 : i32
      %dma_wait3A_339 = arith.constant 0 : i32
      %dma_wait3A_340 = tpu.memref_slice %arg8[%dma_wait3A_338, %dma_wait3A_339] : memref<10112x128xf32, #tpu.memory_space<vmem_shared>> -> memref<10112x128xf32, #tpu.memory_space<vmem_shared>>
      tpu.wait_indirect_dma semaphore(%arg10 : memref<!tpu.dma_semaphore, #tpu.memory_space<semaphore_mem>>) src(%dma_wait3A_337 : memref<16x128xf32, #tpu.memory_space<vmem>>) dst(%dma_wait3A_340 : memref<10112x128xf32, #tpu.memory_space<vmem_shared>>)
      %dma_wait3A_341 = arith.constant 144 : i32
      %dma_wait3A_342 = arith.constant 0 : i32
      %dma_wait3A_343 = tpu.memref_slice %arg7[%dma_wait3A_341, %dma_wait3A_342] : memref<160x128xf32, #tpu.memory_space<vmem>> -> memref<16x128xf32, #tpu.memory_space<vmem>>
      %dma_wait3A_344 = arith.constant 0 : i32
      %dma_wait3A_345 = arith.constant 0 : i32
      %dma_wait3A_346 = tpu.memref_slice %arg8[%dma_wait3A_344, %dma_wait3A_345] : memref<10112x128xf32, #tpu.memory_space<vmem_shared>> -> memref<10112x128xf32, #tpu.memory_space<vmem_shared>>
      tpu.wait_indirect_dma semaphore(%arg10 : memref<!tpu.dma_semaphore, #tpu.memory_space<semaphore_mem>>) src(%dma_wait3A_343 : memref<16x128xf32, #tpu.memory_space<vmem>>) dst(%dma_wait3A_346 : memref<10112x128xf32, #tpu.memory_space<vmem_shared>>)
    }
    %scan3A_7 = arith.constant 64 : i32
    %barrier3A_8 = arith.constant 0 : index
    tpu.barrier barrier_id(%barrier3A_8)
    "tpu.region"() ({
      %run_scoped3A = tpu.sem_alloc : memref<!tpu.dma_semaphore, #tpu.memory_space<semaphore_mem>>
      %dma_start3A = arith.constant 0 : i32
      %dma_start3A_9 = tpu.memref_slice %arg5[%arg0, %mul3A_0, %dma_start3A] : memref<2x10112x128xf32, #tpu.memory_space<hbm>> -> memref<1x632x128xf32, #tpu.memory_space<hbm>>
      %dma_start3A_10 = tpu.memref_squeeze %dma_start3A_9 : memref<1x632x128xf32, #tpu.memory_space<hbm>> -> memref<632x128xf32, #tpu.memory_space<hbm>>
      %dma_start3A_11 = arith.constant 0 : i32
      %dma_start3A_12 = tpu.memref_slice %arg8[%mul3A_0, %dma_start3A_11] : memref<10112x128xf32, #tpu.memory_space<vmem_shared>> -> memref<632x128xf32, #tpu.memory_space<vmem_shared>>
      tpu.enqueue_dma source(%dma_start3A_12 : memref<632x128xf32, #tpu.memory_space<vmem_shared>>) target(%dma_start3A_10 : memref<632x128xf32, #tpu.memory_space<hbm>>) target_semaphore(%run_scoped3A : memref<!tpu.dma_semaphore, #tpu.memory_space<semaphore_mem>>)
      %dma_wait3A = arith.constant 0 : i32
      %dma_wait3A_13 = tpu.memref_slice %arg5[%arg0, %mul3A_0, %dma_wait3A] : memref<2x10112x128xf32, #tpu.memory_space<hbm>> -> memref<1x632x128xf32, #tpu.memory_space<hbm>>
      %dma_wait3A_14 = tpu.memref_squeeze %dma_wait3A_13 : memref<1x632x128xf32, #tpu.memory_space<hbm>> -> memref<632x128xf32, #tpu.memory_space<hbm>>
      %dma_wait3A_15 = arith.constant 0 : i32
      %dma_wait3A_16 = tpu.memref_slice %arg8[%mul3A_0, %dma_wait3A_15] : memref<10112x128xf32, #tpu.memory_space<vmem_shared>> -> memref<632x128xf32, #tpu.memory_space<vmem_shared>>
      tpu.wait_dma2 semaphore(%run_scoped3A : memref<!tpu.dma_semaphore, #tpu.memory_space<semaphore_mem>>) src(%dma_wait3A_16 : memref<632x128xf32, #tpu.memory_space<vmem_shared>>) dst(%dma_wait3A_14 : memref<632x128xf32, #tpu.memory_space<hbm>>)
      tpu.yield
    }) : () -> ()
    return
  }
}

#map = affine_map<(d0, d1) -> (0)>
#map1 = affine_map<(d0, d1) -> (0, 0)>
#map2 = affine_map<(d0, d1) -> (0, 0, 0)>
module attributes {stable_mosaic.version = 14 : i64} {
  func.func @deg_k(%arg0: i32, %arg1: i32, %arg2: memref<327680xi32, #tpu.memory_space<hbm>>, %arg3: memref<16x128xf32, #tpu.memory_space<hbm>>, %arg4: memref<10112x128xf32, #tpu.memory_space<hbm>>, %arg5: memref<2x10112x128xf32, #tpu.memory_space<hbm>>, %arg6: memref<10240xi32, #tpu.memory_space<vmem>>, %arg7: memref<16x128xf32, #tpu.memory_space<vmem>>, %arg8: memref<10112x128xf32, #tpu.memory_space<vmem_shared>>, %arg9: memref<!tpu.dma_semaphore, #tpu.memory_space<semaphore_mem>>) attributes {dimension_semantics = [#tpu.dimension_semantics<core_parallel>, #tpu.dimension_semantics<subcore_parallel>], iteration_bounds = array<i64: 2, 16>, scalar_prefetch = 0 : i64, scratch_operands = 4 : i64, tpu.core_type = #tpu.core_type<sc_vector_subcore>, window_params = [{transform_indices = #map}, {transform_indices = #map1}, {transform_indices = #map1}, {transform_indices = #map2}]} {
    %mul3A = arith.constant 16 : i32
    %mul3A_0 = arith.muli %arg0, %mul3A : i32
    %add3A = arith.addi %mul3A_0, %arg1 : i32
    %mul3A_1 = arith.constant 632 : i32
    %mul3A_2 = arith.muli %arg1, %mul3A_1 : i32
    "tpu.region"() ({
      %run_scoped3A = tpu.sem_alloc : memref<!tpu.dma_semaphore, #tpu.memory_space<semaphore_mem>>
      %dma_start3A = arith.constant 0 : i32
      %dma_start3A_11 = tpu.memref_slice %arg8[%mul3A_2, %dma_start3A] : memref<10112x128xf32, #tpu.memory_space<vmem_shared>> -> memref<632x128xf32, #tpu.memory_space<vmem_shared>>
      %dma_start3A_12 = arith.constant 0 : i32
      %dma_start3A_13 = tpu.memref_slice %arg4[%mul3A_2, %dma_start3A_12] : memref<10112x128xf32, #tpu.memory_space<hbm>> -> memref<632x128xf32, #tpu.memory_space<hbm>>
      tpu.enqueue_dma source(%dma_start3A_13 : memref<632x128xf32, #tpu.memory_space<hbm>>) target(%dma_start3A_11 : memref<632x128xf32, #tpu.memory_space<vmem_shared>>) target_semaphore(%run_scoped3A : memref<!tpu.dma_semaphore, #tpu.memory_space<semaphore_mem>>)
      %dma_wait3A = arith.constant 0 : i32
      %dma_wait3A_14 = tpu.memref_slice %arg8[%mul3A_2, %dma_wait3A] : memref<10112x128xf32, #tpu.memory_space<vmem_shared>> -> memref<632x128xf32, #tpu.memory_space<vmem_shared>>
      %dma_wait3A_15 = arith.constant 0 : i32
      %dma_wait3A_16 = tpu.memref_slice %arg4[%mul3A_2, %dma_wait3A_15] : memref<10112x128xf32, #tpu.memory_space<hbm>> -> memref<632x128xf32, #tpu.memory_space<hbm>>
      tpu.wait_dma2 semaphore(%run_scoped3A : memref<!tpu.dma_semaphore, #tpu.memory_space<semaphore_mem>>) src(%dma_wait3A_16 : memref<632x128xf32, #tpu.memory_space<hbm>>) dst(%dma_wait3A_14 : memref<632x128xf32, #tpu.memory_space<vmem_shared>>)
      tpu.yield
    }) : () -> ()
    %mul3A_3 = arith.constant 10240 : i32
    %mul3A_4 = arith.muli %add3A, %mul3A_3 : i32
    "tpu.region"() ({
      %run_scoped3A = tpu.sem_alloc : memref<!tpu.dma_semaphore, #tpu.memory_space<semaphore_mem>>
      %dma_start3A = tpu.memref_slice %arg2[%mul3A_4] : memref<327680xi32, #tpu.memory_space<hbm>> -> memref<10240xi32, #tpu.memory_space<hbm>>
      %dma_start3A_11 = tpu.memref_slice %arg2[%mul3A_4] : memref<327680xi32, #tpu.memory_space<hbm>> -> memref<10240xi32, #tpu.memory_space<hbm>>
      tpu.enqueue_dma source(%dma_start3A_11 : memref<10240xi32, #tpu.memory_space<hbm>>) target(%arg6 : memref<10240xi32, #tpu.memory_space<vmem>>) target_semaphore(%run_scoped3A : memref<!tpu.dma_semaphore, #tpu.memory_space<semaphore_mem>>)
      %dma_wait3A = tpu.memref_slice %arg2[%mul3A_4] : memref<327680xi32, #tpu.memory_space<hbm>> -> memref<10240xi32, #tpu.memory_space<hbm>>
      %dma_wait3A_12 = tpu.memref_slice %arg2[%mul3A_4] : memref<327680xi32, #tpu.memory_space<hbm>> -> memref<10240xi32, #tpu.memory_space<hbm>>
      tpu.wait_dma2 semaphore(%run_scoped3A : memref<!tpu.dma_semaphore, #tpu.memory_space<semaphore_mem>>) src(%dma_wait3A_12 : memref<10240xi32, #tpu.memory_space<hbm>>) dst(%arg6 : memref<10240xi32, #tpu.memory_space<vmem>>)
      tpu.yield
    }) : () -> ()
    "tpu.region"() ({
      %run_scoped3A = tpu.sem_alloc : memref<!tpu.dma_semaphore, #tpu.memory_space<semaphore_mem>>
      tpu.enqueue_dma source(%arg3 : memref<16x128xf32, #tpu.memory_space<hbm>>) target(%arg7 : memref<16x128xf32, #tpu.memory_space<vmem>>) target_semaphore(%run_scoped3A : memref<!tpu.dma_semaphore, #tpu.memory_space<semaphore_mem>>)
      tpu.wait_dma2 semaphore(%run_scoped3A : memref<!tpu.dma_semaphore, #tpu.memory_space<semaphore_mem>>) src(%arg3 : memref<16x128xf32, #tpu.memory_space<hbm>>) dst(%arg7 : memref<16x128xf32, #tpu.memory_space<vmem>>)
      tpu.yield
    }) : () -> ()
    %barrier3A = arith.constant 0 : index
    tpu.barrier barrier_id(%barrier3A)
    %scan3A = arith.constant 0 : i32
    %scan3A_5 = arith.constant 0 : i32
    %scan3A_6 = arith.constant 20 : i32
    %scan3A_7 = arith.addi %scan3A_5, %scan3A_6 : i32
    %scan3A_8 = arith.constant 1 : i32
    scf.for %scan3A_11 = %scan3A_5 to %scan3A_7 step %scan3A_8  : i32 {
      %mul3A_12 = arith.constant 32 : i32
      %mul3A_13 = arith.muli %scan3A_11, %mul3A_12 : i32
      %add3A_14 = arith.constant 0 : i32
      %add3A_15 = arith.addi %mul3A_13, %add3A_14 : i32
      %mul3A_16 = arith.constant 16 : i32
      %mul3A_17 = arith.muli %add3A_15, %mul3A_16 : i32
      %get3A = arith.index_cast %mul3A_17 : i32 to index
      %get3A_18 = tpu.vector_load %arg6[%get3A] {strides = array<i32>} : memref<10240xi32, #tpu.memory_space<vmem>>, vector<16xi32>,
      %get3A_19 = vector.shape_cast %get3A_18 : vector<16xi32> to vector<16xi32>
      %dma_start3A = arith.constant 0 : i32
      %dma_start3A_20 = arith.constant 0 : i32
      %dma_start3A_21 = tpu.memref_slice %arg8[%dma_start3A, %dma_start3A_20] : memref<10112x128xf32, #tpu.memory_space<vmem_shared>> -> memref<10112x128xf32, #tpu.memory_space<vmem_shared>>
      tpu.enqueue_indirect_dma source(%arg7 : memref<16x128xf32, #tpu.memory_space<vmem>>) target(%dma_start3A_21 : memref<10112x128xf32, #tpu.memory_space<vmem_shared>>) offsets(%get3A_19 : vector<16xi32>) semaphore(%arg9 : memref<!tpu.dma_semaphore, #tpu.memory_space<semaphore_mem>>) {add = true}
      %mul3A_22 = arith.constant 32 : i32
      %mul3A_23 = arith.muli %scan3A_11, %mul3A_22 : i32
      %add3A_24 = arith.constant 1 : i32
      %add3A_25 = arith.addi %mul3A_23, %add3A_24 : i32
      %mul3A_26 = arith.constant 16 : i32
      %mul3A_27 = arith.muli %add3A_25, %mul3A_26 : i32
      %get3A_28 = arith.index_cast %mul3A_27 : i32 to index
      %get3A_29 = tpu.vector_load %arg6[%get3A_28] {strides = array<i32>} : memref<10240xi32, #tpu.memory_space<vmem>>, vector<16xi32>,
      %get3A_30 = vector.shape_cast %get3A_29 : vector<16xi32> to vector<16xi32>
      %dma_start3A_31 = arith.constant 0 : i32
      %dma_start3A_32 = arith.constant 0 : i32
      %dma_start3A_33 = tpu.memref_slice %arg8[%dma_start3A_31, %dma_start3A_32] : memref<10112x128xf32, #tpu.memory_space<vmem_shared>> -> memref<10112x128xf32, #tpu.memory_space<vmem_shared>>
      tpu.enqueue_indirect_dma source(%arg7 : memref<16x128xf32, #tpu.memory_space<vmem>>) target(%dma_start3A_33 : memref<10112x128xf32, #tpu.memory_space<vmem_shared>>) offsets(%get3A_30 : vector<16xi32>) semaphore(%arg9 : memref<!tpu.dma_semaphore, #tpu.memory_space<semaphore_mem>>) {add = true}
      %mul3A_34 = arith.constant 32 : i32
      %mul3A_35 = arith.muli %scan3A_11, %mul3A_34 : i32
      %add3A_36 = arith.constant 2 : i32
      %add3A_37 = arith.addi %mul3A_35, %add3A_36 : i32
      %mul3A_38 = arith.constant 16 : i32
      %mul3A_39 = arith.muli %add3A_37, %mul3A_38 : i32
      %get3A_40 = arith.index_cast %mul3A_39 : i32 to index
      %get3A_41 = tpu.vector_load %arg6[%get3A_40] {strides = array<i32>} : memref<10240xi32, #tpu.memory_space<vmem>>, vector<16xi32>,
      %get3A_42 = vector.shape_cast %get3A_41 : vector<16xi32> to vector<16xi32>
      %dma_start3A_43 = arith.constant 0 : i32
      %dma_start3A_44 = arith.constant 0 : i32
      %dma_start3A_45 = tpu.memref_slice %arg8[%dma_start3A_43, %dma_start3A_44] : memref<10112x128xf32, #tpu.memory_space<vmem_shared>> -> memref<10112x128xf32, #tpu.memory_space<vmem_shared>>
      tpu.enqueue_indirect_dma source(%arg7 : memref<16x128xf32, #tpu.memory_space<vmem>>) target(%dma_start3A_45 : memref<10112x128xf32, #tpu.memory_space<vmem_shared>>) offsets(%get3A_42 : vector<16xi32>) semaphore(%arg9 : memref<!tpu.dma_semaphore, #tpu.memory_space<semaphore_mem>>) {add = true}
      %mul3A_46 = arith.constant 32 : i32
      %mul3A_47 = arith.muli %scan3A_11, %mul3A_46 : i32
      %add3A_48 = arith.constant 3 : i32
      %add3A_49 = arith.addi %mul3A_47, %add3A_48 : i32
      %mul3A_50 = arith.constant 16 : i32
      %mul3A_51 = arith.muli %add3A_49, %mul3A_50 : i32
      %get3A_52 = arith.index_cast %mul3A_51 : i32 to index
      %get3A_53 = tpu.vector_load %arg6[%get3A_52] {strides = array<i32>} : memref<10240xi32, #tpu.memory_space<vmem>>, vector<16xi32>,
      %get3A_54 = vector.shape_cast %get3A_53 : vector<16xi32> to vector<16xi32>
      %dma_start3A_55 = arith.constant 0 : i32
      %dma_start3A_56 = arith.constant 0 : i32
      %dma_start3A_57 = tpu.memref_slice %arg8[%dma_start3A_55, %dma_start3A_56] : memref<10112x128xf32, #tpu.memory_space<vmem_shared>> -> memref<10112x128xf32, #tpu.memory_space<vmem_shared>>
      tpu.enqueue_indirect_dma source(%arg7 : memref<16x128xf32, #tpu.memory_space<vmem>>) target(%dma_start3A_57 : memref<10112x128xf32, #tpu.memory_space<vmem_shared>>) offsets(%get3A_54 : vector<16xi32>) semaphore(%arg9 : memref<!tpu.dma_semaphore, #tpu.memory_space<semaphore_mem>>) {add = true}
      %mul3A_58 = arith.constant 32 : i32
      %mul3A_59 = arith.muli %scan3A_11, %mul3A_58 : i32
      %add3A_60 = arith.constant 4 : i32
      %add3A_61 = arith.addi %mul3A_59, %add3A_60 : i32
      %mul3A_62 = arith.constant 16 : i32
      %mul3A_63 = arith.muli %add3A_61, %mul3A_62 : i32
      %get3A_64 = arith.index_cast %mul3A_63 : i32 to index
      %get3A_65 = tpu.vector_load %arg6[%get3A_64] {strides = array<i32>} : memref<10240xi32, #tpu.memory_space<vmem>>, vector<16xi32>,
      %get3A_66 = vector.shape_cast %get3A_65 : vector<16xi32> to vector<16xi32>
      %dma_start3A_67 = arith.constant 0 : i32
      %dma_start3A_68 = arith.constant 0 : i32
      %dma_start3A_69 = tpu.memref_slice %arg8[%dma_start3A_67, %dma_start3A_68] : memref<10112x128xf32, #tpu.memory_space<vmem_shared>> -> memref<10112x128xf32, #tpu.memory_space<vmem_shared>>
      tpu.enqueue_indirect_dma source(%arg7 : memref<16x128xf32, #tpu.memory_space<vmem>>) target(%dma_start3A_69 : memref<10112x128xf32, #tpu.memory_space<vmem_shared>>) offsets(%get3A_66 : vector<16xi32>) semaphore(%arg9 : memref<!tpu.dma_semaphore, #tpu.memory_space<semaphore_mem>>) {add = true}
      %mul3A_70 = arith.constant 32 : i32
      %mul3A_71 = arith.muli %scan3A_11, %mul3A_70 : i32
      %add3A_72 = arith.constant 5 : i32
      %add3A_73 = arith.addi %mul3A_71, %add3A_72 : i32
      %mul3A_74 = arith.constant 16 : i32
      %mul3A_75 = arith.muli %add3A_73, %mul3A_74 : i32
      %get3A_76 = arith.index_cast %mul3A_75 : i32 to index
      %get3A_77 = tpu.vector_load %arg6[%get3A_76] {strides = array<i32>} : memref<10240xi32, #tpu.memory_space<vmem>>, vector<16xi32>,
      %get3A_78 = vector.shape_cast %get3A_77 : vector<16xi32> to vector<16xi32>
      %dma_start3A_79 = arith.constant 0 : i32
      %dma_start3A_80 = arith.constant 0 : i32
      %dma_start3A_81 = tpu.memref_slice %arg8[%dma_start3A_79, %dma_start3A_80] : memref<10112x128xf32, #tpu.memory_space<vmem_shared>> -> memref<10112x128xf32, #tpu.memory_space<vmem_shared>>
      tpu.enqueue_indirect_dma source(%arg7 : memref<16x128xf32, #tpu.memory_space<vmem>>) target(%dma_start3A_81 : memref<10112x128xf32, #tpu.memory_space<vmem_shared>>) offsets(%get3A_78 : vector<16xi32>) semaphore(%arg9 : memref<!tpu.dma_semaphore, #tpu.memory_space<semaphore_mem>>) {add = true}
      %mul3A_82 = arith.constant 32 : i32
      %mul3A_83 = arith.muli %scan3A_11, %mul3A_82 : i32
      %add3A_84 = arith.constant 6 : i32
      %add3A_85 = arith.addi %mul3A_83, %add3A_84 : i32
      %mul3A_86 = arith.constant 16 : i32
      %mul3A_87 = arith.muli %add3A_85, %mul3A_86 : i32
      %get3A_88 = arith.index_cast %mul3A_87 : i32 to index
      %get3A_89 = tpu.vector_load %arg6[%get3A_88] {strides = array<i32>} : memref<10240xi32, #tpu.memory_space<vmem>>, vector<16xi32>,
      %get3A_90 = vector.shape_cast %get3A_89 : vector<16xi32> to vector<16xi32>
      %dma_start3A_91 = arith.constant 0 : i32
      %dma_start3A_92 = arith.constant 0 : i32
      %dma_start3A_93 = tpu.memref_slice %arg8[%dma_start3A_91, %dma_start3A_92] : memref<10112x128xf32, #tpu.memory_space<vmem_shared>> -> memref<10112x128xf32, #tpu.memory_space<vmem_shared>>
      tpu.enqueue_indirect_dma source(%arg7 : memref<16x128xf32, #tpu.memory_space<vmem>>) target(%dma_start3A_93 : memref<10112x128xf32, #tpu.memory_space<vmem_shared>>) offsets(%get3A_90 : vector<16xi32>) semaphore(%arg9 : memref<!tpu.dma_semaphore, #tpu.memory_space<semaphore_mem>>) {add = true}
      %mul3A_94 = arith.constant 32 : i32
      %mul3A_95 = arith.muli %scan3A_11, %mul3A_94 : i32
      %add3A_96 = arith.constant 7 : i32
      %add3A_97 = arith.addi %mul3A_95, %add3A_96 : i32
      %mul3A_98 = arith.constant 16 : i32
      %mul3A_99 = arith.muli %add3A_97, %mul3A_98 : i32
      %get3A_100 = arith.index_cast %mul3A_99 : i32 to index
      %get3A_101 = tpu.vector_load %arg6[%get3A_100] {strides = array<i32>} : memref<10240xi32, #tpu.memory_space<vmem>>, vector<16xi32>,
      %get3A_102 = vector.shape_cast %get3A_101 : vector<16xi32> to vector<16xi32>
      %dma_start3A_103 = arith.constant 0 : i32
      %dma_start3A_104 = arith.constant 0 : i32
      %dma_start3A_105 = tpu.memref_slice %arg8[%dma_start3A_103, %dma_start3A_104] : memref<10112x128xf32, #tpu.memory_space<vmem_shared>> -> memref<10112x128xf32, #tpu.memory_space<vmem_shared>>
      tpu.enqueue_indirect_dma source(%arg7 : memref<16x128xf32, #tpu.memory_space<vmem>>) target(%dma_start3A_105 : memref<10112x128xf32, #tpu.memory_space<vmem_shared>>) offsets(%get3A_102 : vector<16xi32>) semaphore(%arg9 : memref<!tpu.dma_semaphore, #tpu.memory_space<semaphore_mem>>) {add = true}
      %mul3A_106 = arith.constant 32 : i32
      %mul3A_107 = arith.muli %scan3A_11, %mul3A_106 : i32
      %add3A_108 = arith.constant 8 : i32
      %add3A_109 = arith.addi %mul3A_107, %add3A_108 : i32
      %mul3A_110 = arith.constant 16 : i32
      %mul3A_111 = arith.muli %add3A_109, %mul3A_110 : i32
      %get3A_112 = arith.index_cast %mul3A_111 : i32 to index
      %get3A_113 = tpu.vector_load %arg6[%get3A_112] {strides = array<i32>} : memref<10240xi32, #tpu.memory_space<vmem>>, vector<16xi32>,
      %get3A_114 = vector.shape_cast %get3A_113 : vector<16xi32> to vector<16xi32>
      %dma_start3A_115 = arith.constant 0 : i32
      %dma_start3A_116 = arith.constant 0 : i32
      %dma_start3A_117 = tpu.memref_slice %arg8[%dma_start3A_115, %dma_start3A_116] : memref<10112x128xf32, #tpu.memory_space<vmem_shared>> -> memref<10112x128xf32, #tpu.memory_space<vmem_shared>>
      tpu.enqueue_indirect_dma source(%arg7 : memref<16x128xf32, #tpu.memory_space<vmem>>) target(%dma_start3A_117 : memref<10112x128xf32, #tpu.memory_space<vmem_shared>>) offsets(%get3A_114 : vector<16xi32>) semaphore(%arg9 : memref<!tpu.dma_semaphore, #tpu.memory_space<semaphore_mem>>) {add = true}
      %mul3A_118 = arith.constant 32 : i32
      %mul3A_119 = arith.muli %scan3A_11, %mul3A_118 : i32
      %add3A_120 = arith.constant 9 : i32
      %add3A_121 = arith.addi %mul3A_119, %add3A_120 : i32
      %mul3A_122 = arith.constant 16 : i32
      %mul3A_123 = arith.muli %add3A_121, %mul3A_122 : i32
      %get3A_124 = arith.index_cast %mul3A_123 : i32 to index
      %get3A_125 = tpu.vector_load %arg6[%get3A_124] {strides = array<i32>} : memref<10240xi32, #tpu.memory_space<vmem>>, vector<16xi32>,
      %get3A_126 = vector.shape_cast %get3A_125 : vector<16xi32> to vector<16xi32>
      %dma_start3A_127 = arith.constant 0 : i32
      %dma_start3A_128 = arith.constant 0 : i32
      %dma_start3A_129 = tpu.memref_slice %arg8[%dma_start3A_127, %dma_start3A_128] : memref<10112x128xf32, #tpu.memory_space<vmem_shared>> -> memref<10112x128xf32, #tpu.memory_space<vmem_shared>>
      tpu.enqueue_indirect_dma source(%arg7 : memref<16x128xf32, #tpu.memory_space<vmem>>) target(%dma_start3A_129 : memref<10112x128xf32, #tpu.memory_space<vmem_shared>>) offsets(%get3A_126 : vector<16xi32>) semaphore(%arg9 : memref<!tpu.dma_semaphore, #tpu.memory_space<semaphore_mem>>) {add = true}
      %mul3A_130 = arith.constant 32 : i32
      %mul3A_131 = arith.muli %scan3A_11, %mul3A_130 : i32
      %add3A_132 = arith.constant 10 : i32
      %add3A_133 = arith.addi %mul3A_131, %add3A_132 : i32
      %mul3A_134 = arith.constant 16 : i32
      %mul3A_135 = arith.muli %add3A_133, %mul3A_134 : i32
      %get3A_136 = arith.index_cast %mul3A_135 : i32 to index
      %get3A_137 = tpu.vector_load %arg6[%get3A_136] {strides = array<i32>} : memref<10240xi32, #tpu.memory_space<vmem>>, vector<16xi32>,
      %get3A_138 = vector.shape_cast %get3A_137 : vector<16xi32> to vector<16xi32>
      %dma_start3A_139 = arith.constant 0 : i32
      %dma_start3A_140 = arith.constant 0 : i32
      %dma_start3A_141 = tpu.memref_slice %arg8[%dma_start3A_139, %dma_start3A_140] : memref<10112x128xf32, #tpu.memory_space<vmem_shared>> -> memref<10112x128xf32, #tpu.memory_space<vmem_shared>>
      tpu.enqueue_indirect_dma source(%arg7 : memref<16x128xf32, #tpu.memory_space<vmem>>) target(%dma_start3A_141 : memref<10112x128xf32, #tpu.memory_space<vmem_shared>>) offsets(%get3A_138 : vector<16xi32>) semaphore(%arg9 : memref<!tpu.dma_semaphore, #tpu.memory_space<semaphore_mem>>) {add = true}
      %mul3A_142 = arith.constant 32 : i32
      %mul3A_143 = arith.muli %scan3A_11, %mul3A_142 : i32
      %add3A_144 = arith.constant 11 : i32
      %add3A_145 = arith.addi %mul3A_143, %add3A_144 : i32
      %mul3A_146 = arith.constant 16 : i32
      %mul3A_147 = arith.muli %add3A_145, %mul3A_146 : i32
      %get3A_148 = arith.index_cast %mul3A_147 : i32 to index
      %get3A_149 = tpu.vector_load %arg6[%get3A_148] {strides = array<i32>} : memref<10240xi32, #tpu.memory_space<vmem>>, vector<16xi32>,
      %get3A_150 = vector.shape_cast %get3A_149 : vector<16xi32> to vector<16xi32>
      %dma_start3A_151 = arith.constant 0 : i32
      %dma_start3A_152 = arith.constant 0 : i32
      %dma_start3A_153 = tpu.memref_slice %arg8[%dma_start3A_151, %dma_start3A_152] : memref<10112x128xf32, #tpu.memory_space<vmem_shared>> -> memref<10112x128xf32, #tpu.memory_space<vmem_shared>>
      tpu.enqueue_indirect_dma source(%arg7 : memref<16x128xf32, #tpu.memory_space<vmem>>) target(%dma_start3A_153 : memref<10112x128xf32, #tpu.memory_space<vmem_shared>>) offsets(%get3A_150 : vector<16xi32>) semaphore(%arg9 : memref<!tpu.dma_semaphore, #tpu.memory_space<semaphore_mem>>) {add = true}
      %mul3A_154 = arith.constant 32 : i32
      %mul3A_155 = arith.muli %scan3A_11, %mul3A_154 : i32
      %add3A_156 = arith.constant 12 : i32
      %add3A_157 = arith.addi %mul3A_155, %add3A_156 : i32
      %mul3A_158 = arith.constant 16 : i32
      %mul3A_159 = arith.muli %add3A_157, %mul3A_158 : i32
      %get3A_160 = arith.index_cast %mul3A_159 : i32 to index
      %get3A_161 = tpu.vector_load %arg6[%get3A_160] {strides = array<i32>} : memref<10240xi32, #tpu.memory_space<vmem>>, vector<16xi32>,
      %get3A_162 = vector.shape_cast %get3A_161 : vector<16xi32> to vector<16xi32>
      %dma_start3A_163 = arith.constant 0 : i32
      %dma_start3A_164 = arith.constant 0 : i32
      %dma_start3A_165 = tpu.memref_slice %arg8[%dma_start3A_163, %dma_start3A_164] : memref<10112x128xf32, #tpu.memory_space<vmem_shared>> -> memref<10112x128xf32, #tpu.memory_space<vmem_shared>>
      tpu.enqueue_indirect_dma source(%arg7 : memref<16x128xf32, #tpu.memory_space<vmem>>) target(%dma_start3A_165 : memref<10112x128xf32, #tpu.memory_space<vmem_shared>>) offsets(%get3A_162 : vector<16xi32>) semaphore(%arg9 : memref<!tpu.dma_semaphore, #tpu.memory_space<semaphore_mem>>) {add = true}
      %mul3A_166 = arith.constant 32 : i32
      %mul3A_167 = arith.muli %scan3A_11, %mul3A_166 : i32
      %add3A_168 = arith.constant 13 : i32
      %add3A_169 = arith.addi %mul3A_167, %add3A_168 : i32
      %mul3A_170 = arith.constant 16 : i32
      %mul3A_171 = arith.muli %add3A_169, %mul3A_170 : i32
      %get3A_172 = arith.index_cast %mul3A_171 : i32 to index
      %get3A_173 = tpu.vector_load %arg6[%get3A_172] {strides = array<i32>} : memref<10240xi32, #tpu.memory_space<vmem>>, vector<16xi32>,
      %get3A_174 = vector.shape_cast %get3A_173 : vector<16xi32> to vector<16xi32>
      %dma_start3A_175 = arith.constant 0 : i32
      %dma_start3A_176 = arith.constant 0 : i32
      %dma_start3A_177 = tpu.memref_slice %arg8[%dma_start3A_175, %dma_start3A_176] : memref<10112x128xf32, #tpu.memory_space<vmem_shared>> -> memref<10112x128xf32, #tpu.memory_space<vmem_shared>>
      tpu.enqueue_indirect_dma source(%arg7 : memref<16x128xf32, #tpu.memory_space<vmem>>) target(%dma_start3A_177 : memref<10112x128xf32, #tpu.memory_space<vmem_shared>>) offsets(%get3A_174 : vector<16xi32>) semaphore(%arg9 : memref<!tpu.dma_semaphore, #tpu.memory_space<semaphore_mem>>) {add = true}
      %mul3A_178 = arith.constant 32 : i32
      %mul3A_179 = arith.muli %scan3A_11, %mul3A_178 : i32
      %add3A_180 = arith.constant 14 : i32
      %add3A_181 = arith.addi %mul3A_179, %add3A_180 : i32
      %mul3A_182 = arith.constant 16 : i32
      %mul3A_183 = arith.muli %add3A_181, %mul3A_182 : i32
      %get3A_184 = arith.index_cast %mul3A_183 : i32 to index
      %get3A_185 = tpu.vector_load %arg6[%get3A_184] {strides = array<i32>} : memref<10240xi32, #tpu.memory_space<vmem>>, vector<16xi32>,
      %get3A_186 = vector.shape_cast %get3A_185 : vector<16xi32> to vector<16xi32>
      %dma_start3A_187 = arith.constant 0 : i32
      %dma_start3A_188 = arith.constant 0 : i32
      %dma_start3A_189 = tpu.memref_slice %arg8[%dma_start3A_187, %dma_start3A_188] : memref<10112x128xf32, #tpu.memory_space<vmem_shared>> -> memref<10112x128xf32, #tpu.memory_space<vmem_shared>>
      tpu.enqueue_indirect_dma source(%arg7 : memref<16x128xf32, #tpu.memory_space<vmem>>) target(%dma_start3A_189 : memref<10112x128xf32, #tpu.memory_space<vmem_shared>>) offsets(%get3A_186 : vector<16xi32>) semaphore(%arg9 : memref<!tpu.dma_semaphore, #tpu.memory_space<semaphore_mem>>) {add = true}
      %mul3A_190 = arith.constant 32 : i32
      %mul3A_191 = arith.muli %scan3A_11, %mul3A_190 : i32
      %add3A_192 = arith.constant 15 : i32
      %add3A_193 = arith.addi %mul3A_191, %add3A_192 : i32
      %mul3A_194 = arith.constant 16 : i32
      %mul3A_195 = arith.muli %add3A_193, %mul3A_194 : i32
      %get3A_196 = arith.index_cast %mul3A_195 : i32 to index
      %get3A_197 = tpu.vector_load %arg6[%get3A_196] {strides = array<i32>} : memref<10240xi32, #tpu.memory_space<vmem>>, vector<16xi32>,
      %get3A_198 = vector.shape_cast %get3A_197 : vector<16xi32> to vector<16xi32>
      %dma_start3A_199 = arith.constant 0 : i32
      %dma_start3A_200 = arith.constant 0 : i32
      %dma_start3A_201 = tpu.memref_slice %arg8[%dma_start3A_199, %dma_start3A_200] : memref<10112x128xf32, #tpu.memory_space<vmem_shared>> -> memref<10112x128xf32, #tpu.memory_space<vmem_shared>>
      tpu.enqueue_indirect_dma source(%arg7 : memref<16x128xf32, #tpu.memory_space<vmem>>) target(%dma_start3A_201 : memref<10112x128xf32, #tpu.memory_space<vmem_shared>>) offsets(%get3A_198 : vector<16xi32>) semaphore(%arg9 : memref<!tpu.dma_semaphore, #tpu.memory_space<semaphore_mem>>) {add = true}
      %mul3A_202 = arith.constant 32 : i32
      %mul3A_203 = arith.muli %scan3A_11, %mul3A_202 : i32
      %add3A_204 = arith.constant 16 : i32
      %add3A_205 = arith.addi %mul3A_203, %add3A_204 : i32
      %mul3A_206 = arith.constant 16 : i32
      %mul3A_207 = arith.muli %add3A_205, %mul3A_206 : i32
      %get3A_208 = arith.index_cast %mul3A_207 : i32 to index
      %get3A_209 = tpu.vector_load %arg6[%get3A_208] {strides = array<i32>} : memref<10240xi32, #tpu.memory_space<vmem>>, vector<16xi32>,
      %get3A_210 = vector.shape_cast %get3A_209 : vector<16xi32> to vector<16xi32>
      %dma_start3A_211 = arith.constant 0 : i32
      %dma_start3A_212 = arith.constant 0 : i32
      %dma_start3A_213 = tpu.memref_slice %arg8[%dma_start3A_211, %dma_start3A_212] : memref<10112x128xf32, #tpu.memory_space<vmem_shared>> -> memref<10112x128xf32, #tpu.memory_space<vmem_shared>>
      tpu.enqueue_indirect_dma source(%arg7 : memref<16x128xf32, #tpu.memory_space<vmem>>) target(%dma_start3A_213 : memref<10112x128xf32, #tpu.memory_space<vmem_shared>>) offsets(%get3A_210 : vector<16xi32>) semaphore(%arg9 : memref<!tpu.dma_semaphore, #tpu.memory_space<semaphore_mem>>) {add = true}
      %mul3A_214 = arith.constant 32 : i32
      %mul3A_215 = arith.muli %scan3A_11, %mul3A_214 : i32
      %add3A_216 = arith.constant 17 : i32
      %add3A_217 = arith.addi %mul3A_215, %add3A_216 : i32
      %mul3A_218 = arith.constant 16 : i32
      %mul3A_219 = arith.muli %add3A_217, %mul3A_218 : i32
      %get3A_220 = arith.index_cast %mul3A_219 : i32 to index
      %get3A_221 = tpu.vector_load %arg6[%get3A_220] {strides = array<i32>} : memref<10240xi32, #tpu.memory_space<vmem>>, vector<16xi32>,
      %get3A_222 = vector.shape_cast %get3A_221 : vector<16xi32> to vector<16xi32>
      %dma_start3A_223 = arith.constant 0 : i32
      %dma_start3A_224 = arith.constant 0 : i32
      %dma_start3A_225 = tpu.memref_slice %arg8[%dma_start3A_223, %dma_start3A_224] : memref<10112x128xf32, #tpu.memory_space<vmem_shared>> -> memref<10112x128xf32, #tpu.memory_space<vmem_shared>>
      tpu.enqueue_indirect_dma source(%arg7 : memref<16x128xf32, #tpu.memory_space<vmem>>) target(%dma_start3A_225 : memref<10112x128xf32, #tpu.memory_space<vmem_shared>>) offsets(%get3A_222 : vector<16xi32>) semaphore(%arg9 : memref<!tpu.dma_semaphore, #tpu.memory_space<semaphore_mem>>) {add = true}
      %mul3A_226 = arith.constant 32 : i32
      %mul3A_227 = arith.muli %scan3A_11, %mul3A_226 : i32
      %add3A_228 = arith.constant 18 : i32
      %add3A_229 = arith.addi %mul3A_227, %add3A_228 : i32
      %mul3A_230 = arith.constant 16 : i32
      %mul3A_231 = arith.muli %add3A_229, %mul3A_230 : i32
      %get3A_232 = arith.index_cast %mul3A_231 : i32 to index
      %get3A_233 = tpu.vector_load %arg6[%get3A_232] {strides = array<i32>} : memref<10240xi32, #tpu.memory_space<vmem>>, vector<16xi32>,
      %get3A_234 = vector.shape_cast %get3A_233 : vector<16xi32> to vector<16xi32>
      %dma_start3A_235 = arith.constant 0 : i32
      %dma_start3A_236 = arith.constant 0 : i32
      %dma_start3A_237 = tpu.memref_slice %arg8[%dma_start3A_235, %dma_start3A_236] : memref<10112x128xf32, #tpu.memory_space<vmem_shared>> -> memref<10112x128xf32, #tpu.memory_space<vmem_shared>>
      tpu.enqueue_indirect_dma source(%arg7 : memref<16x128xf32, #tpu.memory_space<vmem>>) target(%dma_start3A_237 : memref<10112x128xf32, #tpu.memory_space<vmem_shared>>) offsets(%get3A_234 : vector<16xi32>) semaphore(%arg9 : memref<!tpu.dma_semaphore, #tpu.memory_space<semaphore_mem>>) {add = true}
      %mul3A_238 = arith.constant 32 : i32
      %mul3A_239 = arith.muli %scan3A_11, %mul3A_238 : i32
      %add3A_240 = arith.constant 19 : i32
      %add3A_241 = arith.addi %mul3A_239, %add3A_240 : i32
      %mul3A_242 = arith.constant 16 : i32
      %mul3A_243 = arith.muli %add3A_241, %mul3A_242 : i32
      %get3A_244 = arith.index_cast %mul3A_243 : i32 to index
      %get3A_245 = tpu.vector_load %arg6[%get3A_244] {strides = array<i32>} : memref<10240xi32, #tpu.memory_space<vmem>>, vector<16xi32>,
      %get3A_246 = vector.shape_cast %get3A_245 : vector<16xi32> to vector<16xi32>
      %dma_start3A_247 = arith.constant 0 : i32
      %dma_start3A_248 = arith.constant 0 : i32
      %dma_start3A_249 = tpu.memref_slice %arg8[%dma_start3A_247, %dma_start3A_248] : memref<10112x128xf32, #tpu.memory_space<vmem_shared>> -> memref<10112x128xf32, #tpu.memory_space<vmem_shared>>
      tpu.enqueue_indirect_dma source(%arg7 : memref<16x128xf32, #tpu.memory_space<vmem>>) target(%dma_start3A_249 : memref<10112x128xf32, #tpu.memory_space<vmem_shared>>) offsets(%get3A_246 : vector<16xi32>) semaphore(%arg9 : memref<!tpu.dma_semaphore, #tpu.memory_space<semaphore_mem>>) {add = true}
      %mul3A_250 = arith.constant 32 : i32
      %mul3A_251 = arith.muli %scan3A_11, %mul3A_250 : i32
      %add3A_252 = arith.constant 20 : i32
      %add3A_253 = arith.addi %mul3A_251, %add3A_252 : i32
      %mul3A_254 = arith.constant 16 : i32
      %mul3A_255 = arith.muli %add3A_253, %mul3A_254 : i32
      %get3A_256 = arith.index_cast %mul3A_255 : i32 to index
      %get3A_257 = tpu.vector_load %arg6[%get3A_256] {strides = array<i32>} : memref<10240xi32, #tpu.memory_space<vmem>>, vector<16xi32>,
      %get3A_258 = vector.shape_cast %get3A_257 : vector<16xi32> to vector<16xi32>
      %dma_start3A_259 = arith.constant 0 : i32
      %dma_start3A_260 = arith.constant 0 : i32
      %dma_start3A_261 = tpu.memref_slice %arg8[%dma_start3A_259, %dma_start3A_260] : memref<10112x128xf32, #tpu.memory_space<vmem_shared>> -> memref<10112x128xf32, #tpu.memory_space<vmem_shared>>
      tpu.enqueue_indirect_dma source(%arg7 : memref<16x128xf32, #tpu.memory_space<vmem>>) target(%dma_start3A_261 : memref<10112x128xf32, #tpu.memory_space<vmem_shared>>) offsets(%get3A_258 : vector<16xi32>) semaphore(%arg9 : memref<!tpu.dma_semaphore, #tpu.memory_space<semaphore_mem>>) {add = true}
      %mul3A_262 = arith.constant 32 : i32
      %mul3A_263 = arith.muli %scan3A_11, %mul3A_262 : i32
      %add3A_264 = arith.constant 21 : i32
      %add3A_265 = arith.addi %mul3A_263, %add3A_264 : i32
      %mul3A_266 = arith.constant 16 : i32
      %mul3A_267 = arith.muli %add3A_265, %mul3A_266 : i32
      %get3A_268 = arith.index_cast %mul3A_267 : i32 to index
      %get3A_269 = tpu.vector_load %arg6[%get3A_268] {strides = array<i32>} : memref<10240xi32, #tpu.memory_space<vmem>>, vector<16xi32>,
      %get3A_270 = vector.shape_cast %get3A_269 : vector<16xi32> to vector<16xi32>
      %dma_start3A_271 = arith.constant 0 : i32
      %dma_start3A_272 = arith.constant 0 : i32
      %dma_start3A_273 = tpu.memref_slice %arg8[%dma_start3A_271, %dma_start3A_272] : memref<10112x128xf32, #tpu.memory_space<vmem_shared>> -> memref<10112x128xf32, #tpu.memory_space<vmem_shared>>
      tpu.enqueue_indirect_dma source(%arg7 : memref<16x128xf32, #tpu.memory_space<vmem>>) target(%dma_start3A_273 : memref<10112x128xf32, #tpu.memory_space<vmem_shared>>) offsets(%get3A_270 : vector<16xi32>) semaphore(%arg9 : memref<!tpu.dma_semaphore, #tpu.memory_space<semaphore_mem>>) {add = true}
      %mul3A_274 = arith.constant 32 : i32
      %mul3A_275 = arith.muli %scan3A_11, %mul3A_274 : i32
      %add3A_276 = arith.constant 22 : i32
      %add3A_277 = arith.addi %mul3A_275, %add3A_276 : i32
      %mul3A_278 = arith.constant 16 : i32
      %mul3A_279 = arith.muli %add3A_277, %mul3A_278 : i32
      %get3A_280 = arith.index_cast %mul3A_279 : i32 to index
      %get3A_281 = tpu.vector_load %arg6[%get3A_280] {strides = array<i32>} : memref<10240xi32, #tpu.memory_space<vmem>>, vector<16xi32>,
      %get3A_282 = vector.shape_cast %get3A_281 : vector<16xi32> to vector<16xi32>
      %dma_start3A_283 = arith.constant 0 : i32
      %dma_start3A_284 = arith.constant 0 : i32
      %dma_start3A_285 = tpu.memref_slice %arg8[%dma_start3A_283, %dma_start3A_284] : memref<10112x128xf32, #tpu.memory_space<vmem_shared>> -> memref<10112x128xf32, #tpu.memory_space<vmem_shared>>
      tpu.enqueue_indirect_dma source(%arg7 : memref<16x128xf32, #tpu.memory_space<vmem>>) target(%dma_start3A_285 : memref<10112x128xf32, #tpu.memory_space<vmem_shared>>) offsets(%get3A_282 : vector<16xi32>) semaphore(%arg9 : memref<!tpu.dma_semaphore, #tpu.memory_space<semaphore_mem>>) {add = true}
      %mul3A_286 = arith.constant 32 : i32
      %mul3A_287 = arith.muli %scan3A_11, %mul3A_286 : i32
      %add3A_288 = arith.constant 23 : i32
      %add3A_289 = arith.addi %mul3A_287, %add3A_288 : i32
      %mul3A_290 = arith.constant 16 : i32
      %mul3A_291 = arith.muli %add3A_289, %mul3A_290 : i32
      %get3A_292 = arith.index_cast %mul3A_291 : i32 to index
      %get3A_293 = tpu.vector_load %arg6[%get3A_292] {strides = array<i32>} : memref<10240xi32, #tpu.memory_space<vmem>>, vector<16xi32>,
      %get3A_294 = vector.shape_cast %get3A_293 : vector<16xi32> to vector<16xi32>
      %dma_start3A_295 = arith.constant 0 : i32
      %dma_start3A_296 = arith.constant 0 : i32
      %dma_start3A_297 = tpu.memref_slice %arg8[%dma_start3A_295, %dma_start3A_296] : memref<10112x128xf32, #tpu.memory_space<vmem_shared>> -> memref<10112x128xf32, #tpu.memory_space<vmem_shared>>
      tpu.enqueue_indirect_dma source(%arg7 : memref<16x128xf32, #tpu.memory_space<vmem>>) target(%dma_start3A_297 : memref<10112x128xf32, #tpu.memory_space<vmem_shared>>) offsets(%get3A_294 : vector<16xi32>) semaphore(%arg9 : memref<!tpu.dma_semaphore, #tpu.memory_space<semaphore_mem>>) {add = true}
      %mul3A_298 = arith.constant 32 : i32
      %mul3A_299 = arith.muli %scan3A_11, %mul3A_298 : i32
      %add3A_300 = arith.constant 24 : i32
      %add3A_301 = arith.addi %mul3A_299, %add3A_300 : i32
      %mul3A_302 = arith.constant 16 : i32
      %mul3A_303 = arith.muli %add3A_301, %mul3A_302 : i32
      %get3A_304 = arith.index_cast %mul3A_303 : i32 to index
      %get3A_305 = tpu.vector_load %arg6[%get3A_304] {strides = array<i32>} : memref<10240xi32, #tpu.memory_space<vmem>>, vector<16xi32>,
      %get3A_306 = vector.shape_cast %get3A_305 : vector<16xi32> to vector<16xi32>
      %dma_start3A_307 = arith.constant 0 : i32
      %dma_start3A_308 = arith.constant 0 : i32
      %dma_start3A_309 = tpu.memref_slice %arg8[%dma_start3A_307, %dma_start3A_308] : memref<10112x128xf32, #tpu.memory_space<vmem_shared>> -> memref<10112x128xf32, #tpu.memory_space<vmem_shared>>
      tpu.enqueue_indirect_dma source(%arg7 : memref<16x128xf32, #tpu.memory_space<vmem>>) target(%dma_start3A_309 : memref<10112x128xf32, #tpu.memory_space<vmem_shared>>) offsets(%get3A_306 : vector<16xi32>) semaphore(%arg9 : memref<!tpu.dma_semaphore, #tpu.memory_space<semaphore_mem>>) {add = true}
      %mul3A_310 = arith.constant 32 : i32
      %mul3A_311 = arith.muli %scan3A_11, %mul3A_310 : i32
      %add3A_312 = arith.constant 25 : i32
      %add3A_313 = arith.addi %mul3A_311, %add3A_312 : i32
      %mul3A_314 = arith.constant 16 : i32
      %mul3A_315 = arith.muli %add3A_313, %mul3A_314 : i32
      %get3A_316 = arith.index_cast %mul3A_315 : i32 to index
      %get3A_317 = tpu.vector_load %arg6[%get3A_316] {strides = array<i32>} : memref<10240xi32, #tpu.memory_space<vmem>>, vector<16xi32>,
      %get3A_318 = vector.shape_cast %get3A_317 : vector<16xi32> to vector<16xi32>
      %dma_start3A_319 = arith.constant 0 : i32
      %dma_start3A_320 = arith.constant 0 : i32
      %dma_start3A_321 = tpu.memref_slice %arg8[%dma_start3A_319, %dma_start3A_320] : memref<10112x128xf32, #tpu.memory_space<vmem_shared>> -> memref<10112x128xf32, #tpu.memory_space<vmem_shared>>
      tpu.enqueue_indirect_dma source(%arg7 : memref<16x128xf32, #tpu.memory_space<vmem>>) target(%dma_start3A_321 : memref<10112x128xf32, #tpu.memory_space<vmem_shared>>) offsets(%get3A_318 : vector<16xi32>) semaphore(%arg9 : memref<!tpu.dma_semaphore, #tpu.memory_space<semaphore_mem>>) {add = true}
      %mul3A_322 = arith.constant 32 : i32
      %mul3A_323 = arith.muli %scan3A_11, %mul3A_322 : i32
      %add3A_324 = arith.constant 26 : i32
      %add3A_325 = arith.addi %mul3A_323, %add3A_324 : i32
      %mul3A_326 = arith.constant 16 : i32
      %mul3A_327 = arith.muli %add3A_325, %mul3A_326 : i32
      %get3A_328 = arith.index_cast %mul3A_327 : i32 to index
      %get3A_329 = tpu.vector_load %arg6[%get3A_328] {strides = array<i32>} : memref<10240xi32, #tpu.memory_space<vmem>>, vector<16xi32>,
      %get3A_330 = vector.shape_cast %get3A_329 : vector<16xi32> to vector<16xi32>
      %dma_start3A_331 = arith.constant 0 : i32
      %dma_start3A_332 = arith.constant 0 : i32
      %dma_start3A_333 = tpu.memref_slice %arg8[%dma_start3A_331, %dma_start3A_332] : memref<10112x128xf32, #tpu.memory_space<vmem_shared>> -> memref<10112x128xf32, #tpu.memory_space<vmem_shared>>
      tpu.enqueue_indirect_dma source(%arg7 : memref<16x128xf32, #tpu.memory_space<vmem>>) target(%dma_start3A_333 : memref<10112x128xf32, #tpu.memory_space<vmem_shared>>) offsets(%get3A_330 : vector<16xi32>) semaphore(%arg9 : memref<!tpu.dma_semaphore, #tpu.memory_space<semaphore_mem>>) {add = true}
      %mul3A_334 = arith.constant 32 : i32
      %mul3A_335 = arith.muli %scan3A_11, %mul3A_334 : i32
      %add3A_336 = arith.constant 27 : i32
      %add3A_337 = arith.addi %mul3A_335, %add3A_336 : i32
      %mul3A_338 = arith.constant 16 : i32
      %mul3A_339 = arith.muli %add3A_337, %mul3A_338 : i32
      %get3A_340 = arith.index_cast %mul3A_339 : i32 to index
      %get3A_341 = tpu.vector_load %arg6[%get3A_340] {strides = array<i32>} : memref<10240xi32, #tpu.memory_space<vmem>>, vector<16xi32>,
      %get3A_342 = vector.shape_cast %get3A_341 : vector<16xi32> to vector<16xi32>
      %dma_start3A_343 = arith.constant 0 : i32
      %dma_start3A_344 = arith.constant 0 : i32
      %dma_start3A_345 = tpu.memref_slice %arg8[%dma_start3A_343, %dma_start3A_344] : memref<10112x128xf32, #tpu.memory_space<vmem_shared>> -> memref<10112x128xf32, #tpu.memory_space<vmem_shared>>
      tpu.enqueue_indirect_dma source(%arg7 : memref<16x128xf32, #tpu.memory_space<vmem>>) target(%dma_start3A_345 : memref<10112x128xf32, #tpu.memory_space<vmem_shared>>) offsets(%get3A_342 : vector<16xi32>) semaphore(%arg9 : memref<!tpu.dma_semaphore, #tpu.memory_space<semaphore_mem>>) {add = true}
      %mul3A_346 = arith.constant 32 : i32
      %mul3A_347 = arith.muli %scan3A_11, %mul3A_346 : i32
      %add3A_348 = arith.constant 28 : i32
      %add3A_349 = arith.addi %mul3A_347, %add3A_348 : i32
      %mul3A_350 = arith.constant 16 : i32
      %mul3A_351 = arith.muli %add3A_349, %mul3A_350 : i32
      %get3A_352 = arith.index_cast %mul3A_351 : i32 to index
      %get3A_353 = tpu.vector_load %arg6[%get3A_352] {strides = array<i32>} : memref<10240xi32, #tpu.memory_space<vmem>>, vector<16xi32>,
      %get3A_354 = vector.shape_cast %get3A_353 : vector<16xi32> to vector<16xi32>
      %dma_start3A_355 = arith.constant 0 : i32
      %dma_start3A_356 = arith.constant 0 : i32
      %dma_start3A_357 = tpu.memref_slice %arg8[%dma_start3A_355, %dma_start3A_356] : memref<10112x128xf32, #tpu.memory_space<vmem_shared>> -> memref<10112x128xf32, #tpu.memory_space<vmem_shared>>
      tpu.enqueue_indirect_dma source(%arg7 : memref<16x128xf32, #tpu.memory_space<vmem>>) target(%dma_start3A_357 : memref<10112x128xf32, #tpu.memory_space<vmem_shared>>) offsets(%get3A_354 : vector<16xi32>) semaphore(%arg9 : memref<!tpu.dma_semaphore, #tpu.memory_space<semaphore_mem>>) {add = true}
      %mul3A_358 = arith.constant 32 : i32
      %mul3A_359 = arith.muli %scan3A_11, %mul3A_358 : i32
      %add3A_360 = arith.constant 29 : i32
      %add3A_361 = arith.addi %mul3A_359, %add3A_360 : i32
      %mul3A_362 = arith.constant 16 : i32
      %mul3A_363 = arith.muli %add3A_361, %mul3A_362 : i32
      %get3A_364 = arith.index_cast %mul3A_363 : i32 to index
      %get3A_365 = tpu.vector_load %arg6[%get3A_364] {strides = array<i32>} : memref<10240xi32, #tpu.memory_space<vmem>>, vector<16xi32>,
      %get3A_366 = vector.shape_cast %get3A_365 : vector<16xi32> to vector<16xi32>
      %dma_start3A_367 = arith.constant 0 : i32
      %dma_start3A_368 = arith.constant 0 : i32
      %dma_start3A_369 = tpu.memref_slice %arg8[%dma_start3A_367, %dma_start3A_368] : memref<10112x128xf32, #tpu.memory_space<vmem_shared>> -> memref<10112x128xf32, #tpu.memory_space<vmem_shared>>
      tpu.enqueue_indirect_dma source(%arg7 : memref<16x128xf32, #tpu.memory_space<vmem>>) target(%dma_start3A_369 : memref<10112x128xf32, #tpu.memory_space<vmem_shared>>) offsets(%get3A_366 : vector<16xi32>) semaphore(%arg9 : memref<!tpu.dma_semaphore, #tpu.memory_space<semaphore_mem>>) {add = true}
      %mul3A_370 = arith.constant 32 : i32
      %mul3A_371 = arith.muli %scan3A_11, %mul3A_370 : i32
      %add3A_372 = arith.constant 30 : i32
      %add3A_373 = arith.addi %mul3A_371, %add3A_372 : i32
      %mul3A_374 = arith.constant 16 : i32
      %mul3A_375 = arith.muli %add3A_373, %mul3A_374 : i32
      %get3A_376 = arith.index_cast %mul3A_375 : i32 to index
      %get3A_377 = tpu.vector_load %arg6[%get3A_376] {strides = array<i32>} : memref<10240xi32, #tpu.memory_space<vmem>>, vector<16xi32>,
      %get3A_378 = vector.shape_cast %get3A_377 : vector<16xi32> to vector<16xi32>
      %dma_start3A_379 = arith.constant 0 : i32
      %dma_start3A_380 = arith.constant 0 : i32
      %dma_start3A_381 = tpu.memref_slice %arg8[%dma_start3A_379, %dma_start3A_380] : memref<10112x128xf32, #tpu.memory_space<vmem_shared>> -> memref<10112x128xf32, #tpu.memory_space<vmem_shared>>
      tpu.enqueue_indirect_dma source(%arg7 : memref<16x128xf32, #tpu.memory_space<vmem>>) target(%dma_start3A_381 : memref<10112x128xf32, #tpu.memory_space<vmem_shared>>) offsets(%get3A_378 : vector<16xi32>) semaphore(%arg9 : memref<!tpu.dma_semaphore, #tpu.memory_space<semaphore_mem>>) {add = true}
      %mul3A_382 = arith.constant 32 : i32
      %mul3A_383 = arith.muli %scan3A_11, %mul3A_382 : i32
      %add3A_384 = arith.constant 31 : i32
      %add3A_385 = arith.addi %mul3A_383, %add3A_384 : i32
      %mul3A_386 = arith.constant 16 : i32
      %mul3A_387 = arith.muli %add3A_385, %mul3A_386 : i32
      %get3A_388 = arith.index_cast %mul3A_387 : i32 to index
      %get3A_389 = tpu.vector_load %arg6[%get3A_388] {strides = array<i32>} : memref<10240xi32, #tpu.memory_space<vmem>>, vector<16xi32>,
      %get3A_390 = vector.shape_cast %get3A_389 : vector<16xi32> to vector<16xi32>
      %dma_start3A_391 = arith.constant 0 : i32
      %dma_start3A_392 = arith.constant 0 : i32
      %dma_start3A_393 = tpu.memref_slice %arg8[%dma_start3A_391, %dma_start3A_392] : memref<10112x128xf32, #tpu.memory_space<vmem_shared>> -> memref<10112x128xf32, #tpu.memory_space<vmem_shared>>
      tpu.enqueue_indirect_dma source(%arg7 : memref<16x128xf32, #tpu.memory_space<vmem>>) target(%dma_start3A_393 : memref<10112x128xf32, #tpu.memory_space<vmem_shared>>) offsets(%get3A_390 : vector<16xi32>) semaphore(%arg9 : memref<!tpu.dma_semaphore, #tpu.memory_space<semaphore_mem>>) {add = true}
      %dma_wait3A = arith.constant 0 : i32
      %dma_wait3A_394 = arith.constant 0 : i32
      %dma_wait3A_395 = tpu.memref_slice %arg8[%dma_wait3A, %dma_wait3A_394] : memref<10112x128xf32, #tpu.memory_space<vmem_shared>> -> memref<10112x128xf32, #tpu.memory_space<vmem_shared>>
      tpu.wait_indirect_dma semaphore(%arg9 : memref<!tpu.dma_semaphore, #tpu.memory_space<semaphore_mem>>) src(%arg7 : memref<16x128xf32, #tpu.memory_space<vmem>>) dst(%dma_wait3A_395 : memref<10112x128xf32, #tpu.memory_space<vmem_shared>>)
      %dma_wait3A_396 = arith.constant 0 : i32
      %dma_wait3A_397 = arith.constant 0 : i32
      %dma_wait3A_398 = tpu.memref_slice %arg8[%dma_wait3A_396, %dma_wait3A_397] : memref<10112x128xf32, #tpu.memory_space<vmem_shared>> -> memref<10112x128xf32, #tpu.memory_space<vmem_shared>>
      tpu.wait_indirect_dma semaphore(%arg9 : memref<!tpu.dma_semaphore, #tpu.memory_space<semaphore_mem>>) src(%arg7 : memref<16x128xf32, #tpu.memory_space<vmem>>) dst(%dma_wait3A_398 : memref<10112x128xf32, #tpu.memory_space<vmem_shared>>)
      %dma_wait3A_399 = arith.constant 0 : i32
      %dma_wait3A_400 = arith.constant 0 : i32
      %dma_wait3A_401 = tpu.memref_slice %arg8[%dma_wait3A_399, %dma_wait3A_400] : memref<10112x128xf32, #tpu.memory_space<vmem_shared>> -> memref<10112x128xf32, #tpu.memory_space<vmem_shared>>
      tpu.wait_indirect_dma semaphore(%arg9 : memref<!tpu.dma_semaphore, #tpu.memory_space<semaphore_mem>>) src(%arg7 : memref<16x128xf32, #tpu.memory_space<vmem>>) dst(%dma_wait3A_401 : memref<10112x128xf32, #tpu.memory_space<vmem_shared>>)
      %dma_wait3A_402 = arith.constant 0 : i32
      %dma_wait3A_403 = arith.constant 0 : i32
      %dma_wait3A_404 = tpu.memref_slice %arg8[%dma_wait3A_402, %dma_wait3A_403] : memref<10112x128xf32, #tpu.memory_space<vmem_shared>> -> memref<10112x128xf32, #tpu.memory_space<vmem_shared>>
      tpu.wait_indirect_dma semaphore(%arg9 : memref<!tpu.dma_semaphore, #tpu.memory_space<semaphore_mem>>) src(%arg7 : memref<16x128xf32, #tpu.memory_space<vmem>>) dst(%dma_wait3A_404 : memref<10112x128xf32, #tpu.memory_space<vmem_shared>>)
      %dma_wait3A_405 = arith.constant 0 : i32
      %dma_wait3A_406 = arith.constant 0 : i32
      %dma_wait3A_407 = tpu.memref_slice %arg8[%dma_wait3A_405, %dma_wait3A_406] : memref<10112x128xf32, #tpu.memory_space<vmem_shared>> -> memref<10112x128xf32, #tpu.memory_space<vmem_shared>>
      tpu.wait_indirect_dma semaphore(%arg9 : memref<!tpu.dma_semaphore, #tpu.memory_space<semaphore_mem>>) src(%arg7 : memref<16x128xf32, #tpu.memory_space<vmem>>) dst(%dma_wait3A_407 : memref<10112x128xf32, #tpu.memory_space<vmem_shared>>)
      %dma_wait3A_408 = arith.constant 0 : i32
      %dma_wait3A_409 = arith.constant 0 : i32
      %dma_wait3A_410 = tpu.memref_slice %arg8[%dma_wait3A_408, %dma_wait3A_409] : memref<10112x128xf32, #tpu.memory_space<vmem_shared>> -> memref<10112x128xf32, #tpu.memory_space<vmem_shared>>
      tpu.wait_indirect_dma semaphore(%arg9 : memref<!tpu.dma_semaphore, #tpu.memory_space<semaphore_mem>>) src(%arg7 : memref<16x128xf32, #tpu.memory_space<vmem>>) dst(%dma_wait3A_410 : memref<10112x128xf32, #tpu.memory_space<vmem_shared>>)
      %dma_wait3A_411 = arith.constant 0 : i32
      %dma_wait3A_412 = arith.constant 0 : i32
      %dma_wait3A_413 = tpu.memref_slice %arg8[%dma_wait3A_411, %dma_wait3A_412] : memref<10112x128xf32, #tpu.memory_space<vmem_shared>> -> memref<10112x128xf32, #tpu.memory_space<vmem_shared>>
      tpu.wait_indirect_dma semaphore(%arg9 : memref<!tpu.dma_semaphore, #tpu.memory_space<semaphore_mem>>) src(%arg7 : memref<16x128xf32, #tpu.memory_space<vmem>>) dst(%dma_wait3A_413 : memref<10112x128xf32, #tpu.memory_space<vmem_shared>>)
      %dma_wait3A_414 = arith.constant 0 : i32
      %dma_wait3A_415 = arith.constant 0 : i32
      %dma_wait3A_416 = tpu.memref_slice %arg8[%dma_wait3A_414, %dma_wait3A_415] : memref<10112x128xf32, #tpu.memory_space<vmem_shared>> -> memref<10112x128xf32, #tpu.memory_space<vmem_shared>>
      tpu.wait_indirect_dma semaphore(%arg9 : memref<!tpu.dma_semaphore, #tpu.memory_space<semaphore_mem>>) src(%arg7 : memref<16x128xf32, #tpu.memory_space<vmem>>) dst(%dma_wait3A_416 : memref<10112x128xf32, #tpu.memory_space<vmem_shared>>)
      %dma_wait3A_417 = arith.constant 0 : i32
      %dma_wait3A_418 = arith.constant 0 : i32
      %dma_wait3A_419 = tpu.memref_slice %arg8[%dma_wait3A_417, %dma_wait3A_418] : memref<10112x128xf32, #tpu.memory_space<vmem_shared>> -> memref<10112x128xf32, #tpu.memory_space<vmem_shared>>
      tpu.wait_indirect_dma semaphore(%arg9 : memref<!tpu.dma_semaphore, #tpu.memory_space<semaphore_mem>>) src(%arg7 : memref<16x128xf32, #tpu.memory_space<vmem>>) dst(%dma_wait3A_419 : memref<10112x128xf32, #tpu.memory_space<vmem_shared>>)
      %dma_wait3A_420 = arith.constant 0 : i32
      %dma_wait3A_421 = arith.constant 0 : i32
      %dma_wait3A_422 = tpu.memref_slice %arg8[%dma_wait3A_420, %dma_wait3A_421] : memref<10112x128xf32, #tpu.memory_space<vmem_shared>> -> memref<10112x128xf32, #tpu.memory_space<vmem_shared>>
      tpu.wait_indirect_dma semaphore(%arg9 : memref<!tpu.dma_semaphore, #tpu.memory_space<semaphore_mem>>) src(%arg7 : memref<16x128xf32, #tpu.memory_space<vmem>>) dst(%dma_wait3A_422 : memref<10112x128xf32, #tpu.memory_space<vmem_shared>>)
      %dma_wait3A_423 = arith.constant 0 : i32
      %dma_wait3A_424 = arith.constant 0 : i32
      %dma_wait3A_425 = tpu.memref_slice %arg8[%dma_wait3A_423, %dma_wait3A_424] : memref<10112x128xf32, #tpu.memory_space<vmem_shared>> -> memref<10112x128xf32, #tpu.memory_space<vmem_shared>>
      tpu.wait_indirect_dma semaphore(%arg9 : memref<!tpu.dma_semaphore, #tpu.memory_space<semaphore_mem>>) src(%arg7 : memref<16x128xf32, #tpu.memory_space<vmem>>) dst(%dma_wait3A_425 : memref<10112x128xf32, #tpu.memory_space<vmem_shared>>)
      %dma_wait3A_426 = arith.constant 0 : i32
      %dma_wait3A_427 = arith.constant 0 : i32
      %dma_wait3A_428 = tpu.memref_slice %arg8[%dma_wait3A_426, %dma_wait3A_427] : memref<10112x128xf32, #tpu.memory_space<vmem_shared>> -> memref<10112x128xf32, #tpu.memory_space<vmem_shared>>
      tpu.wait_indirect_dma semaphore(%arg9 : memref<!tpu.dma_semaphore, #tpu.memory_space<semaphore_mem>>) src(%arg7 : memref<16x128xf32, #tpu.memory_space<vmem>>) dst(%dma_wait3A_428 : memref<10112x128xf32, #tpu.memory_space<vmem_shared>>)
      %dma_wait3A_429 = arith.constant 0 : i32
      %dma_wait3A_430 = arith.constant 0 : i32
      %dma_wait3A_431 = tpu.memref_slice %arg8[%dma_wait3A_429, %dma_wait3A_430] : memref<10112x128xf32, #tpu.memory_space<vmem_shared>> -> memref<10112x128xf32, #tpu.memory_space<vmem_shared>>
      tpu.wait_indirect_dma semaphore(%arg9 : memref<!tpu.dma_semaphore, #tpu.memory_space<semaphore_mem>>) src(%arg7 : memref<16x128xf32, #tpu.memory_space<vmem>>) dst(%dma_wait3A_431 : memref<10112x128xf32, #tpu.memory_space<vmem_shared>>)
      %dma_wait3A_432 = arith.constant 0 : i32
      %dma_wait3A_433 = arith.constant 0 : i32
      %dma_wait3A_434 = tpu.memref_slice %arg8[%dma_wait3A_432, %dma_wait3A_433] : memref<10112x128xf32, #tpu.memory_space<vmem_shared>> -> memref<10112x128xf32, #tpu.memory_space<vmem_shared>>
      tpu.wait_indirect_dma semaphore(%arg9 : memref<!tpu.dma_semaphore, #tpu.memory_space<semaphore_mem>>) src(%arg7 : memref<16x128xf32, #tpu.memory_space<vmem>>) dst(%dma_wait3A_434 : memref<10112x128xf32, #tpu.memory_space<vmem_shared>>)
      %dma_wait3A_435 = arith.constant 0 : i32
      %dma_wait3A_436 = arith.constant 0 : i32
      %dma_wait3A_437 = tpu.memref_slice %arg8[%dma_wait3A_435, %dma_wait3A_436] : memref<10112x128xf32, #tpu.memory_space<vmem_shared>> -> memref<10112x128xf32, #tpu.memory_space<vmem_shared>>
      tpu.wait_indirect_dma semaphore(%arg9 : memref<!tpu.dma_semaphore, #tpu.memory_space<semaphore_mem>>) src(%arg7 : memref<16x128xf32, #tpu.memory_space<vmem>>) dst(%dma_wait3A_437 : memref<10112x128xf32, #tpu.memory_space<vmem_shared>>)
      %dma_wait3A_438 = arith.constant 0 : i32
      %dma_wait3A_439 = arith.constant 0 : i32
      %dma_wait3A_440 = tpu.memref_slice %arg8[%dma_wait3A_438, %dma_wait3A_439] : memref<10112x128xf32, #tpu.memory_space<vmem_shared>> -> memref<10112x128xf32, #tpu.memory_space<vmem_shared>>
      tpu.wait_indirect_dma semaphore(%arg9 : memref<!tpu.dma_semaphore, #tpu.memory_space<semaphore_mem>>) src(%arg7 : memref<16x128xf32, #tpu.memory_space<vmem>>) dst(%dma_wait3A_440 : memref<10112x128xf32, #tpu.memory_space<vmem_shared>>)
      %dma_wait3A_441 = arith.constant 0 : i32
      %dma_wait3A_442 = arith.constant 0 : i32
      %dma_wait3A_443 = tpu.memref_slice %arg8[%dma_wait3A_441, %dma_wait3A_442] : memref<10112x128xf32, #tpu.memory_space<vmem_shared>> -> memref<10112x128xf32, #tpu.memory_space<vmem_shared>>
      tpu.wait_indirect_dma semaphore(%arg9 : memref<!tpu.dma_semaphore, #tpu.memory_space<semaphore_mem>>) src(%arg7 : memref<16x128xf32, #tpu.memory_space<vmem>>) dst(%dma_wait3A_443 : memref<10112x128xf32, #tpu.memory_space<vmem_shared>>)
      %dma_wait3A_444 = arith.constant 0 : i32
      %dma_wait3A_445 = arith.constant 0 : i32
      %dma_wait3A_446 = tpu.memref_slice %arg8[%dma_wait3A_444, %dma_wait3A_445] : memref<10112x128xf32, #tpu.memory_space<vmem_shared>> -> memref<10112x128xf32, #tpu.memory_space<vmem_shared>>
      tpu.wait_indirect_dma semaphore(%arg9 : memref<!tpu.dma_semaphore, #tpu.memory_space<semaphore_mem>>) src(%arg7 : memref<16x128xf32, #tpu.memory_space<vmem>>) dst(%dma_wait3A_446 : memref<10112x128xf32, #tpu.memory_space<vmem_shared>>)
      %dma_wait3A_447 = arith.constant 0 : i32
      %dma_wait3A_448 = arith.constant 0 : i32
      %dma_wait3A_449 = tpu.memref_slice %arg8[%dma_wait3A_447, %dma_wait3A_448] : memref<10112x128xf32, #tpu.memory_space<vmem_shared>> -> memref<10112x128xf32, #tpu.memory_space<vmem_shared>>
      tpu.wait_indirect_dma semaphore(%arg9 : memref<!tpu.dma_semaphore, #tpu.memory_space<semaphore_mem>>) src(%arg7 : memref<16x128xf32, #tpu.memory_space<vmem>>) dst(%dma_wait3A_449 : memref<10112x128xf32, #tpu.memory_space<vmem_shared>>)
      %dma_wait3A_450 = arith.constant 0 : i32
      %dma_wait3A_451 = arith.constant 0 : i32
      %dma_wait3A_452 = tpu.memref_slice %arg8[%dma_wait3A_450, %dma_wait3A_451] : memref<10112x128xf32, #tpu.memory_space<vmem_shared>> -> memref<10112x128xf32, #tpu.memory_space<vmem_shared>>
      tpu.wait_indirect_dma semaphore(%arg9 : memref<!tpu.dma_semaphore, #tpu.memory_space<semaphore_mem>>) src(%arg7 : memref<16x128xf32, #tpu.memory_space<vmem>>) dst(%dma_wait3A_452 : memref<10112x128xf32, #tpu.memory_space<vmem_shared>>)
      %dma_wait3A_453 = arith.constant 0 : i32
      %dma_wait3A_454 = arith.constant 0 : i32
      %dma_wait3A_455 = tpu.memref_slice %arg8[%dma_wait3A_453, %dma_wait3A_454] : memref<10112x128xf32, #tpu.memory_space<vmem_shared>> -> memref<10112x128xf32, #tpu.memory_space<vmem_shared>>
      tpu.wait_indirect_dma semaphore(%arg9 : memref<!tpu.dma_semaphore, #tpu.memory_space<semaphore_mem>>) src(%arg7 : memref<16x128xf32, #tpu.memory_space<vmem>>) dst(%dma_wait3A_455 : memref<10112x128xf32, #tpu.memory_space<vmem_shared>>)
      %dma_wait3A_456 = arith.constant 0 : i32
      %dma_wait3A_457 = arith.constant 0 : i32
      %dma_wait3A_458 = tpu.memref_slice %arg8[%dma_wait3A_456, %dma_wait3A_457] : memref<10112x128xf32, #tpu.memory_space<vmem_shared>> -> memref<10112x128xf32, #tpu.memory_space<vmem_shared>>
      tpu.wait_indirect_dma semaphore(%arg9 : memref<!tpu.dma_semaphore, #tpu.memory_space<semaphore_mem>>) src(%arg7 : memref<16x128xf32, #tpu.memory_space<vmem>>) dst(%dma_wait3A_458 : memref<10112x128xf32, #tpu.memory_space<vmem_shared>>)
      %dma_wait3A_459 = arith.constant 0 : i32
      %dma_wait3A_460 = arith.constant 0 : i32
      %dma_wait3A_461 = tpu.memref_slice %arg8[%dma_wait3A_459, %dma_wait3A_460] : memref<10112x128xf32, #tpu.memory_space<vmem_shared>> -> memref<10112x128xf32, #tpu.memory_space<vmem_shared>>
      tpu.wait_indirect_dma semaphore(%arg9 : memref<!tpu.dma_semaphore, #tpu.memory_space<semaphore_mem>>) src(%arg7 : memref<16x128xf32, #tpu.memory_space<vmem>>) dst(%dma_wait3A_461 : memref<10112x128xf32, #tpu.memory_space<vmem_shared>>)
      %dma_wait3A_462 = arith.constant 0 : i32
      %dma_wait3A_463 = arith.constant 0 : i32
      %dma_wait3A_464 = tpu.memref_slice %arg8[%dma_wait3A_462, %dma_wait3A_463] : memref<10112x128xf32, #tpu.memory_space<vmem_shared>> -> memref<10112x128xf32, #tpu.memory_space<vmem_shared>>
      tpu.wait_indirect_dma semaphore(%arg9 : memref<!tpu.dma_semaphore, #tpu.memory_space<semaphore_mem>>) src(%arg7 : memref<16x128xf32, #tpu.memory_space<vmem>>) dst(%dma_wait3A_464 : memref<10112x128xf32, #tpu.memory_space<vmem_shared>>)
      %dma_wait3A_465 = arith.constant 0 : i32
      %dma_wait3A_466 = arith.constant 0 : i32
      %dma_wait3A_467 = tpu.memref_slice %arg8[%dma_wait3A_465, %dma_wait3A_466] : memref<10112x128xf32, #tpu.memory_space<vmem_shared>> -> memref<10112x128xf32, #tpu.memory_space<vmem_shared>>
      tpu.wait_indirect_dma semaphore(%arg9 : memref<!tpu.dma_semaphore, #tpu.memory_space<semaphore_mem>>) src(%arg7 : memref<16x128xf32, #tpu.memory_space<vmem>>) dst(%dma_wait3A_467 : memref<10112x128xf32, #tpu.memory_space<vmem_shared>>)
      %dma_wait3A_468 = arith.constant 0 : i32
      %dma_wait3A_469 = arith.constant 0 : i32
      %dma_wait3A_470 = tpu.memref_slice %arg8[%dma_wait3A_468, %dma_wait3A_469] : memref<10112x128xf32, #tpu.memory_space<vmem_shared>> -> memref<10112x128xf32, #tpu.memory_space<vmem_shared>>
      tpu.wait_indirect_dma semaphore(%arg9 : memref<!tpu.dma_semaphore, #tpu.memory_space<semaphore_mem>>) src(%arg7 : memref<16x128xf32, #tpu.memory_space<vmem>>) dst(%dma_wait3A_470 : memref<10112x128xf32, #tpu.memory_space<vmem_shared>>)
      %dma_wait3A_471 = arith.constant 0 : i32
      %dma_wait3A_472 = arith.constant 0 : i32
      %dma_wait3A_473 = tpu.memref_slice %arg8[%dma_wait3A_471, %dma_wait3A_472] : memref<10112x128xf32, #tpu.memory_space<vmem_shared>> -> memref<10112x128xf32, #tpu.memory_space<vmem_shared>>
      tpu.wait_indirect_dma semaphore(%arg9 : memref<!tpu.dma_semaphore, #tpu.memory_space<semaphore_mem>>) src(%arg7 : memref<16x128xf32, #tpu.memory_space<vmem>>) dst(%dma_wait3A_473 : memref<10112x128xf32, #tpu.memory_space<vmem_shared>>)
      %dma_wait3A_474 = arith.constant 0 : i32
      %dma_wait3A_475 = arith.constant 0 : i32
      %dma_wait3A_476 = tpu.memref_slice %arg8[%dma_wait3A_474, %dma_wait3A_475] : memref<10112x128xf32, #tpu.memory_space<vmem_shared>> -> memref<10112x128xf32, #tpu.memory_space<vmem_shared>>
      tpu.wait_indirect_dma semaphore(%arg9 : memref<!tpu.dma_semaphore, #tpu.memory_space<semaphore_mem>>) src(%arg7 : memref<16x128xf32, #tpu.memory_space<vmem>>) dst(%dma_wait3A_476 : memref<10112x128xf32, #tpu.memory_space<vmem_shared>>)
      %dma_wait3A_477 = arith.constant 0 : i32
      %dma_wait3A_478 = arith.constant 0 : i32
      %dma_wait3A_479 = tpu.memref_slice %arg8[%dma_wait3A_477, %dma_wait3A_478] : memref<10112x128xf32, #tpu.memory_space<vmem_shared>> -> memref<10112x128xf32, #tpu.memory_space<vmem_shared>>
      tpu.wait_indirect_dma semaphore(%arg9 : memref<!tpu.dma_semaphore, #tpu.memory_space<semaphore_mem>>) src(%arg7 : memref<16x128xf32, #tpu.memory_space<vmem>>) dst(%dma_wait3A_479 : memref<10112x128xf32, #tpu.memory_space<vmem_shared>>)
      %dma_wait3A_480 = arith.constant 0 : i32
      %dma_wait3A_481 = arith.constant 0 : i32
      %dma_wait3A_482 = tpu.memref_slice %arg8[%dma_wait3A_480, %dma_wait3A_481] : memref<10112x128xf32, #tpu.memory_space<vmem_shared>> -> memref<10112x128xf32, #tpu.memory_space<vmem_shared>>
      tpu.wait_indirect_dma semaphore(%arg9 : memref<!tpu.dma_semaphore, #tpu.memory_space<semaphore_mem>>) src(%arg7 : memref<16x128xf32, #tpu.memory_space<vmem>>) dst(%dma_wait3A_482 : memref<10112x128xf32, #tpu.memory_space<vmem_shared>>)
      %dma_wait3A_483 = arith.constant 0 : i32
      %dma_wait3A_484 = arith.constant 0 : i32
      %dma_wait3A_485 = tpu.memref_slice %arg8[%dma_wait3A_483, %dma_wait3A_484] : memref<10112x128xf32, #tpu.memory_space<vmem_shared>> -> memref<10112x128xf32, #tpu.memory_space<vmem_shared>>
      tpu.wait_indirect_dma semaphore(%arg9 : memref<!tpu.dma_semaphore, #tpu.memory_space<semaphore_mem>>) src(%arg7 : memref<16x128xf32, #tpu.memory_space<vmem>>) dst(%dma_wait3A_485 : memref<10112x128xf32, #tpu.memory_space<vmem_shared>>)
      %dma_wait3A_486 = arith.constant 0 : i32
      %dma_wait3A_487 = arith.constant 0 : i32
      %dma_wait3A_488 = tpu.memref_slice %arg8[%dma_wait3A_486, %dma_wait3A_487] : memref<10112x128xf32, #tpu.memory_space<vmem_shared>> -> memref<10112x128xf32, #tpu.memory_space<vmem_shared>>
      tpu.wait_indirect_dma semaphore(%arg9 : memref<!tpu.dma_semaphore, #tpu.memory_space<semaphore_mem>>) src(%arg7 : memref<16x128xf32, #tpu.memory_space<vmem>>) dst(%dma_wait3A_488 : memref<10112x128xf32, #tpu.memory_space<vmem_shared>>)
    }
    %scan3A_9 = arith.constant 20 : i32
    %barrier3A_10 = arith.constant 0 : index
    tpu.barrier barrier_id(%barrier3A_10)
    "tpu.region"() ({
      %run_scoped3A = tpu.sem_alloc : memref<!tpu.dma_semaphore, #tpu.memory_space<semaphore_mem>>
      %dma_start3A = arith.constant 0 : i32
      %dma_start3A_11 = tpu.memref_slice %arg5[%arg0, %mul3A_2, %dma_start3A] : memref<2x10112x128xf32, #tpu.memory_space<hbm>> -> memref<1x632x128xf32, #tpu.memory_space<hbm>>
      %dma_start3A_12 = tpu.memref_squeeze %dma_start3A_11 : memref<1x632x128xf32, #tpu.memory_space<hbm>> -> memref<632x128xf32, #tpu.memory_space<hbm>>
      %dma_start3A_13 = arith.constant 0 : i32
      %dma_start3A_14 = tpu.memref_slice %arg8[%mul3A_2, %dma_start3A_13] : memref<10112x128xf32, #tpu.memory_space<vmem_shared>> -> memref<632x128xf32, #tpu.memory_space<vmem_shared>>
      tpu.enqueue_dma source(%dma_start3A_14 : memref<632x128xf32, #tpu.memory_space<vmem_shared>>) target(%dma_start3A_12 : memref<632x128xf32, #tpu.memory_space<hbm>>) target_semaphore(%run_scoped3A : memref<!tpu.dma_semaphore, #tpu.memory_space<semaphore_mem>>)
      %dma_wait3A = arith.constant 0 : i32
      %dma_wait3A_15 = tpu.memref_slice %arg5[%arg0, %mul3A_2, %dma_wait3A] : memref<2x10112x128xf32, #tpu.memory_space<hbm>> -> memref<1x632x128xf32, #tpu.memory_space<hbm>>
      %dma_wait3A_16 = tpu.memref_squeeze %dma_wait3A_15 : memref<1x632x128xf32, #tpu.memory_space<hbm>> -> memref<632x128xf32, #tpu.memory_space<hbm>>
      %dma_wait3A_17 = arith.constant 0 : i32
      %dma_wait3A_18 = tpu.memref_slice %arg8[%mul3A_2, %dma_wait3A_17] : memref<10112x128xf32, #tpu.memory_space<vmem_shared>> -> memref<632x128xf32, #tpu.memory_space<vmem_shared>>
      tpu.wait_dma2 semaphore(%run_scoped3A : memref<!tpu.dma_semaphore, #tpu.memory_space<semaphore_mem>>) src(%dma_wait3A_18 : memref<632x128xf32, #tpu.memory_space<vmem_shared>>) dst(%dma_wait3A_16 : memref<632x128xf32, #tpu.memory_space<hbm>>)
      tpu.yield
    }) : () -> ()
    return
  }
}

module attributes {stable_mosaic.version = 14 : i64} {
  func.func @body(%arg0: i32, %arg1: memref<1000x128xf32, #tpu.memory_space<vmem>>, %arg2: memref<128x128xf32, #tpu.memory_space<vmem>>, %arg3: memref<128x128xf32, #tpu.memory_space<vmem>>, %arg4: memref<2x1000x128xf32, #tpu.memory_space<vmem>>, %arg5: memref<1000x128xf32, #tpu.memory_space<vmem>>, %arg6: memref<1000x128xf32, #tpu.memory_space<vmem>>, %arg7: memref<1000x128xf32, #tpu.memory_space<vmem>>) attributes {dimension_semantics = [#tpu.dimension_semantics<arbitrary>], iteration_bounds = array<i64: 10>, scalar_prefetch = 0 : i64, scratch_operands = 0 : i64, tpu.core_type = #tpu.core_type<tc>, window_params = [{transform_indices = @transform_0, window_bounds = array<i64: 1000, 128>}, {pipeline_mode = #tpu.pipeline_mode<synchronous>, transform_indices = @transform_1, window_bounds = array<i64: 128, 128>}, {pipeline_mode = #tpu.pipeline_mode<synchronous>, transform_indices = @transform_2, window_bounds = array<i64: 128, 128>}, {transform_indices = @transform_3, window_bounds = array<i64: 2, 1000, 128>}, {transform_indices = @transform_4, window_bounds = array<i64: 1000, 128>}, {transform_indices = @transform_5, window_bounds = array<i64: 1000, 128>}, {transform_indices = @transform_6, window_bounds = array<i64: 1000, 128>}]} {
    %get3A = arith.constant 0 : index
    %get3A_0 = arith.constant 0 : index
    %get3A_1 = arith.constant 0 : index
    %get3A_2 = vector.load %arg4[%get3A, %get3A_0, %get3A_1] : memref<2x1000x128xf32, #tpu.memory_space<vmem>>, vector<1x1000x1xf32>
    %get3A_3 = vector.shape_cast %get3A_2 : vector<1x1000x1xf32> to vector<1000xf32>
    %get3A_4 = arith.constant 1 : index
    %get3A_5 = arith.constant 0 : index
    %get3A_6 = arith.constant 0 : index
    %get3A_7 = vector.load %arg4[%get3A_4, %get3A_5, %get3A_6] : memref<2x1000x128xf32, #tpu.memory_space<vmem>>, vector<1x1000x1xf32>
    %get3A_8 = vector.shape_cast %get3A_7 : vector<1x1000x1xf32> to vector<1000xf32>
    %add3A = arith.addf %get3A_3, %get3A_8 : vector<1000xf32>
    %add3A_9 = arith.constant 1.000000e+00 : f32
    %add3A_10 = vector.broadcast %add3A_9 : f32 to vector<1000xf32>
    %add3A_11 = arith.addf %add3A, %add3A_10 : vector<1000xf32>
    %rsqrt3A = math.rsqrt %add3A_11 : vector<1000xf32>
    %get3A_12 = arith.constant 0 : index
    %get3A_13 = arith.constant 0 : index
    %get3A_14 = vector.load %arg1[%get3A_12, %get3A_13] : memref<1000x128xf32, #tpu.memory_space<vmem>>, vector<1000x128xf32>
    %broadcast_in_dim3A = vector.shape_cast %rsqrt3A : vector<1000xf32> to vector<1000x1xf32>
    %mul3A = vector.broadcast %broadcast_in_dim3A : vector<1000x1xf32> to vector<1000x128xf32>
    %mul3A_15 = arith.mulf %get3A_14, %mul3A : vector<1000x128xf32>
    %get3A_16 = arith.constant 0 : index
    %get3A_17 = arith.constant 0 : index
    %get3A_18 = vector.load %arg2[%get3A_16, %get3A_17] : memref<128x128xf32, #tpu.memory_space<vmem>>, vector<128x128xf32>
    %dot_general3A = arith.constant dense<0.000000e+00> : vector<1000x128xf32>
    %dot_general3A_19 = tpu.matmul %mul3A_15, %get3A_18, %dot_general3A {dimension_numbers = #tpu.dot_dimension_numbers<[1], [0], [0], [1], [0, 0, 1, 1], [], []>, precision = #tpu.contract_precision<fp32>, transpose_lhs_hint = false} : vector<1000x128xf32>, vector<128x128xf32>, vector<1000x128xf32> -> vector<1000x128xf32>
    %swap3A = arith.constant 0 : index
    %swap3A_20 = arith.constant 0 : index
    %swap3A_21 = vector.load %arg5[%swap3A, %swap3A_20] : memref<1000x128xf32, #tpu.memory_space<vmem>>, vector<1000x128xf32>
    tpu.vector_store %arg5[%swap3A, %swap3A_20], %dot_general3A_19 {strides = array<i32>} : memref<1000x128xf32, #tpu.memory_space<vmem>>, vector<1000x128xf32>,
    %get3A_22 = arith.constant 0 : index
    %get3A_23 = arith.constant 0 : index
    %get3A_24 = vector.load %arg3[%get3A_22, %get3A_23] : memref<128x128xf32, #tpu.memory_space<vmem>>, vector<128x128xf32>
    %dot_general3A_25 = arith.constant dense<0.000000e+00> : vector<1000x128xf32>
    %dot_general3A_26 = tpu.matmul %mul3A_15, %get3A_24, %dot_general3A_25 {dimension_numbers = #tpu.dot_dimension_numbers<[1], [0], [0], [1], [0, 0, 1, 1], [], []>, precision = #tpu.contract_precision<fp32>, transpose_lhs_hint = false} : vector<1000x128xf32>, vector<128x128xf32>, vector<1000x128xf32> -> vector<1000x128xf32>
    %swap3A_27 = arith.constant 0 : index
    %swap3A_28 = arith.constant 0 : index
    %swap3A_29 = vector.load %arg6[%swap3A_27, %swap3A_28] : memref<1000x128xf32, #tpu.memory_space<vmem>>, vector<1000x128xf32>
    tpu.vector_store %arg6[%swap3A_27, %swap3A_28], %dot_general3A_26 {strides = array<i32>} : memref<1000x128xf32, #tpu.memory_space<vmem>>, vector<1000x128xf32>,
    %broadcast_in_dim3A_30 = vector.shape_cast %rsqrt3A : vector<1000xf32> to vector<1000x1xf32>
    %broadcast_in_dim3A_31 = vector.shape_cast %broadcast_in_dim3A_30 : vector<1000x1xf32> to vector<1000x1xf32>
    %broadcast_in_dim3A_32 = vector.broadcast %broadcast_in_dim3A_31 : vector<1000x1xf32> to vector<1000x128xf32>
    %swap3A_33 = arith.constant 0 : index
    %swap3A_34 = arith.constant 0 : index
    %swap3A_35 = vector.load %arg7[%swap3A_33, %swap3A_34] : memref<1000x128xf32, #tpu.memory_space<vmem>>, vector<1000x128xf32>
    tpu.vector_store %arg7[%swap3A_33, %swap3A_34], %broadcast_in_dim3A_32 {strides = array<i32>} : memref<1000x128xf32, #tpu.memory_space<vmem>>, vector<1000x128xf32>,
    return
  }
  func.func @transform_0(%arg0: i32) -> (i32, i32) {
    %c0_i32 = arith.constant 0 : i32
    %c0_i32_0 = arith.constant 0 : i32
    return %arg0, %c0_i32 : i32, i32
  }
  func.func @transform_1(%arg0: i32) -> (i32, i32) {
    %c0_i32 = arith.constant 0 : i32
    %c0_i32_0 = arith.constant 0 : i32
    %c0_i32_1 = arith.constant 0 : i32
    return %c0_i32, %c0_i32_0 : i32, i32
  }
  func.func @transform_2(%arg0: i32) -> (i32, i32) {
    %c0_i32 = arith.constant 0 : i32
    %c0_i32_0 = arith.constant 0 : i32
    %c0_i32_1 = arith.constant 0 : i32
    return %c0_i32, %c0_i32_0 : i32, i32
  }
  func.func @transform_3(%arg0: i32) -> (i32, i32, i32) {
    %c0_i32 = arith.constant 0 : i32
    %c0_i32_0 = arith.constant 0 : i32
    %c0_i32_1 = arith.constant 0 : i32
    return %c0_i32, %arg0, %c0_i32_0 : i32, i32, i32
  }
  func.func @transform_4(%arg0: i32) -> (i32, i32) {
    %c0_i32 = arith.constant 0 : i32
    %c0_i32_0 = arith.constant 0 : i32
    return %arg0, %c0_i32 : i32, i32
  }
  func.func @transform_5(%arg0: i32) -> (i32, i32) {
    %c0_i32 = arith.constant 0 : i32
    %c0_i32_0 = arith.constant 0 : i32
    return %arg0, %c0_i32 : i32, i32
  }
  func.func @transform_6(%arg0: i32) -> (i32, i32) {
    %c0_i32 = arith.constant 0 : i32
    %c0_i32_0 = arith.constant 0 : i32
    return %arg0, %c0_i32 : i32, i32
  }
}

module attributes {stable_mosaic.version = 14 : i64} {
  func.func @body(%arg0: i32, %arg1: memref<2x1000x128xf32, #tpu.memory_space<vmem>>, %arg2: memref<1000x128xf32, #tpu.memory_space<vmem>>, %arg3: memref<1000x128xf32, #tpu.memory_space<vmem>>, %arg4: memref<1000x128xf32, #tpu.memory_space<vmem>>, %arg5: memref<1x128xf32, #tpu.memory_space<vmem>>, %arg6: memref<1x128xf32, #tpu.memory_space<vmem>>, %arg7: memref<128x128xf32, #tpu.memory_space<vmem>>, %arg8: memref<128x128xf32, #tpu.memory_space<vmem>>, %arg9: memref<1000x128xf32, #tpu.memory_space<vmem>>) attributes {dimension_semantics = [#tpu.dimension_semantics<arbitrary>], iteration_bounds = array<i64: 10>, scalar_prefetch = 0 : i64, scratch_operands = 0 : i64, tpu.core_type = #tpu.core_type<tc>, window_params = [{transform_indices = @transform_0, window_bounds = array<i64: 2, 1000, 128>}, {transform_indices = @transform_1, window_bounds = array<i64: 1000, 128>}, {transform_indices = @transform_2, window_bounds = array<i64: 1000, 128>}, {transform_indices = @transform_3, window_bounds = array<i64: 1000, 128>}, {pipeline_mode = #tpu.pipeline_mode<synchronous>, transform_indices = @transform_4, window_bounds = array<i64: 1, 128>}, {pipeline_mode = #tpu.pipeline_mode<synchronous>, transform_indices = @transform_5, window_bounds = array<i64: 1, 128>}, {pipeline_mode = #tpu.pipeline_mode<synchronous>, transform_indices = @transform_6, window_bounds = array<i64: 128, 128>}, {pipeline_mode = #tpu.pipeline_mode<synchronous>, transform_indices = @transform_7, window_bounds = array<i64: 128, 128>}, {transform_indices = @transform_8, window_bounds = array<i64: 1000, 128>}]} {
    %get3A = arith.constant 0 : index
    %get3A_0 = arith.constant 0 : index
    %get3A_1 = vector.load %arg4[%get3A, %get3A_0] : memref<1000x128xf32, #tpu.memory_space<vmem>>, vector<1000x128xf32>
    %get3A_2 = arith.constant 0 : index
    %get3A_3 = arith.constant 0 : index
    %get3A_4 = arith.constant 0 : index
    %get3A_5 = vector.load %arg1[%get3A_2, %get3A_3, %get3A_4] : memref<2x1000x128xf32, #tpu.memory_space<vmem>>, vector<1x1000x128xf32>
    %get3A_6 = vector.shape_cast %get3A_5 : vector<1x1000x128xf32> to vector<1000x128xf32>
    %get3A_7 = arith.constant 0 : index
    %get3A_8 = arith.constant 0 : index
    %get3A_9 = vector.load %arg2[%get3A_7, %get3A_8] : memref<1000x128xf32, #tpu.memory_space<vmem>>, vector<1000x128xf32>
    %add3A = arith.addf %get3A_6, %get3A_9 : vector<1000x128xf32>
    %mul3A = arith.mulf %get3A_1, %add3A : vector<1000x128xf32>
    %get3A_10 = arith.constant 0 : index
    %get3A_11 = arith.constant 0 : index
    %get3A_12 = vector.load %arg5[%get3A_10, %get3A_11] : memref<1x128xf32, #tpu.memory_space<vmem>>, vector<1x128xf32>
    %add3A_13 = vector.broadcast %get3A_12 : vector<1x128xf32> to vector<1000x128xf32>
    %add3A_14 = arith.addf %mul3A, %add3A_13 : vector<1000x128xf32>
    %max3A = arith.constant 0.000000e+00 : f32
    %max3A_15 = vector.broadcast %max3A : f32 to vector<1000x128xf32>
    %max3A_16 = arith.maximumf %add3A_14, %max3A_15 : vector<1000x128xf32>
    %mul3A_17 = arith.mulf %max3A_16, %get3A_1 : vector<1000x128xf32>
    %get3A_18 = arith.constant 1 : index
    %get3A_19 = arith.constant 0 : index
    %get3A_20 = arith.constant 0 : index
    %get3A_21 = vector.load %arg1[%get3A_18, %get3A_19, %get3A_20] : memref<2x1000x128xf32, #tpu.memory_space<vmem>>, vector<1x1000x128xf32>
    %get3A_22 = vector.shape_cast %get3A_21 : vector<1x1000x128xf32> to vector<1000x128xf32>
    %get3A_23 = arith.constant 0 : index
    %get3A_24 = arith.constant 0 : index
    %get3A_25 = vector.load %arg3[%get3A_23, %get3A_24] : memref<1000x128xf32, #tpu.memory_space<vmem>>, vector<1000x128xf32>
    %add3A_26 = arith.addf %get3A_22, %get3A_25 : vector<1000x128xf32>
    %mul3A_27 = arith.mulf %get3A_1, %add3A_26 : vector<1000x128xf32>
    %get3A_28 = arith.constant 0 : index
    %get3A_29 = arith.constant 0 : index
    %get3A_30 = vector.load %arg6[%get3A_28, %get3A_29] : memref<1x128xf32, #tpu.memory_space<vmem>>, vector<1x128xf32>
    %add3A_31 = vector.broadcast %get3A_30 : vector<1x128xf32> to vector<1000x128xf32>
    %add3A_32 = arith.addf %mul3A_27, %add3A_31 : vector<1000x128xf32>
    %max3A_33 = arith.constant 0.000000e+00 : f32
    %max3A_34 = vector.broadcast %max3A_33 : f32 to vector<1000x128xf32>
    %max3A_35 = arith.maximumf %add3A_32, %max3A_34 : vector<1000x128xf32>
    %mul3A_36 = arith.mulf %max3A_35, %get3A_1 : vector<1000x128xf32>
    %get3A_37 = arith.constant 0 : index
    %get3A_38 = arith.constant 0 : index
    %get3A_39 = vector.load %arg7[%get3A_37, %get3A_38] : memref<128x128xf32, #tpu.memory_space<vmem>>, vector<128x128xf32>
    %dot_general3A = arith.constant dense<0.000000e+00> : vector<1000x128xf32>
    %dot_general3A_40 = tpu.matmul %mul3A_17, %get3A_39, %dot_general3A {dimension_numbers = #tpu.dot_dimension_numbers<[1], [0], [0], [1], [0, 0, 1, 1], [], []>, precision = #tpu.contract_precision<fp32>, transpose_lhs_hint = false} : vector<1000x128xf32>, vector<128x128xf32>, vector<1000x128xf32> -> vector<1000x128xf32>
    %get3A_41 = arith.constant 0 : index
    %get3A_42 = arith.constant 0 : index
    %get3A_43 = vector.load %arg8[%get3A_41, %get3A_42] : memref<128x128xf32, #tpu.memory_space<vmem>>, vector<128x128xf32>
    %dot_general3A_44 = arith.constant dense<0.000000e+00> : vector<1000x128xf32>
    %dot_general3A_45 = tpu.matmul %mul3A_36, %get3A_43, %dot_general3A_44 {dimension_numbers = #tpu.dot_dimension_numbers<[1], [0], [0], [1], [0, 0, 1, 1], [], []>, precision = #tpu.contract_precision<fp32>, transpose_lhs_hint = false} : vector<1000x128xf32>, vector<128x128xf32>, vector<1000x128xf32> -> vector<1000x128xf32>
    %add3A_46 = arith.addf %dot_general3A_40, %dot_general3A_45 : vector<1000x128xf32>
    %swap3A = arith.constant 0 : index
    %swap3A_47 = arith.constant 0 : index
    %swap3A_48 = vector.load %arg9[%swap3A, %swap3A_47] : memref<1000x128xf32, #tpu.memory_space<vmem>>, vector<1000x128xf32>
    tpu.vector_store %arg9[%swap3A, %swap3A_47], %add3A_46 {strides = array<i32>} : memref<1000x128xf32, #tpu.memory_space<vmem>>, vector<1000x128xf32>,
    return
  }
  func.func @transform_0(%arg0: i32) -> (i32, i32, i32) {
    %c0_i32 = arith.constant 0 : i32
    %c0_i32_0 = arith.constant 0 : i32
    %c0_i32_1 = arith.constant 0 : i32
    return %c0_i32, %arg0, %c0_i32_0 : i32, i32, i32
  }
  func.func @transform_1(%arg0: i32) -> (i32, i32) {
    %c0_i32 = arith.constant 0 : i32
    %c0_i32_0 = arith.constant 0 : i32
    return %arg0, %c0_i32 : i32, i32
  }
  func.func @transform_2(%arg0: i32) -> (i32, i32) {
    %c0_i32 = arith.constant 0 : i32
    %c0_i32_0 = arith.constant 0 : i32
    return %arg0, %c0_i32 : i32, i32
  }
  func.func @transform_3(%arg0: i32) -> (i32, i32) {
    %c0_i32 = arith.constant 0 : i32
    %c0_i32_0 = arith.constant 0 : i32
    return %arg0, %c0_i32 : i32, i32
  }
  func.func @transform_4(%arg0: i32) -> (i32, i32) {
    %c0_i32 = arith.constant 0 : i32
    %c0_i32_0 = arith.constant 0 : i32
    %c0_i32_1 = arith.constant 0 : i32
    return %c0_i32, %c0_i32_0 : i32, i32
  }
  func.func @transform_5(%arg0: i32) -> (i32, i32) {
    %c0_i32 = arith.constant 0 : i32
    %c0_i32_0 = arith.constant 0 : i32
    %c0_i32_1 = arith.constant 0 : i32
    return %c0_i32, %c0_i32_0 : i32, i32
  }
  func.func @transform_6(%arg0: i32) -> (i32, i32) {
    %c0_i32 = arith.constant 0 : i32
    %c0_i32_0 = arith.constant 0 : i32
    %c0_i32_1 = arith.constant 0 : i32
    return %c0_i32, %c0_i32_0 : i32, i32
  }
  func.func @transform_7(%arg0: i32) -> (i32, i32) {
    %c0_i32 = arith.constant 0 : i32
    %c0_i32_0 = arith.constant 0 : i32
    %c0_i32_1 = arith.constant 0 : i32
    return %c0_i32, %c0_i32_0 : i32, i32
  }
  func.func @transform_8(%arg0: i32) -> (i32, i32) {
    %c0_i32 = arith.constant 0 : i32
    %c0_i32_0 = arith.constant 0 : i32
    return %arg0, %c0_i32 : i32, i32
  }
}

module attributes {stable_mosaic.version = 14 : i64} {
  func.func @body(%arg0: i32, %arg1: memref<2x1000x128xf32, #tpu.memory_space<vmem>>, %arg2: memref<1000x128xf32, #tpu.memory_space<vmem>>, %arg3: memref<1000x128xf32, #tpu.memory_space<vmem>>, %arg4: memref<1x128xf32, #tpu.memory_space<vmem>>, %arg5: memref<128x128xf32, #tpu.memory_space<vmem>>, %arg6: memref<1x128xf32, #tpu.memory_space<vmem>>, %arg7: memref<1000x128xf32, #tpu.memory_space<vmem>>) attributes {dimension_semantics = [#tpu.dimension_semantics<arbitrary>], iteration_bounds = array<i64: 10>, scalar_prefetch = 0 : i64, scratch_operands = 0 : i64, tpu.core_type = #tpu.core_type<tc>, window_params = [{transform_indices = @transform_0, window_bounds = array<i64: 2, 1000, 128>}, {transform_indices = @transform_1, window_bounds = array<i64: 1000, 128>}, {transform_indices = @transform_2, window_bounds = array<i64: 1000, 128>}, {pipeline_mode = #tpu.pipeline_mode<synchronous>, transform_indices = @transform_3, window_bounds = array<i64: 1, 128>}, {pipeline_mode = #tpu.pipeline_mode<synchronous>, transform_indices = @transform_4, window_bounds = array<i64: 128, 128>}, {pipeline_mode = #tpu.pipeline_mode<synchronous>, transform_indices = @transform_5, window_bounds = array<i64: 1, 128>}, {transform_indices = @transform_6, window_bounds = array<i64: 1000, 128>}]} {
    %get3A = arith.constant 0 : index
    %get3A_0 = arith.constant 0 : index
    %get3A_1 = vector.load %arg3[%get3A, %get3A_0] : memref<1000x128xf32, #tpu.memory_space<vmem>>, vector<1000x128xf32>
    %get3A_2 = arith.constant 0 : index
    %get3A_3 = arith.constant 0 : index
    %get3A_4 = arith.constant 0 : index
    %get3A_5 = vector.load %arg1[%get3A_2, %get3A_3, %get3A_4] : memref<2x1000x128xf32, #tpu.memory_space<vmem>>, vector<1x1000x128xf32>
    %get3A_6 = vector.shape_cast %get3A_5 : vector<1x1000x128xf32> to vector<1000x128xf32>
    %get3A_7 = arith.constant 1 : index
    %get3A_8 = arith.constant 0 : index
    %get3A_9 = arith.constant 0 : index
    %get3A_10 = vector.load %arg1[%get3A_7, %get3A_8, %get3A_9] : memref<2x1000x128xf32, #tpu.memory_space<vmem>>, vector<1x1000x128xf32>
    %get3A_11 = vector.shape_cast %get3A_10 : vector<1x1000x128xf32> to vector<1000x128xf32>
    %add3A = arith.addf %get3A_6, %get3A_11 : vector<1000x128xf32>
    %get3A_12 = arith.constant 0 : index
    %get3A_13 = arith.constant 0 : index
    %get3A_14 = vector.load %arg2[%get3A_12, %get3A_13] : memref<1000x128xf32, #tpu.memory_space<vmem>>, vector<1000x128xf32>
    %add3A_15 = arith.addf %add3A, %get3A_14 : vector<1000x128xf32>
    %mul3A = arith.mulf %get3A_1, %add3A_15 : vector<1000x128xf32>
    %get3A_16 = arith.constant 0 : index
    %get3A_17 = arith.constant 0 : index
    %get3A_18 = vector.load %arg4[%get3A_16, %get3A_17] : memref<1x128xf32, #tpu.memory_space<vmem>>, vector<1x128xf32>
    %add3A_19 = vector.broadcast %get3A_18 : vector<1x128xf32> to vector<1000x128xf32>
    %add3A_20 = arith.addf %mul3A, %add3A_19 : vector<1000x128xf32>
    %max3A = arith.constant 0.000000e+00 : f32
    %max3A_21 = vector.broadcast %max3A : f32 to vector<1000x128xf32>
    %max3A_22 = arith.maximumf %add3A_20, %max3A_21 : vector<1000x128xf32>
    %get3A_23 = arith.constant 0 : index
    %get3A_24 = arith.constant 0 : index
    %get3A_25 = vector.load %arg5[%get3A_23, %get3A_24] : memref<128x128xf32, #tpu.memory_space<vmem>>, vector<128x128xf32>
    %dot_general3A = arith.constant dense<0.000000e+00> : vector<1000x128xf32>
    %dot_general3A_26 = tpu.matmul %max3A_22, %get3A_25, %dot_general3A {dimension_numbers = #tpu.dot_dimension_numbers<[1], [0], [0], [1], [0, 0, 1, 1], [], []>, precision = #tpu.contract_precision<fp32>, transpose_lhs_hint = false} : vector<1000x128xf32>, vector<128x128xf32>, vector<1000x128xf32> -> vector<1000x128xf32>
    %get3A_27 = arith.constant 0 : index
    %get3A_28 = arith.constant 0 : index
    %get3A_29 = vector.load %arg6[%get3A_27, %get3A_28] : memref<1x128xf32, #tpu.memory_space<vmem>>, vector<1x128xf32>
    %add3A_30 = vector.broadcast %get3A_29 : vector<1x128xf32> to vector<1000x128xf32>
    %add3A_31 = arith.addf %dot_general3A_26, %add3A_30 : vector<1000x128xf32>
    %swap3A = arith.constant 0 : index
    %swap3A_32 = arith.constant 0 : index
    %swap3A_33 = vector.load %arg7[%swap3A, %swap3A_32] : memref<1000x128xf32, #tpu.memory_space<vmem>>, vector<1000x128xf32>
    tpu.vector_store %arg7[%swap3A, %swap3A_32], %add3A_31 {strides = array<i32>} : memref<1000x128xf32, #tpu.memory_space<vmem>>, vector<1000x128xf32>,
    return
  }
  func.func @transform_0(%arg0: i32) -> (i32, i32, i32) {
    %c0_i32 = arith.constant 0 : i32
    %c0_i32_0 = arith.constant 0 : i32
    %c0_i32_1 = arith.constant 0 : i32
    return %c0_i32, %arg0, %c0_i32_0 : i32, i32, i32
  }
  func.func @transform_1(%arg0: i32) -> (i32, i32) {
    %c0_i32 = arith.constant 0 : i32
    %c0_i32_0 = arith.constant 0 : i32
    return %arg0, %c0_i32 : i32, i32
  }
  func.func @transform_2(%arg0: i32) -> (i32, i32) {
    %c0_i32 = arith.constant 0 : i32
    %c0_i32_0 = arith.constant 0 : i32
    return %arg0, %c0_i32 : i32, i32
  }
  func.func @transform_3(%arg0: i32) -> (i32, i32) {
    %c0_i32 = arith.constant 0 : i32
    %c0_i32_0 = arith.constant 0 : i32
    %c0_i32_1 = arith.constant 0 : i32
    return %c0_i32, %c0_i32_0 : i32, i32
  }
  func.func @transform_4(%arg0: i32) -> (i32, i32) {
    %c0_i32 = arith.constant 0 : i32
    %c0_i32_0 = arith.constant 0 : i32
    %c0_i32_1 = arith.constant 0 : i32
    return %c0_i32, %c0_i32_0 : i32, i32
  }
  func.func @transform_5(%arg0: i32) -> (i32, i32) {
    %c0_i32 = arith.constant 0 : i32
    %c0_i32_0 = arith.constant 0 : i32
    %c0_i32_1 = arith.constant 0 : i32
    return %c0_i32, %c0_i32_0 : i32, i32
  }
  func.func @transform_6(%arg0: i32) -> (i32, i32) {
    %c0_i32 = arith.constant 0 : i32
    %c0_i32_0 = arith.constant 0 : i32
    return %arg0, %c0_i32 : i32, i32
  }
}

</mosaic_0001>

<sc_bundles>
// kernel: kernel.11.cloned.1.call-start
scs
__scs_entry_jumppad:
0x0: {  	(pc) =	sbr.rel $0x88, $3  }
0x1: {  	(tag) =	ssettag $0x0;
	lr =	simm.s32 $0x1  }
0x2: {  	[smem:$0x3F99] =	sst lr;
	_ =	strace $0xD0000000  }
0x3: {  	_ = 	snop  }
0x4: {  	_ = 	snop  }
0x5: {  	_ = 	snop  }
0x6: {  	_ = 	snop  }
0x7: {  	_ = 	snop  }
__scs_overlays_trampoline_lowered:
0x8: {  	[smem:$0x3FA8] =	sst s0  }
0x9: {  	[smem:$0x3FA9] =	sst s1  }
0xa: {  	[smem:$0x3FAA] =	sst s2  }
0xb: {  	[smem:$0x3FAB] =	sst s3  }
0xc: {  	[smem:$0x3FAC] =	sst s4  }
0xd: {  	[smem:$0x3FAD] =	sst s5  }
0xe: {  	[smem:$0x3FAE] =	sst s6  }
0xf: {  	[smem:$0x3FAF] =	sst s7  }
0x10: {  	[smem:$0x3FB0] =	sst s8  }
0x11: {  	[smem:$0x3FB1] =	sst s9;
	s0 =	simm.s32 @!p0 $0x0  }
0x12: {  	s1 =	sld [smem:$0x3F97];
	s0 =	simm.s32 @p0 $0x1  }
0x13: {  	[smem:$0x3FB2] =	sst s0;
	s0 =	simm.s32 @!p1 $0x0  }
0x14: {  	s2 =	sld [smem:$0x3F96];
	s0 =	simm.s32 @p1 $0x1  }
0x15: {  	[smem:$0x3FB3] =	sst s0;
	s0 =	simm.s32 @!p2 $0x0  }
0x16: {  	s3 =	sld [smem:$0x3FDB];
	s0 =	simm.s32 @p2 $0x1  }
0x17: {  	s4 =	simm.s32 $0x1BF5;
	[smem:$0x3FB5] =	sst s0  }
0x18: {  	s0 =	sld [smem:$0x3F98];
	_ =	swait.ge [sflag:s4], $0x0  }
0x19: {  	s7 =	sld [smem:$0x3F99]  }
0x1a: {  	s8 =	sadd.s32 $0xFFFFE003, lr  }
0x1b: {  	s9 =	sadd.s32 $0xFFFFFEF7, lr;
	s5 =	simm.s32 $0xFFFFFFFF;
	p2 =	slt.u32 s8, $0xFFFFF086  }
0x1c: {  	p1 =	slt.u32 s9, $0xF7A;
	s5 =	simm.s32 @!p2 $0x0  }
0x1d: {  	s5 =	simm.s32 @p1 $0x1;
	p0 =	seq.s32 s7, s2  }
0x1e: {  	s7 =	smul.u32 @!p0 $0xF7A, s2;
	p2 =	seq.s32 @!p0 s5, $0x0  }
0x1f: {  	s9 =	smul.u32 $0xF7A, s1;
	s8 =	simm.s32 @!p0 $0x1BF5;
	p2 =	por !p2, p0  }
0x20: {  	[sflag:s8] =	ssyncset.s32 @!p0 $0xFFFFF086;
	s6 =	sadd.s32 @!p0 s3, s7;
	s7 =	simm.s32 @!p0 $0x108  }
0x21: {  	s3 =	sadd.s32 s3, s9;
	s6 =	sadd.s32 @!p0 $0x88, s6;
	s7 =	simm.s32 @p2 $0x1082  }
0x22: {  	[simem:s7], [sflag:s8] =	dma.local @!p0 [hbm:s6], $0xF7A  }
0x23: {  	s9 =	sor.u32 $0xD0000000, s2;
	s6 =	simm.s32 $0x108;
	_ =	swait.ge @!p0 [sflag:s8], $0x0  }
0x24: {  	s3 =	sadd.s32 $0x88, s3;
	s6 =	simm.s32 @!p1 $0x1082;
	[sflag:s4] =	ssyncset.s32 $0xFFFFF086  }
0x25: {  	[simem:s6], [sflag:s4] =	dma.local [hbm:s3], $0xF7A  }
0x26: {  	[smem:$0x3F99] =	sst s1;
	(tag) =	ssettag s2;
	_ =	strace s9  }
0x27: {  	s1 =	sld [smem:$0x3FA9]  }
0x28: {  	s2 =	sld [smem:$0x3FAA]  }
0x29: {  	s4 =	sld [smem:$0x3FAC]  }
0x2a: {  	p0 =	seq.s32 s5, $0x0;
	s5 =	sld [smem:$0x3FAD]  }
0x2b: {  	s6 =	sld [smem:$0x3FAE]  }
0x2c: {  	s7 =	sld [smem:$0x3FAF]  }
0x2d: {  	s3 =	simm.s32 $0x108;
	s8 =	sld [smem:$0x3FB0]  }
0x2e: {  	s3 =	simm.s32 @!p0 $0x1082;
	s9 =	sld [smem:$0x3FB1]  }
0x2f: {  	lr =	sadd.s32 s0, s3;
	s0 =	sld [smem:$0x3FA8]  }
0x30: {  	s3 =	sld [smem:$0x3FAB]  }
0x31: {  	[smem:$0x3FB4] =	sst s10  }
0x32: {  	s10 =	sld [smem:$0x3FB2];
	_ =	sdelay $0x3  }
0x33: {  	p0 =	seq.s32 s10, $0x1;
	s10 =	sld [smem:$0x3FB4];
	_ =	sdelay $0x3  }
0x34: {  	[smem:$0x3FB4] =	sst s10  }
0x35: {  	s10 =	sld [smem:$0x3FB3];
	_ =	sdelay $0x3  }
0x36: {  	p1 =	seq.s32 s10, $0x1;
	s10 =	sld [smem:$0x3FB4];
	_ =	sdelay $0x3  }
0x37: {  	[smem:$0x3FB4] =	sst s10  }
0x38: {  	s10 =	sld [smem:$0x3FB5]  }
0x39: {  	_ = 	snop;
	(pc) =	sbr.ind lr, $3  }
0x3a: {  	_ = 	snop  }
0x3b: {  	_ = 	snop  }
0x3c: {  	p2 =	seq.s32 s10, $0x1;
	s10 =	sld [smem:$0x3FB4]  }
0x3d: {  	_ =	shalt  }
0x3e: {  	_ =	shalt  }
0x3f: {  	_ =	shalt  }
0x40: {  	_ =	shalt  }
0x41: {  	_ =	shalt  }
0x42: {  	_ =	shalt  }
0x43: {  	_ =	shalt  }
0x44: {  	_ =	shalt  }
0x45: {  	_ =	shalt  }
0x46: {  	_ =	shalt  }
0x47: {  	_ =	shalt  }
0x48: {  	_ =	shalt  }
0x49: {  	_ =	shalt  }
0x4a: {  	_ =	shalt  }
0x4b: {  	_ =	shalt  }
0x4c: {  	_ =	shalt  }
0x4d: {  	_ =	shalt  }
0x4e: {  	_ =	shalt  }
0x4f: {  	_ =	shalt  }
0x50: {  	_ =	shalt  }
0x51: {  	_ =	shalt  }
0x52: {  	_ =	shalt  }
0x53: {  	_ =	shalt  }
0x54: {  	_ =	shalt  }
0x55: {  	_ =	shalt  }
0x56: {  	_ =	shalt  }
0x57: {  	_ =	shalt  }
0x58: {  	_ =	shalt  }
0x59: {  	_ =	shalt  }
0x5a: {  	_ =	shalt  }
0x5b: {  	_ =	shalt  }
0x5c: {  	_ =	shalt  }
0x5d: {  	_ =	shalt  }
0x5e: {  	_ =	shalt  }
0x5f: {  	_ =	shalt  }
0x60: {  	_ =	shalt  }
0x61: {  	_ =	shalt  }
0x62: {  	_ =	shalt  }
0x63: {  	_ =	shalt  }
0x64: {  	_ =	shalt  }
0x65: {  	_ =	shalt  }
0x66: {  	_ =	shalt  }
0x67: {  	_ =	shalt  }
0x68: {  	_ =	shalt  }
0x69: {  	_ =	shalt  }
0x6a: {  	_ =	shalt  }
0x6b: {  	_ =	shalt  }
0x6c: {  	_ =	shalt  }
0x6d: {  	_ =	shalt  }
0x6e: {  	_ =	shalt  }
0x6f: {  	_ =	shalt  }
0x70: {  	_ =	shalt  }
0x71: {  	_ =	shalt  }
0x72: {  	_ =	shalt  }
0x73: {  	_ =	shalt  }
0x74: {  	_ =	shalt  }
0x75: {  	_ =	shalt  }
0x76: {  	_ =	shalt  }
0x77: {  	_ =	shalt  }
0x78: {  	_ =	shalt  }
0x79: {  	_ =	shalt  }
0x7a: {  	_ =	shalt  }
0x7b: {  	_ =	shalt  }
0x7c: {  	_ =	shalt  }
0x7d: {  	_ =	shalt  }
0x7e: {  	_ =	shalt  }
0x7f: {  	_ =	shalt  }
0x80: {  	_ =	shalt  }
0x81: {  	_ =	shalt  }
0x82: {  	_ =	shalt  }
0x83: {  	_ =	shalt  }
0x84: {  	_ =	shalt  }
0x85: {  	_ =	shalt  }
0x86: {  	_ =	shalt  }
0x87: {  	_ =	shalt  }
.Lfunc_end0:
.L_simem_size_0:
called_computation.1_lowered:
.L_overlay_start_0:
0x88: {  	s2 =	sld [smem:$0x3FD9]  }
0x89: {  	s3 =	sld [smem:$0x3FFE];
	_ =	sdelay $0x1  }
0x8a: {  	s1 =	srdreg.scid  }
0x8b: {  	s0 =	sand.u32 $0x1, s1  }
0x8c: {  	s17 =	sshll.u32 s0, $0xA;
	s2 =	sadd.s32 s3, s2  }
0x8d: {  	s2 =	sadd.s32 s2, s17  }
0x8e: {  	[smem:$0x3FC0] =	sst s2  }
0x8f: {  	_ = 	snop  }
0x90: {  	s2 =	sld [smem:$0x3FD0];
	(tm) =	ssettm $0x1  }
0x91: {  	s18 =	sld [smem:$0x3FFB];
	_ =	sdelay $0x3  }
0x92: {  	_ =	strace s18  }
0x93: {  	s3 =	sld [smem:$0x3FFC];
	_ =	sdelay $0x3  }
0x94: {  	_ =	strace s3  }
0x95: {  	s3 =	sld [smem:$0x3FFD];
	_ =	sdelay $0x3  }
0x96: {  	_ =	strace s3  }
0x97: {  	_ =	strace $0x8FFFFFFF  }
0x98: {  	s19 =	sld [smem:$0x3FDB];
	_ =	sdelay $0x1  }
0x99: {  	s4 =	simm.s32 $_scs_section_size  }
0x9a: {  	s5 =	simm.s32 $_size__tile_overlayer_lowered;
	s6 =	simm.s32 $_tile_overlayer_lowered  }
0x9b: {  	s22 =	simm.s32 $0x1BFF;
	s21 =	sshll.u32 s6, $0x1;
	s3 =	sadd.s32 s4, s19  }
0x9c: {  	s7 =	simm.s32 $0x0;
	s20 =	sshll.u32 s5, $0x1;
	s5 =	sadd.s32 s21, s3  }
0x9d: {  	[timem:s7], [sflag:s22] =	dma.local [hbm:s5], s20  }
0x9e: {  	_ =	swait.ge [sflag:s22], s20  }
0x9f: {  	s4 =	ssub.s32 $0x0, s20;
	[sflag:s22] =	ssyncset.done $0x0  }
0xa0: {  	[sflag:s22] =	ssyncadd.s32 s4;
	_ =	sdelay $0x1  }
0xa1: {  	s23 =	simm.s32 $0x1B8B  }
0xa2: {  	_ =	swait.ge [sflag:s23], $0x1  }
0xa3: {  	[sflag:s23] =	ssyncset.done $0x0  }
0xa4: {  	s25 =	simm.s32 $0x1B8E;
	s24 =	sld [smem:$0x3FFE];
	[sflag:s23] =	ssyncadd.s32 $0xFFFFFFFF  }
0xa5: {  	s26 =	simm.s32 $execute0_lowered;
	[smem:$0x3FD2] =	sst s25  }
0xa6: {  	s5 =	sshll.u32 s26, $0x1;
	_ =	strace $0x80000049;
	[dreg:$0x1] =	wrdreg $0xFFFFFFFF  }
0xa7: {  	s28 =	simm.s32 $_size_execute0_lowered;
	s3 =	sadd.s32 s3, s5;
	[dreg:$0x0] =	wrdreg $0x0  }
0xa8: {  	s5 =	sshll.u32 s28, $0x1;
	[dreg:$0x2] =	wrdreg s3  }
0xa9: {  	[dreg:$0x3] =	wrdreg s5  }
0xaa: {  	[dreg:$0x4] =	wrdreg $0xC0  }
0xab: {  	_ =	task [dreg:s7], $0x5FFFF  }
0xac: {  	[dreg:$0x1] =	wrdreg $0xFFFFFFFF  }
0xad: {  	[dreg:$0x0] =	wrdreg $0x60  }
0xae: {  	[dreg:$0x2] =	wrdreg s2  }
0xaf: {  	[dreg:$0x3] =	wrdreg s24  }
0xb0: {  	[dreg:$0x4] =	wrdreg $0xA3000  }
0xb1: {  	[dreg:$0x5] =	wrdreg $0x9  }
0xb2: {  	_ =	task.clear_ibuf [dreg:s7], $0x6FFFF;
	_ =	strace $0x90000049  }
0xb3: {  	s29 =	simm.s32 $0x9;
	_ =	strace $0x8000004B  }
0xb4: {  	_ =	swait.ge [sflag:s29], $0x1  }
0xb5: {  	[sflag:s29] =	ssyncadd.s32 $0xFFFFFFFF  }
0xb6: {  	_ =	strace $0x9000004B  }
0xb7: {  	_ =	sfence  }
0xb8: {  	s30 =	sld [smem:$0x0];
	_ =	sdelay $0x2  }
0xb9: {  	s31 =	sshll.u32 s1, $0xD;
	s1 =	sshrl.u32 s1, $0x2  }
0xba: {  	s3 =	sand.u32 $0x4000, s31;
	s1 =	sadd.s32 s1, s30  }
0xbb: {  	s0 =	sor.u32 s3, s0;
	s1 =	sshll.u32 s1, $0x11  }
0xbc: {  	s0 =	sor.u32 s1, s0  }
0xbd: {  	s0 =	sadd.s32 $0x8F2B, s0  }
0xbe: {  	[sflag:s0] =	ssyncadd.remote.s32 $0x1  }
0xbf: {  	_ =	sfence.sel $0xFFFF  }
0xc0: {  	[dreg:$0x0] =	wrdreg $0xFFFFFFFF;
	(pc) =	sbr.abs _section_cstart, $3  }
0xc1: {  	[dreg:$0x1] =	wrdreg $0xFFFFFFFF  }
0xc2: {  	_ =	task.clear_ibuf [dreg:s7], $0x2FFFF;
	_ =	strace $0x9FFFFFFF  }
0xc3: {  	(tm) =	ssettm $0x7FFFFFFF  }
tec
execute0_lowered:
.L_overlay_start_1:
0x0: {  	(tag) =	ssettag $0x1  }
0x1: {  	s2 =	rddreg [dreg:$0x0]  }
0x2: {  	s0 =	rddreg [dreg:$0x1]  }
0x3: {  	s3 =	rddreg [dreg:$0x2];
	s12 =	stileid.u32  }
0x4: {  	s4 =	simm.s32 $0x0;
	s5 =	srdreg.scid;
	s13 =	simm.s32 $0x300  }
0x5: {  	s14 =	simm.s32 $0xB00;
	s15 =	simm.s32 $0x1300;
	s16 =	simm.s32 $0x1B00  }
0x6: {  	s17 =	simm.s32 $0x2300;
	s18 =	simm.s32 $0x2B00;
	s19 =	simm.s32 $0x3300  }
0x7: {  	s20 =	simm.s32 $0x3B00;
	s21 =	simm.s32 $0x4300;
	s28 =	simm.s32 $0x7300  }
0x8: {  	s29 =	simm.s32 $0x7B00;
	s30 =	simm.s32 $0x8300;
	s1 =	smul.u32 $0x1800, s12  }
0x9: {  	s31 =	simm.s32 $0x8B00;
	[smem:$0x7FF] =	sst s4;
	s6 =	smul.u32 $0x13C00, s12  }
0xa: {  	s7 =	sand.u32 $0x1, s5;
	s5 =	sadd.s32 $0x2B400, s0;
	s10 =	smul.u32 $0x4F000, s12  }
0xb: {  	s25 =	sshll.u32 s12, $0x6;
	s12 =	simm.s32 $0x3;
	_ =	strace $0x8000004A  }
0xc: {  	s8 =	smul.u32 $0x13C000, s7;
	s22 =	ssub.s32 $0x2, s7;
	p0 =	seq.s32 s7, $0x1  }
0xd: {  	s7 =	simm.s32 $0x0;
	s1 =	sadd.s32 s1, s0;
	s9 =	sshrl.u32 s6, $0x3  }
0xe: {  	s11 =	sshrl.u32 s22, $0x1;
	s24 =	sshrl.u32 s10, $0x2;
	[dreg:$0x9] =	wrdreg s7  }
0xf: {  	s6 =	sadd.s32 s6, s8;
	s9 =	sadd.s32 s9, s0;
	s23 =	ssub.s32 s22, s11  }
0x10: {  	s8 =	sadd.s32 s24, s3;
	s11 =	sor.u32 $0x1C03, s25;
	s10 =	sadd.s32 $0x7A600, s1  }
0x11: {  	s22 =	simm.s32 $0x4B00;
	s24 =	simm.s32 $0x5B00;
	s25 =	simm.s32 $0x6300  }
0x12: {  	s1 =	simm.s32 $0x9B00;
	s6 =	sshrl.u32 s6, $0x3;
	s9 =	sadd.s32 $0x3C00, s9  }
.Ltmp0:
0x13: {  	s26 =	smax.u32 s23, $0x1;
	[dreg:$0x5] =	wrdreg s11;
	(pc) =	sbr.rel .LBB2_1-.Ltmp0, $4  }
0x14: {  	s23 =	simm.s32 $0x5300;
	s0 =	sadd.s32 s6, s0;
	[dreg:$0x4] =	wrdreg s9  }
0x15: {  	[dreg:$0x7] =	wrdreg s26;
	s9 =	sshrl.u32 s8, $0x3;
	s26 =	simm.s32 $0x6B00  }
0x16: {  	s6 =	simm.s32 $0x1;
	s0 =	sadd.s32 $0x92600, s0;
	[dreg:$0x8] =	wrdreg s9  }
0x17: {  	vm0 =	vmmov $0xffff;
	s8 =	simm.s32 $0x2;
	[dreg:$0x6] =	wrdreg s0;
	s0 =	simm.s32 $0x9300  }
.LBB2_4:
0x18: {  	[bflag:$0x0] =	sbarrier.arrive $0xFFFF  }
0x19: {  	s11 =	rddreg [dreg:$0x5]  }
0x1a: {  	s7 =	rddreg [dreg:$0x6]  }
0x1b: {  	s9 =	rddreg [dreg:$0x8]  }
0x1c: {  	[hbm:s7], [sflag:s11] =	dma.local [spmem:s9], $0x2780  }
0x1d: {  	_ =	swait.ge [sflag:s12], $0x2780  }
0x1e: {  	s7 =	rddreg [dreg:$0x9]  }
0x1f: {  	s13 =	smov.u32 s10;
	s10 =	sadd.s32 $0x1, s7;
	s7 =	rddreg [dreg:$0x7]  }
0x20: {  	p1 =	sne.s32 s10, s7  }
.Ltmp1:
0x21: {  	_ = 	snop;
	(pc) =	sbr.rel @!p1 .LBB2_5-.Ltmp1, $4  }
0x22: {  	_ = 	snop  }
0x23: {  	[sflag:s12] =	ssyncset.done $0x0  }
0x24: {  	[sflag:s12] =	ssyncadd.s32 $0xFFFFD880  }
0x25: {  	[dreg:$0x9] =	wrdreg s10;
	s10 =	smov.u32 s13;
	s13 =	simm.s32 $0x300  }
.LBB2_1:
0x26: {  	s7 =	rddreg [dreg:$0x4]  }
0x27: {  	[spmem:s9], [sflag:s11] =	dma.local [hbm:s7], $0x2780  }
.Ltmp2:
0x28: {  	_ =	swait.ge [sflag:s12], $0x2780;
	(pc) =	sbr.rel @!p0 .LBB2_2-.Ltmp2, $4  }
0x29: {  	[sflag:s12] =	ssyncset.done $0x0  }
0x2a: {  	[sflag:s12] =	ssyncadd.s32 $0xFFFFD880  }
0x2b: {  	[bflag:$0x0] =	sbarrier.arrive $0xFFFF  }
0x2c: {  	s7 =	simm.s32 $0x0;
	s11 =	simm.s32 $0x0  }
.LBB2_3:
0x2d: {  	s7 =	sadd.s32 s11, s10  }
0x2e: {  	[tilespmem:s4], [sflag:$0x3] =	stream.linear.gather [hbm4b:s7+s4], $0x300, $0x38;
	[tilespmem:$0x1DF00] =	vst v63  }
0x2f: {  	_ =	swait.ge [sflag:s12], $0x300  }
0x30: {  	[sflag:s12] =	ssyncset.done $0x0  }
0x31: {  	[sflag:s12] =	ssyncadd.s32 $0xFFFFFD00  }
0x32: {  	v0 =	vld [tilespmem:$0x0];
	_ =	sdelay $0x7  }
0x33: {  	[tilespmem:s13], [sflag:$0x1] =	stream.indirect_vreg.gather [hbm4b:s5+s4], $0x80, v0, vm0, $0xb8;
	[tilespmem:$0x1DF00] =	vst v63  }
0x34: {  	v0 =	vld [tilespmem:$0x10];
	_ =	sdelay $0x7  }
0x35: {  	[tilespmem:s14], [sflag:$0x1] =	stream.indirect_vreg.gather [hbm4b:s5+s4], $0x80, v0, vm0, $0xb8;
	[tilespmem:$0x1DF00] =	vst v63  }
0x36: {  	v0 =	vld [tilespmem:$0x20];
	_ =	sdelay $0x7  }
0x37: {  	[tilespmem:s15], [sflag:$0x1] =	stream.indirect_vreg.gather [hbm4b:s5+s4], $0x80, v0, vm0, $0xb8;
	[tilespmem:$0x1DF00] =	vst v63  }
0x38: {  	v0 =	vld [tilespmem:$0x30];
	_ =	sdelay $0x7  }
0x39: {  	[tilespmem:s16], [sflag:$0x1] =	stream.indirect_vreg.gather [hbm4b:s5+s4], $0x80, v0, vm0, $0xb8;
	[tilespmem:$0x1DF00] =	vst v63  }
0x3a: {  	v0 =	vld [tilespmem:$0x40];
	_ =	sdelay $0x7  }
0x3b: {  	[tilespmem:s17], [sflag:$0x1] =	stream.indirect_vreg.gather [hbm4b:s5+s4], $0x80, v0, vm0, $0xb8;
	[tilespmem:$0x1DF00] =	vst v63  }
0x3c: {  	v0 =	vld [tilespmem:$0x50];
	_ =	sdelay $0x7  }
0x3d: {  	[tilespmem:s18], [sflag:$0x1] =	stream.indirect_vreg.gather [hbm4b:s5+s4], $0x80, v0, vm0, $0xb8;
	[tilespmem:$0x1DF00] =	vst v63  }
0x3e: {  	v0 =	vld [tilespmem:$0x60];
	_ =	sdelay $0x7  }
0x3f: {  	[tilespmem:s19], [sflag:$0x1] =	stream.indirect_vreg.gather [hbm4b:s5+s4], $0x80, v0, vm0, $0xb8;
	[tilespmem:$0x1DF00] =	vst v63  }
0x40: {  	v0 =	vld [tilespmem:$0x70];
	_ =	sdelay $0x7  }
0x41: {  	[tilespmem:s20], [sflag:$0x1] =	stream.indirect_vreg.gather [hbm4b:s5+s4], $0x80, v0, vm0, $0xb8;
	[tilespmem:$0x1DF00] =	vst v63  }
0x42: {  	v0 =	vld [tilespmem:$0x100];
	_ =	sdelay $0x7  }
0x43: {  	[tilespmem:s21], [sflag:$0x1] =	stream.indirect_vreg.gather [hbm4b:s5+s4], $0x80, v0, vm0, $0xb8;
	[tilespmem:$0x1DF00] =	vst v63  }
0x44: {  	v0 =	vld [tilespmem:$0x110];
	_ =	sdelay $0x7  }
0x45: {  	[tilespmem:s22], [sflag:$0x1] =	stream.indirect_vreg.gather [hbm4b:s5+s4], $0x80, v0, vm0, $0xb8;
	[tilespmem:$0x1DF00] =	vst v63  }
0x46: {  	v0 =	vld [tilespmem:$0x120];
	_ =	sdelay $0x7  }
0x47: {  	[tilespmem:s23], [sflag:$0x1] =	stream.indirect_vreg.gather [hbm4b:s5+s4], $0x80, v0, vm0, $0xb8;
	[tilespmem:$0x1DF00] =	vst v63  }
0x48: {  	v0 =	vld [tilespmem:$0x130];
	_ =	sdelay $0x7  }
0x49: {  	[tilespmem:s24], [sflag:$0x1] =	stream.indirect_vreg.gather [hbm4b:s5+s4], $0x80, v0, vm0, $0xb8;
	[tilespmem:$0x1DF00] =	vst v63  }
0x4a: {  	v0 =	vld [tilespmem:$0x140];
	_ =	sdelay $0x7  }
0x4b: {  	[tilespmem:s25], [sflag:$0x1] =	stream.indirect_vreg.gather [hbm4b:s5+s4], $0x80, v0, vm0, $0xb8;
	[tilespmem:$0x1DF00] =	vst v63  }
0x4c: {  	v0 =	vld [tilespmem:$0x150];
	_ =	sdelay $0x7  }
0x4d: {  	[tilespmem:s26], [sflag:$0x1] =	stream.indirect_vreg.gather [hbm4b:s5+s4], $0x80, v0, vm0, $0xb8;
	[tilespmem:$0x1DF00] =	vst v63  }
0x4e: {  	v0 =	vld [tilespmem:$0x160];
	_ =	sdelay $0x7  }
0x4f: {  	[tilespmem:s28], [sflag:$0x1] =	stream.indirect_vreg.gather [hbm4b:s5+s4], $0x80, v0, vm0, $0xb8;
	[tilespmem:$0x1DF00] =	vst v63  }
0x50: {  	v0 =	vld [tilespmem:$0x170];
	_ =	sdelay $0x7  }
0x51: {  	[tilespmem:s29], [sflag:$0x1] =	stream.indirect_vreg.gather [hbm4b:s5+s4], $0x80, v0, vm0, $0xb8;
	[tilespmem:$0x1DF00] =	vst v63  }
0x52: {  	v0 =	vld [tilespmem:$0x200];
	_ =	sdelay $0x7  }
0x53: {  	[tilespmem:s30], [sflag:$0x1] =	stream.indirect_vreg.gather [hbm4b:s5+s4], $0x80, v0, vm0, $0xb8;
	[tilespmem:$0x1DF00] =	vst v63  }
0x54: {  	v0 =	vld [tilespmem:$0x210];
	_ =	sdelay $0x7  }
0x55: {  	[tilespmem:s31], [sflag:$0x1] =	stream.indirect_vreg.gather [hbm4b:s5+s4], $0x80, v0, vm0, $0xb8;
	[tilespmem:$0x1DF00] =	vst v63  }
0x56: {  	v0 =	vld [tilespmem:$0x220];
	_ =	sdelay $0x7  }
0x57: {  	[tilespmem:s0], [sflag:$0x1] =	stream.indirect_vreg.gather [hbm4b:s5+s4], $0x80, v0, vm0, $0xb8;
	[tilespmem:$0x1DF00] =	vst v63  }
0x58: {  	v0 =	vld [tilespmem:$0x230];
	_ =	sdelay $0x7  }
0x59: {  	[tilespmem:s1], [sflag:$0x1] =	stream.indirect_vreg.gather [hbm4b:s5+s4], $0x80, v0, vm0, $0xb8;
	[tilespmem:$0x1DF00] =	vst v63  }
0x5a: {  	_ =	swait.ge [sflag:s6], $0x800  }
0x5b: {  	[sflag:s6] =	ssyncset.done $0x0  }
0x5c: {  	[sflag:s6] =	ssyncadd.s32 $0xFFFFF800  }
0x5d: {  	v44 =	vld [tilespmem:$0x80];
	_ =	sdelay $0x7  }
0x5e: {  	[spmem:s3] =	stream.indirect_vreg.scatter.add.f32 [tilespmem:s13], [sflag:$0x2], $0x80, v44, vm0, $0xb8;
	[tilespmem:$0x1DF00] =	vst v63  }
0x5f: {  	_ =	swait.ge [sflag:s6], $0x800  }
0x60: {  	[sflag:s6] =	ssyncset.done $0x0  }
0x61: {  	[sflag:s6] =	ssyncadd.s32 $0xFFFFF800  }
0x62: {  	v45 =	vld [tilespmem:$0x90];
	_ =	sdelay $0x7  }
0x63: {  	[spmem:s3] =	stream.indirect_vreg.scatter.add.f32 [tilespmem:s14], [sflag:$0x2], $0x80, v45, vm0, $0xb8;
	[tilespmem:$0x1DF00] =	vst v63  }
0x64: {  	_ =	swait.ge [sflag:s6], $0x800  }
0x65: {  	[sflag:s6] =	ssyncset.done $0x0  }
0x66: {  	[sflag:s6] =	ssyncadd.s32 $0xFFFFF800  }
0x67: {  	v46 =	vld [tilespmem:$0xA0];
	_ =	sdelay $0x7  }
0x68: {  	[spmem:s3] =	stream.indirect_vreg.scatter.add.f32 [tilespmem:s15], [sflag:$0x2], $0x80, v46, vm0, $0xb8;
	[tilespmem:$0x1DF00] =	vst v63  }
0x69: {  	_ =	swait.ge [sflag:s6], $0x800  }
0x6a: {  	[sflag:s6] =	ssyncset.done $0x0  }
0x6b: {  	[sflag:s6] =	ssyncadd.s32 $0xFFFFF800  }
0x6c: {  	v47 =	vld [tilespmem:$0xB0];
	_ =	sdelay $0x7  }
0x6d: {  	[spmem:s3] =	stream.indirect_vreg.scatter.add.f32 [tilespmem:s16], [sflag:$0x2], $0x80, v47, vm0, $0xb8;
	[tilespmem:$0x1DF00] =	vst v63  }
0x6e: {  	_ =	swait.ge [sflag:s6], $0x800  }
0x6f: {  	[sflag:s6] =	ssyncset.done $0x0  }
0x70: {  	[sflag:s6] =	ssyncadd.s32 $0xFFFFF800  }
0x71: {  	v48 =	vld [tilespmem:$0xC0];
	_ =	sdelay $0x7  }
0x72: {  	[spmem:s3] =	stream.indirect_vreg.scatter.add.f32 [tilespmem:s17], [sflag:$0x2], $0x80, v48, vm0, $0xb8;
	[tilespmem:$0x1DF00] =	vst v63  }
0x73: {  	_ =	swait.ge [sflag:s6], $0x800  }
0x74: {  	[sflag:s6] =	ssyncset.done $0x0  }
0x75: {  	[sflag:s6] =	ssyncadd.s32 $0xFFFFF800  }
0x76: {  	v49 =	vld [tilespmem:$0xD0];
	_ =	sdelay $0x7  }
0x77: {  	[spmem:s3] =	stream.indirect_vreg.scatter.add.f32 [tilespmem:s18], [sflag:$0x2], $0x80, v49, vm0, $0xb8;
	[tilespmem:$0x1DF00] =	vst v63  }
0x78: {  	_ =	swait.ge [sflag:s6], $0x800  }
0x79: {  	[sflag:s6] =	ssyncset.done $0x0  }
0x7a: {  	[sflag:s6] =	ssyncadd.s32 $0xFFFFF800  }
0x7b: {  	v50 =	vld [tilespmem:$0xE0];
	_ =	sdelay $0x7  }
0x7c: {  	[spmem:s3] =	stream.indirect_vreg.scatter.add.f32 [tilespmem:s19], [sflag:$0x2], $0x80, v50, vm0, $0xb8;
	[tilespmem:$0x1DF00] =	vst v63  }
0x7d: {  	_ =	swait.ge [sflag:s6], $0x800  }
0x7e: {  	[sflag:s6] =	ssyncset.done $0x0  }
0x7f: {  	[sflag:s6] =	ssyncadd.s32 $0xFFFFF800  }
0x80: {  	v51 =	vld [tilespmem:$0xF0];
	_ =	sdelay $0x7  }
0x81: {  	[spmem:s3] =	stream.indirect_vreg.scatter.add.f32 [tilespmem:s20], [sflag:$0x2], $0x80, v51, vm0, $0xb8;
	[tilespmem:$0x1DF00] =	vst v63  }
0x82: {  	_ =	swait.ge [sflag:s6], $0x800  }
0x83: {  	[sflag:s6] =	ssyncset.done $0x0  }
0x84: {  	[sflag:s6] =	ssyncadd.s32 $0xFFFFF800  }
0x85: {  	v52 =	vld [tilespmem:$0x180];
	_ =	sdelay $0x7  }
0x86: {  	[spmem:s3] =	stream.indirect_vreg.scatter.add.f32 [tilespmem:s21], [sflag:$0x2], $0x80, v52, vm0, $0xb8;
	[tilespmem:$0x1DF00] =	vst v63  }
0x87: {  	_ =	swait.ge [sflag:s6], $0x800  }
0x88: {  	[sflag:s6] =	ssyncset.done $0x0  }
0x89: {  	[sflag:s6] =	ssyncadd.s32 $0xFFFFF800  }
0x8a: {  	v53 =	vld [tilespmem:$0x190];
	_ =	sdelay $0x7  }
0x8b: {  	[spmem:s3] =	stream.indirect_vreg.scatter.add.f32 [tilespmem:s22], [sflag:$0x2], $0x80, v53, vm0, $0xb8;
	[tilespmem:$0x1DF00] =	vst v63  }
0x8c: {  	_ =	swait.ge [sflag:s6], $0x800  }
0x8d: {  	[sflag:s6] =	ssyncset.done $0x0  }
0x8e: {  	[sflag:s6] =	ssyncadd.s32 $0xFFFFF800  }
0x8f: {  	v54 =	vld [tilespmem:$0x1A0];
	_ =	sdelay $0x7  }
0x90: {  	[spmem:s3] =	stream.indirect_vreg.scatter.add.f32 [tilespmem:s23], [sflag:$0x2], $0x80, v54, vm0, $0xb8;
	[tilespmem:$0x1DF00] =	vst v63  }
0x91: {  	_ =	swait.ge [sflag:s6], $0x800  }
0x92: {  	[sflag:s6] =	ssyncset.done $0x0  }
0x93: {  	[sflag:s6] =	ssyncadd.s32 $0xFFFFF800  }
0x94: {  	v55 =	vld [tilespmem:$0x1B0];
	_ =	sdelay $0x7  }
0x95: {  	[spmem:s3] =	stream.indirect_vreg.scatter.add.f32 [tilespmem:s24], [sflag:$0x2], $0x80, v55, vm0, $0xb8;
	[tilespmem:$0x1DF00] =	vst v63  }
0x96: {  	_ =	swait.ge [sflag:s6], $0x800  }
0x97: {  	[sflag:s6] =	ssyncset.done $0x0  }
0x98: {  	[sflag:s6] =	ssyncadd.s32 $0xFFFFF800  }
0x99: {  	v56 =	vld [tilespmem:$0x1C0];
	_ =	sdelay $0x7  }
0x9a: {  	[spmem:s3] =	stream.indirect_vreg.scatter.add.f32 [tilespmem:s25], [sflag:$0x2], $0x80, v56, vm0, $0xb8;
	[tilespmem:$0x1DF00] =	vst v63  }
0x9b: {  	_ =	swait.ge [sflag:s6], $0x800  }
0x9c: {  	[sflag:s6] =	ssyncset.done $0x0  }
0x9d: {  	[sflag:s6] =	ssyncadd.s32 $0xFFFFF800  }
0x9e: {  	v57 =	vld [tilespmem:$0x1D0];
	_ =	sdelay $0x7  }
0x9f: {  	[spmem:s3] =	stream.indirect_vreg.scatter.add.f32 [tilespmem:s26], [sflag:$0x2], $0x80, v57, vm0, $0xb8;
	[tilespmem:$0x1DF00] =	vst v63  }
0xa0: {  	_ =	swait.ge [sflag:s6], $0x800  }
0xa1: {  	[sflag:s6] =	ssyncset.done $0x0  }
0xa2: {  	[sflag:s6] =	ssyncadd.s32 $0xFFFFF800  }
0xa3: {  	v58 =	vld [tilespmem:$0x1E0];
	_ =	sdelay $0x7  }
0xa4: {  	[spmem:s3] =	stream.indirect_vreg.scatter.add.f32 [tilespmem:s28], [sflag:$0x2], $0x80, v58, vm0, $0xb8;
	[tilespmem:$0x1DF00] =	vst v63  }
0xa5: {  	_ =	swait.ge [sflag:s6], $0x800  }
0xa6: {  	[sflag:s6] =	ssyncset.done $0x0  }
0xa7: {  	[sflag:s6] =	ssyncadd.s32 $0xFFFFF800  }
0xa8: {  	v59 =	vld [tilespmem:$0x1F0];
	_ =	sdelay $0x7  }
0xa9: {  	[spmem:s3] =	stream.indirect_vreg.scatter.add.f32 [tilespmem:s29], [sflag:$0x2], $0x80, v59, vm0, $0xb8;
	[tilespmem:$0x1DF00] =	vst v63  }
0xaa: {  	_ =	swait.ge [sflag:s6], $0x800  }
0xab: {  	[sflag:s6] =	ssyncset.done $0x0  }
0xac: {  	[sflag:s6] =	ssyncadd.s32 $0xFFFFF800  }
0xad: {  	v60 =	vld [tilespmem:$0x280];
	_ =	sdelay $0x7  }
0xae: {  	[spmem:s3] =	stream.indirect_vreg.scatter.add.f32 [tilespmem:s30], [sflag:$0x2], $0x80, v60, vm0, $0xb8;
	[tilespmem:$0x1DF00] =	vst v63  }
0xaf: {  	_ =	swait.ge [sflag:s6], $0x800  }
0xb0: {  	[sflag:s6] =	ssyncset.done $0x0  }
0xb1: {  	[sflag:s6] =	ssyncadd.s32 $0xFFFFF800  }
0xb2: {  	v61 =	vld [tilespmem:$0x290];
	_ =	sdelay $0x7  }
0xb3: {  	[spmem:s3] =	stream.indirect_vreg.scatter.add.f32 [tilespmem:s31], [sflag:$0x2], $0x80, v61, vm0, $0xb8;
	[tilespmem:$0x1DF00] =	vst v63  }
0xb4: {  	_ =	swait.ge [sflag:s6], $0x800  }
0xb5: {  	[sflag:s6] =	ssyncset.done $0x0  }
0xb6: {  	[sflag:s6] =	ssyncadd.s32 $0xFFFFF800  }
0xb7: {  	v62 =	vld [tilespmem:$0x2A0];
	_ =	sdelay $0x7  }
0xb8: {  	[spmem:s3] =	stream.indirect_vreg.scatter.add.f32 [tilespmem:s0], [sflag:$0x2], $0x80, v62, vm0, $0xb8;
	[tilespmem:$0x1DF00] =	vst v63  }
0xb9: {  	_ =	swait.ge [sflag:s6], $0x800  }
0xba: {  	[sflag:s6] =	ssyncset.done $0x0  }
0xbb: {  	[sflag:s6] =	ssyncadd.s32 $0xFFFFF800  }
0xbc: {  	v63 =	vld [tilespmem:$0x2B0];
	_ =	sdelay $0x7  }
0xbd: {  	[spmem:s3] =	stream.indirect_vreg.scatter.add.f32 [tilespmem:s1], [sflag:$0x2], $0x80, v63, vm0, $0xb8;
	[tilespmem:$0x1DF00] =	vst v63  }
0xbe: {  	_ =	swait.ge [sflag:s8], $0x800  }
0xbf: {  	[sflag:s8] =	ssyncset.done $0x0  }
0xc0: {  	[sflag:s8] =	ssyncadd.s32 $0xFFFFF800  }
0xc1: {  	_ =	swait.ge [sflag:s8], $0x800  }
0xc2: {  	[sflag:s8] =	ssyncset.done $0x0  }
0xc3: {  	[sflag:s8] =	ssyncadd.s32 $0xFFFFF800  }
0xc4: {  	_ =	swait.ge [sflag:s8], $0x800  }
0xc5: {  	[sflag:s8] =	ssyncset.done $0x0  }
0xc6: {  	[sflag:s8] =	ssyncadd.s32 $0xFFFFF800  }
0xc7: {  	_ =	swait.ge [sflag:s8], $0x800  }
0xc8: {  	[sflag:s8] =	ssyncset.done $0x0  }
0xc9: {  	[sflag:s8] =	ssyncadd.s32 $0xFFFFF800  }
0xca: {  	_ =	swait.ge [sflag:s8], $0x800  }
0xcb: {  	[sflag:s8] =	ssyncset.done $0x0  }
0xcc: {  	[sflag:s8] =	ssyncadd.s32 $0xFFFFF800  }
0xcd: {  	_ =	swait.ge [sflag:s8], $0x800  }
0xce: {  	[sflag:s8] =	ssyncset.done $0x0  }
0xcf: {  	[sflag:s8] =	ssyncadd.s32 $0xFFFFF800  }
0xd0: {  	_ =	swait.ge [sflag:s8], $0x800  }
0xd1: {  	[sflag:s8] =	ssyncset.done $0x0  }
0xd2: {  	[sflag:s8] =	ssyncadd.s32 $0xFFFFF800  }
0xd3: {  	_ =	swait.ge [sflag:s8], $0x800  }
0xd4: {  	[sflag:s8] =	ssyncset.done $0x0  }
0xd5: {  	[sflag:s8] =	ssyncadd.s32 $0xFFFFF800  }
0xd6: {  	_ =	swait.ge [sflag:s8], $0x800  }
0xd7: {  	[sflag:s8] =	ssyncset.done $0x0  }
0xd8: {  	[sflag:s8] =	ssyncadd.s32 $0xFFFFF800  }
0xd9: {  	_ =	swait.ge [sflag:s8], $0x800  }
0xda: {  	[sflag:s8] =	ssyncset.done $0x0  }
0xdb: {  	[sflag:s8] =	ssyncadd.s32 $0xFFFFF800  }
0xdc: {  	_ =	swait.ge [sflag:s8], $0x800  }
0xdd: {  	[sflag:s8] =	ssyncset.done $0x0  }
0xde: {  	[sflag:s8] =	ssyncadd.s32 $0xFFFFF800  }
0xdf: {  	_ =	swait.ge [sflag:s8], $0x800  }
0xe0: {  	[sflag:s8] =	ssyncset.done $0x0  }
0xe1: {  	[sflag:s8] =	ssyncadd.s32 $0xFFFFF800  }
0xe2: {  	_ =	swait.ge [sflag:s8], $0x800  }
0xe3: {  	[sflag:s8] =	ssyncset.done $0x0  }
0xe4: {  	[sflag:s8] =	ssyncadd.s32 $0xFFFFF800  }
0xe5: {  	_ =	swait.ge [sflag:s8], $0x800  }
0xe6: {  	[sflag:s8] =	ssyncset.done $0x0  }
0xe7: {  	[sflag:s8] =	ssyncadd.s32 $0xFFFFF800  }
0xe8: {  	_ =	swait.ge [sflag:s8], $0x800  }
0xe9: {  	[sflag:s8] =	ssyncset.done $0x0  }
0xea: {  	[sflag:s8] =	ssyncadd.s32 $0xFFFFF800  }
0xeb: {  	_ =	swait.ge [sflag:s8], $0x800  }
0xec: {  	[sflag:s8] =	ssyncset.done $0x0  }
0xed: {  	[sflag:s8] =	ssyncadd.s32 $0xFFFFF800  }
0xee: {  	_ =	swait.ge [sflag:s8], $0x800  }
0xef: {  	[sflag:s8] =	ssyncset.done $0x0  }
0xf0: {  	[sflag:s8] =	ssyncadd.s32 $0xFFFFF800  }
0xf1: {  	_ =	swait.ge [sflag:s8], $0x800  }
0xf2: {  	[sflag:s8] =	ssyncset.done $0x0  }
0xf3: {  	[sflag:s8] =	ssyncadd.s32 $0xFFFFF800  }
0xf4: {  	p1 =	sne.s32 s11, $0x17A0;
	_ =	swait.ge [sflag:s8], $0x800  }
.Ltmp3:
0xf5: {  	[sflag:s8] =	ssyncset.done $0x0;
	(pc) =	sbr.rel @p1 .LBB2_3-.Ltmp3, $4  }
0xf6: {  	[sflag:s8] =	ssyncadd.s32 $0xFFFFF800  }
0xf7: {  	_ =	swait.ge [sflag:s8], $0x800  }
0xf8: {  	[sflag:s8] =	ssyncset.done $0x0  }
0xf9: {  	s11 =	sadd.s32 $0x60, s11;
	[sflag:s8] =	ssyncadd.s32 $0xFFFFF800  }
.Ltmp4:
0xfa: {  	_ = 	snop;
	(pc) =	sbr.rel .LBB2_4-.Ltmp4, $1  }
0xfb: {  	_ =	sdelay $0x3  }
.LBB2_2:
0xfc: {  	s11 =	sadd.s32 s7, s10  }
0xfd: {  	[tilespmem:s4], [sflag:$0x3] =	stream.linear.gather [hbm4b:s11+s4], $0x300, $0x38;
	[tilespmem:$0x1DF00] =	vst v63  }
0xfe: {  	_ =	swait.ge [sflag:s12], $0x300  }
0xff: {  	[sflag:s12] =	ssyncset.done $0x0  }
0x100: {  	[sflag:s12] =	ssyncadd.s32 $0xFFFFFD00  }
0x101: {  	v0 =	vld [tilespmem:$0x0];
	_ =	sdelay $0x7  }
0x102: {  	[tilespmem:s13], [sflag:$0x1] =	stream.indirect_vreg.gather [hbm4b:s2+s4], $0x80, v0, vm0, $0xb8;
	[tilespmem:$0x1DF00] =	vst v63  }
0x103: {  	v0 =	vld [tilespmem:$0x10];
	_ =	sdelay $0x7  }
0x104: {  	[tilespmem:s14], [sflag:$0x1] =	stream.indirect_vreg.gather [hbm4b:s2+s4], $0x80, v0, vm0, $0xb8;
	[tilespmem:$0x1DF00] =	vst v63  }
0x105: {  	v0 =	vld [tilespmem:$0x20];
	_ =	sdelay $0x7  }
0x106: {  	[tilespmem:s15], [sflag:$0x1] =	stream.indirect_vreg.gather [hbm4b:s2+s4], $0x80, v0, vm0, $0xb8;
	[tilespmem:$0x1DF00] =	vst v63  }
0x107: {  	v0 =	vld [tilespmem:$0x30];
	_ =	sdelay $0x7  }
0x108: {  	[tilespmem:s16], [sflag:$0x1] =	stream.indirect_vreg.gather [hbm4b:s2+s4], $0x80, v0, vm0, $0xb8;
	[tilespmem:$0x1DF00] =	vst v63  }
0x109: {  	v0 =	vld [tilespmem:$0x40];
	_ =	sdelay $0x7  }
0x10a: {  	[tilespmem:s17], [sflag:$0x1] =	stream.indirect_vreg.gather [hbm4b:s2+s4], $0x80, v0, vm0, $0xb8;
	[tilespmem:$0x1DF00] =	vst v63  }
0x10b: {  	v0 =	vld [tilespmem:$0x50];
	_ =	sdelay $0x7  }
0x10c: {  	[tilespmem:s18], [sflag:$0x1] =	stream.indirect_vreg.gather [hbm4b:s2+s4], $0x80, v0, vm0, $0xb8;
	[tilespmem:$0x1DF00] =	vst v63  }
0x10d: {  	v0 =	vld [tilespmem:$0x60];
	_ =	sdelay $0x7  }
0x10e: {  	[tilespmem:s19], [sflag:$0x1] =	stream.indirect_vreg.gather [hbm4b:s2+s4], $0x80, v0, vm0, $0xb8;
	[tilespmem:$0x1DF00] =	vst v63  }
0x10f: {  	v0 =	vld [tilespmem:$0x70];
	_ =	sdelay $0x7  }
0x110: {  	[tilespmem:s20], [sflag:$0x1] =	stream.indirect_vreg.gather [hbm4b:s2+s4], $0x80, v0, vm0, $0xb8;
	[tilespmem:$0x1DF00] =	vst v63  }
0x111: {  	v0 =	vld [tilespmem:$0x100];
	_ =	sdelay $0x7  }
0x112: {  	[tilespmem:s21], [sflag:$0x1] =	stream.indirect_vreg.gather [hbm4b:s2+s4], $0x80, v0, vm0, $0xb8;
	[tilespmem:$0x1DF00] =	vst v63  }
0x113: {  	v0 =	vld [tilespmem:$0x110];
	_ =	sdelay $0x7  }
0x114: {  	[tilespmem:s22], [sflag:$0x1] =	stream.indirect_vreg.gather [hbm4b:s2+s4], $0x80, v0, vm0, $0xb8;
	[tilespmem:$0x1DF00] =	vst v63  }
0x115: {  	v0 =	vld [tilespmem:$0x120];
	_ =	sdelay $0x7  }
0x116: {  	[tilespmem:s23], [sflag:$0x1] =	stream.indirect_vreg.gather [hbm4b:s2+s4], $0x80, v0, vm0, $0xb8;
	[tilespmem:$0x1DF00] =	vst v63  }
0x117: {  	v0 =	vld [tilespmem:$0x130];
	_ =	sdelay $0x7  }
0x118: {  	[tilespmem:s24], [sflag:$0x1] =	stream.indirect_vreg.gather [hbm4b:s2+s4], $0x80, v0, vm0, $0xb8;
	[tilespmem:$0x1DF00] =	vst v63  }
0x119: {  	v0 =	vld [tilespmem:$0x140];
	_ =	sdelay $0x7  }
0x11a: {  	[tilespmem:s25], [sflag:$0x1] =	stream.indirect_vreg.gather [hbm4b:s2+s4], $0x80, v0, vm0, $0xb8;
	[tilespmem:$0x1DF00] =	vst v63  }
0x11b: {  	v0 =	vld [tilespmem:$0x150];
	_ =	sdelay $0x7  }
0x11c: {  	[tilespmem:s26], [sflag:$0x1] =	stream.indirect_vreg.gather [hbm4b:s2+s4], $0x80, v0, vm0, $0xb8;
	[tilespmem:$0x1DF00] =	vst v63  }
0x11d: {  	v0 =	vld [tilespmem:$0x160];
	_ =	sdelay $0x7  }
0x11e: {  	[tilespmem:s28], [sflag:$0x1] =	stream.indirect_vreg.gather [hbm4b:s2+s4], $0x80, v0, vm0, $0xb8;
	[tilespmem:$0x1DF00] =	vst v63  }
0x11f: {  	v0 =	vld [tilespmem:$0x170];
	_ =	sdelay $0x7  }
0x120: {  	[tilespmem:s29], [sflag:$0x1] =	stream.indirect_vreg.gather [hbm4b:s2+s4], $0x80, v0, vm0, $0xb8;
	[tilespmem:$0x1DF00] =	vst v63  }
0x121: {  	v0 =	vld [tilespmem:$0x200];
	_ =	sdelay $0x7  }
0x122: {  	[tilespmem:s30], [sflag:$0x1] =	stream.indirect_vreg.gather [hbm4b:s2+s4], $0x80, v0, vm0, $0xb8;
	[tilespmem:$0x1DF00] =	vst v63  }
0x123: {  	v0 =	vld [tilespmem:$0x210];
	_ =	sdelay $0x7  }
0x124: {  	[tilespmem:s31], [sflag:$0x1] =	stream.indirect_vreg.gather [hbm4b:s2+s4], $0x80, v0, vm0, $0xb8;
	[tilespmem:$0x1DF00] =	vst v63  }
0x125: {  	v0 =	vld [tilespmem:$0x220];
	_ =	sdelay $0x7  }
0x126: {  	[tilespmem:s0], [sflag:$0x1] =	stream.indirect_vreg.gather [hbm4b:s2+s4], $0x80, v0, vm0, $0xb8;
	[tilespmem:$0x1DF00] =	vst v63  }
0x127: {  	v0 =	vld [tilespmem:$0x230];
	_ =	sdelay $0x7  }
0x128: {  	[tilespmem:s1], [sflag:$0x1] =	stream.indirect_vreg.gather [hbm4b:s2+s4], $0x80, v0, vm0, $0xb8;
	[tilespmem:$0x1DF00] =	vst v63  }
0x129: {  	_ =	swait.ge [sflag:s6], $0x800  }
0x12a: {  	[sflag:s6] =	ssyncset.done $0x0  }
0x12b: {  	[sflag:s6] =	ssyncadd.s32 $0xFFFFF800  }
0x12c: {  	v44 =	vld [tilespmem:$0x80];
	_ =	sdelay $0x7  }
0x12d: {  	[spmem:s3] =	stream.indirect_vreg.scatter.add.f32 [tilespmem:s13], [sflag:$0x2], $0x80, v44, vm0, $0xb8;
	[tilespmem:$0x1DF00] =	vst v63  }
0x12e: {  	_ =	swait.ge [sflag:s6], $0x800  }
0x12f: {  	[sflag:s6] =	ssyncset.done $0x0  }
0x130: {  	[sflag:s6] =	ssyncadd.s32 $0xFFFFF800  }
0x131: {  	v45 =	vld [tilespmem:$0x90];
	_ =	sdelay $0x7  }
0x132: {  	[spmem:s3] =	stream.indirect_vreg.scatter.add.f32 [tilespmem:s14], [sflag:$0x2], $0x80, v45, vm0, $0xb8;
	[tilespmem:$0x1DF00] =	vst v63  }
0x133: {  	_ =	swait.ge [sflag:s6], $0x800  }
0x134: {  	[sflag:s6] =	ssyncset.done $0x0  }
0x135: {  	[sflag:s6] =	ssyncadd.s32 $0xFFFFF800  }
0x136: {  	v46 =	vld [tilespmem:$0xA0];
	_ =	sdelay $0x7  }
0x137: {  	[spmem:s3] =	stream.indirect_vreg.scatter.add.f32 [tilespmem:s15], [sflag:$0x2], $0x80, v46, vm0, $0xb8;
	[tilespmem:$0x1DF00] =	vst v63  }
0x138: {  	_ =	swait.ge [sflag:s6], $0x800  }
0x139: {  	[sflag:s6] =	ssyncset.done $0x0  }
0x13a: {  	[sflag:s6] =	ssyncadd.s32 $0xFFFFF800  }
0x13b: {  	v47 =	vld [tilespmem:$0xB0];
	_ =	sdelay $0x7  }
0x13c: {  	[spmem:s3] =	stream.indirect_vreg.scatter.add.f32 [tilespmem:s16], [sflag:$0x2], $0x80, v47, vm0, $0xb8;
	[tilespmem:$0x1DF00] =	vst v63  }
0x13d: {  	_ =	swait.ge [sflag:s6], $0x800  }
0x13e: {  	[sflag:s6] =	ssyncset.done $0x0  }
0x13f: {  	[sflag:s6] =	ssyncadd.s32 $0xFFFFF800  }
0x140: {  	v48 =	vld [tilespmem:$0xC0];
	_ =	sdelay $0x7  }
0x141: {  	[spmem:s3] =	stream.indirect_vreg.scatter.add.f32 [tilespmem:s17], [sflag:$0x2], $0x80, v48, vm0, $0xb8;
	[tilespmem:$0x1DF00] =	vst v63  }
0x142: {  	_ =	swait.ge [sflag:s6], $0x800  }
0x143: {  	[sflag:s6] =	ssyncset.done $0x0  }
0x144: {  	[sflag:s6] =	ssyncadd.s32 $0xFFFFF800  }
0x145: {  	v49 =	vld [tilespmem:$0xD0];
	_ =	sdelay $0x7  }
0x146: {  	[spmem:s3] =	stream.indirect_vreg.scatter.add.f32 [tilespmem:s18], [sflag:$0x2], $0x80, v49, vm0, $0xb8;
	[tilespmem:$0x1DF00] =	vst v63  }
0x147: {  	_ =	swait.ge [sflag:s6], $0x800  }
0x148: {  	[sflag:s6] =	ssyncset.done $0x0  }
0x149: {  	[sflag:s6] =	ssyncadd.s32 $0xFFFFF800  }
0x14a: {  	v50 =	vld [tilespmem:$0xE0];
	_ =	sdelay $0x7  }
0x14b: {  	[spmem:s3] =	stream.indirect_vreg.scatter.add.f32 [tilespmem:s19], [sflag:$0x2], $0x80, v50, vm0, $0xb8;
	[tilespmem:$0x1DF00] =	vst v63  }
0x14c: {  	_ =	swait.ge [sflag:s6], $0x800  }
0x14d: {  	[sflag:s6] =	ssyncset.done $0x0  }
0x14e: {  	[sflag:s6] =	ssyncadd.s32 $0xFFFFF800  }
0x14f: {  	v51 =	vld [tilespmem:$0xF0];
	_ =	sdelay $0x7  }
0x150: {  	[spmem:s3] =	stream.indirect_vreg.scatter.add.f32 [tilespmem:s20], [sflag:$0x2], $0x80, v51, vm0, $0xb8;
	[tilespmem:$0x1DF00] =	vst v63  }
0x151: {  	_ =	swait.ge [sflag:s6], $0x800  }
0x152: {  	[sflag:s6] =	ssyncset.done $0x0  }
0x153: {  	[sflag:s6] =	ssyncadd.s32 $0xFFFFF800  }
0x154: {  	v52 =	vld [tilespmem:$0x180];
	_ =	sdelay $0x7  }
0x155: {  	[spmem:s3] =	stream.indirect_vreg.scatter.add.f32 [tilespmem:s21], [sflag:$0x2], $0x80, v52, vm0, $0xb8;
	[tilespmem:$0x1DF00] =	vst v63  }
0x156: {  	_ =	swait.ge [sflag:s6], $0x800  }
0x157: {  	[sflag:s6] =	ssyncset.done $0x0  }
0x158: {  	[sflag:s6] =	ssyncadd.s32 $0xFFFFF800  }
0x159: {  	v53 =	vld [tilespmem:$0x190];
	_ =	sdelay $0x7  }
0x15a: {  	[spmem:s3] =	stream.indirect_vreg.scatter.add.f32 [tilespmem:s22], [sflag:$0x2], $0x80, v53, vm0, $0xb8;
	[tilespmem:$0x1DF00] =	vst v63  }
0x15b: {  	_ =	swait.ge [sflag:s6], $0x800  }
0x15c: {  	[sflag:s6] =	ssyncset.done $0x0  }
0x15d: {  	[sflag:s6] =	ssyncadd.s32 $0xFFFFF800  }
0x15e: {  	v54 =	vld [tilespmem:$0x1A0];
	_ =	sdelay $0x7  }
0x15f: {  	[spmem:s3] =	stream.indirect_vreg.scatter.add.f32 [tilespmem:s23], [sflag:$0x2], $0x80, v54, vm0, $0xb8;
	[tilespmem:$0x1DF00] =	vst v63  }
0x160: {  	_ =	swait.ge [sflag:s6], $0x800  }
0x161: {  	[sflag:s6] =	ssyncset.done $0x0  }
0x162: {  	[sflag:s6] =	ssyncadd.s32 $0xFFFFF800  }
0x163: {  	v55 =	vld [tilespmem:$0x1B0];
	_ =	sdelay $0x7  }
0x164: {  	[spmem:s3] =	stream.indirect_vreg.scatter.add.f32 [tilespmem:s24], [sflag:$0x2], $0x80, v55, vm0, $0xb8;
	[tilespmem:$0x1DF00] =	vst v63  }
0x165: {  	_ =	swait.ge [sflag:s6], $0x800  }
0x166: {  	[sflag:s6] =	ssyncset.done $0x0  }
0x167: {  	[sflag:s6] =	ssyncadd.s32 $0xFFFFF800  }
0x168: {  	v56 =	vld [tilespmem:$0x1C0];
	_ =	sdelay $0x7  }
0x169: {  	[spmem:s3] =	stream.indirect_vreg.scatter.add.f32 [tilespmem:s25], [sflag:$0x2], $0x80, v56, vm0, $0xb8;
	[tilespmem:$0x1DF00] =	vst v63  }
0x16a: {  	_ =	swait.ge [sflag:s6], $0x800  }
0x16b: {  	[sflag:s6] =	ssyncset.done $0x0  }
0x16c: {  	[sflag:s6] =	ssyncadd.s32 $0xFFFFF800  }
0x16d: {  	v57 =	vld [tilespmem:$0x1D0];
	_ =	sdelay $0x7  }
0x16e: {  	[spmem:s3] =	stream.indirect_vreg.scatter.add.f32 [tilespmem:s26], [sflag:$0x2], $0x80, v57, vm0, $0xb8;
	[tilespmem:$0x1DF00] =	vst v63  }
0x16f: {  	_ =	swait.ge [sflag:s6], $0x800  }
0x170: {  	[sflag:s6] =	ssyncset.done $0x0  }
0x171: {  	[sflag:s6] =	ssyncadd.s32 $0xFFFFF800  }
0x172: {  	v58 =	vld [tilespmem:$0x1E0];
	_ =	sdelay $0x7  }
0x173: {  	[spmem:s3] =	stream.indirect_vreg.scatter.add.f32 [tilespmem:s28], [sflag:$0x2], $0x80, v58, vm0, $0xb8;
	[tilespmem:$0x1DF00] =	vst v63  }
0x174: {  	_ =	swait.ge [sflag:s6], $0x800  }
0x175: {  	[sflag:s6] =	ssyncset.done $0x0  }
0x176: {  	[sflag:s6] =	ssyncadd.s32 $0xFFFFF800  }
0x177: {  	v59 =	vld [tilespmem:$0x1F0];
	_ =	sdelay $0x7  }
0x178: {  	[spmem:s3] =	stream.indirect_vreg.scatter.add.f32 [tilespmem:s29], [sflag:$0x2], $0x80, v59, vm0, $0xb8;
	[tilespmem:$0x1DF00] =	vst v63  }
0x179: {  	_ =	swait.ge [sflag:s6], $0x800  }
0x17a: {  	[sflag:s6] =	ssyncset.done $0x0  }
0x17b: {  	[sflag:s6] =	ssyncadd.s32 $0xFFFFF800  }
0x17c: {  	v60 =	vld [tilespmem:$0x280];
	_ =	sdelay $0x7  }
0x17d: {  	[spmem:s3] =	stream.indirect_vreg.scatter.add.f32 [tilespmem:s30], [sflag:$0x2], $0x80, v60, vm0, $0xb8;
	[tilespmem:$0x1DF00] =	vst v63  }
0x17e: {  	_ =	swait.ge [sflag:s6], $0x800  }
0x17f: {  	[sflag:s6] =	ssyncset.done $0x0  }
0x180: {  	[sflag:s6] =	ssyncadd.s32 $0xFFFFF800  }
0x181: {  	v61 =	vld [tilespmem:$0x290];
	_ =	sdelay $0x7  }
0x182: {  	[spmem:s3] =	stream.indirect_vreg.scatter.add.f32 [tilespmem:s31], [sflag:$0x2], $0x80, v61, vm0, $0xb8;
	[tilespmem:$0x1DF00] =	vst v63  }
0x183: {  	_ =	swait.ge [sflag:s6], $0x800  }
0x184: {  	[sflag:s6] =	ssyncset.done $0x0  }
0x185: {  	[sflag:s6] =	ssyncadd.s32 $0xFFFFF800  }
0x186: {  	v62 =	vld [tilespmem:$0x2A0];
	_ =	sdelay $0x7  }
0x187: {  	[spmem:s3] =	stream.indirect_vreg.scatter.add.f32 [tilespmem:s0], [sflag:$0x2], $0x80, v62, vm0, $0xb8;
	[tilespmem:$0x1DF00] =	vst v63  }
0x188: {  	_ =	swait.ge [sflag:s6], $0x800  }
0x189: {  	[sflag:s6] =	ssyncset.done $0x0  }
0x18a: {  	[sflag:s6] =	ssyncadd.s32 $0xFFFFF800  }
0x18b: {  	v63 =	vld [tilespmem:$0x2B0];
	_ =	sdelay $0x7  }
0x18c: {  	[spmem:s3] =	stream.indirect_vreg.scatter.add.f32 [tilespmem:s1], [sflag:$0x2], $0x80, v63, vm0, $0xb8;
	[tilespmem:$0x1DF00] =	vst v63  }
0x18d: {  	_ =	swait.ge [sflag:s8], $0x800  }
0x18e: {  	[sflag:s8] =	ssyncset.done $0x0  }
0x18f: {  	[sflag:s8] =	ssyncadd.s32 $0xFFFFF800  }
0x190: {  	_ =	swait.ge [sflag:s8], $0x800  }
0x191: {  	[sflag:s8] =	ssyncset.done $0x0  }
0x192: {  	[sflag:s8] =	ssyncadd.s32 $0xFFFFF800  }
0x193: {  	_ =	swait.ge [sflag:s8], $0x800  }
0x194: {  	[sflag:s8] =	ssyncset.done $0x0  }
0x195: {  	[sflag:s8] =	ssyncadd.s32 $0xFFFFF800  }
0x196: {  	_ =	swait.ge [sflag:s8], $0x800  }
0x197: {  	[sflag:s8] =	ssyncset.done $0x0  }
0x198: {  	[sflag:s8] =	ssyncadd.s32 $0xFFFFF800  }
0x199: {  	_ =	swait.ge [sflag:s8], $0x800  }
0x19a: {  	[sflag:s8] =	ssyncset.done $0x0  }
0x19b: {  	[sflag:s8] =	ssyncadd.s32 $0xFFFFF800  }
0x19c: {  	_ =	swait.ge [sflag:s8], $0x800  }
0x19d: {  	[sflag:s8] =	ssyncset.done $0x0  }
0x19e: {  	[sflag:s8] =	ssyncadd.s32 $0xFFFFF800  }
0x19f: {  	_ =	swait.ge [sflag:s8], $0x800  }
0x1a0: {  	[sflag:s8] =	ssyncset.done $0x0  }
0x1a1: {  	[sflag:s8] =	ssyncadd.s32 $0xFFFFF800  }
0x1a2: {  	_ =	swait.ge [sflag:s8], $0x800  }
0x1a3: {  	[sflag:s8] =	ssyncset.done $0x0  }
0x1a4: {  	[sflag:s8] =	ssyncadd.s32 $0xFFFFF800  }
0x1a5: {  	_ =	swait.ge [sflag:s8], $0x800  }
0x1a6: {  	[sflag:s8] =	ssyncset.done $0x0  }
0x1a7: {  	[sflag:s8] =	ssyncadd.s32 $0xFFFFF800  }
0x1a8: {  	_ =	swait.ge [sflag:s8], $0x800  }
0x1a9: {  	[sflag:s8] =	ssyncset.done $0x0  }
0x1aa: {  	[sflag:s8] =	ssyncadd.s32 $0xFFFFF800  }
0x1ab: {  	_ =	swait.ge [sflag:s8], $0x800  }
0x1ac: {  	[sflag:s8] =	ssyncset.done $0x0  }
0x1ad: {  	[sflag:s8] =	ssyncadd.s32 $0xFFFFF800  }
0x1ae: {  	_ =	swait.ge [sflag:s8], $0x800  }
0x1af: {  	[sflag:s8] =	ssyncset.done $0x0  }
0x1b0: {  	[sflag:s8] =	ssyncadd.s32 $0xFFFFF800  }
0x1b1: {  	_ =	swait.ge [sflag:s8], $0x800  }
0x1b2: {  	[sflag:s8] =	ssyncset.done $0x0  }
0x1b3: {  	[sflag:s8] =	ssyncadd.s32 $0xFFFFF800  }
0x1b4: {  	_ =	swait.ge [sflag:s8], $0x800  }
0x1b5: {  	[sflag:s8] =	ssyncset.done $0x0  }
0x1b6: {  	[sflag:s8] =	ssyncadd.s32 $0xFFFFF800  }
0x1b7: {  	_ =	swait.ge [sflag:s8], $0x800  }
0x1b8: {  	[sflag:s8] =	ssyncset.done $0x0  }
0x1b9: {  	[sflag:s8] =	ssyncadd.s32 $0xFFFFF800  }
0x1ba: {  	_ =	swait.ge [sflag:s8], $0x800  }
0x1bb: {  	[sflag:s8] =	ssyncset.done $0x0  }
0x1bc: {  	[sflag:s8] =	ssyncadd.s32 $0xFFFFF800  }
0x1bd: {  	_ =	swait.ge [sflag:s8], $0x800  }
0x1be: {  	[sflag:s8] =	ssyncset.done $0x0  }
0x1bf: {  	[sflag:s8] =	ssyncadd.s32 $0xFFFFF800  }
0x1c0: {  	_ =	swait.ge [sflag:s8], $0x800  }
0x1c1: {  	[sflag:s8] =	ssyncset.done $0x0  }
0x1c2: {  	[sflag:s8] =	ssyncadd.s32 $0xFFFFF800  }
0x1c3: {  	p1 =	seq.s32 s7, $0x17A0;
	_ =	swait.ge [sflag:s8], $0x800  }
.Ltmp5:
0x1c4: {  	[sflag:s8] =	ssyncset.done $0x0;
	(pc) =	sbr.rel @!p1 .LBB2_2-.Ltmp5, $4  }
0x1c5: {  	[sflag:s8] =	ssyncadd.s32 $0xFFFFF800  }
0x1c6: {  	_ =	swait.ge [sflag:s8], $0x800  }
0x1c7: {  	[sflag:s8] =	ssyncset.done $0x0  }
0x1c8: {  	s7 =	sadd.s32 $0x60, s7;
	[sflag:s8] =	ssyncadd.s32 $0xFFFFF800  }
.Ltmp6:
0x1c9: {  	_ = 	snop;
	(pc) =	sbr.rel .LBB2_4-.Ltmp6, $1  }
0x1ca: {  	_ =	sdelay $0x3  }
.LBB2_5:
0x1cb: {  	_ =	sfence.sel $0x180000  }
0x1cc: {  	[bflag:$0x0] =	sbarrier.arrive $0xFFFF  }
0x1cd: {  	_ =	strace $0x9000004A  }
0x1ce: {  	s0 =	stileid.u32;
	[bflag:$0x2] =	sbarrier.arrive $0xFFFF  }
0x1cf: {  	p0 =	sne.s32 s0, $0x0;
	s0 =	rddreg [dreg:$0x3]  }
0x1d0: {  	s0 =	sadd.s32 @!p0 $0x100000, s0  }
0x1d1: {  	[sflag:s0] =	ssyncadd.tile.s32 @!p0 $0x1;
	_ =	shalt  }
.Lfunc_end2:
_tile_overlayer_lowered:
.L_overlay_start_2:
0x1d2: {  	(tag) =	ssettag $0x2  }
0x1d3: {  	s0 =	rddreg [dreg:$0x0];
	s2 =	stileid.u32  }
0x1d4: {  	s1 =	rddreg [dreg:$0x1];
	p0 =	sne.s32 s2, $0x0  }
0x1d5: {  	s3 =	rddreg [dreg:$0x2];
	[bflag:$0x3] =	sbarrier.arrive $0xFFFF;
	s2 =	simm.s32 @!p0 $0x1C03  }
0x1d6: {  	[timem:s3], [sflag:s2] =	dma.local @!p0 [hbm:s0], s1  }
0x1d7: {  	s0 =	simm.s32 @!p0 $0x3  }
0x1d8: {  	_ =	swait.ge @!p0 [sflag:s0], s1  }
0x1d9: {  	s1 =	ssub.s32 @!p0 $0x0, s1;
	[sflag:s0] =	ssyncset.done @!p0 $0x0  }
0x1da: {  	[sflag:s0] =	ssyncadd.s32 @!p0 s1  }
0x1db: {  	[bflag:$0x3] =	sbarrier.arrive $0xFFFF  }
0x1dc: {  	_ =	shalt  }

// kernel: kernel.14.cloned.1.call-start
scs
__scs_entry_jumppad:
0x0: {  	(pc) =	sbr.rel $0x88, $3  }
0x1: {  	(tag) =	ssettag $0x0;
	lr =	simm.s32 $0x1  }
0x2: {  	[smem:$0x3F99] =	sst lr;
	_ =	strace $0xD0000000  }
0x3: {  	_ = 	snop  }
0x4: {  	_ = 	snop  }
0x5: {  	_ = 	snop  }
0x6: {  	_ = 	snop  }
0x7: {  	_ = 	snop  }
__scs_overlays_trampoline_lowered:
0x8: {  	[smem:$0x3FA8] =	sst s0  }
0x9: {  	[smem:$0x3FA9] =	sst s1  }
0xa: {  	[smem:$0x3FAA] =	sst s2  }
0xb: {  	[smem:$0x3FAB] =	sst s3  }
0xc: {  	[smem:$0x3FAC] =	sst s4  }
0xd: {  	[smem:$0x3FAD] =	sst s5  }
0xe: {  	[smem:$0x3FAE] =	sst s6  }
0xf: {  	[smem:$0x3FAF] =	sst s7  }
0x10: {  	[smem:$0x3FB0] =	sst s8  }
0x11: {  	[smem:$0x3FB1] =	sst s9;
	s0 =	simm.s32 @!p0 $0x0  }
0x12: {  	s1 =	sld [smem:$0x3F97];
	s0 =	simm.s32 @p0 $0x1  }
0x13: {  	[smem:$0x3FB2] =	sst s0;
	s0 =	simm.s32 @!p1 $0x0  }
0x14: {  	s2 =	sld [smem:$0x3F96];
	s0 =	simm.s32 @p1 $0x1  }
0x15: {  	[smem:$0x3FB3] =	sst s0;
	s0 =	simm.s32 @!p2 $0x0  }
0x16: {  	s3 =	sld [smem:$0x3FDB];
	s0 =	simm.s32 @p2 $0x1  }
0x17: {  	s4 =	simm.s32 $0x1BF5;
	[smem:$0x3FB5] =	sst s0  }
0x18: {  	s0 =	sld [smem:$0x3F98];
	_ =	swait.ge [sflag:s4], $0x0  }
0x19: {  	s7 =	sld [smem:$0x3F99]  }
0x1a: {  	s8 =	sadd.s32 $0xFFFFE003, lr  }
0x1b: {  	s9 =	sadd.s32 $0xFFFFFEF7, lr;
	s5 =	simm.s32 $0xFFFFFFFF;
	p2 =	slt.u32 s8, $0xFFFFF086  }
0x1c: {  	p1 =	slt.u32 s9, $0xF7A;
	s5 =	simm.s32 @!p2 $0x0  }
0x1d: {  	s5 =	simm.s32 @p1 $0x1;
	p0 =	seq.s32 s7, s2  }
0x1e: {  	s7 =	smul.u32 @!p0 $0xF7A, s2;
	p2 =	seq.s32 @!p0 s5, $0x0  }
0x1f: {  	s9 =	smul.u32 $0xF7A, s1;
	s8 =	simm.s32 @!p0 $0x1BF5;
	p2 =	por !p2, p0  }
0x20: {  	[sflag:s8] =	ssyncset.s32 @!p0 $0xFFFFF086;
	s6 =	sadd.s32 @!p0 s3, s7;
	s7 =	simm.s32 @!p0 $0x108  }
0x21: {  	s3 =	sadd.s32 s3, s9;
	s6 =	sadd.s32 @!p0 $0x88, s6;
	s7 =	simm.s32 @p2 $0x1082  }
0x22: {  	[simem:s7], [sflag:s8] =	dma.local @!p0 [hbm:s6], $0xF7A  }
0x23: {  	s9 =	sor.u32 $0xD0000000, s2;
	s6 =	simm.s32 $0x108;
	_ =	swait.ge @!p0 [sflag:s8], $0x0  }
0x24: {  	s3 =	sadd.s32 $0x88, s3;
	s6 =	simm.s32 @!p1 $0x1082;
	[sflag:s4] =	ssyncset.s32 $0xFFFFF086  }
0x25: {  	[simem:s6], [sflag:s4] =	dma.local [hbm:s3], $0xF7A  }
0x26: {  	[smem:$0x3F99] =	sst s1;
	(tag) =	ssettag s2;
	_ =	strace s9  }
0x27: {  	s1 =	sld [smem:$0x3FA9]  }
0x28: {  	s2 =	sld [smem:$0x3FAA]  }
0x29: {  	s4 =	sld [smem:$0x3FAC]  }
0x2a: {  	p0 =	seq.s32 s5, $0x0;
	s5 =	sld [smem:$0x3FAD]  }
0x2b: {  	s6 =	sld [smem:$0x3FAE]  }
0x2c: {  	s7 =	sld [smem:$0x3FAF]  }
0x2d: {  	s3 =	simm.s32 $0x108;
	s8 =	sld [smem:$0x3FB0]  }
0x2e: {  	s3 =	simm.s32 @!p0 $0x1082;
	s9 =	sld [smem:$0x3FB1]  }
0x2f: {  	lr =	sadd.s32 s0, s3;
	s0 =	sld [smem:$0x3FA8]  }
0x30: {  	s3 =	sld [smem:$0x3FAB]  }
0x31: {  	[smem:$0x3FB4] =	sst s10  }
0x32: {  	s10 =	sld [smem:$0x3FB2];
	_ =	sdelay $0x3  }
0x33: {  	p0 =	seq.s32 s10, $0x1;
	s10 =	sld [smem:$0x3FB4];
	_ =	sdelay $0x3  }
0x34: {  	[smem:$0x3FB4] =	sst s10  }
0x35: {  	s10 =	sld [smem:$0x3FB3];
	_ =	sdelay $0x3  }
0x36: {  	p1 =	seq.s32 s10, $0x1;
	s10 =	sld [smem:$0x3FB4];
	_ =	sdelay $0x3  }
0x37: {  	[smem:$0x3FB4] =	sst s10  }
0x38: {  	s10 =	sld [smem:$0x3FB5]  }
0x39: {  	_ = 	snop;
	(pc) =	sbr.ind lr, $3  }
0x3a: {  	_ = 	snop  }
0x3b: {  	_ = 	snop  }
0x3c: {  	p2 =	seq.s32 s10, $0x1;
	s10 =	sld [smem:$0x3FB4]  }
0x3d: {  	_ =	shalt  }
0x3e: {  	_ =	shalt  }
0x3f: {  	_ =	shalt  }
0x40: {  	_ =	shalt  }
0x41: {  	_ =	shalt  }
0x42: {  	_ =	shalt  }
0x43: {  	_ =	shalt  }
0x44: {  	_ =	shalt  }
0x45: {  	_ =	shalt  }
0x46: {  	_ =	shalt  }
0x47: {  	_ =	shalt  }
0x48: {  	_ =	shalt  }
0x49: {  	_ =	shalt  }
0x4a: {  	_ =	shalt  }
0x4b: {  	_ =	shalt  }
0x4c: {  	_ =	shalt  }
0x4d: {  	_ =	shalt  }
0x4e: {  	_ =	shalt  }
0x4f: {  	_ =	shalt  }
0x50: {  	_ =	shalt  }
0x51: {  	_ =	shalt  }
0x52: {  	_ =	shalt  }
0x53: {  	_ =	shalt  }
0x54: {  	_ =	shalt  }
0x55: {  	_ =	shalt  }
0x56: {  	_ =	shalt  }
0x57: {  	_ =	shalt  }
0x58: {  	_ =	shalt  }
0x59: {  	_ =	shalt  }
0x5a: {  	_ =	shalt  }
0x5b: {  	_ =	shalt  }
0x5c: {  	_ =	shalt  }
0x5d: {  	_ =	shalt  }
0x5e: {  	_ =	shalt  }
0x5f: {  	_ =	shalt  }
0x60: {  	_ =	shalt  }
0x61: {  	_ =	shalt  }
0x62: {  	_ =	shalt  }
0x63: {  	_ =	shalt  }
0x64: {  	_ =	shalt  }
0x65: {  	_ =	shalt  }
0x66: {  	_ =	shalt  }
0x67: {  	_ =	shalt  }
0x68: {  	_ =	shalt  }
0x69: {  	_ =	shalt  }
0x6a: {  	_ =	shalt  }
0x6b: {  	_ =	shalt  }
0x6c: {  	_ =	shalt  }
0x6d: {  	_ =	shalt  }
0x6e: {  	_ =	shalt  }
0x6f: {  	_ =	shalt  }
0x70: {  	_ =	shalt  }
0x71: {  	_ =	shalt  }
0x72: {  	_ =	shalt  }
0x73: {  	_ =	shalt  }
0x74: {  	_ =	shalt  }
0x75: {  	_ =	shalt  }
0x76: {  	_ =	shalt  }
0x77: {  	_ =	shalt  }
0x78: {  	_ =	shalt  }
0x79: {  	_ =	shalt  }
0x7a: {  	_ =	shalt  }
0x7b: {  	_ =	shalt  }
0x7c: {  	_ =	shalt  }
0x7d: {  	_ =	shalt  }
0x7e: {  	_ =	shalt  }
0x7f: {  	_ =	shalt  }
0x80: {  	_ =	shalt  }
0x81: {  	_ =	shalt  }
0x82: {  	_ =	shalt  }
0x83: {  	_ =	shalt  }
0x84: {  	_ =	shalt  }
0x85: {  	_ =	shalt  }
0x86: {  	_ =	shalt  }
0x87: {  	_ =	shalt  }
.Lfunc_end0:
.L_simem_size_0:
called_computation.2_lowered:
.L_overlay_start_0:
0x88: {  	s2 =	sld [smem:$0x3FD9]  }
0x89: {  	s3 =	sld [smem:$0x3FFE];
	_ =	sdelay $0x1  }
0x8a: {  	s1 =	srdreg.scid  }
0x8b: {  	s0 =	sand.u32 $0x1, s1  }
0x8c: {  	s17 =	sshll.u32 s0, $0xA;
	s2 =	sadd.s32 s3, s2  }
0x8d: {  	s2 =	sadd.s32 s2, s17  }
0x8e: {  	[smem:$0x3FC0] =	sst s2  }
0x8f: {  	_ = 	snop  }
0x90: {  	s2 =	sld [smem:$0x3FD0];
	(tm) =	ssettm $0x1  }
0x91: {  	s18 =	sld [smem:$0x3FFB];
	_ =	sdelay $0x3  }
0x92: {  	_ =	strace s18  }
0x93: {  	s3 =	sld [smem:$0x3FFC];
	_ =	sdelay $0x3  }
0x94: {  	_ =	strace s3  }
0x95: {  	s3 =	sld [smem:$0x3FFD];
	_ =	sdelay $0x3  }
0x96: {  	_ =	strace s3  }
0x97: {  	_ =	strace $0x8FFFFFFF  }
0x98: {  	s19 =	sld [smem:$0x3FDB];
	_ =	sdelay $0x1  }
0x99: {  	s4 =	simm.s32 $_scs_section_size  }
0x9a: {  	s5 =	simm.s32 $_size__tile_overlayer_lowered;
	s6 =	simm.s32 $_tile_overlayer_lowered  }
0x9b: {  	s22 =	simm.s32 $0x1BFF;
	s21 =	sshll.u32 s6, $0x1;
	s3 =	sadd.s32 s4, s19  }
0x9c: {  	s7 =	simm.s32 $0x0;
	s20 =	sshll.u32 s5, $0x1;
	s5 =	sadd.s32 s21, s3  }
0x9d: {  	[timem:s7], [sflag:s22] =	dma.local [hbm:s5], s20  }
0x9e: {  	_ =	swait.ge [sflag:s22], s20  }
0x9f: {  	s4 =	ssub.s32 $0x0, s20;
	[sflag:s22] =	ssyncset.done $0x0  }
0xa0: {  	[sflag:s22] =	ssyncadd.s32 s4;
	_ =	sdelay $0x1  }
0xa1: {  	s23 =	simm.s32 $0x1B8B  }
0xa2: {  	_ =	swait.ge [sflag:s23], $0x1  }
0xa3: {  	[sflag:s23] =	ssyncset.done $0x0  }
0xa4: {  	s25 =	simm.s32 $0x1B8E;
	s24 =	sld [smem:$0x3FFE];
	[sflag:s23] =	ssyncadd.s32 $0xFFFFFFFF  }
0xa5: {  	s26 =	simm.s32 $execute0_lowered;
	[smem:$0x3FD2] =	sst s25  }
0xa6: {  	s5 =	sshll.u32 s26, $0x1;
	_ =	strace $0x8000004C;
	[dreg:$0x1] =	wrdreg $0xFFFFFFFF  }
0xa7: {  	s28 =	simm.s32 $_size_execute0_lowered;
	s3 =	sadd.s32 s3, s5;
	[dreg:$0x0] =	wrdreg $0x0  }
0xa8: {  	s5 =	sshll.u32 s28, $0x1;
	[dreg:$0x2] =	wrdreg s3  }
0xa9: {  	[dreg:$0x3] =	wrdreg s5  }
0xaa: {  	[dreg:$0x4] =	wrdreg $0xC0  }
0xab: {  	_ =	task [dreg:s7], $0x5FFFF  }
0xac: {  	[dreg:$0x1] =	wrdreg $0xFFFFFFFF  }
0xad: {  	[dreg:$0x0] =	wrdreg $0x60  }
0xae: {  	[dreg:$0x2] =	wrdreg s2  }
0xaf: {  	[dreg:$0x3] =	wrdreg s24  }
0xb0: {  	[dreg:$0x4] =	wrdreg $0x52000  }
0xb1: {  	[dreg:$0x5] =	wrdreg $0x9  }
0xb2: {  	_ =	task.clear_ibuf [dreg:s7], $0x6FFFF;
	_ =	strace $0x9000004C  }
0xb3: {  	s29 =	simm.s32 $0x9;
	_ =	strace $0x8000004E  }
0xb4: {  	_ =	swait.ge [sflag:s29], $0x1  }
0xb5: {  	[sflag:s29] =	ssyncadd.s32 $0xFFFFFFFF  }
0xb6: {  	_ =	strace $0x9000004E  }
0xb7: {  	_ =	sfence  }
0xb8: {  	s30 =	sld [smem:$0x0];
	_ =	sdelay $0x2  }
0xb9: {  	s31 =	sshll.u32 s1, $0xD;
	s1 =	sshrl.u32 s1, $0x2  }
0xba: {  	s3 =	sand.u32 $0x4000, s31;
	s1 =	sadd.s32 s1, s30  }
0xbb: {  	s0 =	sor.u32 s3, s0;
	s1 =	sshll.u32 s1, $0x11  }
0xbc: {  	s0 =	sor.u32 s1, s0  }
0xbd: {  	s0 =	sadd.s32 $0x8F2B, s0  }
0xbe: {  	[sflag:s0] =	ssyncadd.remote.s32 $0x1  }
0xbf: {  	_ =	sfence.sel $0xFFFF  }
0xc0: {  	[dreg:$0x0] =	wrdreg $0xFFFFFFFF;
	(pc) =	sbr.abs _section_cstart, $3  }
0xc1: {  	[dreg:$0x1] =	wrdreg $0xFFFFFFFF  }
0xc2: {  	_ =	task.clear_ibuf [dreg:s7], $0x2FFFF;
	_ =	strace $0x9FFFFFFF  }
0xc3: {  	(tm) =	ssettm $0x7FFFFFFF  }
tec
execute0_lowered:
.L_overlay_start_1:
0x0: {  	(tag) =	ssettag $0x1  }
0x1: {  	s1 =	rddreg [dreg:$0x0]  }
0x2: {  	s5 =	rddreg [dreg:$0x1]  }
0x3: {  	s3 =	rddreg [dreg:$0x2]  }
0x4: {  	s0 =	rddreg [dreg:$0x3]  }
0x5: {  	s6 =	srdreg.scid;
	s2 =	stileid.u32  }
0x6: {  	s4 =	simm.s32 $0x0;
	s13 =	simm.s32 $0xA00;
	s14 =	simm.s32 $0x1200  }
0x7: {  	s15 =	simm.s32 $0x1A00;
	s16 =	simm.s32 $0x2200;
	s17 =	simm.s32 $0x2A00  }
0x8: {  	s18 =	simm.s32 $0x3200;
	s19 =	simm.s32 $0x3A00;
	s20 =	simm.s32 $0x4200  }
0x9: {  	s21 =	simm.s32 $0x4A00;
	s22 =	simm.s32 $0x1;
	s23 =	simm.s32 $0x2  }
0xa: {  	s24 =	simm.s32 $0x0;
	s6 =	sand.u32 $0x1, s6;
	s7 =	smul.u32 $0x13C00, s2  }
0xb: {  	[smem:$0x7FF] =	sst s4;
	s28 =	smul.u32 $0x4F000, s2;
	s30 =	sshll.u32 s2, $0x6  }
0xc: {  	s31 =	sshll.u32 s2, $0xC;
	s8 =	sshll.u32 s6, $0x10;
	s9 =	smul.u32 $0x13C000, s6  }
0xd: {  	_ =	strace $0x8000004D;
	s6 =	ssub.s32 $0x2, s6;
	s8 =	sadd.s32 s8, s5  }
0xe: {  	s10 =	sshrl.u32 s7, $0x3;
	s11 =	sshrl.u32 s6, $0x1;
	s29 =	sshrl.u32 s28, $0x2  }
0xf: {  	s7 =	sadd.s32 s7, s9;
	s10 =	sadd.s32 s10, s5;
	s11 =	ssub.s32 s6, s11  }
0x10: {  	s12 =	sadd.s32 s29, s3;
	s6 =	sor.u32 $0x1C03, s30;
	s9 =	sadd.s32 s31, s8  }
0x11: {  	s7 =	sshrl.u32 s7, $0x3;
	s8 =	smax.u32 s11, $0x1;
	s9 =	sadd.s32 $0x52600, s9  }
0x12: {  	s11 =	simm.s32 $0x3;
	s7 =	sadd.s32 s7, s5;
	s5 =	sadd.s32 $0x3C00, s10  }
0x13: {  	vm0 =	vmmov $0xffff;
	s10 =	sshrl.u32 s12, $0x3;
	s12 =	simm.s32 $0x200;
	s7 =	sadd.s32 $0x72600, s7  }
.LBB2_1:
0x14: {  	[spmem:s10], [sflag:s6] =	dma.local [hbm:s5], $0x2780  }
0x15: {  	_ =	swait.ge [sflag:s11], $0x2780  }
0x16: {  	[sflag:s11] =	ssyncset.done $0x0  }
0x17: {  	[sflag:s11] =	ssyncadd.s32 $0xFFFFD880  }
0x18: {  	s25 =	simm.s32 $0x0;
	[bflag:$0x0] =	sbarrier.arrive $0xFFFF  }
.LBB2_2:
0x19: {  	s26 =	sadd.s32 s25, s9  }
0x1a: {  	[tilespmem:s4], [sflag:$0x3] =	stream.linear.gather [hbm4b:s26+s4], $0x200, $0x38;
	[tilespmem:$0x18E00] =	vst v63  }
0x1b: {  	_ =	swait.ge [sflag:s11], $0x200  }
0x1c: {  	[sflag:s11] =	ssyncset.done $0x0  }
0x1d: {  	[sflag:s11] =	ssyncadd.s32 $0xFFFFFE00  }
0x1e: {  	v0 =	vld [tilespmem:$0x0];
	_ =	sdelay $0x7  }
0x1f: {  	[tilespmem:s12], [sflag:$0x1] =	stream.indirect_vreg.gather [hbm4b:s1+s4], $0x80, v0, vm0, $0xb8;
	[tilespmem:$0x18E00] =	vst v63  }
0x20: {  	v0 =	vld [tilespmem:$0x10];
	_ =	sdelay $0x7  }
0x21: {  	[tilespmem:s13], [sflag:$0x1] =	stream.indirect_vreg.gather [hbm4b:s1+s4], $0x80, v0, vm0, $0xb8;
	[tilespmem:$0x18E00] =	vst v63  }
0x22: {  	v0 =	vld [tilespmem:$0x20];
	_ =	sdelay $0x7  }
0x23: {  	[tilespmem:s14], [sflag:$0x1] =	stream.indirect_vreg.gather [hbm4b:s1+s4], $0x80, v0, vm0, $0xb8;
	[tilespmem:$0x18E00] =	vst v63  }
0x24: {  	v0 =	vld [tilespmem:$0x30];
	_ =	sdelay $0x7  }
0x25: {  	[tilespmem:s15], [sflag:$0x1] =	stream.indirect_vreg.gather [hbm4b:s1+s4], $0x80, v0, vm0, $0xb8;
	[tilespmem:$0x18E00] =	vst v63  }
0x26: {  	v0 =	vld [tilespmem:$0x40];
	_ =	sdelay $0x7  }
0x27: {  	[tilespmem:s16], [sflag:$0x1] =	stream.indirect_vreg.gather [hbm4b:s1+s4], $0x80, v0, vm0, $0xb8;
	[tilespmem:$0x18E00] =	vst v63  }
0x28: {  	v0 =	vld [tilespmem:$0x50];
	_ =	sdelay $0x7  }
0x29: {  	[tilespmem:s17], [sflag:$0x1] =	stream.indirect_vreg.gather [hbm4b:s1+s4], $0x80, v0, vm0, $0xb8;
	[tilespmem:$0x18E00] =	vst v63  }
0x2a: {  	v0 =	vld [tilespmem:$0x60];
	_ =	sdelay $0x7  }
0x2b: {  	[tilespmem:s18], [sflag:$0x1] =	stream.indirect_vreg.gather [hbm4b:s1+s4], $0x80, v0, vm0, $0xb8;
	[tilespmem:$0x18E00] =	vst v63  }
0x2c: {  	v0 =	vld [tilespmem:$0x70];
	_ =	sdelay $0x7  }
0x2d: {  	[tilespmem:s19], [sflag:$0x1] =	stream.indirect_vreg.gather [hbm4b:s1+s4], $0x80, v0, vm0, $0xb8;
	[tilespmem:$0x18E00] =	vst v63  }
0x2e: {  	v0 =	vld [tilespmem:$0x100];
	_ =	sdelay $0x7  }
0x2f: {  	[tilespmem:s20], [sflag:$0x1] =	stream.indirect_vreg.gather [hbm4b:s1+s4], $0x80, v0, vm0, $0xb8;
	[tilespmem:$0x18E00] =	vst v63  }
0x30: {  	v0 =	vld [tilespmem:$0x110];
	_ =	sdelay $0x7  }
0x31: {  	[tilespmem:s21], [sflag:$0x1] =	stream.indirect_vreg.gather [hbm4b:s1+s4], $0x80, v0, vm0, $0xb8;
	[tilespmem:$0x18E00] =	vst v63  }
0x32: {  	_ =	swait.ge [sflag:s22], $0x800  }
0x33: {  	[sflag:s22] =	ssyncset.done $0x0  }
0x34: {  	[sflag:s22] =	ssyncadd.s32 $0xFFFFF800  }
0x35: {  	v54 =	vld [tilespmem:$0x80];
	_ =	sdelay $0x7  }
0x36: {  	[spmem:s3] =	stream.indirect_vreg.scatter.add.f32 [tilespmem:s12], [sflag:$0x2], $0x80, v54, vm0, $0xb8;
	[tilespmem:$0x18E00] =	vst v63  }
0x37: {  	_ =	swait.ge [sflag:s22], $0x800  }
0x38: {  	[sflag:s22] =	ssyncset.done $0x0  }
0x39: {  	[sflag:s22] =	ssyncadd.s32 $0xFFFFF800  }
0x3a: {  	v55 =	vld [tilespmem:$0x90];
	_ =	sdelay $0x7  }
0x3b: {  	[spmem:s3] =	stream.indirect_vreg.scatter.add.f32 [tilespmem:s13], [sflag:$0x2], $0x80, v55, vm0, $0xb8;
	[tilespmem:$0x18E00] =	vst v63  }
0x3c: {  	_ =	swait.ge [sflag:s22], $0x800  }
0x3d: {  	[sflag:s22] =	ssyncset.done $0x0  }
0x3e: {  	[sflag:s22] =	ssyncadd.s32 $0xFFFFF800  }
0x3f: {  	v56 =	vld [tilespmem:$0xA0];
	_ =	sdelay $0x7  }
0x40: {  	[spmem:s3] =	stream.indirect_vreg.scatter.add.f32 [tilespmem:s14], [sflag:$0x2], $0x80, v56, vm0, $0xb8;
	[tilespmem:$0x18E00] =	vst v63  }
0x41: {  	_ =	swait.ge [sflag:s22], $0x800  }
0x42: {  	[sflag:s22] =	ssyncset.done $0x0  }
0x43: {  	[sflag:s22] =	ssyncadd.s32 $0xFFFFF800  }
0x44: {  	v57 =	vld [tilespmem:$0xB0];
	_ =	sdelay $0x7  }
0x45: {  	[spmem:s3] =	stream.indirect_vreg.scatter.add.f32 [tilespmem:s15], [sflag:$0x2], $0x80, v57, vm0, $0xb8;
	[tilespmem:$0x18E00] =	vst v63  }
0x46: {  	_ =	swait.ge [sflag:s22], $0x800  }
0x47: {  	[sflag:s22] =	ssyncset.done $0x0  }
0x48: {  	[sflag:s22] =	ssyncadd.s32 $0xFFFFF800  }
0x49: {  	v58 =	vld [tilespmem:$0xC0];
	_ =	sdelay $0x7  }
0x4a: {  	[spmem:s3] =	stream.indirect_vreg.scatter.add.f32 [tilespmem:s16], [sflag:$0x2], $0x80, v58, vm0, $0xb8;
	[tilespmem:$0x18E00] =	vst v63  }
0x4b: {  	_ =	swait.ge [sflag:s22], $0x800  }
0x4c: {  	[sflag:s22] =	ssyncset.done $0x0  }
0x4d: {  	[sflag:s22] =	ssyncadd.s32 $0xFFFFF800  }
0x4e: {  	v59 =	vld [tilespmem:$0xD0];
	_ =	sdelay $0x7  }
0x4f: {  	[spmem:s3] =	stream.indirect_vreg.scatter.add.f32 [tilespmem:s17], [sflag:$0x2], $0x80, v59, vm0, $0xb8;
	[tilespmem:$0x18E00] =	vst v63  }
0x50: {  	_ =	swait.ge [sflag:s22], $0x800  }
0x51: {  	[sflag:s22] =	ssyncset.done $0x0  }
0x52: {  	[sflag:s22] =	ssyncadd.s32 $0xFFFFF800  }
0x53: {  	v60 =	vld [tilespmem:$0xE0];
	_ =	sdelay $0x7  }
0x54: {  	[spmem:s3] =	stream.indirect_vreg.scatter.add.f32 [tilespmem:s18], [sflag:$0x2], $0x80, v60, vm0, $0xb8;
	[tilespmem:$0x18E00] =	vst v63  }
0x55: {  	_ =	swait.ge [sflag:s22], $0x800  }
0x56: {  	[sflag:s22] =	ssyncset.done $0x0  }
0x57: {  	[sflag:s22] =	ssyncadd.s32 $0xFFFFF800  }
0x58: {  	v61 =	vld [tilespmem:$0xF0];
	_ =	sdelay $0x7  }
0x59: {  	[spmem:s3] =	stream.indirect_vreg.scatter.add.f32 [tilespmem:s19], [sflag:$0x2], $0x80, v61, vm0, $0xb8;
	[tilespmem:$0x18E00] =	vst v63  }
0x5a: {  	_ =	swait.ge [sflag:s22], $0x800  }
0x5b: {  	[sflag:s22] =	ssyncset.done $0x0  }
0x5c: {  	[sflag:s22] =	ssyncadd.s32 $0xFFFFF800  }
0x5d: {  	v62 =	vld [tilespmem:$0x180];
	_ =	sdelay $0x7  }
0x5e: {  	[spmem:s3] =	stream.indirect_vreg.scatter.add.f32 [tilespmem:s20], [sflag:$0x2], $0x80, v62, vm0, $0xb8;
	[tilespmem:$0x18E00] =	vst v63  }
0x5f: {  	_ =	swait.ge [sflag:s22], $0x800  }
0x60: {  	[sflag:s22] =	ssyncset.done $0x0  }
0x61: {  	[sflag:s22] =	ssyncadd.s32 $0xFFFFF800  }
0x62: {  	v63 =	vld [tilespmem:$0x190];
	_ =	sdelay $0x7  }
0x63: {  	[spmem:s3] =	stream.indirect_vreg.scatter.add.f32 [tilespmem:s21], [sflag:$0x2], $0x80, v63, vm0, $0xb8;
	[tilespmem:$0x18E00] =	vst v63  }
0x64: {  	_ =	swait.ge [sflag:s23], $0x800  }
0x65: {  	[sflag:s23] =	ssyncset.done $0x0  }
0x66: {  	[sflag:s23] =	ssyncadd.s32 $0xFFFFF800  }
0x67: {  	_ =	swait.ge [sflag:s23], $0x800  }
0x68: {  	[sflag:s23] =	ssyncset.done $0x0  }
0x69: {  	[sflag:s23] =	ssyncadd.s32 $0xFFFFF800  }
0x6a: {  	_ =	swait.ge [sflag:s23], $0x800  }
0x6b: {  	[sflag:s23] =	ssyncset.done $0x0  }
0x6c: {  	[sflag:s23] =	ssyncadd.s32 $0xFFFFF800  }
0x6d: {  	_ =	swait.ge [sflag:s23], $0x800  }
0x6e: {  	[sflag:s23] =	ssyncset.done $0x0  }
0x6f: {  	[sflag:s23] =	ssyncadd.s32 $0xFFFFF800  }
0x70: {  	_ =	swait.ge [sflag:s23], $0x800  }
0x71: {  	[sflag:s23] =	ssyncset.done $0x0  }
0x72: {  	[sflag:s23] =	ssyncadd.s32 $0xFFFFF800  }
0x73: {  	_ =	swait.ge [sflag:s23], $0x800  }
0x74: {  	[sflag:s23] =	ssyncset.done $0x0  }
0x75: {  	[sflag:s23] =	ssyncadd.s32 $0xFFFFF800  }
0x76: {  	_ =	swait.ge [sflag:s23], $0x800  }
0x77: {  	[sflag:s23] =	ssyncset.done $0x0  }
0x78: {  	[sflag:s23] =	ssyncadd.s32 $0xFFFFF800  }
0x79: {  	_ =	swait.ge [sflag:s23], $0x800  }
0x7a: {  	[sflag:s23] =	ssyncset.done $0x0  }
0x7b: {  	[sflag:s23] =	ssyncadd.s32 $0xFFFFF800  }
0x7c: {  	p0 =	sne.s32 s25, $0xFC0;
	_ =	swait.ge [sflag:s23], $0x800  }
.Ltmp0:
0x7d: {  	[sflag:s23] =	ssyncset.done $0x0;
	(pc) =	sbr.rel @p0 .LBB2_2-.Ltmp0, $4  }
0x7e: {  	[sflag:s23] =	ssyncadd.s32 $0xFFFFF800  }
0x7f: {  	_ =	swait.ge [sflag:s23], $0x800  }
0x80: {  	[sflag:s23] =	ssyncset.done $0x0  }
0x81: {  	s25 =	sadd.s32 $0x40, s25;
	[sflag:s23] =	ssyncadd.s32 $0xFFFFF800  }
0x82: {  	s24 =	sadd.s32 $0x1, s24  }
0x83: {  	p0 =	sne.s32 s24, s8  }
.Ltmp1:
0x84: {  	[bflag:$0x0] =	sbarrier.arrive $0xFFFF;
	(pc) =	sbr.rel @p0 .LBB2_1-.Ltmp1, $4  }
0x85: {  	[hbm:s7], [sflag:s6] =	dma.local [spmem:s10], $0x2780  }
0x86: {  	_ =	swait.ge [sflag:s11], $0x2780  }
0x87: {  	[sflag:s11] =	ssyncset.done $0x0  }
0x88: {  	[sflag:s11] =	ssyncadd.s32 $0xFFFFD880  }
0x89: {  	_ =	sfence.sel $0x180000  }
0x8a: {  	[bflag:$0x0] =	sbarrier.arrive $0xFFFF  }
0x8b: {  	p0 =	sne.s32 s2, $0x0;
	_ =	strace $0x9000004D  }
0x8c: {  	s0 =	sadd.s32 @!p0 $0x100000, s0;
	[bflag:$0x2] =	sbarrier.arrive $0xFFFF  }
0x8d: {  	[sflag:s0] =	ssyncadd.tile.s32 @!p0 $0x1;
	_ =	shalt  }
.Lfunc_end2:
_tile_overlayer_lowered:
.L_overlay_start_2:
0x8e: {  	(tag) =	ssettag $0x2  }
0x8f: {  	s0 =	rddreg [dreg:$0x0];
	s2 =	stileid.u32  }
0x90: {  	s1 =	rddreg [dreg:$0x1];
	p0 =	sne.s32 s2, $0x0  }
0x91: {  	s3 =	rddreg [dreg:$0x2];
	[bflag:$0x3] =	sbarrier.arrive $0xFFFF;
	s2 =	simm.s32 @!p0 $0x1C03  }
0x92: {  	[timem:s3], [sflag:s2] =	dma.local @!p0 [hbm:s0], s1  }
0x93: {  	s0 =	simm.s32 @!p0 $0x3  }
0x94: {  	_ =	swait.ge @!p0 [sflag:s0], s1  }
0x95: {  	s1 =	ssub.s32 @!p0 $0x0, s1;
	[sflag:s0] =	ssyncset.done @!p0 $0x0  }
0x96: {  	[sflag:s0] =	ssyncadd.s32 @!p0 s1  }
0x97: {  	[bflag:$0x3] =	sbarrier.arrive $0xFFFF  }
0x98: {  	_ =	shalt  }

// kernel: kernel.8.cloned.1.call-start
scs
__scs_entry_jumppad:
0x0: {  	(pc) =	sbr.rel $0x88, $3  }
0x1: {  	(tag) =	ssettag $0x0;
	lr =	simm.s32 $0x1  }
0x2: {  	[smem:$0x3F99] =	sst lr;
	_ =	strace $0xD0000000  }
0x3: {  	_ = 	snop  }
0x4: {  	_ = 	snop  }
0x5: {  	_ = 	snop  }
0x6: {  	_ = 	snop  }
0x7: {  	_ = 	snop  }
__scs_overlays_trampoline_lowered:
0x8: {  	[smem:$0x3FA8] =	sst s0  }
0x9: {  	[smem:$0x3FA9] =	sst s1  }
0xa: {  	[smem:$0x3FAA] =	sst s2  }
0xb: {  	[smem:$0x3FAB] =	sst s3  }
0xc: {  	[smem:$0x3FAC] =	sst s4  }
0xd: {  	[smem:$0x3FAD] =	sst s5  }
0xe: {  	[smem:$0x3FAE] =	sst s6  }
0xf: {  	[smem:$0x3FAF] =	sst s7  }
0x10: {  	[smem:$0x3FB0] =	sst s8  }
0x11: {  	[smem:$0x3FB1] =	sst s9;
	s0 =	simm.s32 @!p0 $0x0  }
0x12: {  	s1 =	sld [smem:$0x3F97];
	s0 =	simm.s32 @p0 $0x1  }
0x13: {  	[smem:$0x3FB2] =	sst s0;
	s0 =	simm.s32 @!p1 $0x0  }
0x14: {  	s2 =	sld [smem:$0x3F96];
	s0 =	simm.s32 @p1 $0x1  }
0x15: {  	[smem:$0x3FB3] =	sst s0;
	s0 =	simm.s32 @!p2 $0x0  }
0x16: {  	s3 =	sld [smem:$0x3FDB];
	s0 =	simm.s32 @p2 $0x1  }
0x17: {  	s4 =	simm.s32 $0x1BF5;
	[smem:$0x3FB5] =	sst s0  }
0x18: {  	s0 =	sld [smem:$0x3F98];
	_ =	swait.ge [sflag:s4], $0x0  }
0x19: {  	s7 =	sld [smem:$0x3F99]  }
0x1a: {  	s8 =	sadd.s32 $0xFFFFE003, lr  }
0x1b: {  	s9 =	sadd.s32 $0xFFFFFEF7, lr;
	s5 =	simm.s32 $0xFFFFFFFF;
	p2 =	slt.u32 s8, $0xFFFFF086  }
0x1c: {  	p1 =	slt.u32 s9, $0xF7A;
	s5 =	simm.s32 @!p2 $0x0  }
0x1d: {  	s5 =	simm.s32 @p1 $0x1;
	p0 =	seq.s32 s7, s2  }
0x1e: {  	s7 =	smul.u32 @!p0 $0xF7A, s2;
	p2 =	seq.s32 @!p0 s5, $0x0  }
0x1f: {  	s9 =	smul.u32 $0xF7A, s1;
	s8 =	simm.s32 @!p0 $0x1BF5;
	p2 =	por !p2, p0  }
0x20: {  	[sflag:s8] =	ssyncset.s32 @!p0 $0xFFFFF086;
	s6 =	sadd.s32 @!p0 s3, s7;
	s7 =	simm.s32 @!p0 $0x108  }
0x21: {  	s3 =	sadd.s32 s3, s9;
	s6 =	sadd.s32 @!p0 $0x88, s6;
	s7 =	simm.s32 @p2 $0x1082  }
0x22: {  	[simem:s7], [sflag:s8] =	dma.local @!p0 [hbm:s6], $0xF7A  }
0x23: {  	s9 =	sor.u32 $0xD0000000, s2;
	s6 =	simm.s32 $0x108;
	_ =	swait.ge @!p0 [sflag:s8], $0x0  }
0x24: {  	s3 =	sadd.s32 $0x88, s3;
	s6 =	simm.s32 @!p1 $0x1082;
	[sflag:s4] =	ssyncset.s32 $0xFFFFF086  }
0x25: {  	[simem:s6], [sflag:s4] =	dma.local [hbm:s3], $0xF7A  }
0x26: {  	[smem:$0x3F99] =	sst s1;
	(tag) =	ssettag s2;
	_ =	strace s9  }
0x27: {  	s1 =	sld [smem:$0x3FA9]  }
0x28: {  	s2 =	sld [smem:$0x3FAA]  }
0x29: {  	s4 =	sld [smem:$0x3FAC]  }
0x2a: {  	p0 =	seq.s32 s5, $0x0;
	s5 =	sld [smem:$0x3FAD]  }
0x2b: {  	s6 =	sld [smem:$0x3FAE]  }
0x2c: {  	s7 =	sld [smem:$0x3FAF]  }
0x2d: {  	s3 =	simm.s32 $0x108;
	s8 =	sld [smem:$0x3FB0]  }
0x2e: {  	s3 =	simm.s32 @!p0 $0x1082;
	s9 =	sld [smem:$0x3FB1]  }
0x2f: {  	lr =	sadd.s32 s0, s3;
	s0 =	sld [smem:$0x3FA8]  }
0x30: {  	s3 =	sld [smem:$0x3FAB]  }
0x31: {  	[smem:$0x3FB4] =	sst s10  }
0x32: {  	s10 =	sld [smem:$0x3FB2];
	_ =	sdelay $0x3  }
0x33: {  	p0 =	seq.s32 s10, $0x1;
	s10 =	sld [smem:$0x3FB4];
	_ =	sdelay $0x3  }
0x34: {  	[smem:$0x3FB4] =	sst s10  }
0x35: {  	s10 =	sld [smem:$0x3FB3];
	_ =	sdelay $0x3  }
0x36: {  	p1 =	seq.s32 s10, $0x1;
	s10 =	sld [smem:$0x3FB4];
	_ =	sdelay $0x3  }
0x37: {  	[smem:$0x3FB4] =	sst s10  }
0x38: {  	s10 =	sld [smem:$0x3FB5]  }
0x39: {  	_ = 	snop;
	(pc) =	sbr.ind lr, $3  }
0x3a: {  	_ = 	snop  }
0x3b: {  	_ = 	snop  }
0x3c: {  	p2 =	seq.s32 s10, $0x1;
	s10 =	sld [smem:$0x3FB4]  }
0x3d: {  	_ =	shalt  }
0x3e: {  	_ =	shalt  }
0x3f: {  	_ =	shalt  }
0x40: {  	_ =	shalt  }
0x41: {  	_ =	shalt  }
0x42: {  	_ =	shalt  }
0x43: {  	_ =	shalt  }
0x44: {  	_ =	shalt  }
0x45: {  	_ =	shalt  }
0x46: {  	_ =	shalt  }
0x47: {  	_ =	shalt  }
0x48: {  	_ =	shalt  }
0x49: {  	_ =	shalt  }
0x4a: {  	_ =	shalt  }
0x4b: {  	_ =	shalt  }
0x4c: {  	_ =	shalt  }
0x4d: {  	_ =	shalt  }
0x4e: {  	_ =	shalt  }
0x4f: {  	_ =	shalt  }
0x50: {  	_ =	shalt  }
0x51: {  	_ =	shalt  }
0x52: {  	_ =	shalt  }
0x53: {  	_ =	shalt  }
0x54: {  	_ =	shalt  }
0x55: {  	_ =	shalt  }
0x56: {  	_ =	shalt  }
0x57: {  	_ =	shalt  }
0x58: {  	_ =	shalt  }
0x59: {  	_ =	shalt  }
0x5a: {  	_ =	shalt  }
0x5b: {  	_ =	shalt  }
0x5c: {  	_ =	shalt  }
0x5d: {  	_ =	shalt  }
0x5e: {  	_ =	shalt  }
0x5f: {  	_ =	shalt  }
0x60: {  	_ =	shalt  }
0x61: {  	_ =	shalt  }
0x62: {  	_ =	shalt  }
0x63: {  	_ =	shalt  }
0x64: {  	_ =	shalt  }
0x65: {  	_ =	shalt  }
0x66: {  	_ =	shalt  }
0x67: {  	_ =	shalt  }
0x68: {  	_ =	shalt  }
0x69: {  	_ =	shalt  }
0x6a: {  	_ =	shalt  }
0x6b: {  	_ =	shalt  }
0x6c: {  	_ =	shalt  }
0x6d: {  	_ =	shalt  }
0x6e: {  	_ =	shalt  }
0x6f: {  	_ =	shalt  }
0x70: {  	_ =	shalt  }
0x71: {  	_ =	shalt  }
0x72: {  	_ =	shalt  }
0x73: {  	_ =	shalt  }
0x74: {  	_ =	shalt  }
0x75: {  	_ =	shalt  }
0x76: {  	_ =	shalt  }
0x77: {  	_ =	shalt  }
0x78: {  	_ =	shalt  }
0x79: {  	_ =	shalt  }
0x7a: {  	_ =	shalt  }
0x7b: {  	_ =	shalt  }
0x7c: {  	_ =	shalt  }
0x7d: {  	_ =	shalt  }
0x7e: {  	_ =	shalt  }
0x7f: {  	_ =	shalt  }
0x80: {  	_ =	shalt  }
0x81: {  	_ =	shalt  }
0x82: {  	_ =	shalt  }
0x83: {  	_ =	shalt  }
0x84: {  	_ =	shalt  }
0x85: {  	_ =	shalt  }
0x86: {  	_ =	shalt  }
0x87: {  	_ =	shalt  }
.Lfunc_end0:
.L_simem_size_0:
called_computation_lowered:
.L_overlay_start_0:
0x88: {  	s2 =	sld [smem:$0x3FD9]  }
0x89: {  	s3 =	sld [smem:$0x3FFE];
	_ =	sdelay $0x1  }
0x8a: {  	s1 =	srdreg.scid  }
0x8b: {  	s0 =	sand.u32 $0x1, s1  }
0x8c: {  	s17 =	sshll.u32 s0, $0xA;
	s2 =	sadd.s32 s3, s2  }
0x8d: {  	s2 =	sadd.s32 s2, s17  }
0x8e: {  	[smem:$0x3FC0] =	sst s2  }
0x8f: {  	_ = 	snop  }
0x90: {  	s2 =	sld [smem:$0x3FD0];
	(tm) =	ssettm $0x1  }
0x91: {  	s18 =	sld [smem:$0x3FFB];
	_ =	sdelay $0x3  }
0x92: {  	_ =	strace s18  }
0x93: {  	s3 =	sld [smem:$0x3FFC];
	_ =	sdelay $0x3  }
0x94: {  	_ =	strace s3  }
0x95: {  	s3 =	sld [smem:$0x3FFD];
	_ =	sdelay $0x3  }
0x96: {  	_ =	strace s3  }
0x97: {  	_ =	strace $0x8FFFFFFF  }
0x98: {  	s19 =	sld [smem:$0x3FDB];
	_ =	sdelay $0x1  }
0x99: {  	s4 =	simm.s32 $_scs_section_size  }
0x9a: {  	s5 =	simm.s32 $_size__tile_overlayer_lowered;
	s6 =	simm.s32 $_tile_overlayer_lowered  }
0x9b: {  	s22 =	simm.s32 $0x1BFF;
	s21 =	sshll.u32 s6, $0x1;
	s3 =	sadd.s32 s4, s19  }
0x9c: {  	s7 =	simm.s32 $0x0;
	s20 =	sshll.u32 s5, $0x1;
	s5 =	sadd.s32 s21, s3  }
0x9d: {  	[timem:s7], [sflag:s22] =	dma.local [hbm:s5], s20  }
0x9e: {  	_ =	swait.ge [sflag:s22], s20  }
0x9f: {  	s4 =	ssub.s32 $0x0, s20;
	[sflag:s22] =	ssyncset.done $0x0  }
0xa0: {  	[sflag:s22] =	ssyncadd.s32 s4;
	_ =	sdelay $0x1  }
0xa1: {  	s23 =	simm.s32 $0x1B8B  }
0xa2: {  	_ =	swait.ge [sflag:s23], $0x1  }
0xa3: {  	[sflag:s23] =	ssyncset.done $0x0  }
0xa4: {  	s25 =	simm.s32 $0x1B8E;
	s24 =	sld [smem:$0x3FFE];
	[sflag:s23] =	ssyncadd.s32 $0xFFFFFFFF  }
0xa5: {  	s26 =	simm.s32 $execute0_lowered;
	[smem:$0x3FD2] =	sst s25  }
0xa6: {  	s5 =	sshll.u32 s26, $0x1;
	_ =	strace $0x80000046;
	[dreg:$0x1] =	wrdreg $0xFFFFFFFF  }
0xa7: {  	s28 =	simm.s32 $_size_execute0_lowered;
	s3 =	sadd.s32 s3, s5;
	[dreg:$0x0] =	wrdreg $0x0  }
0xa8: {  	s5 =	sshll.u32 s28, $0x1;
	[dreg:$0x2] =	wrdreg s3  }
0xa9: {  	[dreg:$0x3] =	wrdreg s5  }
0xaa: {  	[dreg:$0x4] =	wrdreg $0xC0  }
0xab: {  	_ =	task [dreg:s7], $0x5FFFF  }
0xac: {  	[dreg:$0x1] =	wrdreg $0xFFFFFFFF  }
0xad: {  	[dreg:$0x0] =	wrdreg $0x60  }
0xae: {  	[dreg:$0x2] =	wrdreg s2  }
0xaf: {  	[dreg:$0x3] =	wrdreg s24  }
0xb0: {  	[dreg:$0x4] =	wrdreg $0x30000  }
0xb1: {  	[dreg:$0x5] =	wrdreg $0x9  }
0xb2: {  	_ =	task.clear_ibuf [dreg:s7], $0x6FFFF;
	_ =	strace $0x90000046  }
0xb3: {  	s29 =	simm.s32 $0x9;
	_ =	strace $0x80000048  }
0xb4: {  	_ =	swait.ge [sflag:s29], $0x1  }
0xb5: {  	[sflag:s29] =	ssyncadd.s32 $0xFFFFFFFF  }
0xb6: {  	_ =	strace $0x90000048  }
0xb7: {  	_ =	sfence  }
0xb8: {  	s30 =	sld [smem:$0x0];
	_ =	sdelay $0x2  }
0xb9: {  	s31 =	sshll.u32 s1, $0xD;
	s1 =	sshrl.u32 s1, $0x2  }
0xba: {  	s3 =	sand.u32 $0x4000, s31;
	s1 =	sadd.s32 s1, s30  }
0xbb: {  	s0 =	sor.u32 s3, s0;
	s1 =	sshll.u32 s1, $0x11  }
0xbc: {  	s0 =	sor.u32 s1, s0  }
0xbd: {  	s0 =	sadd.s32 $0x8F2B, s0  }
0xbe: {  	[sflag:s0] =	ssyncadd.remote.s32 $0x1  }
0xbf: {  	_ =	sfence.sel $0xFFFF  }
0xc0: {  	[dreg:$0x0] =	wrdreg $0xFFFFFFFF;
	(pc) =	sbr.abs _section_cstart, $3  }
0xc1: {  	[dreg:$0x1] =	wrdreg $0xFFFFFFFF  }
0xc2: {  	_ =	task.clear_ibuf [dreg:s7], $0x2FFFF;
	_ =	strace $0x9FFFFFFF  }
0xc3: {  	(tm) =	ssettm $0x7FFFFFFF  }
tec
execute0_lowered:
.L_overlay_start_1:
0x0: {  	(tag) =	ssettag $0x1  }
0x1: {  	s7 =	rddreg [dreg:$0x0]  }
0x2: {  	s5 =	rddreg [dreg:$0x1];
	s0 =	stileid.u32  }
0x3: {  	s1 =	srdreg.scid;
	s2 =	rddreg [dreg:$0x2]  }
0x4: {  	s3 =	simm.s32 $0x0;
	s13 =	simm.s32 $0x1;
	s14 =	simm.s32 $0x0  }
0x5: {  	s4 =	smul.u32 $0x13C00, s0;
	s6 =	sand.u32 $0x1, s1;
	s1 =	rddreg [dreg:$0x3]  }
0x6: {  	[smem:$0x7FF] =	sst s3;
	s11 =	smul.u32 $0x4F000, s0;
	s31 =	sshll.u32 s0, $0x6  }
0x7: {  	s8 =	smul.u32 $0x13C000, s6;
	_ =	strace $0x80000047;
	s10 =	ssub.s32 $0x2, s6  }
0x8: {  	s6 =	sshll.u32 s6, $0x4;
	s9 =	sshrl.u32 s4, $0x3;
	s28 =	sshrl.u32 s10, $0x1  }
0x9: {  	s6 =	sor.u32 s0, s6;
	s29 =	sshrl.u32 s11, $0x2;
	s11 =	simm.s32 $0x2  }
0xa: {  	s8 =	sadd.s32 s4, s8;
	s4 =	sadd.s32 $0x2B400, s5;
	s9 =	sadd.s32 s9, s5  }
0xb: {  	s10 =	ssub.s32 s10, s28;
	s30 =	smul.u32 $0x500, s6;
	s8 =	sshrl.u32 s8, $0x3  }
0xc: {  	s12 =	sadd.s32 s29, s2;
	s6 =	sor.u32 $0x1C02, s31;
	s8 =	sadd.s32 s8, s5  }
0xd: {  	s5 =	sadd.s32 $0x3C00, s9;
	s7 =	sadd.s32 s7, s30;
	s9 =	smax.u32 s10, $0x1  }
0xe: {  	vm0 =	vmmov $0xffff;
	s10 =	sshrl.u32 s12, $0x3;
	s12 =	simm.s32 $0x2800;
	s8 =	sadd.s32 $0x2B600, s8  }
.LBB2_1:
0xf: {  	[spmem:s10], [sflag:s6] =	dma.local [hbm:s5], $0x2780  }
0x10: {  	_ =	swait.ge [sflag:s11], $0x2780  }
0x11: {  	[sflag:s11] =	ssyncset.done $0x0  }
0x12: {  	[sflag:s11] =	ssyncadd.s32 $0xFFFFD880  }
0x13: {  	[tilespmem:s3], [sflag:$0x2] =	stream.linear.gather [hbm4b:s7+s3], $0x2800, $0x38;
	[tilespmem:$0x16C00] =	vst v63  }
0x14: {  	_ =	swait.ge [sflag:s11], $0x2800  }
0x15: {  	[sflag:s11] =	ssyncset.done $0x0  }
0x16: {  	[sflag:s11] =	ssyncadd.s32 $0xFFFFD800  }
0x17: {  	[tilespmem:s12], [sflag:$0x2] =	stream.linear.gather [hbm4b:s4+s3], $0x800, $0x38;
	[tilespmem:$0x16C00] =	vst v63  }
0x18: {  	_ =	swait.ge [sflag:s11], $0x800  }
0x19: {  	[sflag:s11] =	ssyncset.done $0x0  }
0x1a: {  	[sflag:s11] =	ssyncadd.s32 $0xFFFFF800  }
0x1b: {  	s15 =	simm.s32 $0x0;
	[bflag:$0x0] =	sbarrier.arrive $0xFFFF  }
.LBB2_2:
0x1c: {  	s16 =	sshra.s32 s15, $0x2  }
0x1d: {  	v0 =	vld [tilespmem:s16+$0x0];
	_ =	sdelay $0x7  }
0x1e: {  	[spmem:s2] =	stream.indirect_vreg.scatter.add.f32 [tilespmem:s12], [sflag:$0x1], $0x80, v0, vm0, $0xb8;
	[tilespmem:$0x16C00] =	vst v63  }
0x1f: {  	v0 =	vld [tilespmem:s16+$0x10];
	_ =	sdelay $0x7  }
0x20: {  	[spmem:s2] =	stream.indirect_vreg.scatter.add.f32 [tilespmem:s12], [sflag:$0x1], $0x80, v0, vm0, $0xb8;
	[tilespmem:$0x16C00] =	vst v63  }
0x21: {  	v0 =	vld [tilespmem:s16+$0x20];
	_ =	sdelay $0x7  }
0x22: {  	[spmem:s2] =	stream.indirect_vreg.scatter.add.f32 [tilespmem:s12], [sflag:$0x1], $0x80, v0, vm0, $0xb8;
	[tilespmem:$0x16C00] =	vst v63  }
0x23: {  	v0 =	vld [tilespmem:s16+$0x30];
	_ =	sdelay $0x7  }
0x24: {  	[spmem:s2] =	stream.indirect_vreg.scatter.add.f32 [tilespmem:s12], [sflag:$0x1], $0x80, v0, vm0, $0xb8;
	[tilespmem:$0x16C00] =	vst v63  }
0x25: {  	v0 =	vld [tilespmem:s16+$0x40];
	_ =	sdelay $0x7  }
0x26: {  	[spmem:s2] =	stream.indirect_vreg.scatter.add.f32 [tilespmem:s12], [sflag:$0x1], $0x80, v0, vm0, $0xb8;
	[tilespmem:$0x16C00] =	vst v63  }
0x27: {  	v0 =	vld [tilespmem:s16+$0x50];
	_ =	sdelay $0x7  }
0x28: {  	[spmem:s2] =	stream.indirect_vreg.scatter.add.f32 [tilespmem:s12], [sflag:$0x1], $0x80, v0, vm0, $0xb8;
	[tilespmem:$0x16C00] =	vst v63  }
0x29: {  	v0 =	vld [tilespmem:s16+$0x60];
	_ =	sdelay $0x7  }
0x2a: {  	[spmem:s2] =	stream.indirect_vreg.scatter.add.f32 [tilespmem:s12], [sflag:$0x1], $0x80, v0, vm0, $0xb8;
	[tilespmem:$0x16C00] =	vst v63  }
0x2b: {  	v0 =	vld [tilespmem:s16+$0x70];
	_ =	sdelay $0x7  }
0x2c: {  	[spmem:s2] =	stream.indirect_vreg.scatter.add.f32 [tilespmem:s12], [sflag:$0x1], $0x80, v0, vm0, $0xb8;
	[tilespmem:$0x16C00] =	vst v63  }
0x2d: {  	v0 =	vld [tilespmem:s16+$0x80];
	_ =	sdelay $0x7  }
0x2e: {  	[spmem:s2] =	stream.indirect_vreg.scatter.add.f32 [tilespmem:s12], [sflag:$0x1], $0x80, v0, vm0, $0xb8;
	[tilespmem:$0x16C00] =	vst v63  }
0x2f: {  	v0 =	vld [tilespmem:s16+$0x90];
	_ =	sdelay $0x7  }
0x30: {  	[spmem:s2] =	stream.indirect_vreg.scatter.add.f32 [tilespmem:s12], [sflag:$0x1], $0x80, v0, vm0, $0xb8;
	[tilespmem:$0x16C00] =	vst v63  }
0x31: {  	v0 =	vld [tilespmem:s16+$0xA0];
	_ =	sdelay $0x7  }
0x32: {  	[spmem:s2] =	stream.indirect_vreg.scatter.add.f32 [tilespmem:s12], [sflag:$0x1], $0x80, v0, vm0, $0xb8;
	[tilespmem:$0x16C00] =	vst v63  }
0x33: {  	v0 =	vld [tilespmem:s16+$0xB0];
	_ =	sdelay $0x7  }
0x34: {  	[spmem:s2] =	stream.indirect_vreg.scatter.add.f32 [tilespmem:s12], [sflag:$0x1], $0x80, v0, vm0, $0xb8;
	[tilespmem:$0x16C00] =	vst v63  }
0x35: {  	v0 =	vld [tilespmem:s16+$0xC0];
	_ =	sdelay $0x7  }
0x36: {  	[spmem:s2] =	stream.indirect_vreg.scatter.add.f32 [tilespmem:s12], [sflag:$0x1], $0x80, v0, vm0, $0xb8;
	[tilespmem:$0x16C00] =	vst v63  }
0x37: {  	v0 =	vld [tilespmem:s16+$0xD0];
	_ =	sdelay $0x7  }
0x38: {  	[spmem:s2] =	stream.indirect_vreg.scatter.add.f32 [tilespmem:s12], [sflag:$0x1], $0x80, v0, vm0, $0xb8;
	[tilespmem:$0x16C00] =	vst v63  }
0x39: {  	v0 =	vld [tilespmem:s16+$0xE0];
	_ =	sdelay $0x7  }
0x3a: {  	[spmem:s2] =	stream.indirect_vreg.scatter.add.f32 [tilespmem:s12], [sflag:$0x1], $0x80, v0, vm0, $0xb8;
	[tilespmem:$0x16C00] =	vst v63  }
0x3b: {  	v0 =	vld [tilespmem:s16+$0xF0];
	_ =	sdelay $0x7  }
0x3c: {  	[spmem:s2] =	stream.indirect_vreg.scatter.add.f32 [tilespmem:s12], [sflag:$0x1], $0x80, v0, vm0, $0xb8;
	[tilespmem:$0x16C00] =	vst v63  }
0x3d: {  	v0 =	vld [tilespmem:s16+$0x100];
	_ =	sdelay $0x7  }
0x3e: {  	[spmem:s2] =	stream.indirect_vreg.scatter.add.f32 [tilespmem:s12], [sflag:$0x1], $0x80, v0, vm0, $0xb8;
	[tilespmem:$0x16C00] =	vst v63  }
0x3f: {  	v0 =	vld [tilespmem:s16+$0x110];
	_ =	sdelay $0x7  }
0x40: {  	[spmem:s2] =	stream.indirect_vreg.scatter.add.f32 [tilespmem:s12], [sflag:$0x1], $0x80, v0, vm0, $0xb8;
	[tilespmem:$0x16C00] =	vst v63  }
0x41: {  	v0 =	vld [tilespmem:s16+$0x120];
	_ =	sdelay $0x7  }
0x42: {  	[spmem:s2] =	stream.indirect_vreg.scatter.add.f32 [tilespmem:s12], [sflag:$0x1], $0x80, v0, vm0, $0xb8;
	[tilespmem:$0x16C00] =	vst v63  }
0x43: {  	v0 =	vld [tilespmem:s16+$0x130];
	_ =	sdelay $0x7  }
0x44: {  	[spmem:s2] =	stream.indirect_vreg.scatter.add.f32 [tilespmem:s12], [sflag:$0x1], $0x80, v0, vm0, $0xb8;
	[tilespmem:$0x16C00] =	vst v63  }
0x45: {  	v0 =	vld [tilespmem:s16+$0x140];
	_ =	sdelay $0x7  }
0x46: {  	[spmem:s2] =	stream.indirect_vreg.scatter.add.f32 [tilespmem:s12], [sflag:$0x1], $0x80, v0, vm0, $0xb8;
	[tilespmem:$0x16C00] =	vst v63  }
0x47: {  	v0 =	vld [tilespmem:s16+$0x150];
	_ =	sdelay $0x7  }
0x48: {  	[spmem:s2] =	stream.indirect_vreg.scatter.add.f32 [tilespmem:s12], [sflag:$0x1], $0x80, v0, vm0, $0xb8;
	[tilespmem:$0x16C00] =	vst v63  }
0x49: {  	v0 =	vld [tilespmem:s16+$0x160];
	_ =	sdelay $0x7  }
0x4a: {  	[spmem:s2] =	stream.indirect_vreg.scatter.add.f32 [tilespmem:s12], [sflag:$0x1], $0x80, v0, vm0, $0xb8;
	[tilespmem:$0x16C00] =	vst v63  }
0x4b: {  	v0 =	vld [tilespmem:s16+$0x170];
	_ =	sdelay $0x7  }
0x4c: {  	[spmem:s2] =	stream.indirect_vreg.scatter.add.f32 [tilespmem:s12], [sflag:$0x1], $0x80, v0, vm0, $0xb8;
	[tilespmem:$0x16C00] =	vst v63  }
0x4d: {  	v0 =	vld [tilespmem:s16+$0x180];
	_ =	sdelay $0x7  }
0x4e: {  	[spmem:s2] =	stream.indirect_vreg.scatter.add.f32 [tilespmem:s12], [sflag:$0x1], $0x80, v0, vm0, $0xb8;
	[tilespmem:$0x16C00] =	vst v63  }
0x4f: {  	v0 =	vld [tilespmem:s16+$0x190];
	_ =	sdelay $0x7  }
0x50: {  	[spmem:s2] =	stream.indirect_vreg.scatter.add.f32 [tilespmem:s12], [sflag:$0x1], $0x80, v0, vm0, $0xb8;
	[tilespmem:$0x16C00] =	vst v63  }
0x51: {  	v0 =	vld [tilespmem:s16+$0x1A0];
	_ =	sdelay $0x7  }
0x52: {  	[spmem:s2] =	stream.indirect_vreg.scatter.add.f32 [tilespmem:s12], [sflag:$0x1], $0x80, v0, vm0, $0xb8;
	[tilespmem:$0x16C00] =	vst v63  }
0x53: {  	v0 =	vld [tilespmem:s16+$0x1B0];
	_ =	sdelay $0x7  }
0x54: {  	[spmem:s2] =	stream.indirect_vreg.scatter.add.f32 [tilespmem:s12], [sflag:$0x1], $0x80, v0, vm0, $0xb8;
	[tilespmem:$0x16C00] =	vst v63  }
0x55: {  	v0 =	vld [tilespmem:s16+$0x1C0];
	_ =	sdelay $0x7  }
0x56: {  	[spmem:s2] =	stream.indirect_vreg.scatter.add.f32 [tilespmem:s12], [sflag:$0x1], $0x80, v0, vm0, $0xb8;
	[tilespmem:$0x16C00] =	vst v63  }
0x57: {  	v0 =	vld [tilespmem:s16+$0x1D0];
	_ =	sdelay $0x7  }
0x58: {  	[spmem:s2] =	stream.indirect_vreg.scatter.add.f32 [tilespmem:s12], [sflag:$0x1], $0x80, v0, vm0, $0xb8;
	[tilespmem:$0x16C00] =	vst v63  }
0x59: {  	v0 =	vld [tilespmem:s16+$0x1E0];
	_ =	sdelay $0x7  }
0x5a: {  	[spmem:s2] =	stream.indirect_vreg.scatter.add.f32 [tilespmem:s12], [sflag:$0x1], $0x80, v0, vm0, $0xb8;
	[tilespmem:$0x16C00] =	vst v63  }
0x5b: {  	v0 =	vld [tilespmem:s16+$0x1F0];
	_ =	sdelay $0x7  }
0x5c: {  	[spmem:s2] =	stream.indirect_vreg.scatter.add.f32 [tilespmem:s12], [sflag:$0x1], $0x80, v0, vm0, $0xb8;
	[tilespmem:$0x16C00] =	vst v63  }
0x5d: {  	_ =	swait.ge [sflag:s13], $0x800  }
0x5e: {  	[sflag:s13] =	ssyncset.done $0x0  }
0x5f: {  	[sflag:s13] =	ssyncadd.s32 $0xFFFFF800  }
0x60: {  	_ =	swait.ge [sflag:s13], $0x800  }
0x61: {  	[sflag:s13] =	ssyncset.done $0x0  }
0x62: {  	[sflag:s13] =	ssyncadd.s32 $0xFFFFF800  }
0x63: {  	_ =	swait.ge [sflag:s13], $0x800  }
0x64: {  	[sflag:s13] =	ssyncset.done $0x0  }
0x65: {  	[sflag:s13] =	ssyncadd.s32 $0xFFFFF800  }
0x66: {  	_ =	swait.ge [sflag:s13], $0x800  }
0x67: {  	[sflag:s13] =	ssyncset.done $0x0  }
0x68: {  	[sflag:s13] =	ssyncadd.s32 $0xFFFFF800  }
0x69: {  	_ =	swait.ge [sflag:s13], $0x800  }
0x6a: {  	[sflag:s13] =	ssyncset.done $0x0  }
0x6b: {  	[sflag:s13] =	ssyncadd.s32 $0xFFFFF800  }
0x6c: {  	_ =	swait.ge [sflag:s13], $0x800  }
0x6d: {  	[sflag:s13] =	ssyncset.done $0x0  }
0x6e: {  	[sflag:s13] =	ssyncadd.s32 $0xFFFFF800  }
0x6f: {  	_ =	swait.ge [sflag:s13], $0x800  }
0x70: {  	[sflag:s13] =	ssyncset.done $0x0  }
0x71: {  	[sflag:s13] =	ssyncadd.s32 $0xFFFFF800  }
0x72: {  	_ =	swait.ge [sflag:s13], $0x800  }
0x73: {  	[sflag:s13] =	ssyncset.done $0x0  }
0x74: {  	[sflag:s13] =	ssyncadd.s32 $0xFFFFF800  }
0x75: {  	_ =	swait.ge [sflag:s13], $0x800  }
0x76: {  	[sflag:s13] =	ssyncset.done $0x0  }
0x77: {  	[sflag:s13] =	ssyncadd.s32 $0xFFFFF800  }
0x78: {  	_ =	swait.ge [sflag:s13], $0x800  }
0x79: {  	[sflag:s13] =	ssyncset.done $0x0  }
0x7a: {  	[sflag:s13] =	ssyncadd.s32 $0xFFFFF800  }
0x7b: {  	_ =	swait.ge [sflag:s13], $0x800  }
0x7c: {  	[sflag:s13] =	ssyncset.done $0x0  }
0x7d: {  	[sflag:s13] =	ssyncadd.s32 $0xFFFFF800  }
0x7e: {  	_ =	swait.ge [sflag:s13], $0x800  }
0x7f: {  	[sflag:s13] =	ssyncset.done $0x0  }
0x80: {  	[sflag:s13] =	ssyncadd.s32 $0xFFFFF800  }
0x81: {  	_ =	swait.ge [sflag:s13], $0x800  }
0x82: {  	[sflag:s13] =	ssyncset.done $0x0  }
0x83: {  	[sflag:s13] =	ssyncadd.s32 $0xFFFFF800  }
0x84: {  	_ =	swait.ge [sflag:s13], $0x800  }
0x85: {  	[sflag:s13] =	ssyncset.done $0x0  }
0x86: {  	[sflag:s13] =	ssyncadd.s32 $0xFFFFF800  }
0x87: {  	_ =	swait.ge [sflag:s13], $0x800  }
0x88: {  	[sflag:s13] =	ssyncset.done $0x0  }
0x89: {  	[sflag:s13] =	ssyncadd.s32 $0xFFFFF800  }
0x8a: {  	_ =	swait.ge [sflag:s13], $0x800  }
0x8b: {  	[sflag:s13] =	ssyncset.done $0x0  }
0x8c: {  	[sflag:s13] =	ssyncadd.s32 $0xFFFFF800  }
0x8d: {  	_ =	swait.ge [sflag:s13], $0x800  }
0x8e: {  	[sflag:s13] =	ssyncset.done $0x0  }
0x8f: {  	[sflag:s13] =	ssyncadd.s32 $0xFFFFF800  }
0x90: {  	_ =	swait.ge [sflag:s13], $0x800  }
0x91: {  	[sflag:s13] =	ssyncset.done $0x0  }
0x92: {  	[sflag:s13] =	ssyncadd.s32 $0xFFFFF800  }
0x93: {  	_ =	swait.ge [sflag:s13], $0x800  }
0x94: {  	[sflag:s13] =	ssyncset.done $0x0  }
0x95: {  	[sflag:s13] =	ssyncadd.s32 $0xFFFFF800  }
0x96: {  	_ =	swait.ge [sflag:s13], $0x800  }
0x97: {  	[sflag:s13] =	ssyncset.done $0x0  }
0x98: {  	[sflag:s13] =	ssyncadd.s32 $0xFFFFF800  }
0x99: {  	_ =	swait.ge [sflag:s13], $0x800  }
0x9a: {  	[sflag:s13] =	ssyncset.done $0x0  }
0x9b: {  	[sflag:s13] =	ssyncadd.s32 $0xFFFFF800  }
0x9c: {  	_ =	swait.ge [sflag:s13], $0x800  }
0x9d: {  	[sflag:s13] =	ssyncset.done $0x0  }
0x9e: {  	[sflag:s13] =	ssyncadd.s32 $0xFFFFF800  }
0x9f: {  	_ =	swait.ge [sflag:s13], $0x800  }
0xa0: {  	[sflag:s13] =	ssyncset.done $0x0  }
0xa1: {  	[sflag:s13] =	ssyncadd.s32 $0xFFFFF800  }
0xa2: {  	_ =	swait.ge [sflag:s13], $0x800  }
0xa3: {  	[sflag:s13] =	ssyncset.done $0x0  }
0xa4: {  	[sflag:s13] =	ssyncadd.s32 $0xFFFFF800  }
0xa5: {  	_ =	swait.ge [sflag:s13], $0x800  }
0xa6: {  	[sflag:s13] =	ssyncset.done $0x0  }
0xa7: {  	[sflag:s13] =	ssyncadd.s32 $0xFFFFF800  }
0xa8: {  	_ =	swait.ge [sflag:s13], $0x800  }
0xa9: {  	[sflag:s13] =	ssyncset.done $0x0  }
0xaa: {  	[sflag:s13] =	ssyncadd.s32 $0xFFFFF800  }
0xab: {  	_ =	swait.ge [sflag:s13], $0x800  }
0xac: {  	[sflag:s13] =	ssyncset.done $0x0  }
0xad: {  	[sflag:s13] =	ssyncadd.s32 $0xFFFFF800  }
0xae: {  	_ =	swait.ge [sflag:s13], $0x800  }
0xaf: {  	[sflag:s13] =	ssyncset.done $0x0  }
0xb0: {  	[sflag:s13] =	ssyncadd.s32 $0xFFFFF800  }
0xb1: {  	_ =	swait.ge [sflag:s13], $0x800  }
0xb2: {  	[sflag:s13] =	ssyncset.done $0x0  }
0xb3: {  	[sflag:s13] =	ssyncadd.s32 $0xFFFFF800  }
0xb4: {  	_ =	swait.ge [sflag:s13], $0x800  }
0xb5: {  	[sflag:s13] =	ssyncset.done $0x0  }
0xb6: {  	[sflag:s13] =	ssyncadd.s32 $0xFFFFF800  }
0xb7: {  	p0 =	sne.s32 s15, $0x9800;
	_ =	swait.ge [sflag:s13], $0x800  }
.Ltmp0:
0xb8: {  	[sflag:s13] =	ssyncset.done $0x0;
	(pc) =	sbr.rel @p0 .LBB2_2-.Ltmp0, $4  }
0xb9: {  	[sflag:s13] =	ssyncadd.s32 $0xFFFFF800  }
0xba: {  	_ =	swait.ge [sflag:s13], $0x800  }
0xbb: {  	[sflag:s13] =	ssyncset.done $0x0  }
0xbc: {  	s15 =	sadd.s32 $0x800, s15;
	[sflag:s13] =	ssyncadd.s32 $0xFFFFF800  }
0xbd: {  	s14 =	sadd.s32 $0x1, s14  }
0xbe: {  	p0 =	sne.s32 s14, s9  }
.Ltmp1:
0xbf: {  	[bflag:$0x0] =	sbarrier.arrive $0xFFFF;
	(pc) =	sbr.rel @p0 .LBB2_1-.Ltmp1, $4  }
0xc0: {  	[hbm:s8], [sflag:s6] =	dma.local [spmem:s10], $0x2780  }
0xc1: {  	_ =	swait.ge [sflag:s11], $0x2780  }
0xc2: {  	[sflag:s11] =	ssyncset.done $0x0  }
0xc3: {  	[sflag:s11] =	ssyncadd.s32 $0xFFFFD880  }
0xc4: {  	_ =	sfence.sel $0x180000  }
0xc5: {  	[bflag:$0x0] =	sbarrier.arrive $0xFFFF  }
0xc6: {  	p0 =	sne.s32 s0, $0x0;
	_ =	strace $0x90000047  }
0xc7: {  	s0 =	sadd.s32 @!p0 $0x100000, s1;
	[bflag:$0x2] =	sbarrier.arrive $0xFFFF  }
0xc8: {  	[sflag:s0] =	ssyncadd.tile.s32 @!p0 $0x1;
	_ =	shalt  }
.Lfunc_end2:
_tile_overlayer_lowered:
.L_overlay_start_2:
0xc9: {  	(tag) =	ssettag $0x2  }
0xca: {  	s0 =	rddreg [dreg:$0x0];
	s2 =	stileid.u32  }
0xcb: {  	s1 =	rddreg [dreg:$0x1];
	p0 =	sne.s32 s2, $0x0  }
0xcc: {  	s3 =	rddreg [dreg:$0x2];
	[bflag:$0x3] =	sbarrier.arrive $0xFFFF;
	s2 =	simm.s32 @!p0 $0x1C02  }
0xcd: {  	[timem:s3], [sflag:s2] =	dma.local @!p0 [hbm:s0], s1  }
0xce: {  	s0 =	simm.s32 @!p0 $0x2  }
0xcf: {  	_ =	swait.ge @!p0 [sflag:s0], s1  }
0xd0: {  	s1 =	ssub.s32 @!p0 $0x0, s1;
	[sflag:s0] =	ssyncset.done @!p0 $0x0  }
0xd1: {  	[sflag:s0] =	ssyncadd.s32 @!p0 s1  }
0xd2: {  	[bflag:$0x3] =	sbarrier.arrive $0xFFFF  }
0xd3: {  	_ =	shalt  }

</sc_bundles>
